<compile_context>
chip_gen: v7x
topology: tpu7x:2x2x1
jax: 0.10.2.dev20260603
libtpu: 0.0.44.dev20260713+nightly
codegen_flags: <defaults>
</compile_context>

<pallas_src>
import functools

import jax
import jax.numpy as jnp
from jax import lax
from jax.experimental import pallas as pl
from jax.experimental.pallas import tpu as pltpu
from jax.experimental.pallas import tpu_sc as plsc

_NC, _NS, _L = 2, 16, 16
_NW = _NC * _NS
_C = 80
_ZR = 64
_HIGH = lax.Precision.HIGHEST


def _sc_mesh():
    return plsc.VectorSubcoreMesh(
        core_axis_name="c", subcore_axis_name="s",
        num_cores=_NC, num_subcores=_NS)


@functools.lru_cache(maxsize=None)
def _make_sc_degree(E, NPAD):
    G = E // (_NW * _C)
    RPT = NPAD // _NS

    def body(dst_hbm, out_hbm, idx_v, ones_v, stage_v, acc_sh):
        cid = lax.axis_index("c")
        sid = lax.axis_index("s")
        wid = cid * _NS + sid

        for j in range(_C // _L):
            ones_v[pl.ds(j * _L, _L)] = jnp.ones((_L,), jnp.float32)

        def zstep(r, carry):
            stage_v[pl.ds(r * _L, _L)] = jnp.zeros((_L,), jnp.float32)
            return carry
        lax.fori_loop(0, RPT // _L, zstep, 0)
        pltpu.sync_copy(stage_v, acc_sh.at[pl.ds(sid * RPT, RPT)])
        plsc.subcore_barrier()

        pltpu.sync_copy(dst_hbm.at[wid], idx_v)

        def step(g, carry):
            pltpu.sync_copy(ones_v, acc_sh.at[idx_v.at[g]], add=True)
            return carry
        lax.fori_loop(0, G, step, 0)

        plsc.subcore_barrier()
        pltpu.sync_copy(acc_sh.at[pl.ds(sid * RPT, RPT)], stage_v)
        pltpu.sync_copy(stage_v, out_hbm.at[pl.ds(cid * NPAD + sid * RPT, RPT)])

    return pl.kernel(
        body,
        out_type=jax.ShapeDtypeStruct((_NC * NPAD,), jnp.float32),
        mesh=_sc_mesh(),
        scratch_types=[
            pltpu.VMEM((G, _C), jnp.int32),
            pltpu.VMEM((_C,), jnp.float32),
            pltpu.VMEM((RPT,), jnp.float32),
            pltpu.VMEM_SHARED((NPAD,), jnp.float32),
        ],
        compiler_params=pltpu.CompilerParams(has_side_effects=True),
    )


@functools.lru_cache(maxsize=None)
def _make_sc_agg(E, NPAD, D, ntab):
    G = E // (_NW * _C)
    assert G % 2 == 1, "pipeline pattern below assumes an odd chunk count"
    RPT = NPAD // _NS

    def body(*refs):
        y_hbms = refs[:ntab]
        src_hbm, dst_hbm, out_hbm = refs[ntab:ntab + 3]
        idxs_v, idxd_v, rows0, rows1, zbuf, acc_sh, sem0, sem1 = refs[ntab + 3:]
        cid = lax.axis_index("c")
        sid = lax.axis_index("s")
        wid = cid * _NS + sid

        def zstep(r, carry):
            for j in range(D // _L):
                zbuf[r, pl.ds(j * _L, _L)] = jnp.zeros((_L,), jnp.float32)
            return carry
        lax.fori_loop(0, _ZR, zstep, 0)

        pltpu.sync_copy(src_hbm.at[wid], idxs_v)
        pltpu.sync_copy(dst_hbm.at[wid], idxd_v)

        for t, y_hbm in enumerate(y_hbms):
            for z in range(RPT // _ZR):
                pltpu.sync_copy(zbuf,
                                acc_sh.at[pl.ds(sid * RPT + z * _ZR, _ZR)])
            plsc.subcore_barrier()

            def gather(g, buf, sem):
                return pltpu.async_copy(y_hbm.at[idxs_v.at[g]], buf, sem)

            def drain_scatter(g, buf, sem):
                pltpu.make_async_copy(y_hbm.at[idxs_v.at[g]], buf, sem).wait()
                pltpu.sync_copy(buf, acc_sh.at[idxd_v.at[g]], add=True)

            gather(0, rows0, sem0)

            def pair(p, carry):
                g0 = 2 * p
                gather(g0 + 1, rows1, sem1)
                drain_scatter(g0, rows0, sem0)
                gather(g0 + 2, rows0, sem0)
                drain_scatter(g0 + 1, rows1, sem1)
                return carry
            lax.fori_loop(0, (G - 1) // 2, pair, 0)
            drain_scatter(G - 1, rows0, sem0)

            plsc.subcore_barrier()
            for z in range(RPT // _ZR):
                r0 = sid * RPT + z * _ZR
                pltpu.sync_copy(acc_sh.at[pl.ds(r0, _ZR)], zbuf)
                pltpu.sync_copy(zbuf, out_hbm.at[t, cid, pl.ds(r0, _ZR)])
            if t + 1 < ntab:
                lax.fori_loop(0, _ZR, zstep, 0)

    return pl.kernel(
        body,
        out_type=jax.ShapeDtypeStruct((ntab, _NC, NPAD, D), jnp.float32),
        mesh=_sc_mesh(),
        scratch_types=[
            pltpu.VMEM((G, _C), jnp.int32),
            pltpu.VMEM((G, _C), jnp.int32),
            pltpu.VMEM((_C, D), jnp.float32),
            pltpu.VMEM((_C, D), jnp.float32),
            pltpu.VMEM((_ZR, D), jnp.float32),
            pltpu.VMEM_SHARED((NPAD, D), jnp.float32),
            pltpu.SemaphoreType.DMA,
            pltpu.SemaphoreType.DMA,
        ],
        compiler_params=pltpu.CompilerParams(use_tc_tiling_on_sc=False,
                                             has_side_effects=True),
    )


def _tc1(x_in, W1, degp3, R):
    N, Fin = x_in.shape
    D = W1.shape[1]
    H = D // 2

    def body(x_ref, w_ref, degp_ref, y1a_ref, y1b_ref, dis_ref):
        deg = degp_ref[0] + degp_ref[1] + 1.0
        dis = lax.rsqrt(deg)
        xw = jnp.dot(x_ref[...], w_ref[...],
                     preferred_element_type=jnp.float32, precision=_HIGH)
        y1 = xw * dis
        y1a_ref[...] = y1[:, :H]
        y1b_ref[...] = y1[:, H:]
        dis_ref[...] = dis

    return pl.pallas_call(
        body,
        grid=(N // R,),
        in_specs=[
            pl.BlockSpec((R, Fin), lambda i: (i, 0)),
            pl.BlockSpec((Fin, D), lambda i: (0, 0)),
            pl.BlockSpec((_NC, R, 1), lambda i: (0, i, 0)),
        ],
        out_specs=[
            pl.BlockSpec((R, H), lambda i: (i, 0)),
            pl.BlockSpec((R, H), lambda i: (i, 0)),
            pl.BlockSpec((R, 1), lambda i: (i, 0)),
        ],
        out_shape=[
            jax.ShapeDtypeStruct((N, H), jnp.float32),
            jax.ShapeDtypeStruct((N, H), jnp.float32),
            jax.ShapeDtypeStruct((N, 1), jnp.float32),
        ],
    )(x_in, W1, degp3)


def _tc2(aggp, y1a, y1b, dis, b1r, W2, R):
    N, H = y1a.shape
    D = 2 * H
    K = W2.shape[1]

    def body(aggpA_ref, aggpB_ref, y1a_ref, y1b_ref, dis_ref, b1_ref, w2_ref,
             x_ref, y2_ref):
        dis = dis_ref[...]
        b1 = b1_ref[...]
        xxA = (aggpA_ref[0, 0] + aggpA_ref[0, 1] + y1a_ref[...]) * dis \
            + b1[:, :H]
        xxB = (aggpB_ref[0, 0] + aggpB_ref[0, 1] + y1b_ref[...]) * dis \
            + b1[:, H:]
        x_ref[...] = jnp.concatenate([xxA, xxB], axis=1)
        w2 = w2_ref[...]
        xw2 = (jnp.dot(xxA, w2[:H], preferred_element_type=jnp.float32,
                       precision=_HIGH)
               + jnp.dot(xxB, w2[H:], preferred_element_type=jnp.float32,
                         precision=_HIGH))
        y2_ref[...] = xw2 * dis

    return pl.pallas_call(
        body,
        grid=(N // R,),
        in_specs=[
            pl.BlockSpec((1, _NC, R, H), lambda i: (0, 0, i, 0)),
            pl.BlockSpec((1, _NC, R, H), lambda i: (1, 0, i, 0)),
            pl.BlockSpec((R, H), lambda i: (i, 0)),
            pl.BlockSpec((R, H), lambda i: (i, 0)),
            pl.BlockSpec((R, 1), lambda i: (i, 0)),
            pl.BlockSpec((1, D), lambda i: (0, 0)),
            pl.BlockSpec((D, K), lambda i: (0, 0)),
        ],
        out_specs=[
            pl.BlockSpec((R, D), lambda i: (i, 0)),
            pl.BlockSpec((R, K), lambda i: (i, 0)),
        ],
        out_shape=[
            jax.ShapeDtypeStruct((N, D), jnp.float32),
            jax.ShapeDtypeStruct((N, K), jnp.float32),
        ],
    )(aggp, aggp, y1a, y1b, dis, b1r, W2)


def _tc3(agg2p, y2, dis, b2r, batchf, x, B, R):
    N, K = y2.shape
    D = x.shape[1]

    def body(agg2p_ref, y2_ref, dis_ref, b2_ref, batch_ref, x_ref, out_ref):
        i = pl.program_id(0)
        logits = ((agg2p_ref[0, 0] + agg2p_ref[0, 1] + y2_ref[...])
                  * dis_ref[...] + b2_ref[...])
        m = jnp.max(logits, axis=1, keepdims=True)
        e = jnp.exp(logits - m)
        S = e / jnp.sum(e, axis=1, keepdims=True)

        @pl.when(i == 0)
        def _():
            out_ref[...] = jnp.zeros_like(out_ref)

        xb = x_ref[...]
        bf = batch_ref[...]
        for b in range(B):
            Sb = jnp.where(bf == float(b), S, 0.0)
            contrib = lax.dot_general(
                Sb, xb, dimension_numbers=(((0,), (0,)), ((), ())),
                preferred_element_type=jnp.float32, precision=_HIGH)
            out_ref[b] = out_ref[b] + contrib

    return pl.pallas_call(
        body,
        grid=(N // R,),
        in_specs=[
            pl.BlockSpec((1, _NC, R, K), lambda i: (0, 0, i, 0)),
            pl.BlockSpec((R, K), lambda i: (i, 0)),
            pl.BlockSpec((R, 1), lambda i: (i, 0)),
            pl.BlockSpec((1, K), lambda i: (0, 0)),
            pl.BlockSpec((R, 1), lambda i: (i, 0)),
            pl.BlockSpec((R, D), lambda i: (i, 0)),
        ],
        out_specs=pl.BlockSpec((B, K, D), lambda i: (0, 0, 0)),
        out_shape=jax.ShapeDtypeStruct((B, K, D), jnp.float32),
    )(agg2p, y2, dis, b2r, batchf, x)


def kernel(x_in, edge_index, batch, W1, b1, W2, b2):
    N = x_in.shape[0]
    E = edge_index.shape[1]
    D = W1.shape[1]
    K = W2.shape[1]
    B = 16
    R = 1000
    NPAD = ((N + _NS * 8 - 1) // (_NS * 8)) * (_NS * 8)
    assert E % (_NW * _C) == 0 and N % R == 0 and D % 2 == 0

    G = E // (_NW * _C)
    src2 = edge_index[0].reshape(_NW, G, _C)
    dst2 = edge_index[1].reshape(_NW, G, _C)

    degp = _make_sc_degree(E, NPAD)(dst2)
    degp3 = degp.reshape(_NC, NPAD, 1)
    y1a, y1b, dis = _tc1(x_in, W1, degp3, R)

    aggp = _make_sc_agg(E, NPAD, D // 2, 2)(y1a, y1b, src2, dst2)
    x, y2 = _tc2(aggp, y1a, y1b, dis, b1.reshape(1, D), W2, R)

    agg2p = _make_sc_agg(E, NPAD, K, 1)(y2, src2, dst2)
    batchf = batch.astype(jnp.float32).reshape(N, 1)
    pooled = _tc3(agg2p, y2, dis, b2.reshape(1, K), batchf, x, B, R)
    return pooled

# --- scband reference (transcript-rebuilt; emitter-appended) ---
"""Pipeline reference for scband-diff-pool-like-86371792323182 (READ-ONLY COPY).

The authoritative reference and input builder live on the scoring server;
editing this copy changes nothing except your own understanding.
"""

import jax, jax.numpy as jnp
import numpy as np


def gcn_conv(x, edge_index, W, b):
    # Faithful PyG-style GCNConv: linear transform, add self-loops,
    # symmetric deg^{-1/2} normalization, scatter-add aggregation, bias.
    N = x.shape[0]
    loop = jnp.arange(N, dtype=edge_index.dtype)
    src = jnp.concatenate([edge_index[0], loop])
    dst = jnp.concatenate([edge_index[1], loop])
    xw = x @ W
    deg = jnp.zeros((N,), dtype=x.dtype).at[dst].add(1.0)
    deg_inv_sqrt = jnp.where(deg > 0, 1.0 / jnp.sqrt(deg), 0.0)
    norm = deg_inv_sqrt[src] * deg_inv_sqrt[dst]
    out = jnp.zeros_like(xw).at[dst].add(xw[src] * norm[:, None])
    return out + b


def setup_inputs(seed: int = 0) -> dict:
    key = jax.random.key(seed)
    ks = jax.random.split(key, 8)
    N, E = 10000, 320000
    in_dim, embed_dim, K, B = 128, 128, 32, 16
    x_in = jax.random.normal(ks[0], (N, in_dim), dtype=jnp.float32)
    edge_index = jax.random.randint(ks[1], (2, E), 0, N, dtype=jnp.int32)
    batch = jnp.sort(jax.random.randint(ks[2], (N,), 0, B, dtype=jnp.int32))
    W1 = jax.random.normal(ks[3], (in_dim, embed_dim), dtype=jnp.float32) * (1.0 / np.sqrt(in_dim))
    b1 = jnp.zeros((embed_dim,), dtype=jnp.float32)
    W2 = jax.random.normal(ks[4], (embed_dim, K), dtype=jnp.float32) * (1.0 / np.sqrt(embed_dim))
    b2 = jnp.zeros((K,), dtype=jnp.float32)
    return {"x_in": x_in, "edge_index": edge_index, "batch": batch,
            "W1": W1, "b1": b1, "W2": W2, "b2": b2}


def reference(x_in, edge_index, batch, W1, b1, W2, b2):
    N = x_in.shape[0]
    B = 16
    K = W2.shape[1]
    d = W1.shape[1]
    x = gcn_conv(x_in, edge_index, W1, b1)
    S_logits = gcn_conv(x, edge_index, W2, b2)
    S = jax.nn.softmax(S_logits, axis=-1)
    cluster_ids = batch.astype(jnp.int32)[:, None] * K + jnp.arange(K, dtype=jnp.int32)[None, :]
    cluster_idx = cluster_ids.reshape(-1)
    x_exp = jnp.broadcast_to(x[:, None, :], (N, K, d)).reshape(-1, d)
    S_flat = S.reshape(-1)
    pooled_flat = jnp.zeros((B * K, d), dtype=x.dtype).at[cluster_idx].add(x_exp * S_flat[:, None])
    pooled = pooled_flat.reshape(B, K, d)
    return pooled

if __name__ == "__main__":
    import jax
    _d = setup_inputs()
    print(jax.jit(kernel)(*tuple(_d.values())))

</pallas_src>

<mosaic_0001>
#map = affine_map<(d0, d1) -> (0, 0)>
#map1 = affine_map<(d0, d1) -> (0, 0, 0)>
#map2 = affine_map<(d0, d1) -> (0, 0, 0, 0)>
module attributes {stable_mosaic.version = 14 : i64} {
  func.func @body(%arg0: i32, %arg1: i32, %arg2: memref<10000x32xf32, #tpu.memory_space<hbm>>, %arg3: memref<32x125x80xi32, #tpu.memory_space<hbm>>, %arg4: memref<32x125x80xi32, #tpu.memory_space<hbm>>, %arg5: memref<1x2x10112x32xf32, #tpu.memory_space<hbm>>, %arg6: memref<125x80xi32, #tpu.memory_space<vmem>>, %arg7: memref<125x80xi32, #tpu.memory_space<vmem>>, %arg8: memref<80x32xf32, #tpu.memory_space<vmem>>, %arg9: memref<80x32xf32, #tpu.memory_space<vmem>>, %arg10: memref<64x32xf32, #tpu.memory_space<vmem>>, %arg11: memref<10112x32xf32, #tpu.memory_space<vmem_shared>>, %arg12: memref<!tpu.dma_semaphore, #tpu.memory_space<semaphore_mem>>, %arg13: memref<!tpu.dma_semaphore, #tpu.memory_space<semaphore_mem>>) attributes {dimension_semantics = [#tpu.dimension_semantics<core_parallel>, #tpu.dimension_semantics<subcore_parallel>], iteration_bounds = array<i64: 2, 16>, scalar_prefetch = 0 : i64, scratch_operands = 8 : i64, tpu.core_type = #tpu.core_type<sc_vector_subcore>, window_params = [{transform_indices = #map}, {transform_indices = #map1}, {transform_indices = #map1}, {transform_indices = #map2}]} {
    %mul3A = arith.constant 16 : i32
    %mul3A_0 = arith.muli %arg0, %mul3A : i32
    %add3A = arith.addi %mul3A_0, %arg1 : i32
    %scan3A = arith.constant 0 : i32
    %scan3A_1 = arith.constant 0 : i32
    %scan3A_2 = arith.constant 64 : i32
    %scan3A_3 = arith.addi %scan3A_1, %scan3A_2 : i32
    %scan3A_4 = arith.constant 1 : i32
    scf.for %scan3A_106 = %scan3A_1 to %scan3A_3 step %scan3A_4  : i32 {
      %broadcast_in_dim3A = arith.constant 0.000000e+00 : f32
      %broadcast_in_dim3A_107 = vector.broadcast %broadcast_in_dim3A : f32 to vector<16xf32>
      %swap3A = arith.index_cast %scan3A_106 : i32 to index
      %swap3A_108 = arith.constant 0 : index
      %swap3A_109 = tpu.vector_load %arg10[%swap3A, %swap3A_108] {strides = array<i32>} : memref<64x32xf32, #tpu.memory_space<vmem>>, vector<1x16xf32>,
      %swap3A_110 = vector.shape_cast %swap3A_109 : vector<1x16xf32> to vector<16xf32>
      %swap3A_111 = vector.shape_cast %broadcast_in_dim3A_107 : vector<16xf32> to vector<1x16xf32>
      tpu.vector_store %arg10[%swap3A, %swap3A_108], %swap3A_111 {strides = array<i32>} : memref<64x32xf32, #tpu.memory_space<vmem>>, vector<1x16xf32>,
      %broadcast_in_dim3A_112 = arith.constant 0.000000e+00 : f32
      %broadcast_in_dim3A_113 = vector.broadcast %broadcast_in_dim3A_112 : f32 to vector<16xf32>
      %swap3A_114 = arith.index_cast %scan3A_106 : i32 to index
      %swap3A_115 = arith.constant 16 : index
      %swap3A_116 = tpu.vector_load %arg10[%swap3A_114, %swap3A_115] {strides = array<i32>} : memref<64x32xf32, #tpu.memory_space<vmem>>, vector<1x16xf32>,
      %swap3A_117 = vector.shape_cast %swap3A_116 : vector<1x16xf32> to vector<16xf32>
      %swap3A_118 = vector.shape_cast %broadcast_in_dim3A_113 : vector<16xf32> to vector<1x16xf32>
      tpu.vector_store %arg10[%swap3A_114, %swap3A_115], %swap3A_118 {strides = array<i32>} : memref<64x32xf32, #tpu.memory_space<vmem>>, vector<1x16xf32>,
    }
    %scan3A_5 = arith.constant 64 : i32
    "tpu.region"() ({
      %run_scoped3A_106 = tpu.sem_alloc : memref<!tpu.dma_semaphore, #tpu.memory_space<semaphore_mem>>
      %dma_start3A_107 = arith.constant 0 : i32
      %dma_start3A_108 = arith.constant 0 : i32
      %dma_start3A_109 = tpu.memref_slice %arg3[%add3A, %dma_start3A_107, %dma_start3A_108] : memref<32x125x80xi32, #tpu.memory_space<hbm>> -> memref<1x125x80xi32, #tpu.memory_space<hbm>>
      %dma_start3A_110 = tpu.memref_squeeze %dma_start3A_109 : memref<1x125x80xi32, #tpu.memory_space<hbm>> -> memref<125x80xi32, #tpu.memory_space<hbm>>
      %dma_start3A_111 = arith.constant 0 : i32
      %dma_start3A_112 = arith.constant 0 : i32
      %dma_start3A_113 = tpu.memref_slice %arg3[%add3A, %dma_start3A_111, %dma_start3A_112] : memref<32x125x80xi32, #tpu.memory_space<hbm>> -> memref<1x125x80xi32, #tpu.memory_space<hbm>>
      %dma_start3A_114 = tpu.memref_squeeze %dma_start3A_113 : memref<1x125x80xi32, #tpu.memory_space<hbm>> -> memref<125x80xi32, #tpu.memory_space<hbm>>
      tpu.enqueue_dma source(%dma_start3A_114 : memref<125x80xi32, #tpu.memory_space<hbm>>) target(%arg6 : memref<125x80xi32, #tpu.memory_space<vmem>>) target_semaphore(%run_scoped3A_106 : memref<!tpu.dma_semaphore, #tpu.memory_space<semaphore_mem>>)
      %dma_wait3A_115 = arith.constant 0 : i32
      %dma_wait3A_116 = arith.constant 0 : i32
      %dma_wait3A_117 = tpu.memref_slice %arg3[%add3A, %dma_wait3A_115, %dma_wait3A_116] : memref<32x125x80xi32, #tpu.memory_space<hbm>> -> memref<1x125x80xi32, #tpu.memory_space<hbm>>
      %dma_wait3A_118 = tpu.memref_squeeze %dma_wait3A_117 : memref<1x125x80xi32, #tpu.memory_space<hbm>> -> memref<125x80xi32, #tpu.memory_space<hbm>>
      %dma_wait3A_119 = arith.constant 0 : i32
      %dma_wait3A_120 = arith.constant 0 : i32
      %dma_wait3A_121 = tpu.memref_slice %arg3[%add3A, %dma_wait3A_119, %dma_wait3A_120] : memref<32x125x80xi32, #tpu.memory_space<hbm>> -> memref<1x125x80xi32, #tpu.memory_space<hbm>>
      %dma_wait3A_122 = tpu.memref_squeeze %dma_wait3A_121 : memref<1x125x80xi32, #tpu.memory_space<hbm>> -> memref<125x80xi32, #tpu.memory_space<hbm>>
      tpu.wait_dma2 semaphore(%run_scoped3A_106 : memref<!tpu.dma_semaphore, #tpu.memory_space<semaphore_mem>>) src(%dma_wait3A_122 : memref<125x80xi32, #tpu.memory_space<hbm>>) dst(%arg6 : memref<125x80xi32, #tpu.memory_space<vmem>>)
      tpu.yield
    }) : () -> ()
    "tpu.region"() ({
      %run_scoped3A_106 = tpu.sem_alloc : memref<!tpu.dma_semaphore, #tpu.memory_space<semaphore_mem>>
      %dma_start3A_107 = arith.constant 0 : i32
      %dma_start3A_108 = arith.constant 0 : i32
      %dma_start3A_109 = tpu.memref_slice %arg4[%add3A, %dma_start3A_107, %dma_start3A_108] : memref<32x125x80xi32, #tpu.memory_space<hbm>> -> memref<1x125x80xi32, #tpu.memory_space<hbm>>
      %dma_start3A_110 = tpu.memref_squeeze %dma_start3A_109 : memref<1x125x80xi32, #tpu.memory_space<hbm>> -> memref<125x80xi32, #tpu.memory_space<hbm>>
      %dma_start3A_111 = arith.constant 0 : i32
      %dma_start3A_112 = arith.constant 0 : i32
      %dma_start3A_113 = tpu.memref_slice %arg4[%add3A, %dma_start3A_111, %dma_start3A_112] : memref<32x125x80xi32, #tpu.memory_space<hbm>> -> memref<1x125x80xi32, #tpu.memory_space<hbm>>
      %dma_start3A_114 = tpu.memref_squeeze %dma_start3A_113 : memref<1x125x80xi32, #tpu.memory_space<hbm>> -> memref<125x80xi32, #tpu.memory_space<hbm>>
      tpu.enqueue_dma source(%dma_start3A_114 : memref<125x80xi32, #tpu.memory_space<hbm>>) target(%arg7 : memref<125x80xi32, #tpu.memory_space<vmem>>) target_semaphore(%run_scoped3A_106 : memref<!tpu.dma_semaphore, #tpu.memory_space<semaphore_mem>>)
      %dma_wait3A_115 = arith.constant 0 : i32
      %dma_wait3A_116 = arith.constant 0 : i32
      %dma_wait3A_117 = tpu.memref_slice %arg4[%add3A, %dma_wait3A_115, %dma_wait3A_116] : memref<32x125x80xi32, #tpu.memory_space<hbm>> -> memref<1x125x80xi32, #tpu.memory_space<hbm>>
      %dma_wait3A_118 = tpu.memref_squeeze %dma_wait3A_117 : memref<1x125x80xi32, #tpu.memory_space<hbm>> -> memref<125x80xi32, #tpu.memory_space<hbm>>
      %dma_wait3A_119 = arith.constant 0 : i32
      %dma_wait3A_120 = arith.constant 0 : i32
      %dma_wait3A_121 = tpu.memref_slice %arg4[%add3A, %dma_wait3A_119, %dma_wait3A_120] : memref<32x125x80xi32, #tpu.memory_space<hbm>> -> memref<1x125x80xi32, #tpu.memory_space<hbm>>
      %dma_wait3A_122 = tpu.memref_squeeze %dma_wait3A_121 : memref<1x125x80xi32, #tpu.memory_space<hbm>> -> memref<125x80xi32, #tpu.memory_space<hbm>>
      tpu.wait_dma2 semaphore(%run_scoped3A_106 : memref<!tpu.dma_semaphore, #tpu.memory_space<semaphore_mem>>) src(%dma_wait3A_122 : memref<125x80xi32, #tpu.memory_space<hbm>>) dst(%arg7 : memref<125x80xi32, #tpu.memory_space<vmem>>)
      tpu.yield
    }) : () -> ()
    %mul3A_6 = arith.constant 632 : i32
    %mul3A_7 = arith.muli %arg1, %mul3A_6 : i32
    %add3A_8 = arith.constant 0 : i32
    %add3A_9 = arith.addi %mul3A_7, %add3A_8 : i32
    "tpu.region"() ({
      %run_scoped3A_106 = tpu.sem_alloc : memref<!tpu.dma_semaphore, #tpu.memory_space<semaphore_mem>>
      %dma_start3A_107 = arith.constant 0 : i32
      %dma_start3A_108 = tpu.memref_slice %arg11[%add3A_9, %dma_start3A_107] : memref<10112x32xf32, #tpu.memory_space<vmem_shared>> -> memref<64x32xf32, #tpu.memory_space<vmem_shared>>
      %dma_start3A_109 = arith.constant 0 : i32
      %dma_start3A_110 = tpu.memref_slice %arg11[%add3A_9, %dma_start3A_109] : memref<10112x32xf32, #tpu.memory_space<vmem_shared>> -> memref<64x32xf32, #tpu.memory_space<vmem_shared>>
      tpu.enqueue_dma source(%arg10 : memref<64x32xf32, #tpu.memory_space<vmem>>) target(%dma_start3A_110 : memref<64x32xf32, #tpu.memory_space<vmem_shared>>) target_semaphore(%run_scoped3A_106 : memref<!tpu.dma_semaphore, #tpu.memory_space<semaphore_mem>>)
      %dma_wait3A_111 = arith.constant 0 : i32
      %dma_wait3A_112 = tpu.memref_slice %arg11[%add3A_9, %dma_wait3A_111] : memref<10112x32xf32, #tpu.memory_space<vmem_shared>> -> memref<64x32xf32, #tpu.memory_space<vmem_shared>>
      %dma_wait3A_113 = arith.constant 0 : i32
      %dma_wait3A_114 = tpu.memref_slice %arg11[%add3A_9, %dma_wait3A_113] : memref<10112x32xf32, #tpu.memory_space<vmem_shared>> -> memref<64x32xf32, #tpu.memory_space<vmem_shared>>
      tpu.wait_dma2 semaphore(%run_scoped3A_106 : memref<!tpu.dma_semaphore, #tpu.memory_space<semaphore_mem>>) src(%arg10 : memref<64x32xf32, #tpu.memory_space<vmem>>) dst(%dma_wait3A_114 : memref<64x32xf32, #tpu.memory_space<vmem_shared>>)
      tpu.yield
    }) : () -> ()
    %mul3A_10 = arith.constant 632 : i32
    %mul3A_11 = arith.muli %arg1, %mul3A_10 : i32
    %add3A_12 = arith.constant 64 : i32
    %add3A_13 = arith.addi %mul3A_11, %add3A_12 : i32
    "tpu.region"() ({
      %run_scoped3A_106 = tpu.sem_alloc : memref<!tpu.dma_semaphore, #tpu.memory_space<semaphore_mem>>
      %dma_start3A_107 = arith.constant 0 : i32
      %dma_start3A_108 = tpu.memref_slice %arg11[%add3A_13, %dma_start3A_107] : memref<10112x32xf32, #tpu.memory_space<vmem_shared>> -> memref<64x32xf32, #tpu.memory_space<vmem_shared>>
      %dma_start3A_109 = arith.constant 0 : i32
      %dma_start3A_110 = tpu.memref_slice %arg11[%add3A_13, %dma_start3A_109] : memref<10112x32xf32, #tpu.memory_space<vmem_shared>> -> memref<64x32xf32, #tpu.memory_space<vmem_shared>>
      tpu.enqueue_dma source(%arg10 : memref<64x32xf32, #tpu.memory_space<vmem>>) target(%dma_start3A_110 : memref<64x32xf32, #tpu.memory_space<vmem_shared>>) target_semaphore(%run_scoped3A_106 : memref<!tpu.dma_semaphore, #tpu.memory_space<semaphore_mem>>)
      %dma_wait3A_111 = arith.constant 0 : i32
      %dma_wait3A_112 = tpu.memref_slice %arg11[%add3A_13, %dma_wait3A_111] : memref<10112x32xf32, #tpu.memory_space<vmem_shared>> -> memref<64x32xf32, #tpu.memory_space<vmem_shared>>
      %dma_wait3A_113 = arith.constant 0 : i32
      %dma_wait3A_114 = tpu.memref_slice %arg11[%add3A_13, %dma_wait3A_113] : memref<10112x32xf32, #tpu.memory_space<vmem_shared>> -> memref<64x32xf32, #tpu.memory_space<vmem_shared>>
      tpu.wait_dma2 semaphore(%run_scoped3A_106 : memref<!tpu.dma_semaphore, #tpu.memory_space<semaphore_mem>>) src(%arg10 : memref<64x32xf32, #tpu.memory_space<vmem>>) dst(%dma_wait3A_114 : memref<64x32xf32, #tpu.memory_space<vmem_shared>>)
      tpu.yield
    }) : () -> ()
    %mul3A_14 = arith.constant 632 : i32
    %mul3A_15 = arith.muli %arg1, %mul3A_14 : i32
    %add3A_16 = arith.constant 128 : i32
    %add3A_17 = arith.addi %mul3A_15, %add3A_16 : i32
    "tpu.region"() ({
      %run_scoped3A_106 = tpu.sem_alloc : memref<!tpu.dma_semaphore, #tpu.memory_space<semaphore_mem>>
      %dma_start3A_107 = arith.constant 0 : i32
      %dma_start3A_108 = tpu.memref_slice %arg11[%add3A_17, %dma_start3A_107] : memref<10112x32xf32, #tpu.memory_space<vmem_shared>> -> memref<64x32xf32, #tpu.memory_space<vmem_shared>>
      %dma_start3A_109 = arith.constant 0 : i32
      %dma_start3A_110 = tpu.memref_slice %arg11[%add3A_17, %dma_start3A_109] : memref<10112x32xf32, #tpu.memory_space<vmem_shared>> -> memref<64x32xf32, #tpu.memory_space<vmem_shared>>
      tpu.enqueue_dma source(%arg10 : memref<64x32xf32, #tpu.memory_space<vmem>>) target(%dma_start3A_110 : memref<64x32xf32, #tpu.memory_space<vmem_shared>>) target_semaphore(%run_scoped3A_106 : memref<!tpu.dma_semaphore, #tpu.memory_space<semaphore_mem>>)
      %dma_wait3A_111 = arith.constant 0 : i32
      %dma_wait3A_112 = tpu.memref_slice %arg11[%add3A_17, %dma_wait3A_111] : memref<10112x32xf32, #tpu.memory_space<vmem_shared>> -> memref<64x32xf32, #tpu.memory_space<vmem_shared>>
      %dma_wait3A_113 = arith.constant 0 : i32
      %dma_wait3A_114 = tpu.memref_slice %arg11[%add3A_17, %dma_wait3A_113] : memref<10112x32xf32, #tpu.memory_space<vmem_shared>> -> memref<64x32xf32, #tpu.memory_space<vmem_shared>>
      tpu.wait_dma2 semaphore(%run_scoped3A_106 : memref<!tpu.dma_semaphore, #tpu.memory_space<semaphore_mem>>) src(%arg10 : memref<64x32xf32, #tpu.memory_space<vmem>>) dst(%dma_wait3A_114 : memref<64x32xf32, #tpu.memory_space<vmem_shared>>)
      tpu.yield
    }) : () -> ()
    %mul3A_18 = arith.constant 632 : i32
    %mul3A_19 = arith.muli %arg1, %mul3A_18 : i32
    %add3A_20 = arith.constant 192 : i32
    %add3A_21 = arith.addi %mul3A_19, %add3A_20 : i32
    "tpu.region"() ({
      %run_scoped3A_106 = tpu.sem_alloc : memref<!tpu.dma_semaphore, #tpu.memory_space<semaphore_mem>>
      %dma_start3A_107 = arith.constant 0 : i32
      %dma_start3A_108 = tpu.memref_slice %arg11[%add3A_21, %dma_start3A_107] : memref<10112x32xf32, #tpu.memory_space<vmem_shared>> -> memref<64x32xf32, #tpu.memory_space<vmem_shared>>
      %dma_start3A_109 = arith.constant 0 : i32
      %dma_start3A_110 = tpu.memref_slice %arg11[%add3A_21, %dma_start3A_109] : memref<10112x32xf32, #tpu.memory_space<vmem_shared>> -> memref<64x32xf32, #tpu.memory_space<vmem_shared>>
      tpu.enqueue_dma source(%arg10 : memref<64x32xf32, #tpu.memory_space<vmem>>) target(%dma_start3A_110 : memref<64x32xf32, #tpu.memory_space<vmem_shared>>) target_semaphore(%run_scoped3A_106 : memref<!tpu.dma_semaphore, #tpu.memory_space<semaphore_mem>>)
      %dma_wait3A_111 = arith.constant 0 : i32
      %dma_wait3A_112 = tpu.memref_slice %arg11[%add3A_21, %dma_wait3A_111] : memref<10112x32xf32, #tpu.memory_space<vmem_shared>> -> memref<64x32xf32, #tpu.memory_space<vmem_shared>>
      %dma_wait3A_113 = arith.constant 0 : i32
      %dma_wait3A_114 = tpu.memref_slice %arg11[%add3A_21, %dma_wait3A_113] : memref<10112x32xf32, #tpu.memory_space<vmem_shared>> -> memref<64x32xf32, #tpu.memory_space<vmem_shared>>
      tpu.wait_dma2 semaphore(%run_scoped3A_106 : memref<!tpu.dma_semaphore, #tpu.memory_space<semaphore_mem>>) src(%arg10 : memref<64x32xf32, #tpu.memory_space<vmem>>) dst(%dma_wait3A_114 : memref<64x32xf32, #tpu.memory_space<vmem_shared>>)
      tpu.yield
    }) : () -> ()
    %mul3A_22 = arith.constant 632 : i32
    %mul3A_23 = arith.muli %arg1, %mul3A_22 : i32
    %add3A_24 = arith.constant 256 : i32
    %add3A_25 = arith.addi %mul3A_23, %add3A_24 : i32
    "tpu.region"() ({
      %run_scoped3A_106 = tpu.sem_alloc : memref<!tpu.dma_semaphore, #tpu.memory_space<semaphore_mem>>
      %dma_start3A_107 = arith.constant 0 : i32
      %dma_start3A_108 = tpu.memref_slice %arg11[%add3A_25, %dma_start3A_107] : memref<10112x32xf32, #tpu.memory_space<vmem_shared>> -> memref<64x32xf32, #tpu.memory_space<vmem_shared>>
      %dma_start3A_109 = arith.constant 0 : i32
      %dma_start3A_110 = tpu.memref_slice %arg11[%add3A_25, %dma_start3A_109] : memref<10112x32xf32, #tpu.memory_space<vmem_shared>> -> memref<64x32xf32, #tpu.memory_space<vmem_shared>>
      tpu.enqueue_dma source(%arg10 : memref<64x32xf32, #tpu.memory_space<vmem>>) target(%dma_start3A_110 : memref<64x32xf32, #tpu.memory_space<vmem_shared>>) target_semaphore(%run_scoped3A_106 : memref<!tpu.dma_semaphore, #tpu.memory_space<semaphore_mem>>)
      %dma_wait3A_111 = arith.constant 0 : i32
      %dma_wait3A_112 = tpu.memref_slice %arg11[%add3A_25, %dma_wait3A_111] : memref<10112x32xf32, #tpu.memory_space<vmem_shared>> -> memref<64x32xf32, #tpu.memory_space<vmem_shared>>
      %dma_wait3A_113 = arith.constant 0 : i32
      %dma_wait3A_114 = tpu.memref_slice %arg11[%add3A_25, %dma_wait3A_113] : memref<10112x32xf32, #tpu.memory_space<vmem_shared>> -> memref<64x32xf32, #tpu.memory_space<vmem_shared>>
      tpu.wait_dma2 semaphore(%run_scoped3A_106 : memref<!tpu.dma_semaphore, #tpu.memory_space<semaphore_mem>>) src(%arg10 : memref<64x32xf32, #tpu.memory_space<vmem>>) dst(%dma_wait3A_114 : memref<64x32xf32, #tpu.memory_space<vmem_shared>>)
      tpu.yield
    }) : () -> ()
    %mul3A_26 = arith.constant 632 : i32
    %mul3A_27 = arith.muli %arg1, %mul3A_26 : i32
    %add3A_28 = arith.constant 320 : i32
    %add3A_29 = arith.addi %mul3A_27, %add3A_28 : i32
    "tpu.region"() ({
      %run_scoped3A_106 = tpu.sem_alloc : memref<!tpu.dma_semaphore, #tpu.memory_space<semaphore_mem>>
      %dma_start3A_107 = arith.constant 0 : i32
      %dma_start3A_108 = tpu.memref_slice %arg11[%add3A_29, %dma_start3A_107] : memref<10112x32xf32, #tpu.memory_space<vmem_shared>> -> memref<64x32xf32, #tpu.memory_space<vmem_shared>>
      %dma_start3A_109 = arith.constant 0 : i32
      %dma_start3A_110 = tpu.memref_slice %arg11[%add3A_29, %dma_start3A_109] : memref<10112x32xf32, #tpu.memory_space<vmem_shared>> -> memref<64x32xf32, #tpu.memory_space<vmem_shared>>
      tpu.enqueue_dma source(%arg10 : memref<64x32xf32, #tpu.memory_space<vmem>>) target(%dma_start3A_110 : memref<64x32xf32, #tpu.memory_space<vmem_shared>>) target_semaphore(%run_scoped3A_106 : memref<!tpu.dma_semaphore, #tpu.memory_space<semaphore_mem>>)
      %dma_wait3A_111 = arith.constant 0 : i32
      %dma_wait3A_112 = tpu.memref_slice %arg11[%add3A_29, %dma_wait3A_111] : memref<10112x32xf32, #tpu.memory_space<vmem_shared>> -> memref<64x32xf32, #tpu.memory_space<vmem_shared>>
      %dma_wait3A_113 = arith.constant 0 : i32
      %dma_wait3A_114 = tpu.memref_slice %arg11[%add3A_29, %dma_wait3A_113] : memref<10112x32xf32, #tpu.memory_space<vmem_shared>> -> memref<64x32xf32, #tpu.memory_space<vmem_shared>>
      tpu.wait_dma2 semaphore(%run_scoped3A_106 : memref<!tpu.dma_semaphore, #tpu.memory_space<semaphore_mem>>) src(%arg10 : memref<64x32xf32, #tpu.memory_space<vmem>>) dst(%dma_wait3A_114 : memref<64x32xf32, #tpu.memory_space<vmem_shared>>)
      tpu.yield
    }) : () -> ()
    %mul3A_30 = arith.constant 632 : i32
    %mul3A_31 = arith.muli %arg1, %mul3A_30 : i32
    %add3A_32 = arith.constant 384 : i32
    %add3A_33 = arith.addi %mul3A_31, %add3A_32 : i32
    "tpu.region"() ({
      %run_scoped3A_106 = tpu.sem_alloc : memref<!tpu.dma_semaphore, #tpu.memory_space<semaphore_mem>>
      %dma_start3A_107 = arith.constant 0 : i32
      %dma_start3A_108 = tpu.memref_slice %arg11[%add3A_33, %dma_start3A_107] : memref<10112x32xf32, #tpu.memory_space<vmem_shared>> -> memref<64x32xf32, #tpu.memory_space<vmem_shared>>
      %dma_start3A_109 = arith.constant 0 : i32
      %dma_start3A_110 = tpu.memref_slice %arg11[%add3A_33, %dma_start3A_109] : memref<10112x32xf32, #tpu.memory_space<vmem_shared>> -> memref<64x32xf32, #tpu.memory_space<vmem_shared>>
      tpu.enqueue_dma source(%arg10 : memref<64x32xf32, #tpu.memory_space<vmem>>) target(%dma_start3A_110 : memref<64x32xf32, #tpu.memory_space<vmem_shared>>) target_semaphore(%run_scoped3A_106 : memref<!tpu.dma_semaphore, #tpu.memory_space<semaphore_mem>>)
      %dma_wait3A_111 = arith.constant 0 : i32
      %dma_wait3A_112 = tpu.memref_slice %arg11[%add3A_33, %dma_wait3A_111] : memref<10112x32xf32, #tpu.memory_space<vmem_shared>> -> memref<64x32xf32, #tpu.memory_space<vmem_shared>>
      %dma_wait3A_113 = arith.constant 0 : i32
      %dma_wait3A_114 = tpu.memref_slice %arg11[%add3A_33, %dma_wait3A_113] : memref<10112x32xf32, #tpu.memory_space<vmem_shared>> -> memref<64x32xf32, #tpu.memory_space<vmem_shared>>
      tpu.wait_dma2 semaphore(%run_scoped3A_106 : memref<!tpu.dma_semaphore, #tpu.memory_space<semaphore_mem>>) src(%arg10 : memref<64x32xf32, #tpu.memory_space<vmem>>) dst(%dma_wait3A_114 : memref<64x32xf32, #tpu.memory_space<vmem_shared>>)
      tpu.yield
    }) : () -> ()
    %mul3A_34 = arith.constant 632 : i32
    %mul3A_35 = arith.muli %arg1, %mul3A_34 : i32
    %add3A_36 = arith.constant 448 : i32
    %add3A_37 = arith.addi %mul3A_35, %add3A_36 : i32
    "tpu.region"() ({
      %run_scoped3A_106 = tpu.sem_alloc : memref<!tpu.dma_semaphore, #tpu.memory_space<semaphore_mem>>
      %dma_start3A_107 = arith.constant 0 : i32
      %dma_start3A_108 = tpu.memref_slice %arg11[%add3A_37, %dma_start3A_107] : memref<10112x32xf32, #tpu.memory_space<vmem_shared>> -> memref<64x32xf32, #tpu.memory_space<vmem_shared>>
      %dma_start3A_109 = arith.constant 0 : i32
      %dma_start3A_110 = tpu.memref_slice %arg11[%add3A_37, %dma_start3A_109] : memref<10112x32xf32, #tpu.memory_space<vmem_shared>> -> memref<64x32xf32, #tpu.memory_space<vmem_shared>>
      tpu.enqueue_dma source(%arg10 : memref<64x32xf32, #tpu.memory_space<vmem>>) target(%dma_start3A_110 : memref<64x32xf32, #tpu.memory_space<vmem_shared>>) target_semaphore(%run_scoped3A_106 : memref<!tpu.dma_semaphore, #tpu.memory_space<semaphore_mem>>)
      %dma_wait3A_111 = arith.constant 0 : i32
      %dma_wait3A_112 = tpu.memref_slice %arg11[%add3A_37, %dma_wait3A_111] : memref<10112x32xf32, #tpu.memory_space<vmem_shared>> -> memref<64x32xf32, #tpu.memory_space<vmem_shared>>
      %dma_wait3A_113 = arith.constant 0 : i32
      %dma_wait3A_114 = tpu.memref_slice %arg11[%add3A_37, %dma_wait3A_113] : memref<10112x32xf32, #tpu.memory_space<vmem_shared>> -> memref<64x32xf32, #tpu.memory_space<vmem_shared>>
      tpu.wait_dma2 semaphore(%run_scoped3A_106 : memref<!tpu.dma_semaphore, #tpu.memory_space<semaphore_mem>>) src(%arg10 : memref<64x32xf32, #tpu.memory_space<vmem>>) dst(%dma_wait3A_114 : memref<64x32xf32, #tpu.memory_space<vmem_shared>>)
      tpu.yield
    }) : () -> ()
    %mul3A_38 = arith.constant 632 : i32
    %mul3A_39 = arith.muli %arg1, %mul3A_38 : i32
    %add3A_40 = arith.constant 512 : i32
    %add3A_41 = arith.addi %mul3A_39, %add3A_40 : i32
    "tpu.region"() ({
      %run_scoped3A_106 = tpu.sem_alloc : memref<!tpu.dma_semaphore, #tpu.memory_space<semaphore_mem>>
      %dma_start3A_107 = arith.constant 0 : i32
      %dma_start3A_108 = tpu.memref_slice %arg11[%add3A_41, %dma_start3A_107] : memref<10112x32xf32, #tpu.memory_space<vmem_shared>> -> memref<64x32xf32, #tpu.memory_space<vmem_shared>>
      %dma_start3A_109 = arith.constant 0 : i32
      %dma_start3A_110 = tpu.memref_slice %arg11[%add3A_41, %dma_start3A_109] : memref<10112x32xf32, #tpu.memory_space<vmem_shared>> -> memref<64x32xf32, #tpu.memory_space<vmem_shared>>
      tpu.enqueue_dma source(%arg10 : memref<64x32xf32, #tpu.memory_space<vmem>>) target(%dma_start3A_110 : memref<64x32xf32, #tpu.memory_space<vmem_shared>>) target_semaphore(%run_scoped3A_106 : memref<!tpu.dma_semaphore, #tpu.memory_space<semaphore_mem>>)
      %dma_wait3A_111 = arith.constant 0 : i32
      %dma_wait3A_112 = tpu.memref_slice %arg11[%add3A_41, %dma_wait3A_111] : memref<10112x32xf32, #tpu.memory_space<vmem_shared>> -> memref<64x32xf32, #tpu.memory_space<vmem_shared>>
      %dma_wait3A_113 = arith.constant 0 : i32
      %dma_wait3A_114 = tpu.memref_slice %arg11[%add3A_41, %dma_wait3A_113] : memref<10112x32xf32, #tpu.memory_space<vmem_shared>> -> memref<64x32xf32, #tpu.memory_space<vmem_shared>>
      tpu.wait_dma2 semaphore(%run_scoped3A_106 : memref<!tpu.dma_semaphore, #tpu.memory_space<semaphore_mem>>) src(%arg10 : memref<64x32xf32, #tpu.memory_space<vmem>>) dst(%dma_wait3A_114 : memref<64x32xf32, #tpu.memory_space<vmem_shared>>)
      tpu.yield
    }) : () -> ()
    %barrier3A = arith.constant 0 : index
    tpu.barrier barrier_id(%barrier3A)
    %dma_start3A = arith.constant 0 : i32
    %dma_start3A_42 = arith.constant 0 : i32
    %dma_start3A_43 = tpu.memref_slice %arg6[%dma_start3A, %dma_start3A_42] : memref<125x80xi32, #tpu.memory_space<vmem>> -> memref<1x80xi32, #tpu.memory_space<vmem>>
    %dma_start3A_44 = tpu.memref_squeeze %dma_start3A_43 : memref<1x80xi32, #tpu.memory_space<vmem>> -> memref<80xi32, #tpu.memory_space<vmem>>
    %dma_start3A_45 = arith.constant 0 : i32
    %dma_start3A_46 = arith.constant 0 : i32
    %dma_start3A_47 = tpu.memref_slice %arg2[%dma_start3A_45, %dma_start3A_46] : memref<10000x32xf32, #tpu.memory_space<hbm>> -> memref<10000x32xf32, #tpu.memory_space<hbm>>
    tpu.enqueue_indirect_dma source(%dma_start3A_47 : memref<10000x32xf32, #tpu.memory_space<hbm>>) target(%arg8 : memref<80x32xf32, #tpu.memory_space<vmem>>) offsets(%dma_start3A_44 : memref<80xi32, #tpu.memory_space<vmem>>) semaphore(%arg12 : memref<!tpu.dma_semaphore, #tpu.memory_space<semaphore_mem>>)
    %scan3A_48 = arith.constant 0 : i32
    %scan3A_49 = arith.constant 0 : i32
    %scan3A_50 = arith.constant 62 : i32
    %scan3A_51 = arith.addi %scan3A_49, %scan3A_50 : i32
    %scan3A_52 = arith.constant 1 : i32
    scf.for %scan3A_106 = %scan3A_49 to %scan3A_51 step %scan3A_52  : i32 {
      %mul3A_107 = arith.constant 2 : i32
      %mul3A_108 = arith.muli %mul3A_107, %scan3A_106 : i32
      %add3A_109 = arith.constant 1 : i32
      %add3A_110 = arith.addi %mul3A_108, %add3A_109 : i32
      %dma_start3A_111 = arith.constant 0 : i32
      %dma_start3A_112 = tpu.memref_slice %arg6[%add3A_110, %dma_start3A_111] : memref<125x80xi32, #tpu.memory_space<vmem>> -> memref<1x80xi32, #tpu.memory_space<vmem>>
      %dma_start3A_113 = tpu.memref_squeeze %dma_start3A_112 : memref<1x80xi32, #tpu.memory_space<vmem>> -> memref<80xi32, #tpu.memory_space<vmem>>
      %dma_start3A_114 = arith.constant 0 : i32
      %dma_start3A_115 = arith.constant 0 : i32
      %dma_start3A_116 = tpu.memref_slice %arg2[%dma_start3A_114, %dma_start3A_115] : memref<10000x32xf32, #tpu.memory_space<hbm>> -> memref<10000x32xf32, #tpu.memory_space<hbm>>
      tpu.enqueue_indirect_dma source(%dma_start3A_116 : memref<10000x32xf32, #tpu.memory_space<hbm>>) target(%arg9 : memref<80x32xf32, #tpu.memory_space<vmem>>) offsets(%dma_start3A_113 : memref<80xi32, #tpu.memory_space<vmem>>) semaphore(%arg13 : memref<!tpu.dma_semaphore, #tpu.memory_space<semaphore_mem>>)
      %dma_wait3A_117 = arith.constant 0 : i32
      %dma_wait3A_118 = tpu.memref_slice %arg6[%mul3A_108, %dma_wait3A_117] : memref<125x80xi32, #tpu.memory_space<vmem>> -> memref<1x80xi32, #tpu.memory_space<vmem>>
      %dma_wait3A_119 = tpu.memref_squeeze %dma_wait3A_118 : memref<1x80xi32, #tpu.memory_space<vmem>> -> memref<80xi32, #tpu.memory_space<vmem>>
      %dma_wait3A_120 = arith.constant 0 : i32
      %dma_wait3A_121 = arith.constant 0 : i32
      %dma_wait3A_122 = tpu.memref_slice %arg2[%dma_wait3A_120, %dma_wait3A_121] : memref<10000x32xf32, #tpu.memory_space<hbm>> -> memref<10000x32xf32, #tpu.memory_space<hbm>>
      tpu.wait_indirect_dma semaphore(%arg12 : memref<!tpu.dma_semaphore, #tpu.memory_space<semaphore_mem>>) src(%dma_wait3A_122 : memref<10000x32xf32, #tpu.memory_space<hbm>>) dst(%arg8 : memref<80x32xf32, #tpu.memory_space<vmem>>)
      "tpu.region"() ({
        %run_scoped3A_139 = tpu.sem_alloc : memref<!tpu.dma_semaphore, #tpu.memory_space<semaphore_mem>>
        %dma_start3A_140 = arith.constant 0 : i32
        %dma_start3A_141 = tpu.memref_slice %arg7[%mul3A_108, %dma_start3A_140] : memref<125x80xi32, #tpu.memory_space<vmem>> -> memref<1x80xi32, #tpu.memory_space<vmem>>
        %dma_start3A_142 = tpu.memref_squeeze %dma_start3A_141 : memref<1x80xi32, #tpu.memory_space<vmem>> -> memref<80xi32, #tpu.memory_space<vmem>>
        %dma_start3A_143 = arith.constant 0 : i32
        %dma_start3A_144 = arith.constant 0 : i32
        %dma_start3A_145 = tpu.memref_slice %arg11[%dma_start3A_143, %dma_start3A_144] : memref<10112x32xf32, #tpu.memory_space<vmem_shared>> -> memref<10112x32xf32, #tpu.memory_space<vmem_shared>>
        tpu.enqueue_indirect_dma source(%arg8 : memref<80x32xf32, #tpu.memory_space<vmem>>) target(%dma_start3A_145 : memref<10112x32xf32, #tpu.memory_space<vmem_shared>>) offsets(%dma_start3A_142 : memref<80xi32, #tpu.memory_space<vmem>>) semaphore(%run_scoped3A_139 : memref<!tpu.dma_semaphore, #tpu.memory_space<semaphore_mem>>) {add = true}
        %dma_wait3A_146 = arith.constant 0 : i32
        %dma_wait3A_147 = tpu.memref_slice %arg7[%mul3A_108, %dma_wait3A_146] : memref<125x80xi32, #tpu.memory_space<vmem>> -> memref<1x80xi32, #tpu.memory_space<vmem>>
        %dma_wait3A_148 = tpu.memref_squeeze %dma_wait3A_147 : memref<1x80xi32, #tpu.memory_space<vmem>> -> memref<80xi32, #tpu.memory_space<vmem>>
        %dma_wait3A_149 = arith.constant 0 : i32
        %dma_wait3A_150 = arith.constant 0 : i32
        %dma_wait3A_151 = tpu.memref_slice %arg11[%dma_wait3A_149, %dma_wait3A_150] : memref<10112x32xf32, #tpu.memory_space<vmem_shared>> -> memref<10112x32xf32, #tpu.memory_space<vmem_shared>>
        tpu.wait_indirect_dma semaphore(%run_scoped3A_139 : memref<!tpu.dma_semaphore, #tpu.memory_space<semaphore_mem>>) src(%arg8 : memref<80x32xf32, #tpu.memory_space<vmem>>) dst(%dma_wait3A_151 : memref<10112x32xf32, #tpu.memory_space<vmem_shared>>)
        tpu.yield
      }) : () -> ()
      %add3A_123 = arith.constant 2 : i32
      %add3A_124 = arith.addi %mul3A_108, %add3A_123 : i32
      %dma_start3A_125 = arith.constant 0 : i32
      %dma_start3A_126 = tpu.memref_slice %arg6[%add3A_124, %dma_start3A_125] : memref<125x80xi32, #tpu.memory_space<vmem>> -> memref<1x80xi32, #tpu.memory_space<vmem>>
      %dma_start3A_127 = tpu.memref_squeeze %dma_start3A_126 : memref<1x80xi32, #tpu.memory_space<vmem>> -> memref<80xi32, #tpu.memory_space<vmem>>
      %dma_start3A_128 = arith.constant 0 : i32
      %dma_start3A_129 = arith.constant 0 : i32
      %dma_start3A_130 = tpu.memref_slice %arg2[%dma_start3A_128, %dma_start3A_129] : memref<10000x32xf32, #tpu.memory_space<hbm>> -> memref<10000x32xf32, #tpu.memory_space<hbm>>
      tpu.enqueue_indirect_dma source(%dma_start3A_130 : memref<10000x32xf32, #tpu.memory_space<hbm>>) target(%arg8 : memref<80x32xf32, #tpu.memory_space<vmem>>) offsets(%dma_start3A_127 : memref<80xi32, #tpu.memory_space<vmem>>) semaphore(%arg12 : memref<!tpu.dma_semaphore, #tpu.memory_space<semaphore_mem>>)
      %add3A_131 = arith.constant 1 : i32
      %add3A_132 = arith.addi %mul3A_108, %add3A_131 : i32
      %dma_wait3A_133 = arith.constant 0 : i32
      %dma_wait3A_134 = tpu.memref_slice %arg6[%add3A_132, %dma_wait3A_133] : memref<125x80xi32, #tpu.memory_space<vmem>> -> memref<1x80xi32, #tpu.memory_space<vmem>>
      %dma_wait3A_135 = tpu.memref_squeeze %dma_wait3A_134 : memref<1x80xi32, #tpu.memory_space<vmem>> -> memref<80xi32, #tpu.memory_space<vmem>>
      %dma_wait3A_136 = arith.constant 0 : i32
      %dma_wait3A_137 = arith.constant 0 : i32
      %dma_wait3A_138 = tpu.memref_slice %arg2[%dma_wait3A_136, %dma_wait3A_137] : memref<10000x32xf32, #tpu.memory_space<hbm>> -> memref<10000x32xf32, #tpu.memory_space<hbm>>
      tpu.wait_indirect_dma semaphore(%arg13 : memref<!tpu.dma_semaphore, #tpu.memory_space<semaphore_mem>>) src(%dma_wait3A_138 : memref<10000x32xf32, #tpu.memory_space<hbm>>) dst(%arg9 : memref<80x32xf32, #tpu.memory_space<vmem>>)
      "tpu.region"() ({
        %run_scoped3A_139 = tpu.sem_alloc : memref<!tpu.dma_semaphore, #tpu.memory_space<semaphore_mem>>
        %dma_start3A_140 = arith.constant 0 : i32
        %dma_start3A_141 = tpu.memref_slice %arg7[%add3A_132, %dma_start3A_140] : memref<125x80xi32, #tpu.memory_space<vmem>> -> memref<1x80xi32, #tpu.memory_space<vmem>>
        %dma_start3A_142 = tpu.memref_squeeze %dma_start3A_141 : memref<1x80xi32, #tpu.memory_space<vmem>> -> memref<80xi32, #tpu.memory_space<vmem>>
        %dma_start3A_143 = arith.constant 0 : i32
        %dma_start3A_144 = arith.constant 0 : i32
        %dma_start3A_145 = tpu.memref_slice %arg11[%dma_start3A_143, %dma_start3A_144] : memref<10112x32xf32, #tpu.memory_space<vmem_shared>> -> memref<10112x32xf32, #tpu.memory_space<vmem_shared>>
        tpu.enqueue_indirect_dma source(%arg9 : memref<80x32xf32, #tpu.memory_space<vmem>>) target(%dma_start3A_145 : memref<10112x32xf32, #tpu.memory_space<vmem_shared>>) offsets(%dma_start3A_142 : memref<80xi32, #tpu.memory_space<vmem>>) semaphore(%run_scoped3A_139 : memref<!tpu.dma_semaphore, #tpu.memory_space<semaphore_mem>>) {add = true}
        %dma_wait3A_146 = arith.constant 0 : i32
        %dma_wait3A_147 = tpu.memref_slice %arg7[%add3A_132, %dma_wait3A_146] : memref<125x80xi32, #tpu.memory_space<vmem>> -> memref<1x80xi32, #tpu.memory_space<vmem>>
        %dma_wait3A_148 = tpu.memref_squeeze %dma_wait3A_147 : memref<1x80xi32, #tpu.memory_space<vmem>> -> memref<80xi32, #tpu.memory_space<vmem>>
        %dma_wait3A_149 = arith.constant 0 : i32
        %dma_wait3A_150 = arith.constant 0 : i32
        %dma_wait3A_151 = tpu.memref_slice %arg11[%dma_wait3A_149, %dma_wait3A_150] : memref<10112x32xf32, #tpu.memory_space<vmem_shared>> -> memref<10112x32xf32, #tpu.memory_space<vmem_shared>>
        tpu.wait_indirect_dma semaphore(%run_scoped3A_139 : memref<!tpu.dma_semaphore, #tpu.memory_space<semaphore_mem>>) src(%arg9 : memref<80x32xf32, #tpu.memory_space<vmem>>) dst(%dma_wait3A_151 : memref<10112x32xf32, #tpu.memory_space<vmem_shared>>)
        tpu.yield
      }) : () -> ()
    }
    %scan3A_53 = arith.constant 62 : i32
    %dma_wait3A = arith.constant 124 : i32
    %dma_wait3A_54 = arith.constant 0 : i32
    %dma_wait3A_55 = tpu.memref_slice %arg6[%dma_wait3A, %dma_wait3A_54] : memref<125x80xi32, #tpu.memory_space<vmem>> -> memref<1x80xi32, #tpu.memory_space<vmem>>
    %dma_wait3A_56 = tpu.memref_squeeze %dma_wait3A_55 : memref<1x80xi32, #tpu.memory_space<vmem>> -> memref<80xi32, #tpu.memory_space<vmem>>
    %dma_wait3A_57 = arith.constant 0 : i32
    %dma_wait3A_58 = arith.constant 0 : i32
    %dma_wait3A_59 = tpu.memref_slice %arg2[%dma_wait3A_57, %dma_wait3A_58] : memref<10000x32xf32, #tpu.memory_space<hbm>> -> memref<10000x32xf32, #tpu.memory_space<hbm>>
    tpu.wait_indirect_dma semaphore(%arg12 : memref<!tpu.dma_semaphore, #tpu.memory_space<semaphore_mem>>) src(%dma_wait3A_59 : memref<10000x32xf32, #tpu.memory_space<hbm>>) dst(%arg8 : memref<80x32xf32, #tpu.memory_space<vmem>>)
    %run_scoped3A = arith.constant 124 : i32
    "tpu.region"() ({
      %run_scoped3A_106 = tpu.sem_alloc : memref<!tpu.dma_semaphore, #tpu.memory_space<semaphore_mem>>
      %dma_start3A_107 = arith.constant 0 : i32
      %dma_start3A_108 = tpu.memref_slice %arg7[%run_scoped3A, %dma_start3A_107] : memref<125x80xi32, #tpu.memory_space<vmem>> -> memref<1x80xi32, #tpu.memory_space<vmem>>
      %dma_start3A_109 = tpu.memref_squeeze %dma_start3A_108 : memref<1x80xi32, #tpu.memory_space<vmem>> -> memref<80xi32, #tpu.memory_space<vmem>>
      %dma_start3A_110 = arith.constant 0 : i32
      %dma_start3A_111 = arith.constant 0 : i32
      %dma_start3A_112 = tpu.memref_slice %arg11[%dma_start3A_110, %dma_start3A_111] : memref<10112x32xf32, #tpu.memory_space<vmem_shared>> -> memref<10112x32xf32, #tpu.memory_space<vmem_shared>>
      tpu.enqueue_indirect_dma source(%arg8 : memref<80x32xf32, #tpu.memory_space<vmem>>) target(%dma_start3A_112 : memref<10112x32xf32, #tpu.memory_space<vmem_shared>>) offsets(%dma_start3A_109 : memref<80xi32, #tpu.memory_space<vmem>>) semaphore(%run_scoped3A_106 : memref<!tpu.dma_semaphore, #tpu.memory_space<semaphore_mem>>) {add = true}
      %dma_wait3A_113 = arith.constant 0 : i32
      %dma_wait3A_114 = tpu.memref_slice %arg7[%run_scoped3A, %dma_wait3A_113] : memref<125x80xi32, #tpu.memory_space<vmem>> -> memref<1x80xi32, #tpu.memory_space<vmem>>
      %dma_wait3A_115 = tpu.memref_squeeze %dma_wait3A_114 : memref<1x80xi32, #tpu.memory_space<vmem>> -> memref<80xi32, #tpu.memory_space<vmem>>
      %dma_wait3A_116 = arith.constant 0 : i32
      %dma_wait3A_117 = arith.constant 0 : i32
      %dma_wait3A_118 = tpu.memref_slice %arg11[%dma_wait3A_116, %dma_wait3A_117] : memref<10112x32xf32, #tpu.memory_space<vmem_shared>> -> memref<10112x32xf32, #tpu.memory_space<vmem_shared>>
      tpu.wait_indirect_dma semaphore(%run_scoped3A_106 : memref<!tpu.dma_semaphore, #tpu.memory_space<semaphore_mem>>) src(%arg8 : memref<80x32xf32, #tpu.memory_space<vmem>>) dst(%dma_wait3A_118 : memref<10112x32xf32, #tpu.memory_space<vmem_shared>>)
      tpu.yield
    }) : () -> ()
    %barrier3A_60 = arith.constant 0 : index
    tpu.barrier barrier_id(%barrier3A_60)
    %mul3A_61 = arith.constant 632 : i32
    %mul3A_62 = arith.muli %arg1, %mul3A_61 : i32
    %add3A_63 = arith.constant 0 : i32
    %add3A_64 = arith.addi %mul3A_62, %add3A_63 : i32
    "tpu.region"() ({
      %run_scoped3A_106 = tpu.sem_alloc : memref<!tpu.dma_semaphore, #tpu.memory_space<semaphore_mem>>
      %dma_start3A_107 = arith.constant 0 : i32
      %dma_start3A_108 = tpu.memref_slice %arg11[%add3A_64, %dma_start3A_107] : memref<10112x32xf32, #tpu.memory_space<vmem_shared>> -> memref<64x32xf32, #tpu.memory_space<vmem_shared>>
      %dma_start3A_109 = arith.constant 0 : i32
      %dma_start3A_110 = tpu.memref_slice %arg11[%add3A_64, %dma_start3A_109] : memref<10112x32xf32, #tpu.memory_space<vmem_shared>> -> memref<64x32xf32, #tpu.memory_space<vmem_shared>>
      tpu.enqueue_dma source(%dma_start3A_110 : memref<64x32xf32, #tpu.memory_space<vmem_shared>>) target(%arg10 : memref<64x32xf32, #tpu.memory_space<vmem>>) target_semaphore(%run_scoped3A_106 : memref<!tpu.dma_semaphore, #tpu.memory_space<semaphore_mem>>)
      %dma_wait3A_111 = arith.constant 0 : i32
      %dma_wait3A_112 = tpu.memref_slice %arg11[%add3A_64, %dma_wait3A_111] : memref<10112x32xf32, #tpu.memory_space<vmem_shared>> -> memref<64x32xf32, #tpu.memory_space<vmem_shared>>
      %dma_wait3A_113 = arith.constant 0 : i32
      %dma_wait3A_114 = tpu.memref_slice %arg11[%add3A_64, %dma_wait3A_113] : memref<10112x32xf32, #tpu.memory_space<vmem_shared>> -> memref<64x32xf32, #tpu.memory_space<vmem_shared>>
      tpu.wait_dma2 semaphore(%run_scoped3A_106 : memref<!tpu.dma_semaphore, #tpu.memory_space<semaphore_mem>>) src(%dma_wait3A_114 : memref<64x32xf32, #tpu.memory_space<vmem_shared>>) dst(%arg10 : memref<64x32xf32, #tpu.memory_space<vmem>>)
      tpu.yield
    }) : () -> ()
    %run_scoped3A_65 = arith.constant 0 : i32
    "tpu.region"() ({
      %run_scoped3A_106 = tpu.sem_alloc : memref<!tpu.dma_semaphore, #tpu.memory_space<semaphore_mem>>
      %dma_start3A_107 = arith.constant 0 : i32
      %dma_start3A_108 = tpu.memref_slice %arg5[%run_scoped3A_65, %arg0, %add3A_64, %dma_start3A_107] : memref<1x2x10112x32xf32, #tpu.memory_space<hbm>> -> memref<1x1x64x32xf32, #tpu.memory_space<hbm>>
      %dma_start3A_109 = tpu.memref_squeeze %dma_start3A_108 : memref<1x1x64x32xf32, #tpu.memory_space<hbm>> -> memref<64x32xf32, #tpu.memory_space<hbm>>
      %dma_start3A_110 = arith.constant 0 : i32
      %dma_start3A_111 = tpu.memref_slice %arg5[%run_scoped3A_65, %arg0, %add3A_64, %dma_start3A_110] : memref<1x2x10112x32xf32, #tpu.memory_space<hbm>> -> memref<1x1x64x32xf32, #tpu.memory_space<hbm>>
      %dma_start3A_112 = tpu.memref_squeeze %dma_start3A_111 : memref<1x1x64x32xf32, #tpu.memory_space<hbm>> -> memref<64x32xf32, #tpu.memory_space<hbm>>
      tpu.enqueue_dma source(%arg10 : memref<64x32xf32, #tpu.memory_space<vmem>>) target(%dma_start3A_112 : memref<64x32xf32, #tpu.memory_space<hbm>>) target_semaphore(%run_scoped3A_106 : memref<!tpu.dma_semaphore, #tpu.memory_space<semaphore_mem>>)
      %dma_wait3A_113 = arith.constant 0 : i32
      %dma_wait3A_114 = tpu.memref_slice %arg5[%run_scoped3A_65, %arg0, %add3A_64, %dma_wait3A_113] : memref<1x2x10112x32xf32, #tpu.memory_space<hbm>> -> memref<1x1x64x32xf32, #tpu.memory_space<hbm>>
      %dma_wait3A_115 = tpu.memref_squeeze %dma_wait3A_114 : memref<1x1x64x32xf32, #tpu.memory_space<hbm>> -> memref<64x32xf32, #tpu.memory_space<hbm>>
      %dma_wait3A_116 = arith.constant 0 : i32
      %dma_wait3A_117 = tpu.memref_slice %arg5[%run_scoped3A_65, %arg0, %add3A_64, %dma_wait3A_116] : memref<1x2x10112x32xf32, #tpu.memory_space<hbm>> -> memref<1x1x64x32xf32, #tpu.memory_space<hbm>>
      %dma_wait3A_118 = tpu.memref_squeeze %dma_wait3A_117 : memref<1x1x64x32xf32, #tpu.memory_space<hbm>> -> memref<64x32xf32, #tpu.memory_space<hbm>>
      tpu.wait_dma2 semaphore(%run_scoped3A_106 : memref<!tpu.dma_semaphore, #tpu.memory_space<semaphore_mem>>) src(%arg10 : memref<64x32xf32, #tpu.memory_space<vmem>>) dst(%dma_wait3A_118 : memref<64x32xf32, #tpu.memory_space<hbm>>)
      tpu.yield
    }) : () -> ()
    %mul3A_66 = arith.constant 632 : i32
    %mul3A_67 = arith.muli %arg1, %mul3A_66 : i32
    %add3A_68 = arith.constant 64 : i32
    %add3A_69 = arith.addi %mul3A_67, %add3A_68 : i32
    "tpu.region"() ({
      %run_scoped3A_106 = tpu.sem_alloc : memref<!tpu.dma_semaphore, #tpu.memory_space<semaphore_mem>>
      %dma_start3A_107 = arith.constant 0 : i32
      %dma_start3A_108 = tpu.memref_slice %arg11[%add3A_69, %dma_start3A_107] : memref<10112x32xf32, #tpu.memory_space<vmem_shared>> -> memref<64x32xf32, #tpu.memory_space<vmem_shared>>
      %dma_start3A_109 = arith.constant 0 : i32
      %dma_start3A_110 = tpu.memref_slice %arg11[%add3A_69, %dma_start3A_109] : memref<10112x32xf32, #tpu.memory_space<vmem_shared>> -> memref<64x32xf32, #tpu.memory_space<vmem_shared>>
      tpu.enqueue_dma source(%dma_start3A_110 : memref<64x32xf32, #tpu.memory_space<vmem_shared>>) target(%arg10 : memref<64x32xf32, #tpu.memory_space<vmem>>) target_semaphore(%run_scoped3A_106 : memref<!tpu.dma_semaphore, #tpu.memory_space<semaphore_mem>>)
      %dma_wait3A_111 = arith.constant 0 : i32
      %dma_wait3A_112 = tpu.memref_slice %arg11[%add3A_69, %dma_wait3A_111] : memref<10112x32xf32, #tpu.memory_space<vmem_shared>> -> memref<64x32xf32, #tpu.memory_space<vmem_shared>>
      %dma_wait3A_113 = arith.constant 0 : i32
      %dma_wait3A_114 = tpu.memref_slice %arg11[%add3A_69, %dma_wait3A_113] : memref<10112x32xf32, #tpu.memory_space<vmem_shared>> -> memref<64x32xf32, #tpu.memory_space<vmem_shared>>
      tpu.wait_dma2 semaphore(%run_scoped3A_106 : memref<!tpu.dma_semaphore, #tpu.memory_space<semaphore_mem>>) src(%dma_wait3A_114 : memref<64x32xf32, #tpu.memory_space<vmem_shared>>) dst(%arg10 : memref<64x32xf32, #tpu.memory_space<vmem>>)
      tpu.yield
    }) : () -> ()
    %run_scoped3A_70 = arith.constant 0 : i32
    "tpu.region"() ({
      %run_scoped3A_106 = tpu.sem_alloc : memref<!tpu.dma_semaphore, #tpu.memory_space<semaphore_mem>>
      %dma_start3A_107 = arith.constant 0 : i32
      %dma_start3A_108 = tpu.memref_slice %arg5[%run_scoped3A_70, %arg0, %add3A_69, %dma_start3A_107] : memref<1x2x10112x32xf32, #tpu.memory_space<hbm>> -> memref<1x1x64x32xf32, #tpu.memory_space<hbm>>
      %dma_start3A_109 = tpu.memref_squeeze %dma_start3A_108 : memref<1x1x64x32xf32, #tpu.memory_space<hbm>> -> memref<64x32xf32, #tpu.memory_space<hbm>>
      %dma_start3A_110 = arith.constant 0 : i32
      %dma_start3A_111 = tpu.memref_slice %arg5[%run_scoped3A_70, %arg0, %add3A_69, %dma_start3A_110] : memref<1x2x10112x32xf32, #tpu.memory_space<hbm>> -> memref<1x1x64x32xf32, #tpu.memory_space<hbm>>
      %dma_start3A_112 = tpu.memref_squeeze %dma_start3A_111 : memref<1x1x64x32xf32, #tpu.memory_space<hbm>> -> memref<64x32xf32, #tpu.memory_space<hbm>>
      tpu.enqueue_dma source(%arg10 : memref<64x32xf32, #tpu.memory_space<vmem>>) target(%dma_start3A_112 : memref<64x32xf32, #tpu.memory_space<hbm>>) target_semaphore(%run_scoped3A_106 : memref<!tpu.dma_semaphore, #tpu.memory_space<semaphore_mem>>)
      %dma_wait3A_113 = arith.constant 0 : i32
      %dma_wait3A_114 = tpu.memref_slice %arg5[%run_scoped3A_70, %arg0, %add3A_69, %dma_wait3A_113] : memref<1x2x10112x32xf32, #tpu.memory_space<hbm>> -> memref<1x1x64x32xf32, #tpu.memory_space<hbm>>
      %dma_wait3A_115 = tpu.memref_squeeze %dma_wait3A_114 : memref<1x1x64x32xf32, #tpu.memory_space<hbm>> -> memref<64x32xf32, #tpu.memory_space<hbm>>
      %dma_wait3A_116 = arith.constant 0 : i32
      %dma_wait3A_117 = tpu.memref_slice %arg5[%run_scoped3A_70, %arg0, %add3A_69, %dma_wait3A_116] : memref<1x2x10112x32xf32, #tpu.memory_space<hbm>> -> memref<1x1x64x32xf32, #tpu.memory_space<hbm>>
      %dma_wait3A_118 = tpu.memref_squeeze %dma_wait3A_117 : memref<1x1x64x32xf32, #tpu.memory_space<hbm>> -> memref<64x32xf32, #tpu.memory_space<hbm>>
      tpu.wait_dma2 semaphore(%run_scoped3A_106 : memref<!tpu.dma_semaphore, #tpu.memory_space<semaphore_mem>>) src(%arg10 : memref<64x32xf32, #tpu.memory_space<vmem>>) dst(%dma_wait3A_118 : memref<64x32xf32, #tpu.memory_space<hbm>>)
      tpu.yield
    }) : () -> ()
    %mul3A_71 = arith.constant 632 : i32
    %mul3A_72 = arith.muli %arg1, %mul3A_71 : i32
    %add3A_73 = arith.constant 128 : i32
    %add3A_74 = arith.addi %mul3A_72, %add3A_73 : i32
    "tpu.region"() ({
      %run_scoped3A_106 = tpu.sem_alloc : memref<!tpu.dma_semaphore, #tpu.memory_space<semaphore_mem>>
      %dma_start3A_107 = arith.constant 0 : i32
      %dma_start3A_108 = tpu.memref_slice %arg11[%add3A_74, %dma_start3A_107] : memref<10112x32xf32, #tpu.memory_space<vmem_shared>> -> memref<64x32xf32, #tpu.memory_space<vmem_shared>>
      %dma_start3A_109 = arith.constant 0 : i32
      %dma_start3A_110 = tpu.memref_slice %arg11[%add3A_74, %dma_start3A_109] : memref<10112x32xf32, #tpu.memory_space<vmem_shared>> -> memref<64x32xf32, #tpu.memory_space<vmem_shared>>
      tpu.enqueue_dma source(%dma_start3A_110 : memref<64x32xf32, #tpu.memory_space<vmem_shared>>) target(%arg10 : memref<64x32xf32, #tpu.memory_space<vmem>>) target_semaphore(%run_scoped3A_106 : memref<!tpu.dma_semaphore, #tpu.memory_space<semaphore_mem>>)
      %dma_wait3A_111 = arith.constant 0 : i32
      %dma_wait3A_112 = tpu.memref_slice %arg11[%add3A_74, %dma_wait3A_111] : memref<10112x32xf32, #tpu.memory_space<vmem_shared>> -> memref<64x32xf32, #tpu.memory_space<vmem_shared>>
      %dma_wait3A_113 = arith.constant 0 : i32
      %dma_wait3A_114 = tpu.memref_slice %arg11[%add3A_74, %dma_wait3A_113] : memref<10112x32xf32, #tpu.memory_space<vmem_shared>> -> memref<64x32xf32, #tpu.memory_space<vmem_shared>>
      tpu.wait_dma2 semaphore(%run_scoped3A_106 : memref<!tpu.dma_semaphore, #tpu.memory_space<semaphore_mem>>) src(%dma_wait3A_114 : memref<64x32xf32, #tpu.memory_space<vmem_shared>>) dst(%arg10 : memref<64x32xf32, #tpu.memory_space<vmem>>)
      tpu.yield
    }) : () -> ()
    %run_scoped3A_75 = arith.constant 0 : i32
    "tpu.region"() ({
      %run_scoped3A_106 = tpu.sem_alloc : memref<!tpu.dma_semaphore, #tpu.memory_space<semaphore_mem>>
      %dma_start3A_107 = arith.constant 0 : i32
      %dma_start3A_108 = tpu.memref_slice %arg5[%run_scoped3A_75, %arg0, %add3A_74, %dma_start3A_107] : memref<1x2x10112x32xf32, #tpu.memory_space<hbm>> -> memref<1x1x64x32xf32, #tpu.memory_space<hbm>>
      %dma_start3A_109 = tpu.memref_squeeze %dma_start3A_108 : memref<1x1x64x32xf32, #tpu.memory_space<hbm>> -> memref<64x32xf32, #tpu.memory_space<hbm>>
      %dma_start3A_110 = arith.constant 0 : i32
      %dma_start3A_111 = tpu.memref_slice %arg5[%run_scoped3A_75, %arg0, %add3A_74, %dma_start3A_110] : memref<1x2x10112x32xf32, #tpu.memory_space<hbm>> -> memref<1x1x64x32xf32, #tpu.memory_space<hbm>>
      %dma_start3A_112 = tpu.memref_squeeze %dma_start3A_111 : memref<1x1x64x32xf32, #tpu.memory_space<hbm>> -> memref<64x32xf32, #tpu.memory_space<hbm>>
      tpu.enqueue_dma source(%arg10 : memref<64x32xf32, #tpu.memory_space<vmem>>) target(%dma_start3A_112 : memref<64x32xf32, #tpu.memory_space<hbm>>) target_semaphore(%run_scoped3A_106 : memref<!tpu.dma_semaphore, #tpu.memory_space<semaphore_mem>>)
      %dma_wait3A_113 = arith.constant 0 : i32
      %dma_wait3A_114 = tpu.memref_slice %arg5[%run_scoped3A_75, %arg0, %add3A_74, %dma_wait3A_113] : memref<1x2x10112x32xf32, #tpu.memory_space<hbm>> -> memref<1x1x64x32xf32, #tpu.memory_space<hbm>>
      %dma_wait3A_115 = tpu.memref_squeeze %dma_wait3A_114 : memref<1x1x64x32xf32, #tpu.memory_space<hbm>> -> memref<64x32xf32, #tpu.memory_space<hbm>>
      %dma_wait3A_116 = arith.constant 0 : i32
      %dma_wait3A_117 = tpu.memref_slice %arg5[%run_scoped3A_75, %arg0, %add3A_74, %dma_wait3A_116] : memref<1x2x10112x32xf32, #tpu.memory_space<hbm>> -> memref<1x1x64x32xf32, #tpu.memory_space<hbm>>
      %dma_wait3A_118 = tpu.memref_squeeze %dma_wait3A_117 : memref<1x1x64x32xf32, #tpu.memory_space<hbm>> -> memref<64x32xf32, #tpu.memory_space<hbm>>
      tpu.wait_dma2 semaphore(%run_scoped3A_106 : memref<!tpu.dma_semaphore, #tpu.memory_space<semaphore_mem>>) src(%arg10 : memref<64x32xf32, #tpu.memory_space<vmem>>) dst(%dma_wait3A_118 : memref<64x32xf32, #tpu.memory_space<hbm>>)
      tpu.yield
    }) : () -> ()
    %mul3A_76 = arith.constant 632 : i32
    %mul3A_77 = arith.muli %arg1, %mul3A_76 : i32
    %add3A_78 = arith.constant 192 : i32
    %add3A_79 = arith.addi %mul3A_77, %add3A_78 : i32
    "tpu.region"() ({
      %run_scoped3A_106 = tpu.sem_alloc : memref<!tpu.dma_semaphore, #tpu.memory_space<semaphore_mem>>
      %dma_start3A_107 = arith.constant 0 : i32
      %dma_start3A_108 = tpu.memref_slice %arg11[%add3A_79, %dma_start3A_107] : memref<10112x32xf32, #tpu.memory_space<vmem_shared>> -> memref<64x32xf32, #tpu.memory_space<vmem_shared>>
      %dma_start3A_109 = arith.constant 0 : i32
      %dma_start3A_110 = tpu.memref_slice %arg11[%add3A_79, %dma_start3A_109] : memref<10112x32xf32, #tpu.memory_space<vmem_shared>> -> memref<64x32xf32, #tpu.memory_space<vmem_shared>>
      tpu.enqueue_dma source(%dma_start3A_110 : memref<64x32xf32, #tpu.memory_space<vmem_shared>>) target(%arg10 : memref<64x32xf32, #tpu.memory_space<vmem>>) target_semaphore(%run_scoped3A_106 : memref<!tpu.dma_semaphore, #tpu.memory_space<semaphore_mem>>)
      %dma_wait3A_111 = arith.constant 0 : i32
      %dma_wait3A_112 = tpu.memref_slice %arg11[%add3A_79, %dma_wait3A_111] : memref<10112x32xf32, #tpu.memory_space<vmem_shared>> -> memref<64x32xf32, #tpu.memory_space<vmem_shared>>
      %dma_wait3A_113 = arith.constant 0 : i32
      %dma_wait3A_114 = tpu.memref_slice %arg11[%add3A_79, %dma_wait3A_113] : memref<10112x32xf32, #tpu.memory_space<vmem_shared>> -> memref<64x32xf32, #tpu.memory_space<vmem_shared>>
      tpu.wait_dma2 semaphore(%run_scoped3A_106 : memref<!tpu.dma_semaphore, #tpu.memory_space<semaphore_mem>>) src(%dma_wait3A_114 : memref<64x32xf32, #tpu.memory_space<vmem_shared>>) dst(%arg10 : memref<64x32xf32, #tpu.memory_space<vmem>>)
      tpu.yield
    }) : () -> ()
    %run_scoped3A_80 = arith.constant 0 : i32
    "tpu.region"() ({
      %run_scoped3A_106 = tpu.sem_alloc : memref<!tpu.dma_semaphore, #tpu.memory_space<semaphore_mem>>
      %dma_start3A_107 = arith.constant 0 : i32
      %dma_start3A_108 = tpu.memref_slice %arg5[%run_scoped3A_80, %arg0, %add3A_79, %dma_start3A_107] : memref<1x2x10112x32xf32, #tpu.memory_space<hbm>> -> memref<1x1x64x32xf32, #tpu.memory_space<hbm>>
      %dma_start3A_109 = tpu.memref_squeeze %dma_start3A_108 : memref<1x1x64x32xf32, #tpu.memory_space<hbm>> -> memref<64x32xf32, #tpu.memory_space<hbm>>
      %dma_start3A_110 = arith.constant 0 : i32
      %dma_start3A_111 = tpu.memref_slice %arg5[%run_scoped3A_80, %arg0, %add3A_79, %dma_start3A_110] : memref<1x2x10112x32xf32, #tpu.memory_space<hbm>> -> memref<1x1x64x32xf32, #tpu.memory_space<hbm>>
      %dma_start3A_112 = tpu.memref_squeeze %dma_start3A_111 : memref<1x1x64x32xf32, #tpu.memory_space<hbm>> -> memref<64x32xf32, #tpu.memory_space<hbm>>
      tpu.enqueue_dma source(%arg10 : memref<64x32xf32, #tpu.memory_space<vmem>>) target(%dma_start3A_112 : memref<64x32xf32, #tpu.memory_space<hbm>>) target_semaphore(%run_scoped3A_106 : memref<!tpu.dma_semaphore, #tpu.memory_space<semaphore_mem>>)
      %dma_wait3A_113 = arith.constant 0 : i32
      %dma_wait3A_114 = tpu.memref_slice %arg5[%run_scoped3A_80, %arg0, %add3A_79, %dma_wait3A_113] : memref<1x2x10112x32xf32, #tpu.memory_space<hbm>> -> memref<1x1x64x32xf32, #tpu.memory_space<hbm>>
      %dma_wait3A_115 = tpu.memref_squeeze %dma_wait3A_114 : memref<1x1x64x32xf32, #tpu.memory_space<hbm>> -> memref<64x32xf32, #tpu.memory_space<hbm>>
      %dma_wait3A_116 = arith.constant 0 : i32
      %dma_wait3A_117 = tpu.memref_slice %arg5[%run_scoped3A_80, %arg0, %add3A_79, %dma_wait3A_116] : memref<1x2x10112x32xf32, #tpu.memory_space<hbm>> -> memref<1x1x64x32xf32, #tpu.memory_space<hbm>>
      %dma_wait3A_118 = tpu.memref_squeeze %dma_wait3A_117 : memref<1x1x64x32xf32, #tpu.memory_space<hbm>> -> memref<64x32xf32, #tpu.memory_space<hbm>>
      tpu.wait_dma2 semaphore(%run_scoped3A_106 : memref<!tpu.dma_semaphore, #tpu.memory_space<semaphore_mem>>) src(%arg10 : memref<64x32xf32, #tpu.memory_space<vmem>>) dst(%dma_wait3A_118 : memref<64x32xf32, #tpu.memory_space<hbm>>)
      tpu.yield
    }) : () -> ()
    %mul3A_81 = arith.constant 632 : i32
    %mul3A_82 = arith.muli %arg1, %mul3A_81 : i32
    %add3A_83 = arith.constant 256 : i32
    %add3A_84 = arith.addi %mul3A_82, %add3A_83 : i32
    "tpu.region"() ({
      %run_scoped3A_106 = tpu.sem_alloc : memref<!tpu.dma_semaphore, #tpu.memory_space<semaphore_mem>>
      %dma_start3A_107 = arith.constant 0 : i32
      %dma_start3A_108 = tpu.memref_slice %arg11[%add3A_84, %dma_start3A_107] : memref<10112x32xf32, #tpu.memory_space<vmem_shared>> -> memref<64x32xf32, #tpu.memory_space<vmem_shared>>
      %dma_start3A_109 = arith.constant 0 : i32
      %dma_start3A_110 = tpu.memref_slice %arg11[%add3A_84, %dma_start3A_109] : memref<10112x32xf32, #tpu.memory_space<vmem_shared>> -> memref<64x32xf32, #tpu.memory_space<vmem_shared>>
      tpu.enqueue_dma source(%dma_start3A_110 : memref<64x32xf32, #tpu.memory_space<vmem_shared>>) target(%arg10 : memref<64x32xf32, #tpu.memory_space<vmem>>) target_semaphore(%run_scoped3A_106 : memref<!tpu.dma_semaphore, #tpu.memory_space<semaphore_mem>>)
      %dma_wait3A_111 = arith.constant 0 : i32
      %dma_wait3A_112 = tpu.memref_slice %arg11[%add3A_84, %dma_wait3A_111] : memref<10112x32xf32, #tpu.memory_space<vmem_shared>> -> memref<64x32xf32, #tpu.memory_space<vmem_shared>>
      %dma_wait3A_113 = arith.constant 0 : i32
      %dma_wait3A_114 = tpu.memref_slice %arg11[%add3A_84, %dma_wait3A_113] : memref<10112x32xf32, #tpu.memory_space<vmem_shared>> -> memref<64x32xf32, #tpu.memory_space<vmem_shared>>
      tpu.wait_dma2 semaphore(%run_scoped3A_106 : memref<!tpu.dma_semaphore, #tpu.memory_space<semaphore_mem>>) src(%dma_wait3A_114 : memref<64x32xf32, #tpu.memory_space<vmem_shared>>) dst(%arg10 : memref<64x32xf32, #tpu.memory_space<vmem>>)
      tpu.yield
    }) : () -> ()
    %run_scoped3A_85 = arith.constant 0 : i32
    "tpu.region"() ({
      %run_scoped3A_106 = tpu.sem_alloc : memref<!tpu.dma_semaphore, #tpu.memory_space<semaphore_mem>>
      %dma_start3A_107 = arith.constant 0 : i32
      %dma_start3A_108 = tpu.memref_slice %arg5[%run_scoped3A_85, %arg0, %add3A_84, %dma_start3A_107] : memref<1x2x10112x32xf32, #tpu.memory_space<hbm>> -> memref<1x1x64x32xf32, #tpu.memory_space<hbm>>
      %dma_start3A_109 = tpu.memref_squeeze %dma_start3A_108 : memref<1x1x64x32xf32, #tpu.memory_space<hbm>> -> memref<64x32xf32, #tpu.memory_space<hbm>>
      %dma_start3A_110 = arith.constant 0 : i32
      %dma_start3A_111 = tpu.memref_slice %arg5[%run_scoped3A_85, %arg0, %add3A_84, %dma_start3A_110] : memref<1x2x10112x32xf32, #tpu.memory_space<hbm>> -> memref<1x1x64x32xf32, #tpu.memory_space<hbm>>
      %dma_start3A_112 = tpu.memref_squeeze %dma_start3A_111 : memref<1x1x64x32xf32, #tpu.memory_space<hbm>> -> memref<64x32xf32, #tpu.memory_space<hbm>>
      tpu.enqueue_dma source(%arg10 : memref<64x32xf32, #tpu.memory_space<vmem>>) target(%dma_start3A_112 : memref<64x32xf32, #tpu.memory_space<hbm>>) target_semaphore(%run_scoped3A_106 : memref<!tpu.dma_semaphore, #tpu.memory_space<semaphore_mem>>)
      %dma_wait3A_113 = arith.constant 0 : i32
      %dma_wait3A_114 = tpu.memref_slice %arg5[%run_scoped3A_85, %arg0, %add3A_84, %dma_wait3A_113] : memref<1x2x10112x32xf32, #tpu.memory_space<hbm>> -> memref<1x1x64x32xf32, #tpu.memory_space<hbm>>
      %dma_wait3A_115 = tpu.memref_squeeze %dma_wait3A_114 : memref<1x1x64x32xf32, #tpu.memory_space<hbm>> -> memref<64x32xf32, #tpu.memory_space<hbm>>
      %dma_wait3A_116 = arith.constant 0 : i32
      %dma_wait3A_117 = tpu.memref_slice %arg5[%run_scoped3A_85, %arg0, %add3A_84, %dma_wait3A_116] : memref<1x2x10112x32xf32, #tpu.memory_space<hbm>> -> memref<1x1x64x32xf32, #tpu.memory_space<hbm>>
      %dma_wait3A_118 = tpu.memref_squeeze %dma_wait3A_117 : memref<1x1x64x32xf32, #tpu.memory_space<hbm>> -> memref<64x32xf32, #tpu.memory_space<hbm>>
      tpu.wait_dma2 semaphore(%run_scoped3A_106 : memref<!tpu.dma_semaphore, #tpu.memory_space<semaphore_mem>>) src(%arg10 : memref<64x32xf32, #tpu.memory_space<vmem>>) dst(%dma_wait3A_118 : memref<64x32xf32, #tpu.memory_space<hbm>>)
      tpu.yield
    }) : () -> ()
    %mul3A_86 = arith.constant 632 : i32
    %mul3A_87 = arith.muli %arg1, %mul3A_86 : i32
    %add3A_88 = arith.constant 320 : i32
    %add3A_89 = arith.addi %mul3A_87, %add3A_88 : i32
    "tpu.region"() ({
      %run_scoped3A_106 = tpu.sem_alloc : memref<!tpu.dma_semaphore, #tpu.memory_space<semaphore_mem>>
      %dma_start3A_107 = arith.constant 0 : i32
      %dma_start3A_108 = tpu.memref_slice %arg11[%add3A_89, %dma_start3A_107] : memref<10112x32xf32, #tpu.memory_space<vmem_shared>> -> memref<64x32xf32, #tpu.memory_space<vmem_shared>>
      %dma_start3A_109 = arith.constant 0 : i32
      %dma_start3A_110 = tpu.memref_slice %arg11[%add3A_89, %dma_start3A_109] : memref<10112x32xf32, #tpu.memory_space<vmem_shared>> -> memref<64x32xf32, #tpu.memory_space<vmem_shared>>
      tpu.enqueue_dma source(%dma_start3A_110 : memref<64x32xf32, #tpu.memory_space<vmem_shared>>) target(%arg10 : memref<64x32xf32, #tpu.memory_space<vmem>>) target_semaphore(%run_scoped3A_106 : memref<!tpu.dma_semaphore, #tpu.memory_space<semaphore_mem>>)
      %dma_wait3A_111 = arith.constant 0 : i32
      %dma_wait3A_112 = tpu.memref_slice %arg11[%add3A_89, %dma_wait3A_111] : memref<10112x32xf32, #tpu.memory_space<vmem_shared>> -> memref<64x32xf32, #tpu.memory_space<vmem_shared>>
      %dma_wait3A_113 = arith.constant 0 : i32
      %dma_wait3A_114 = tpu.memref_slice %arg11[%add3A_89, %dma_wait3A_113] : memref<10112x32xf32, #tpu.memory_space<vmem_shared>> -> memref<64x32xf32, #tpu.memory_space<vmem_shared>>
      tpu.wait_dma2 semaphore(%run_scoped3A_106 : memref<!tpu.dma_semaphore, #tpu.memory_space<semaphore_mem>>) src(%dma_wait3A_114 : memref<64x32xf32, #tpu.memory_space<vmem_shared>>) dst(%arg10 : memref<64x32xf32, #tpu.memory_space<vmem>>)
      tpu.yield
    }) : () -> ()
    %run_scoped3A_90 = arith.constant 0 : i32
    "tpu.region"() ({
      %run_scoped3A_106 = tpu.sem_alloc : memref<!tpu.dma_semaphore, #tpu.memory_space<semaphore_mem>>
      %dma_start3A_107 = arith.constant 0 : i32
      %dma_start3A_108 = tpu.memref_slice %arg5[%run_scoped3A_90, %arg0, %add3A_89, %dma_start3A_107] : memref<1x2x10112x32xf32, #tpu.memory_space<hbm>> -> memref<1x1x64x32xf32, #tpu.memory_space<hbm>>
      %dma_start3A_109 = tpu.memref_squeeze %dma_start3A_108 : memref<1x1x64x32xf32, #tpu.memory_space<hbm>> -> memref<64x32xf32, #tpu.memory_space<hbm>>
      %dma_start3A_110 = arith.constant 0 : i32
      %dma_start3A_111 = tpu.memref_slice %arg5[%run_scoped3A_90, %arg0, %add3A_89, %dma_start3A_110] : memref<1x2x10112x32xf32, #tpu.memory_space<hbm>> -> memref<1x1x64x32xf32, #tpu.memory_space<hbm>>
      %dma_start3A_112 = tpu.memref_squeeze %dma_start3A_111 : memref<1x1x64x32xf32, #tpu.memory_space<hbm>> -> memref<64x32xf32, #tpu.memory_space<hbm>>
      tpu.enqueue_dma source(%arg10 : memref<64x32xf32, #tpu.memory_space<vmem>>) target(%dma_start3A_112 : memref<64x32xf32, #tpu.memory_space<hbm>>) target_semaphore(%run_scoped3A_106 : memref<!tpu.dma_semaphore, #tpu.memory_space<semaphore_mem>>)
      %dma_wait3A_113 = arith.constant 0 : i32
      %dma_wait3A_114 = tpu.memref_slice %arg5[%run_scoped3A_90, %arg0, %add3A_89, %dma_wait3A_113] : memref<1x2x10112x32xf32, #tpu.memory_space<hbm>> -> memref<1x1x64x32xf32, #tpu.memory_space<hbm>>
      %dma_wait3A_115 = tpu.memref_squeeze %dma_wait3A_114 : memref<1x1x64x32xf32, #tpu.memory_space<hbm>> -> memref<64x32xf32, #tpu.memory_space<hbm>>
      %dma_wait3A_116 = arith.constant 0 : i32
      %dma_wait3A_117 = tpu.memref_slice %arg5[%run_scoped3A_90, %arg0, %add3A_89, %dma_wait3A_116] : memref<1x2x10112x32xf32, #tpu.memory_space<hbm>> -> memref<1x1x64x32xf32, #tpu.memory_space<hbm>>
      %dma_wait3A_118 = tpu.memref_squeeze %dma_wait3A_117 : memref<1x1x64x32xf32, #tpu.memory_space<hbm>> -> memref<64x32xf32, #tpu.memory_space<hbm>>
      tpu.wait_dma2 semaphore(%run_scoped3A_106 : memref<!tpu.dma_semaphore, #tpu.memory_space<semaphore_mem>>) src(%arg10 : memref<64x32xf32, #tpu.memory_space<vmem>>) dst(%dma_wait3A_118 : memref<64x32xf32, #tpu.memory_space<hbm>>)
      tpu.yield
    }) : () -> ()
    %mul3A_91 = arith.constant 632 : i32
    %mul3A_92 = arith.muli %arg1, %mul3A_91 : i32
    %add3A_93 = arith.constant 384 : i32
    %add3A_94 = arith.addi %mul3A_92, %add3A_93 : i32
    "tpu.region"() ({
      %run_scoped3A_106 = tpu.sem_alloc : memref<!tpu.dma_semaphore, #tpu.memory_space<semaphore_mem>>
      %dma_start3A_107 = arith.constant 0 : i32
      %dma_start3A_108 = tpu.memref_slice %arg11[%add3A_94, %dma_start3A_107] : memref<10112x32xf32, #tpu.memory_space<vmem_shared>> -> memref<64x32xf32, #tpu.memory_space<vmem_shared>>
      %dma_start3A_109 = arith.constant 0 : i32
      %dma_start3A_110 = tpu.memref_slice %arg11[%add3A_94, %dma_start3A_109] : memref<10112x32xf32, #tpu.memory_space<vmem_shared>> -> memref<64x32xf32, #tpu.memory_space<vmem_shared>>
      tpu.enqueue_dma source(%dma_start3A_110 : memref<64x32xf32, #tpu.memory_space<vmem_shared>>) target(%arg10 : memref<64x32xf32, #tpu.memory_space<vmem>>) target_semaphore(%run_scoped3A_106 : memref<!tpu.dma_semaphore, #tpu.memory_space<semaphore_mem>>)
      %dma_wait3A_111 = arith.constant 0 : i32
      %dma_wait3A_112 = tpu.memref_slice %arg11[%add3A_94, %dma_wait3A_111] : memref<10112x32xf32, #tpu.memory_space<vmem_shared>> -> memref<64x32xf32, #tpu.memory_space<vmem_shared>>
      %dma_wait3A_113 = arith.constant 0 : i32
      %dma_wait3A_114 = tpu.memref_slice %arg11[%add3A_94, %dma_wait3A_113] : memref<10112x32xf32, #tpu.memory_space<vmem_shared>> -> memref<64x32xf32, #tpu.memory_space<vmem_shared>>
      tpu.wait_dma2 semaphore(%run_scoped3A_106 : memref<!tpu.dma_semaphore, #tpu.memory_space<semaphore_mem>>) src(%dma_wait3A_114 : memref<64x32xf32, #tpu.memory_space<vmem_shared>>) dst(%arg10 : memref<64x32xf32, #tpu.memory_space<vmem>>)
      tpu.yield
    }) : () -> ()
    %run_scoped3A_95 = arith.constant 0 : i32
    "tpu.region"() ({
      %run_scoped3A_106 = tpu.sem_alloc : memref<!tpu.dma_semaphore, #tpu.memory_space<semaphore_mem>>
      %dma_start3A_107 = arith.constant 0 : i32
      %dma_start3A_108 = tpu.memref_slice %arg5[%run_scoped3A_95, %arg0, %add3A_94, %dma_start3A_107] : memref<1x2x10112x32xf32, #tpu.memory_space<hbm>> -> memref<1x1x64x32xf32, #tpu.memory_space<hbm>>
      %dma_start3A_109 = tpu.memref_squeeze %dma_start3A_108 : memref<1x1x64x32xf32, #tpu.memory_space<hbm>> -> memref<64x32xf32, #tpu.memory_space<hbm>>
      %dma_start3A_110 = arith.constant 0 : i32
      %dma_start3A_111 = tpu.memref_slice %arg5[%run_scoped3A_95, %arg0, %add3A_94, %dma_start3A_110] : memref<1x2x10112x32xf32, #tpu.memory_space<hbm>> -> memref<1x1x64x32xf32, #tpu.memory_space<hbm>>
      %dma_start3A_112 = tpu.memref_squeeze %dma_start3A_111 : memref<1x1x64x32xf32, #tpu.memory_space<hbm>> -> memref<64x32xf32, #tpu.memory_space<hbm>>
      tpu.enqueue_dma source(%arg10 : memref<64x32xf32, #tpu.memory_space<vmem>>) target(%dma_start3A_112 : memref<64x32xf32, #tpu.memory_space<hbm>>) target_semaphore(%run_scoped3A_106 : memref<!tpu.dma_semaphore, #tpu.memory_space<semaphore_mem>>)
      %dma_wait3A_113 = arith.constant 0 : i32
      %dma_wait3A_114 = tpu.memref_slice %arg5[%run_scoped3A_95, %arg0, %add3A_94, %dma_wait3A_113] : memref<1x2x10112x32xf32, #tpu.memory_space<hbm>> -> memref<1x1x64x32xf32, #tpu.memory_space<hbm>>
      %dma_wait3A_115 = tpu.memref_squeeze %dma_wait3A_114 : memref<1x1x64x32xf32, #tpu.memory_space<hbm>> -> memref<64x32xf32, #tpu.memory_space<hbm>>
      %dma_wait3A_116 = arith.constant 0 : i32
      %dma_wait3A_117 = tpu.memref_slice %arg5[%run_scoped3A_95, %arg0, %add3A_94, %dma_wait3A_116] : memref<1x2x10112x32xf32, #tpu.memory_space<hbm>> -> memref<1x1x64x32xf32, #tpu.memory_space<hbm>>
      %dma_wait3A_118 = tpu.memref_squeeze %dma_wait3A_117 : memref<1x1x64x32xf32, #tpu.memory_space<hbm>> -> memref<64x32xf32, #tpu.memory_space<hbm>>
      tpu.wait_dma2 semaphore(%run_scoped3A_106 : memref<!tpu.dma_semaphore, #tpu.memory_space<semaphore_mem>>) src(%arg10 : memref<64x32xf32, #tpu.memory_space<vmem>>) dst(%dma_wait3A_118 : memref<64x32xf32, #tpu.memory_space<hbm>>)
      tpu.yield
    }) : () -> ()
    %mul3A_96 = arith.constant 632 : i32
    %mul3A_97 = arith.muli %arg1, %mul3A_96 : i32
    %add3A_98 = arith.constant 448 : i32
    %add3A_99 = arith.addi %mul3A_97, %add3A_98 : i32
    "tpu.region"() ({
      %run_scoped3A_106 = tpu.sem_alloc : memref<!tpu.dma_semaphore, #tpu.memory_space<semaphore_mem>>
      %dma_start3A_107 = arith.constant 0 : i32
      %dma_start3A_108 = tpu.memref_slice %arg11[%add3A_99, %dma_start3A_107] : memref<10112x32xf32, #tpu.memory_space<vmem_shared>> -> memref<64x32xf32, #tpu.memory_space<vmem_shared>>
      %dma_start3A_109 = arith.constant 0 : i32
      %dma_start3A_110 = tpu.memref_slice %arg11[%add3A_99, %dma_start3A_109] : memref<10112x32xf32, #tpu.memory_space<vmem_shared>> -> memref<64x32xf32, #tpu.memory_space<vmem_shared>>
      tpu.enqueue_dma source(%dma_start3A_110 : memref<64x32xf32, #tpu.memory_space<vmem_shared>>) target(%arg10 : memref<64x32xf32, #tpu.memory_space<vmem>>) target_semaphore(%run_scoped3A_106 : memref<!tpu.dma_semaphore, #tpu.memory_space<semaphore_mem>>)
      %dma_wait3A_111 = arith.constant 0 : i32
      %dma_wait3A_112 = tpu.memref_slice %arg11[%add3A_99, %dma_wait3A_111] : memref<10112x32xf32, #tpu.memory_space<vmem_shared>> -> memref<64x32xf32, #tpu.memory_space<vmem_shared>>
      %dma_wait3A_113 = arith.constant 0 : i32
      %dma_wait3A_114 = tpu.memref_slice %arg11[%add3A_99, %dma_wait3A_113] : memref<10112x32xf32, #tpu.memory_space<vmem_shared>> -> memref<64x32xf32, #tpu.memory_space<vmem_shared>>
      tpu.wait_dma2 semaphore(%run_scoped3A_106 : memref<!tpu.dma_semaphore, #tpu.memory_space<semaphore_mem>>) src(%dma_wait3A_114 : memref<64x32xf32, #tpu.memory_space<vmem_shared>>) dst(%arg10 : memref<64x32xf32, #tpu.memory_space<vmem>>)
      tpu.yield
    }) : () -> ()
    %run_scoped3A_100 = arith.constant 0 : i32
    "tpu.region"() ({
      %run_scoped3A_106 = tpu.sem_alloc : memref<!tpu.dma_semaphore, #tpu.memory_space<semaphore_mem>>
      %dma_start3A_107 = arith.constant 0 : i32
      %dma_start3A_108 = tpu.memref_slice %arg5[%run_scoped3A_100, %arg0, %add3A_99, %dma_start3A_107] : memref<1x2x10112x32xf32, #tpu.memory_space<hbm>> -> memref<1x1x64x32xf32, #tpu.memory_space<hbm>>
      %dma_start3A_109 = tpu.memref_squeeze %dma_start3A_108 : memref<1x1x64x32xf32, #tpu.memory_space<hbm>> -> memref<64x32xf32, #tpu.memory_space<hbm>>
      %dma_start3A_110 = arith.constant 0 : i32
      %dma_start3A_111 = tpu.memref_slice %arg5[%run_scoped3A_100, %arg0, %add3A_99, %dma_start3A_110] : memref<1x2x10112x32xf32, #tpu.memory_space<hbm>> -> memref<1x1x64x32xf32, #tpu.memory_space<hbm>>
      %dma_start3A_112 = tpu.memref_squeeze %dma_start3A_111 : memref<1x1x64x32xf32, #tpu.memory_space<hbm>> -> memref<64x32xf32, #tpu.memory_space<hbm>>
      tpu.enqueue_dma source(%arg10 : memref<64x32xf32, #tpu.memory_space<vmem>>) target(%dma_start3A_112 : memref<64x32xf32, #tpu.memory_space<hbm>>) target_semaphore(%run_scoped3A_106 : memref<!tpu.dma_semaphore, #tpu.memory_space<semaphore_mem>>)
      %dma_wait3A_113 = arith.constant 0 : i32
      %dma_wait3A_114 = tpu.memref_slice %arg5[%run_scoped3A_100, %arg0, %add3A_99, %dma_wait3A_113] : memref<1x2x10112x32xf32, #tpu.memory_space<hbm>> -> memref<1x1x64x32xf32, #tpu.memory_space<hbm>>
      %dma_wait3A_115 = tpu.memref_squeeze %dma_wait3A_114 : memref<1x1x64x32xf32, #tpu.memory_space<hbm>> -> memref<64x32xf32, #tpu.memory_space<hbm>>
      %dma_wait3A_116 = arith.constant 0 : i32
      %dma_wait3A_117 = tpu.memref_slice %arg5[%run_scoped3A_100, %arg0, %add3A_99, %dma_wait3A_116] : memref<1x2x10112x32xf32, #tpu.memory_space<hbm>> -> memref<1x1x64x32xf32, #tpu.memory_space<hbm>>
      %dma_wait3A_118 = tpu.memref_squeeze %dma_wait3A_117 : memref<1x1x64x32xf32, #tpu.memory_space<hbm>> -> memref<64x32xf32, #tpu.memory_space<hbm>>
      tpu.wait_dma2 semaphore(%run_scoped3A_106 : memref<!tpu.dma_semaphore, #tpu.memory_space<semaphore_mem>>) src(%arg10 : memref<64x32xf32, #tpu.memory_space<vmem>>) dst(%dma_wait3A_118 : memref<64x32xf32, #tpu.memory_space<hbm>>)
      tpu.yield
    }) : () -> ()
    %mul3A_101 = arith.constant 632 : i32
    %mul3A_102 = arith.muli %arg1, %mul3A_101 : i32
    %add3A_103 = arith.constant 512 : i32
    %add3A_104 = arith.addi %mul3A_102, %add3A_103 : i32
    "tpu.region"() ({
      %run_scoped3A_106 = tpu.sem_alloc : memref<!tpu.dma_semaphore, #tpu.memory_space<semaphore_mem>>
      %dma_start3A_107 = arith.constant 0 : i32
      %dma_start3A_108 = tpu.memref_slice %arg11[%add3A_104, %dma_start3A_107] : memref<10112x32xf32, #tpu.memory_space<vmem_shared>> -> memref<64x32xf32, #tpu.memory_space<vmem_shared>>
      %dma_start3A_109 = arith.constant 0 : i32
      %dma_start3A_110 = tpu.memref_slice %arg11[%add3A_104, %dma_start3A_109] : memref<10112x32xf32, #tpu.memory_space<vmem_shared>> -> memref<64x32xf32, #tpu.memory_space<vmem_shared>>
      tpu.enqueue_dma source(%dma_start3A_110 : memref<64x32xf32, #tpu.memory_space<vmem_shared>>) target(%arg10 : memref<64x32xf32, #tpu.memory_space<vmem>>) target_semaphore(%run_scoped3A_106 : memref<!tpu.dma_semaphore, #tpu.memory_space<semaphore_mem>>)
      %dma_wait3A_111 = arith.constant 0 : i32
      %dma_wait3A_112 = tpu.memref_slice %arg11[%add3A_104, %dma_wait3A_111] : memref<10112x32xf32, #tpu.memory_space<vmem_shared>> -> memref<64x32xf32, #tpu.memory_space<vmem_shared>>
      %dma_wait3A_113 = arith.constant 0 : i32
      %dma_wait3A_114 = tpu.memref_slice %arg11[%add3A_104, %dma_wait3A_113] : memref<10112x32xf32, #tpu.memory_space<vmem_shared>> -> memref<64x32xf32, #tpu.memory_space<vmem_shared>>
      tpu.wait_dma2 semaphore(%run_scoped3A_106 : memref<!tpu.dma_semaphore, #tpu.memory_space<semaphore_mem>>) src(%dma_wait3A_114 : memref<64x32xf32, #tpu.memory_space<vmem_shared>>) dst(%arg10 : memref<64x32xf32, #tpu.memory_space<vmem>>)
      tpu.yield
    }) : () -> ()
    %run_scoped3A_105 = arith.constant 0 : i32
    "tpu.region"() ({
      %run_scoped3A_106 = tpu.sem_alloc : memref<!tpu.dma_semaphore, #tpu.memory_space<semaphore_mem>>
      %dma_start3A_107 = arith.constant 0 : i32
      %dma_start3A_108 = tpu.memref_slice %arg5[%run_scoped3A_105, %arg0, %add3A_104, %dma_start3A_107] : memref<1x2x10112x32xf32, #tpu.memory_space<hbm>> -> memref<1x1x64x32xf32, #tpu.memory_space<hbm>>
      %dma_start3A_109 = tpu.memref_squeeze %dma_start3A_108 : memref<1x1x64x32xf32, #tpu.memory_space<hbm>> -> memref<64x32xf32, #tpu.memory_space<hbm>>
      %dma_start3A_110 = arith.constant 0 : i32
      %dma_start3A_111 = tpu.memref_slice %arg5[%run_scoped3A_105, %arg0, %add3A_104, %dma_start3A_110] : memref<1x2x10112x32xf32, #tpu.memory_space<hbm>> -> memref<1x1x64x32xf32, #tpu.memory_space<hbm>>
      %dma_start3A_112 = tpu.memref_squeeze %dma_start3A_111 : memref<1x1x64x32xf32, #tpu.memory_space<hbm>> -> memref<64x32xf32, #tpu.memory_space<hbm>>
      tpu.enqueue_dma source(%arg10 : memref<64x32xf32, #tpu.memory_space<vmem>>) target(%dma_start3A_112 : memref<64x32xf32, #tpu.memory_space<hbm>>) target_semaphore(%run_scoped3A_106 : memref<!tpu.dma_semaphore, #tpu.memory_space<semaphore_mem>>)
      %dma_wait3A_113 = arith.constant 0 : i32
      %dma_wait3A_114 = tpu.memref_slice %arg5[%run_scoped3A_105, %arg0, %add3A_104, %dma_wait3A_113] : memref<1x2x10112x32xf32, #tpu.memory_space<hbm>> -> memref<1x1x64x32xf32, #tpu.memory_space<hbm>>
      %dma_wait3A_115 = tpu.memref_squeeze %dma_wait3A_114 : memref<1x1x64x32xf32, #tpu.memory_space<hbm>> -> memref<64x32xf32, #tpu.memory_space<hbm>>
      %dma_wait3A_116 = arith.constant 0 : i32
      %dma_wait3A_117 = tpu.memref_slice %arg5[%run_scoped3A_105, %arg0, %add3A_104, %dma_wait3A_116] : memref<1x2x10112x32xf32, #tpu.memory_space<hbm>> -> memref<1x1x64x32xf32, #tpu.memory_space<hbm>>
      %dma_wait3A_118 = tpu.memref_squeeze %dma_wait3A_117 : memref<1x1x64x32xf32, #tpu.memory_space<hbm>> -> memref<64x32xf32, #tpu.memory_space<hbm>>
      tpu.wait_dma2 semaphore(%run_scoped3A_106 : memref<!tpu.dma_semaphore, #tpu.memory_space<semaphore_mem>>) src(%arg10 : memref<64x32xf32, #tpu.memory_space<vmem>>) dst(%dma_wait3A_118 : memref<64x32xf32, #tpu.memory_space<hbm>>)
      tpu.yield
    }) : () -> ()
    return
  }
}

#map = affine_map<(d0, d1) -> (0, 0, 0)>
#map1 = affine_map<(d0, d1) -> (0)>
module attributes {stable_mosaic.version = 14 : i64} {
  func.func @body(%arg0: i32, %arg1: i32, %arg2: memref<32x125x80xi32, #tpu.memory_space<hbm>>, %arg3: memref<20224xf32, #tpu.memory_space<hbm>>, %arg4: memref<125x80xi32, #tpu.memory_space<vmem>>, %arg5: memref<80xf32, #tpu.memory_space<vmem>>, %arg6: memref<632xf32, #tpu.memory_space<vmem>>, %arg7: memref<10112xf32, #tpu.memory_space<vmem_shared>>) attributes {dimension_semantics = [#tpu.dimension_semantics<core_parallel>, #tpu.dimension_semantics<subcore_parallel>], iteration_bounds = array<i64: 2, 16>, scalar_prefetch = 0 : i64, scratch_operands = 4 : i64, tpu.core_type = #tpu.core_type<sc_vector_subcore>, window_params = [{transform_indices = #map}, {transform_indices = #map1}]} {
    %mul3A = arith.constant 16 : i32
    %mul3A_0 = arith.muli %arg0, %mul3A : i32
    %add3A = arith.addi %mul3A_0, %arg1 : i32
    %broadcast_in_dim3A = arith.constant 1.000000e+00 : f32
    %broadcast_in_dim3A_1 = vector.broadcast %broadcast_in_dim3A : f32 to vector<16xf32>
    %swap3A = arith.constant 0 : index
    %swap3A_2 = tpu.vector_load %arg5[%swap3A] {strides = array<i32>} : memref<80xf32, #tpu.memory_space<vmem>>, vector<16xf32>,
    %swap3A_3 = vector.shape_cast %swap3A_2 : vector<16xf32> to vector<16xf32>
    %swap3A_4 = vector.shape_cast %broadcast_in_dim3A_1 : vector<16xf32> to vector<16xf32>
    tpu.vector_store %arg5[%swap3A], %swap3A_4 {strides = array<i32>} : memref<80xf32, #tpu.memory_space<vmem>>, vector<16xf32>,
    %broadcast_in_dim3A_5 = arith.constant 1.000000e+00 : f32
    %broadcast_in_dim3A_6 = vector.broadcast %broadcast_in_dim3A_5 : f32 to vector<16xf32>
    %swap3A_7 = arith.constant 16 : index
    %swap3A_8 = tpu.vector_load %arg5[%swap3A_7] {strides = array<i32>} : memref<80xf32, #tpu.memory_space<vmem>>, vector<16xf32>,
    %swap3A_9 = vector.shape_cast %swap3A_8 : vector<16xf32> to vector<16xf32>
    %swap3A_10 = vector.shape_cast %broadcast_in_dim3A_6 : vector<16xf32> to vector<16xf32>
    tpu.vector_store %arg5[%swap3A_7], %swap3A_10 {strides = array<i32>} : memref<80xf32, #tpu.memory_space<vmem>>, vector<16xf32>,
    %broadcast_in_dim3A_11 = arith.constant 1.000000e+00 : f32
    %broadcast_in_dim3A_12 = vector.broadcast %broadcast_in_dim3A_11 : f32 to vector<16xf32>
    %swap3A_13 = arith.constant 32 : index
    %swap3A_14 = tpu.vector_load %arg5[%swap3A_13] {strides = array<i32>} : memref<80xf32, #tpu.memory_space<vmem>>, vector<16xf32>,
    %swap3A_15 = vector.shape_cast %swap3A_14 : vector<16xf32> to vector<16xf32>
    %swap3A_16 = vector.shape_cast %broadcast_in_dim3A_12 : vector<16xf32> to vector<16xf32>
    tpu.vector_store %arg5[%swap3A_13], %swap3A_16 {strides = array<i32>} : memref<80xf32, #tpu.memory_space<vmem>>, vector<16xf32>,
    %broadcast_in_dim3A_17 = arith.constant 1.000000e+00 : f32
    %broadcast_in_dim3A_18 = vector.broadcast %broadcast_in_dim3A_17 : f32 to vector<16xf32>
    %swap3A_19 = arith.constant 48 : index
    %swap3A_20 = tpu.vector_load %arg5[%swap3A_19] {strides = array<i32>} : memref<80xf32, #tpu.memory_space<vmem>>, vector<16xf32>,
    %swap3A_21 = vector.shape_cast %swap3A_20 : vector<16xf32> to vector<16xf32>
    %swap3A_22 = vector.shape_cast %broadcast_in_dim3A_18 : vector<16xf32> to vector<16xf32>
    tpu.vector_store %arg5[%swap3A_19], %swap3A_22 {strides = array<i32>} : memref<80xf32, #tpu.memory_space<vmem>>, vector<16xf32>,
    %broadcast_in_dim3A_23 = arith.constant 1.000000e+00 : f32
    %broadcast_in_dim3A_24 = vector.broadcast %broadcast_in_dim3A_23 : f32 to vector<16xf32>
    %swap3A_25 = arith.constant 64 : index
    %swap3A_26 = tpu.vector_load %arg5[%swap3A_25] {strides = array<i32>} : memref<80xf32, #tpu.memory_space<vmem>>, vector<16xf32>,
    %swap3A_27 = vector.shape_cast %swap3A_26 : vector<16xf32> to vector<16xf32>
    %swap3A_28 = vector.shape_cast %broadcast_in_dim3A_24 : vector<16xf32> to vector<16xf32>
    tpu.vector_store %arg5[%swap3A_25], %swap3A_28 {strides = array<i32>} : memref<80xf32, #tpu.memory_space<vmem>>, vector<16xf32>,
    %scan3A = arith.constant 0 : i32
    %scan3A_29 = arith.constant 0 : i32
    %scan3A_30 = arith.constant 39 : i32
    %scan3A_31 = arith.addi %scan3A_29, %scan3A_30 : i32
    %scan3A_32 = arith.constant 1 : i32
    scf.for %scan3A_50 = %scan3A_29 to %scan3A_31 step %scan3A_32  : i32 {
      %broadcast_in_dim3A_51 = arith.constant 0.000000e+00 : f32
      %broadcast_in_dim3A_52 = vector.broadcast %broadcast_in_dim3A_51 : f32 to vector<16xf32>
      %mul3A_53 = arith.constant 16 : i32
      %mul3A_54 = arith.muli %scan3A_50, %mul3A_53 : i32
      %swap3A_55 = arith.index_cast %mul3A_54 : i32 to index
      %swap3A_56 = tpu.vector_load %arg6[%swap3A_55] {strides = array<i32>} : memref<632xf32, #tpu.memory_space<vmem>>, vector<16xf32>,
      %swap3A_57 = vector.shape_cast %swap3A_56 : vector<16xf32> to vector<16xf32>
      %swap3A_58 = vector.shape_cast %broadcast_in_dim3A_52 : vector<16xf32> to vector<16xf32>
      tpu.vector_store %arg6[%swap3A_55], %swap3A_58 {strides = array<i32>} : memref<632xf32, #tpu.memory_space<vmem>>, vector<16xf32>,
    }
    %scan3A_33 = arith.constant 39 : i32
    %mul3A_34 = arith.constant 632 : i32
    %mul3A_35 = arith.muli %arg1, %mul3A_34 : i32
    "tpu.region"() ({
      %run_scoped3A = tpu.sem_alloc : memref<!tpu.dma_semaphore, #tpu.memory_space<semaphore_mem>>
      %dma_start3A = tpu.memref_slice %arg7[%mul3A_35] : memref<10112xf32, #tpu.memory_space<vmem_shared>> -> memref<632xf32, #tpu.memory_space<vmem_shared>>
      %dma_start3A_50 = tpu.memref_slice %arg7[%mul3A_35] : memref<10112xf32, #tpu.memory_space<vmem_shared>> -> memref<632xf32, #tpu.memory_space<vmem_shared>>
      tpu.enqueue_dma source(%arg6 : memref<632xf32, #tpu.memory_space<vmem>>) target(%dma_start3A_50 : memref<632xf32, #tpu.memory_space<vmem_shared>>) target_semaphore(%run_scoped3A : memref<!tpu.dma_semaphore, #tpu.memory_space<semaphore_mem>>)
      %dma_wait3A = tpu.memref_slice %arg7[%mul3A_35] : memref<10112xf32, #tpu.memory_space<vmem_shared>> -> memref<632xf32, #tpu.memory_space<vmem_shared>>
      %dma_wait3A_51 = tpu.memref_slice %arg7[%mul3A_35] : memref<10112xf32, #tpu.memory_space<vmem_shared>> -> memref<632xf32, #tpu.memory_space<vmem_shared>>
      tpu.wait_dma2 semaphore(%run_scoped3A : memref<!tpu.dma_semaphore, #tpu.memory_space<semaphore_mem>>) src(%arg6 : memref<632xf32, #tpu.memory_space<vmem>>) dst(%dma_wait3A_51 : memref<632xf32, #tpu.memory_space<vmem_shared>>)
      tpu.yield
    }) : () -> ()
    %barrier3A = arith.constant 0 : index
    tpu.barrier barrier_id(%barrier3A)
    "tpu.region"() ({
      %run_scoped3A = tpu.sem_alloc : memref<!tpu.dma_semaphore, #tpu.memory_space<semaphore_mem>>
      %dma_start3A = arith.constant 0 : i32
      %dma_start3A_50 = arith.constant 0 : i32
      %dma_start3A_51 = tpu.memref_slice %arg2[%add3A, %dma_start3A, %dma_start3A_50] : memref<32x125x80xi32, #tpu.memory_space<hbm>> -> memref<1x125x80xi32, #tpu.memory_space<hbm>>
      %dma_start3A_52 = tpu.memref_squeeze %dma_start3A_51 : memref<1x125x80xi32, #tpu.memory_space<hbm>> -> memref<125x80xi32, #tpu.memory_space<hbm>>
      %dma_start3A_53 = arith.constant 0 : i32
      %dma_start3A_54 = arith.constant 0 : i32
      %dma_start3A_55 = tpu.memref_slice %arg2[%add3A, %dma_start3A_53, %dma_start3A_54] : memref<32x125x80xi32, #tpu.memory_space<hbm>> -> memref<1x125x80xi32, #tpu.memory_space<hbm>>
      %dma_start3A_56 = tpu.memref_squeeze %dma_start3A_55 : memref<1x125x80xi32, #tpu.memory_space<hbm>> -> memref<125x80xi32, #tpu.memory_space<hbm>>
      tpu.enqueue_dma source(%dma_start3A_56 : memref<125x80xi32, #tpu.memory_space<hbm>>) target(%arg4 : memref<125x80xi32, #tpu.memory_space<vmem>>) target_semaphore(%run_scoped3A : memref<!tpu.dma_semaphore, #tpu.memory_space<semaphore_mem>>)
      %dma_wait3A = arith.constant 0 : i32
      %dma_wait3A_57 = arith.constant 0 : i32
      %dma_wait3A_58 = tpu.memref_slice %arg2[%add3A, %dma_wait3A, %dma_wait3A_57] : memref<32x125x80xi32, #tpu.memory_space<hbm>> -> memref<1x125x80xi32, #tpu.memory_space<hbm>>
      %dma_wait3A_59 = tpu.memref_squeeze %dma_wait3A_58 : memref<1x125x80xi32, #tpu.memory_space<hbm>> -> memref<125x80xi32, #tpu.memory_space<hbm>>
      %dma_wait3A_60 = arith.constant 0 : i32
      %dma_wait3A_61 = arith.constant 0 : i32
      %dma_wait3A_62 = tpu.memref_slice %arg2[%add3A, %dma_wait3A_60, %dma_wait3A_61] : memref<32x125x80xi32, #tpu.memory_space<hbm>> -> memref<1x125x80xi32, #tpu.memory_space<hbm>>
      %dma_wait3A_63 = tpu.memref_squeeze %dma_wait3A_62 : memref<1x125x80xi32, #tpu.memory_space<hbm>> -> memref<125x80xi32, #tpu.memory_space<hbm>>
      tpu.wait_dma2 semaphore(%run_scoped3A : memref<!tpu.dma_semaphore, #tpu.memory_space<semaphore_mem>>) src(%dma_wait3A_63 : memref<125x80xi32, #tpu.memory_space<hbm>>) dst(%arg4 : memref<125x80xi32, #tpu.memory_space<vmem>>)
      tpu.yield
    }) : () -> ()
    %scan3A_36 = arith.constant 0 : i32
    %scan3A_37 = arith.constant 0 : i32
    %scan3A_38 = arith.constant 125 : i32
    %scan3A_39 = arith.addi %scan3A_37, %scan3A_38 : i32
    %scan3A_40 = arith.constant 1 : i32
    scf.for %scan3A_50 = %scan3A_37 to %scan3A_39 step %scan3A_40  : i32 {
      "tpu.region"() ({
        %run_scoped3A = tpu.sem_alloc : memref<!tpu.dma_semaphore, #tpu.memory_space<semaphore_mem>>
        %dma_start3A = arith.constant 0 : i32
        %dma_start3A_51 = tpu.memref_slice %arg4[%scan3A_50, %dma_start3A] : memref<125x80xi32, #tpu.memory_space<vmem>> -> memref<1x80xi32, #tpu.memory_space<vmem>>
        %dma_start3A_52 = tpu.memref_squeeze %dma_start3A_51 : memref<1x80xi32, #tpu.memory_space<vmem>> -> memref<80xi32, #tpu.memory_space<vmem>>
        %dma_start3A_53 = arith.constant 0 : i32
        %dma_start3A_54 = tpu.memref_slice %arg7[%dma_start3A_53] : memref<10112xf32, #tpu.memory_space<vmem_shared>> -> memref<10112xf32, #tpu.memory_space<vmem_shared>>
        tpu.enqueue_indirect_dma source(%arg5 : memref<80xf32, #tpu.memory_space<vmem>>) target(%dma_start3A_54 : memref<10112xf32, #tpu.memory_space<vmem_shared>>) offsets(%dma_start3A_52 : memref<80xi32, #tpu.memory_space<vmem>>) semaphore(%run_scoped3A : memref<!tpu.dma_semaphore, #tpu.memory_space<semaphore_mem>>) {add = true}
        %dma_wait3A = arith.constant 0 : i32
        %dma_wait3A_55 = tpu.memref_slice %arg4[%scan3A_50, %dma_wait3A] : memref<125x80xi32, #tpu.memory_space<vmem>> -> memref<1x80xi32, #tpu.memory_space<vmem>>
        %dma_wait3A_56 = tpu.memref_squeeze %dma_wait3A_55 : memref<1x80xi32, #tpu.memory_space<vmem>> -> memref<80xi32, #tpu.memory_space<vmem>>
        %dma_wait3A_57 = arith.constant 0 : i32
        %dma_wait3A_58 = tpu.memref_slice %arg7[%dma_wait3A_57] : memref<10112xf32, #tpu.memory_space<vmem_shared>> -> memref<10112xf32, #tpu.memory_space<vmem_shared>>
        tpu.wait_indirect_dma semaphore(%run_scoped3A : memref<!tpu.dma_semaphore, #tpu.memory_space<semaphore_mem>>) src(%arg5 : memref<80xf32, #tpu.memory_space<vmem>>) dst(%dma_wait3A_58 : memref<10112xf32, #tpu.memory_space<vmem_shared>>)
        tpu.yield
      }) : () -> ()
    }
    %scan3A_41 = arith.constant 125 : i32
    %barrier3A_42 = arith.constant 0 : index
    tpu.barrier barrier_id(%barrier3A_42)
    %mul3A_43 = arith.constant 632 : i32
    %mul3A_44 = arith.muli %arg1, %mul3A_43 : i32
    "tpu.region"() ({
      %run_scoped3A = tpu.sem_alloc : memref<!tpu.dma_semaphore, #tpu.memory_space<semaphore_mem>>
      %dma_start3A = tpu.memref_slice %arg7[%mul3A_44] : memref<10112xf32, #tpu.memory_space<vmem_shared>> -> memref<632xf32, #tpu.memory_space<vmem_shared>>
      %dma_start3A_50 = tpu.memref_slice %arg7[%mul3A_44] : memref<10112xf32, #tpu.memory_space<vmem_shared>> -> memref<632xf32, #tpu.memory_space<vmem_shared>>
      tpu.enqueue_dma source(%dma_start3A_50 : memref<632xf32, #tpu.memory_space<vmem_shared>>) target(%arg6 : memref<632xf32, #tpu.memory_space<vmem>>) target_semaphore(%run_scoped3A : memref<!tpu.dma_semaphore, #tpu.memory_space<semaphore_mem>>)
      %dma_wait3A = tpu.memref_slice %arg7[%mul3A_44] : memref<10112xf32, #tpu.memory_space<vmem_shared>> -> memref<632xf32, #tpu.memory_space<vmem_shared>>
      %dma_wait3A_51 = tpu.memref_slice %arg7[%mul3A_44] : memref<10112xf32, #tpu.memory_space<vmem_shared>> -> memref<632xf32, #tpu.memory_space<vmem_shared>>
      tpu.wait_dma2 semaphore(%run_scoped3A : memref<!tpu.dma_semaphore, #tpu.memory_space<semaphore_mem>>) src(%dma_wait3A_51 : memref<632xf32, #tpu.memory_space<vmem_shared>>) dst(%arg6 : memref<632xf32, #tpu.memory_space<vmem>>)
      tpu.yield
    }) : () -> ()
    %mul3A_45 = arith.constant 10112 : i32
    %mul3A_46 = arith.muli %arg0, %mul3A_45 : i32
    %mul3A_47 = arith.constant 632 : i32
    %mul3A_48 = arith.muli %arg1, %mul3A_47 : i32
    %add3A_49 = arith.addi %mul3A_46, %mul3A_48 : i32
    "tpu.region"() ({
      %run_scoped3A = tpu.sem_alloc : memref<!tpu.dma_semaphore, #tpu.memory_space<semaphore_mem>>
      %dma_start3A = tpu.memref_slice %arg3[%add3A_49] : memref<20224xf32, #tpu.memory_space<hbm>> -> memref<632xf32, #tpu.memory_space<hbm>>
      %dma_start3A_50 = tpu.memref_slice %arg3[%add3A_49] : memref<20224xf32, #tpu.memory_space<hbm>> -> memref<632xf32, #tpu.memory_space<hbm>>
      tpu.enqueue_dma source(%arg6 : memref<632xf32, #tpu.memory_space<vmem>>) target(%dma_start3A_50 : memref<632xf32, #tpu.memory_space<hbm>>) target_semaphore(%run_scoped3A : memref<!tpu.dma_semaphore, #tpu.memory_space<semaphore_mem>>)
      %dma_wait3A = tpu.memref_slice %arg3[%add3A_49] : memref<20224xf32, #tpu.memory_space<hbm>> -> memref<632xf32, #tpu.memory_space<hbm>>
      %dma_wait3A_51 = tpu.memref_slice %arg3[%add3A_49] : memref<20224xf32, #tpu.memory_space<hbm>> -> memref<632xf32, #tpu.memory_space<hbm>>
      tpu.wait_dma2 semaphore(%run_scoped3A : memref<!tpu.dma_semaphore, #tpu.memory_space<semaphore_mem>>) src(%arg6 : memref<632xf32, #tpu.memory_space<vmem>>) dst(%dma_wait3A_51 : memref<632xf32, #tpu.memory_space<hbm>>)
      tpu.yield
    }) : () -> ()
    return
  }
}

#map = affine_map<(d0, d1) -> (0, 0)>
#map1 = affine_map<(d0, d1) -> (0, 0, 0)>
#map2 = affine_map<(d0, d1) -> (0, 0, 0, 0)>
module attributes {stable_mosaic.version = 14 : i64} {
  func.func @body(%arg0: i32, %arg1: i32, %arg2: memref<10000x64xf32, #tpu.memory_space<hbm>>, %arg3: memref<10000x64xf32, #tpu.memory_space<hbm>>, %arg4: memref<32x125x80xi32, #tpu.memory_space<hbm>>, %arg5: memref<32x125x80xi32, #tpu.memory_space<hbm>>, %arg6: memref<2x2x10112x64xf32, #tpu.memory_space<hbm>>, %arg7: memref<125x80xi32, #tpu.memory_space<vmem>>, %arg8: memref<125x80xi32, #tpu.memory_space<vmem>>, %arg9: memref<80x64xf32, #tpu.memory_space<vmem>>, %arg10: memref<80x64xf32, #tpu.memory_space<vmem>>, %arg11: memref<64x64xf32, #tpu.memory_space<vmem>>, %arg12: memref<10112x64xf32, #tpu.memory_space<vmem_shared>>, %arg13: memref<!tpu.dma_semaphore, #tpu.memory_space<semaphore_mem>>, %arg14: memref<!tpu.dma_semaphore, #tpu.memory_space<semaphore_mem>>) attributes {dimension_semantics = [#tpu.dimension_semantics<core_parallel>, #tpu.dimension_semantics<subcore_parallel>], iteration_bounds = array<i64: 2, 16>, scalar_prefetch = 0 : i64, scratch_operands = 8 : i64, tpu.core_type = #tpu.core_type<sc_vector_subcore>, window_params = [{transform_indices = #map}, {transform_indices = #map}, {transform_indices = #map1}, {transform_indices = #map1}, {transform_indices = #map2}]} {
    %mul3A = arith.constant 16 : i32
    %mul3A_0 = arith.muli %arg0, %mul3A : i32
    %add3A = arith.addi %mul3A_0, %arg1 : i32
    %scan3A = arith.constant 0 : i32
    %scan3A_1 = arith.constant 0 : i32
    %scan3A_2 = arith.constant 64 : i32
    %scan3A_3 = arith.addi %scan3A_1, %scan3A_2 : i32
    %scan3A_4 = arith.constant 1 : i32
    scf.for %scan3A_216 = %scan3A_1 to %scan3A_3 step %scan3A_4  : i32 {
      %broadcast_in_dim3A = arith.constant 0.000000e+00 : f32
      %broadcast_in_dim3A_217 = vector.broadcast %broadcast_in_dim3A : f32 to vector<16xf32>
      %swap3A = arith.index_cast %scan3A_216 : i32 to index
      %swap3A_218 = arith.constant 0 : index
      %swap3A_219 = tpu.vector_load %arg11[%swap3A, %swap3A_218] {strides = array<i32>} : memref<64x64xf32, #tpu.memory_space<vmem>>, vector<1x16xf32>,
      %swap3A_220 = vector.shape_cast %swap3A_219 : vector<1x16xf32> to vector<16xf32>
      %swap3A_221 = vector.shape_cast %broadcast_in_dim3A_217 : vector<16xf32> to vector<1x16xf32>
      tpu.vector_store %arg11[%swap3A, %swap3A_218], %swap3A_221 {strides = array<i32>} : memref<64x64xf32, #tpu.memory_space<vmem>>, vector<1x16xf32>,
      %broadcast_in_dim3A_222 = arith.constant 0.000000e+00 : f32
      %broadcast_in_dim3A_223 = vector.broadcast %broadcast_in_dim3A_222 : f32 to vector<16xf32>
      %swap3A_224 = arith.index_cast %scan3A_216 : i32 to index
      %swap3A_225 = arith.constant 16 : index
      %swap3A_226 = tpu.vector_load %arg11[%swap3A_224, %swap3A_225] {strides = array<i32>} : memref<64x64xf32, #tpu.memory_space<vmem>>, vector<1x16xf32>,
      %swap3A_227 = vector.shape_cast %swap3A_226 : vector<1x16xf32> to vector<16xf32>
      %swap3A_228 = vector.shape_cast %broadcast_in_dim3A_223 : vector<16xf32> to vector<1x16xf32>
      tpu.vector_store %arg11[%swap3A_224, %swap3A_225], %swap3A_228 {strides = array<i32>} : memref<64x64xf32, #tpu.memory_space<vmem>>, vector<1x16xf32>,
      %broadcast_in_dim3A_229 = arith.constant 0.000000e+00 : f32
      %broadcast_in_dim3A_230 = vector.broadcast %broadcast_in_dim3A_229 : f32 to vector<16xf32>
      %swap3A_231 = arith.index_cast %scan3A_216 : i32 to index
      %swap3A_232 = arith.constant 32 : index
      %swap3A_233 = tpu.vector_load %arg11[%swap3A_231, %swap3A_232] {strides = array<i32>} : memref<64x64xf32, #tpu.memory_space<vmem>>, vector<1x16xf32>,
      %swap3A_234 = vector.shape_cast %swap3A_233 : vector<1x16xf32> to vector<16xf32>
      %swap3A_235 = vector.shape_cast %broadcast_in_dim3A_230 : vector<16xf32> to vector<1x16xf32>
      tpu.vector_store %arg11[%swap3A_231, %swap3A_232], %swap3A_235 {strides = array<i32>} : memref<64x64xf32, #tpu.memory_space<vmem>>, vector<1x16xf32>,
      %broadcast_in_dim3A_236 = arith.constant 0.000000e+00 : f32
      %broadcast_in_dim3A_237 = vector.broadcast %broadcast_in_dim3A_236 : f32 to vector<16xf32>
      %swap3A_238 = arith.index_cast %scan3A_216 : i32 to index
      %swap3A_239 = arith.constant 48 : index
      %swap3A_240 = tpu.vector_load %arg11[%swap3A_238, %swap3A_239] {strides = array<i32>} : memref<64x64xf32, #tpu.memory_space<vmem>>, vector<1x16xf32>,
      %swap3A_241 = vector.shape_cast %swap3A_240 : vector<1x16xf32> to vector<16xf32>
      %swap3A_242 = vector.shape_cast %broadcast_in_dim3A_237 : vector<16xf32> to vector<1x16xf32>
      tpu.vector_store %arg11[%swap3A_238, %swap3A_239], %swap3A_242 {strides = array<i32>} : memref<64x64xf32, #tpu.memory_space<vmem>>, vector<1x16xf32>,
    }
    %scan3A_5 = arith.constant 64 : i32
    "tpu.region"() ({
      %run_scoped3A_216 = tpu.sem_alloc : memref<!tpu.dma_semaphore, #tpu.memory_space<semaphore_mem>>
      %dma_start3A_217 = arith.constant 0 : i32
      %dma_start3A_218 = arith.constant 0 : i32
      %dma_start3A_219 = tpu.memref_slice %arg4[%add3A, %dma_start3A_217, %dma_start3A_218] : memref<32x125x80xi32, #tpu.memory_space<hbm>> -> memref<1x125x80xi32, #tpu.memory_space<hbm>>
      %dma_start3A_220 = tpu.memref_squeeze %dma_start3A_219 : memref<1x125x80xi32, #tpu.memory_space<hbm>> -> memref<125x80xi32, #tpu.memory_space<hbm>>
      %dma_start3A_221 = arith.constant 0 : i32
      %dma_start3A_222 = arith.constant 0 : i32
      %dma_start3A_223 = tpu.memref_slice %arg4[%add3A, %dma_start3A_221, %dma_start3A_222] : memref<32x125x80xi32, #tpu.memory_space<hbm>> -> memref<1x125x80xi32, #tpu.memory_space<hbm>>
      %dma_start3A_224 = tpu.memref_squeeze %dma_start3A_223 : memref<1x125x80xi32, #tpu.memory_space<hbm>> -> memref<125x80xi32, #tpu.memory_space<hbm>>
      tpu.enqueue_dma source(%dma_start3A_224 : memref<125x80xi32, #tpu.memory_space<hbm>>) target(%arg7 : memref<125x80xi32, #tpu.memory_space<vmem>>) target_semaphore(%run_scoped3A_216 : memref<!tpu.dma_semaphore, #tpu.memory_space<semaphore_mem>>)
      %dma_wait3A_225 = arith.constant 0 : i32
      %dma_wait3A_226 = arith.constant 0 : i32
      %dma_wait3A_227 = tpu.memref_slice %arg4[%add3A, %dma_wait3A_225, %dma_wait3A_226] : memref<32x125x80xi32, #tpu.memory_space<hbm>> -> memref<1x125x80xi32, #tpu.memory_space<hbm>>
      %dma_wait3A_228 = tpu.memref_squeeze %dma_wait3A_227 : memref<1x125x80xi32, #tpu.memory_space<hbm>> -> memref<125x80xi32, #tpu.memory_space<hbm>>
      %dma_wait3A_229 = arith.constant 0 : i32
      %dma_wait3A_230 = arith.constant 0 : i32
      %dma_wait3A_231 = tpu.memref_slice %arg4[%add3A, %dma_wait3A_229, %dma_wait3A_230] : memref<32x125x80xi32, #tpu.memory_space<hbm>> -> memref<1x125x80xi32, #tpu.memory_space<hbm>>
      %dma_wait3A_232 = tpu.memref_squeeze %dma_wait3A_231 : memref<1x125x80xi32, #tpu.memory_space<hbm>> -> memref<125x80xi32, #tpu.memory_space<hbm>>
      tpu.wait_dma2 semaphore(%run_scoped3A_216 : memref<!tpu.dma_semaphore, #tpu.memory_space<semaphore_mem>>) src(%dma_wait3A_232 : memref<125x80xi32, #tpu.memory_space<hbm>>) dst(%arg7 : memref<125x80xi32, #tpu.memory_space<vmem>>)
      tpu.yield
    }) : () -> ()
    "tpu.region"() ({
      %run_scoped3A_216 = tpu.sem_alloc : memref<!tpu.dma_semaphore, #tpu.memory_space<semaphore_mem>>
      %dma_start3A_217 = arith.constant 0 : i32
      %dma_start3A_218 = arith.constant 0 : i32
      %dma_start3A_219 = tpu.memref_slice %arg5[%add3A, %dma_start3A_217, %dma_start3A_218] : memref<32x125x80xi32, #tpu.memory_space<hbm>> -> memref<1x125x80xi32, #tpu.memory_space<hbm>>
      %dma_start3A_220 = tpu.memref_squeeze %dma_start3A_219 : memref<1x125x80xi32, #tpu.memory_space<hbm>> -> memref<125x80xi32, #tpu.memory_space<hbm>>
      %dma_start3A_221 = arith.constant 0 : i32
      %dma_start3A_222 = arith.constant 0 : i32
      %dma_start3A_223 = tpu.memref_slice %arg5[%add3A, %dma_start3A_221, %dma_start3A_222] : memref<32x125x80xi32, #tpu.memory_space<hbm>> -> memref<1x125x80xi32, #tpu.memory_space<hbm>>
      %dma_start3A_224 = tpu.memref_squeeze %dma_start3A_223 : memref<1x125x80xi32, #tpu.memory_space<hbm>> -> memref<125x80xi32, #tpu.memory_space<hbm>>
      tpu.enqueue_dma source(%dma_start3A_224 : memref<125x80xi32, #tpu.memory_space<hbm>>) target(%arg8 : memref<125x80xi32, #tpu.memory_space<vmem>>) target_semaphore(%run_scoped3A_216 : memref<!tpu.dma_semaphore, #tpu.memory_space<semaphore_mem>>)
      %dma_wait3A_225 = arith.constant 0 : i32
      %dma_wait3A_226 = arith.constant 0 : i32
      %dma_wait3A_227 = tpu.memref_slice %arg5[%add3A, %dma_wait3A_225, %dma_wait3A_226] : memref<32x125x80xi32, #tpu.memory_space<hbm>> -> memref<1x125x80xi32, #tpu.memory_space<hbm>>
      %dma_wait3A_228 = tpu.memref_squeeze %dma_wait3A_227 : memref<1x125x80xi32, #tpu.memory_space<hbm>> -> memref<125x80xi32, #tpu.memory_space<hbm>>
      %dma_wait3A_229 = arith.constant 0 : i32
      %dma_wait3A_230 = arith.constant 0 : i32
      %dma_wait3A_231 = tpu.memref_slice %arg5[%add3A, %dma_wait3A_229, %dma_wait3A_230] : memref<32x125x80xi32, #tpu.memory_space<hbm>> -> memref<1x125x80xi32, #tpu.memory_space<hbm>>
      %dma_wait3A_232 = tpu.memref_squeeze %dma_wait3A_231 : memref<1x125x80xi32, #tpu.memory_space<hbm>> -> memref<125x80xi32, #tpu.memory_space<hbm>>
      tpu.wait_dma2 semaphore(%run_scoped3A_216 : memref<!tpu.dma_semaphore, #tpu.memory_space<semaphore_mem>>) src(%dma_wait3A_232 : memref<125x80xi32, #tpu.memory_space<hbm>>) dst(%arg8 : memref<125x80xi32, #tpu.memory_space<vmem>>)
      tpu.yield
    }) : () -> ()
    %mul3A_6 = arith.constant 632 : i32
    %mul3A_7 = arith.muli %arg1, %mul3A_6 : i32
    %add3A_8 = arith.constant 0 : i32
    %add3A_9 = arith.addi %mul3A_7, %add3A_8 : i32
    "tpu.region"() ({
      %run_scoped3A_216 = tpu.sem_alloc : memref<!tpu.dma_semaphore, #tpu.memory_space<semaphore_mem>>
      %dma_start3A_217 = arith.constant 0 : i32
      %dma_start3A_218 = tpu.memref_slice %arg12[%add3A_9, %dma_start3A_217] : memref<10112x64xf32, #tpu.memory_space<vmem_shared>> -> memref<64x64xf32, #tpu.memory_space<vmem_shared>>
      %dma_start3A_219 = arith.constant 0 : i32
      %dma_start3A_220 = tpu.memref_slice %arg12[%add3A_9, %dma_start3A_219] : memref<10112x64xf32, #tpu.memory_space<vmem_shared>> -> memref<64x64xf32, #tpu.memory_space<vmem_shared>>
      tpu.enqueue_dma source(%arg11 : memref<64x64xf32, #tpu.memory_space<vmem>>) target(%dma_start3A_220 : memref<64x64xf32, #tpu.memory_space<vmem_shared>>) target_semaphore(%run_scoped3A_216 : memref<!tpu.dma_semaphore, #tpu.memory_space<semaphore_mem>>)
      %dma_wait3A_221 = arith.constant 0 : i32
      %dma_wait3A_222 = tpu.memref_slice %arg12[%add3A_9, %dma_wait3A_221] : memref<10112x64xf32, #tpu.memory_space<vmem_shared>> -> memref<64x64xf32, #tpu.memory_space<vmem_shared>>
      %dma_wait3A_223 = arith.constant 0 : i32
      %dma_wait3A_224 = tpu.memref_slice %arg12[%add3A_9, %dma_wait3A_223] : memref<10112x64xf32, #tpu.memory_space<vmem_shared>> -> memref<64x64xf32, #tpu.memory_space<vmem_shared>>
      tpu.wait_dma2 semaphore(%run_scoped3A_216 : memref<!tpu.dma_semaphore, #tpu.memory_space<semaphore_mem>>) src(%arg11 : memref<64x64xf32, #tpu.memory_space<vmem>>) dst(%dma_wait3A_224 : memref<64x64xf32, #tpu.memory_space<vmem_shared>>)
      tpu.yield
    }) : () -> ()
    %mul3A_10 = arith.constant 632 : i32
    %mul3A_11 = arith.muli %arg1, %mul3A_10 : i32
    %add3A_12 = arith.constant 64 : i32
    %add3A_13 = arith.addi %mul3A_11, %add3A_12 : i32
    "tpu.region"() ({
      %run_scoped3A_216 = tpu.sem_alloc : memref<!tpu.dma_semaphore, #tpu.memory_space<semaphore_mem>>
      %dma_start3A_217 = arith.constant 0 : i32
      %dma_start3A_218 = tpu.memref_slice %arg12[%add3A_13, %dma_start3A_217] : memref<10112x64xf32, #tpu.memory_space<vmem_shared>> -> memref<64x64xf32, #tpu.memory_space<vmem_shared>>
      %dma_start3A_219 = arith.constant 0 : i32
      %dma_start3A_220 = tpu.memref_slice %arg12[%add3A_13, %dma_start3A_219] : memref<10112x64xf32, #tpu.memory_space<vmem_shared>> -> memref<64x64xf32, #tpu.memory_space<vmem_shared>>
      tpu.enqueue_dma source(%arg11 : memref<64x64xf32, #tpu.memory_space<vmem>>) target(%dma_start3A_220 : memref<64x64xf32, #tpu.memory_space<vmem_shared>>) target_semaphore(%run_scoped3A_216 : memref<!tpu.dma_semaphore, #tpu.memory_space<semaphore_mem>>)
      %dma_wait3A_221 = arith.constant 0 : i32
      %dma_wait3A_222 = tpu.memref_slice %arg12[%add3A_13, %dma_wait3A_221] : memref<10112x64xf32, #tpu.memory_space<vmem_shared>> -> memref<64x64xf32, #tpu.memory_space<vmem_shared>>
      %dma_wait3A_223 = arith.constant 0 : i32
      %dma_wait3A_224 = tpu.memref_slice %arg12[%add3A_13, %dma_wait3A_223] : memref<10112x64xf32, #tpu.memory_space<vmem_shared>> -> memref<64x64xf32, #tpu.memory_space<vmem_shared>>
      tpu.wait_dma2 semaphore(%run_scoped3A_216 : memref<!tpu.dma_semaphore, #tpu.memory_space<semaphore_mem>>) src(%arg11 : memref<64x64xf32, #tpu.memory_space<vmem>>) dst(%dma_wait3A_224 : memref<64x64xf32, #tpu.memory_space<vmem_shared>>)
      tpu.yield
    }) : () -> ()
    %mul3A_14 = arith.constant 632 : i32
    %mul3A_15 = arith.muli %arg1, %mul3A_14 : i32
    %add3A_16 = arith.constant 128 : i32
    %add3A_17 = arith.addi %mul3A_15, %add3A_16 : i32
    "tpu.region"() ({
      %run_scoped3A_216 = tpu.sem_alloc : memref<!tpu.dma_semaphore, #tpu.memory_space<semaphore_mem>>
      %dma_start3A_217 = arith.constant 0 : i32
      %dma_start3A_218 = tpu.memref_slice %arg12[%add3A_17, %dma_start3A_217] : memref<10112x64xf32, #tpu.memory_space<vmem_shared>> -> memref<64x64xf32, #tpu.memory_space<vmem_shared>>
      %dma_start3A_219 = arith.constant 0 : i32
      %dma_start3A_220 = tpu.memref_slice %arg12[%add3A_17, %dma_start3A_219] : memref<10112x64xf32, #tpu.memory_space<vmem_shared>> -> memref<64x64xf32, #tpu.memory_space<vmem_shared>>
      tpu.enqueue_dma source(%arg11 : memref<64x64xf32, #tpu.memory_space<vmem>>) target(%dma_start3A_220 : memref<64x64xf32, #tpu.memory_space<vmem_shared>>) target_semaphore(%run_scoped3A_216 : memref<!tpu.dma_semaphore, #tpu.memory_space<semaphore_mem>>)
      %dma_wait3A_221 = arith.constant 0 : i32
      %dma_wait3A_222 = tpu.memref_slice %arg12[%add3A_17, %dma_wait3A_221] : memref<10112x64xf32, #tpu.memory_space<vmem_shared>> -> memref<64x64xf32, #tpu.memory_space<vmem_shared>>
      %dma_wait3A_223 = arith.constant 0 : i32
      %dma_wait3A_224 = tpu.memref_slice %arg12[%add3A_17, %dma_wait3A_223] : memref<10112x64xf32, #tpu.memory_space<vmem_shared>> -> memref<64x64xf32, #tpu.memory_space<vmem_shared>>
      tpu.wait_dma2 semaphore(%run_scoped3A_216 : memref<!tpu.dma_semaphore, #tpu.memory_space<semaphore_mem>>) src(%arg11 : memref<64x64xf32, #tpu.memory_space<vmem>>) dst(%dma_wait3A_224 : memref<64x64xf32, #tpu.memory_space<vmem_shared>>)
      tpu.yield
    }) : () -> ()
    %mul3A_18 = arith.constant 632 : i32
    %mul3A_19 = arith.muli %arg1, %mul3A_18 : i32
    %add3A_20 = arith.constant 192 : i32
    %add3A_21 = arith.addi %mul3A_19, %add3A_20 : i32
    "tpu.region"() ({
      %run_scoped3A_216 = tpu.sem_alloc : memref<!tpu.dma_semaphore, #tpu.memory_space<semaphore_mem>>
      %dma_start3A_217 = arith.constant 0 : i32
      %dma_start3A_218 = tpu.memref_slice %arg12[%add3A_21, %dma_start3A_217] : memref<10112x64xf32, #tpu.memory_space<vmem_shared>> -> memref<64x64xf32, #tpu.memory_space<vmem_shared>>
      %dma_start3A_219 = arith.constant 0 : i32
      %dma_start3A_220 = tpu.memref_slice %arg12[%add3A_21, %dma_start3A_219] : memref<10112x64xf32, #tpu.memory_space<vmem_shared>> -> memref<64x64xf32, #tpu.memory_space<vmem_shared>>
      tpu.enqueue_dma source(%arg11 : memref<64x64xf32, #tpu.memory_space<vmem>>) target(%dma_start3A_220 : memref<64x64xf32, #tpu.memory_space<vmem_shared>>) target_semaphore(%run_scoped3A_216 : memref<!tpu.dma_semaphore, #tpu.memory_space<semaphore_mem>>)
      %dma_wait3A_221 = arith.constant 0 : i32
      %dma_wait3A_222 = tpu.memref_slice %arg12[%add3A_21, %dma_wait3A_221] : memref<10112x64xf32, #tpu.memory_space<vmem_shared>> -> memref<64x64xf32, #tpu.memory_space<vmem_shared>>
      %dma_wait3A_223 = arith.constant 0 : i32
      %dma_wait3A_224 = tpu.memref_slice %arg12[%add3A_21, %dma_wait3A_223] : memref<10112x64xf32, #tpu.memory_space<vmem_shared>> -> memref<64x64xf32, #tpu.memory_space<vmem_shared>>
      tpu.wait_dma2 semaphore(%run_scoped3A_216 : memref<!tpu.dma_semaphore, #tpu.memory_space<semaphore_mem>>) src(%arg11 : memref<64x64xf32, #tpu.memory_space<vmem>>) dst(%dma_wait3A_224 : memref<64x64xf32, #tpu.memory_space<vmem_shared>>)
      tpu.yield
    }) : () -> ()
    %mul3A_22 = arith.constant 632 : i32
    %mul3A_23 = arith.muli %arg1, %mul3A_22 : i32
    %add3A_24 = arith.constant 256 : i32
    %add3A_25 = arith.addi %mul3A_23, %add3A_24 : i32
    "tpu.region"() ({
      %run_scoped3A_216 = tpu.sem_alloc : memref<!tpu.dma_semaphore, #tpu.memory_space<semaphore_mem>>
      %dma_start3A_217 = arith.constant 0 : i32
      %dma_start3A_218 = tpu.memref_slice %arg12[%add3A_25, %dma_start3A_217] : memref<10112x64xf32, #tpu.memory_space<vmem_shared>> -> memref<64x64xf32, #tpu.memory_space<vmem_shared>>
      %dma_start3A_219 = arith.constant 0 : i32
      %dma_start3A_220 = tpu.memref_slice %arg12[%add3A_25, %dma_start3A_219] : memref<10112x64xf32, #tpu.memory_space<vmem_shared>> -> memref<64x64xf32, #tpu.memory_space<vmem_shared>>
      tpu.enqueue_dma source(%arg11 : memref<64x64xf32, #tpu.memory_space<vmem>>) target(%dma_start3A_220 : memref<64x64xf32, #tpu.memory_space<vmem_shared>>) target_semaphore(%run_scoped3A_216 : memref<!tpu.dma_semaphore, #tpu.memory_space<semaphore_mem>>)
      %dma_wait3A_221 = arith.constant 0 : i32
      %dma_wait3A_222 = tpu.memref_slice %arg12[%add3A_25, %dma_wait3A_221] : memref<10112x64xf32, #tpu.memory_space<vmem_shared>> -> memref<64x64xf32, #tpu.memory_space<vmem_shared>>
      %dma_wait3A_223 = arith.constant 0 : i32
      %dma_wait3A_224 = tpu.memref_slice %arg12[%add3A_25, %dma_wait3A_223] : memref<10112x64xf32, #tpu.memory_space<vmem_shared>> -> memref<64x64xf32, #tpu.memory_space<vmem_shared>>
      tpu.wait_dma2 semaphore(%run_scoped3A_216 : memref<!tpu.dma_semaphore, #tpu.memory_space<semaphore_mem>>) src(%arg11 : memref<64x64xf32, #tpu.memory_space<vmem>>) dst(%dma_wait3A_224 : memref<64x64xf32, #tpu.memory_space<vmem_shared>>)
      tpu.yield
    }) : () -> ()
    %mul3A_26 = arith.constant 632 : i32
    %mul3A_27 = arith.muli %arg1, %mul3A_26 : i32
    %add3A_28 = arith.constant 320 : i32
    %add3A_29 = arith.addi %mul3A_27, %add3A_28 : i32
    "tpu.region"() ({
      %run_scoped3A_216 = tpu.sem_alloc : memref<!tpu.dma_semaphore, #tpu.memory_space<semaphore_mem>>
      %dma_start3A_217 = arith.constant 0 : i32
      %dma_start3A_218 = tpu.memref_slice %arg12[%add3A_29, %dma_start3A_217] : memref<10112x64xf32, #tpu.memory_space<vmem_shared>> -> memref<64x64xf32, #tpu.memory_space<vmem_shared>>
      %dma_start3A_219 = arith.constant 0 : i32
      %dma_start3A_220 = tpu.memref_slice %arg12[%add3A_29, %dma_start3A_219] : memref<10112x64xf32, #tpu.memory_space<vmem_shared>> -> memref<64x64xf32, #tpu.memory_space<vmem_shared>>
      tpu.enqueue_dma source(%arg11 : memref<64x64xf32, #tpu.memory_space<vmem>>) target(%dma_start3A_220 : memref<64x64xf32, #tpu.memory_space<vmem_shared>>) target_semaphore(%run_scoped3A_216 : memref<!tpu.dma_semaphore, #tpu.memory_space<semaphore_mem>>)
      %dma_wait3A_221 = arith.constant 0 : i32
      %dma_wait3A_222 = tpu.memref_slice %arg12[%add3A_29, %dma_wait3A_221] : memref<10112x64xf32, #tpu.memory_space<vmem_shared>> -> memref<64x64xf32, #tpu.memory_space<vmem_shared>>
      %dma_wait3A_223 = arith.constant 0 : i32
      %dma_wait3A_224 = tpu.memref_slice %arg12[%add3A_29, %dma_wait3A_223] : memref<10112x64xf32, #tpu.memory_space<vmem_shared>> -> memref<64x64xf32, #tpu.memory_space<vmem_shared>>
      tpu.wait_dma2 semaphore(%run_scoped3A_216 : memref<!tpu.dma_semaphore, #tpu.memory_space<semaphore_mem>>) src(%arg11 : memref<64x64xf32, #tpu.memory_space<vmem>>) dst(%dma_wait3A_224 : memref<64x64xf32, #tpu.memory_space<vmem_shared>>)
      tpu.yield
    }) : () -> ()
    %mul3A_30 = arith.constant 632 : i32
    %mul3A_31 = arith.muli %arg1, %mul3A_30 : i32
    %add3A_32 = arith.constant 384 : i32
    %add3A_33 = arith.addi %mul3A_31, %add3A_32 : i32
    "tpu.region"() ({
      %run_scoped3A_216 = tpu.sem_alloc : memref<!tpu.dma_semaphore, #tpu.memory_space<semaphore_mem>>
      %dma_start3A_217 = arith.constant 0 : i32
      %dma_start3A_218 = tpu.memref_slice %arg12[%add3A_33, %dma_start3A_217] : memref<10112x64xf32, #tpu.memory_space<vmem_shared>> -> memref<64x64xf32, #tpu.memory_space<vmem_shared>>
      %dma_start3A_219 = arith.constant 0 : i32
      %dma_start3A_220 = tpu.memref_slice %arg12[%add3A_33, %dma_start3A_219] : memref<10112x64xf32, #tpu.memory_space<vmem_shared>> -> memref<64x64xf32, #tpu.memory_space<vmem_shared>>
      tpu.enqueue_dma source(%arg11 : memref<64x64xf32, #tpu.memory_space<vmem>>) target(%dma_start3A_220 : memref<64x64xf32, #tpu.memory_space<vmem_shared>>) target_semaphore(%run_scoped3A_216 : memref<!tpu.dma_semaphore, #tpu.memory_space<semaphore_mem>>)
      %dma_wait3A_221 = arith.constant 0 : i32
      %dma_wait3A_222 = tpu.memref_slice %arg12[%add3A_33, %dma_wait3A_221] : memref<10112x64xf32, #tpu.memory_space<vmem_shared>> -> memref<64x64xf32, #tpu.memory_space<vmem_shared>>
      %dma_wait3A_223 = arith.constant 0 : i32
      %dma_wait3A_224 = tpu.memref_slice %arg12[%add3A_33, %dma_wait3A_223] : memref<10112x64xf32, #tpu.memory_space<vmem_shared>> -> memref<64x64xf32, #tpu.memory_space<vmem_shared>>
      tpu.wait_dma2 semaphore(%run_scoped3A_216 : memref<!tpu.dma_semaphore, #tpu.memory_space<semaphore_mem>>) src(%arg11 : memref<64x64xf32, #tpu.memory_space<vmem>>) dst(%dma_wait3A_224 : memref<64x64xf32, #tpu.memory_space<vmem_shared>>)
      tpu.yield
    }) : () -> ()
    %mul3A_34 = arith.constant 632 : i32
    %mul3A_35 = arith.muli %arg1, %mul3A_34 : i32
    %add3A_36 = arith.constant 448 : i32
    %add3A_37 = arith.addi %mul3A_35, %add3A_36 : i32
    "tpu.region"() ({
      %run_scoped3A_216 = tpu.sem_alloc : memref<!tpu.dma_semaphore, #tpu.memory_space<semaphore_mem>>
      %dma_start3A_217 = arith.constant 0 : i32
      %dma_start3A_218 = tpu.memref_slice %arg12[%add3A_37, %dma_start3A_217] : memref<10112x64xf32, #tpu.memory_space<vmem_shared>> -> memref<64x64xf32, #tpu.memory_space<vmem_shared>>
      %dma_start3A_219 = arith.constant 0 : i32
      %dma_start3A_220 = tpu.memref_slice %arg12[%add3A_37, %dma_start3A_219] : memref<10112x64xf32, #tpu.memory_space<vmem_shared>> -> memref<64x64xf32, #tpu.memory_space<vmem_shared>>
      tpu.enqueue_dma source(%arg11 : memref<64x64xf32, #tpu.memory_space<vmem>>) target(%dma_start3A_220 : memref<64x64xf32, #tpu.memory_space<vmem_shared>>) target_semaphore(%run_scoped3A_216 : memref<!tpu.dma_semaphore, #tpu.memory_space<semaphore_mem>>)
      %dma_wait3A_221 = arith.constant 0 : i32
      %dma_wait3A_222 = tpu.memref_slice %arg12[%add3A_37, %dma_wait3A_221] : memref<10112x64xf32, #tpu.memory_space<vmem_shared>> -> memref<64x64xf32, #tpu.memory_space<vmem_shared>>
      %dma_wait3A_223 = arith.constant 0 : i32
      %dma_wait3A_224 = tpu.memref_slice %arg12[%add3A_37, %dma_wait3A_223] : memref<10112x64xf32, #tpu.memory_space<vmem_shared>> -> memref<64x64xf32, #tpu.memory_space<vmem_shared>>
      tpu.wait_dma2 semaphore(%run_scoped3A_216 : memref<!tpu.dma_semaphore, #tpu.memory_space<semaphore_mem>>) src(%arg11 : memref<64x64xf32, #tpu.memory_space<vmem>>) dst(%dma_wait3A_224 : memref<64x64xf32, #tpu.memory_space<vmem_shared>>)
      tpu.yield
    }) : () -> ()
    %mul3A_38 = arith.constant 632 : i32
    %mul3A_39 = arith.muli %arg1, %mul3A_38 : i32
    %add3A_40 = arith.constant 512 : i32
    %add3A_41 = arith.addi %mul3A_39, %add3A_40 : i32
    "tpu.region"() ({
      %run_scoped3A_216 = tpu.sem_alloc : memref<!tpu.dma_semaphore, #tpu.memory_space<semaphore_mem>>
      %dma_start3A_217 = arith.constant 0 : i32
      %dma_start3A_218 = tpu.memref_slice %arg12[%add3A_41, %dma_start3A_217] : memref<10112x64xf32, #tpu.memory_space<vmem_shared>> -> memref<64x64xf32, #tpu.memory_space<vmem_shared>>
      %dma_start3A_219 = arith.constant 0 : i32
      %dma_start3A_220 = tpu.memref_slice %arg12[%add3A_41, %dma_start3A_219] : memref<10112x64xf32, #tpu.memory_space<vmem_shared>> -> memref<64x64xf32, #tpu.memory_space<vmem_shared>>
      tpu.enqueue_dma source(%arg11 : memref<64x64xf32, #tpu.memory_space<vmem>>) target(%dma_start3A_220 : memref<64x64xf32, #tpu.memory_space<vmem_shared>>) target_semaphore(%run_scoped3A_216 : memref<!tpu.dma_semaphore, #tpu.memory_space<semaphore_mem>>)
      %dma_wait3A_221 = arith.constant 0 : i32
      %dma_wait3A_222 = tpu.memref_slice %arg12[%add3A_41, %dma_wait3A_221] : memref<10112x64xf32, #tpu.memory_space<vmem_shared>> -> memref<64x64xf32, #tpu.memory_space<vmem_shared>>
      %dma_wait3A_223 = arith.constant 0 : i32
      %dma_wait3A_224 = tpu.memref_slice %arg12[%add3A_41, %dma_wait3A_223] : memref<10112x64xf32, #tpu.memory_space<vmem_shared>> -> memref<64x64xf32, #tpu.memory_space<vmem_shared>>
      tpu.wait_dma2 semaphore(%run_scoped3A_216 : memref<!tpu.dma_semaphore, #tpu.memory_space<semaphore_mem>>) src(%arg11 : memref<64x64xf32, #tpu.memory_space<vmem>>) dst(%dma_wait3A_224 : memref<64x64xf32, #tpu.memory_space<vmem_shared>>)
      tpu.yield
    }) : () -> ()
    %barrier3A = arith.constant 0 : index
    tpu.barrier barrier_id(%barrier3A)
    %dma_start3A = arith.constant 0 : i32
    %dma_start3A_42 = arith.constant 0 : i32
    %dma_start3A_43 = tpu.memref_slice %arg7[%dma_start3A, %dma_start3A_42] : memref<125x80xi32, #tpu.memory_space<vmem>> -> memref<1x80xi32, #tpu.memory_space<vmem>>
    %dma_start3A_44 = tpu.memref_squeeze %dma_start3A_43 : memref<1x80xi32, #tpu.memory_space<vmem>> -> memref<80xi32, #tpu.memory_space<vmem>>
    %dma_start3A_45 = arith.constant 0 : i32
    %dma_start3A_46 = arith.constant 0 : i32
    %dma_start3A_47 = tpu.memref_slice %arg2[%dma_start3A_45, %dma_start3A_46] : memref<10000x64xf32, #tpu.memory_space<hbm>> -> memref<10000x64xf32, #tpu.memory_space<hbm>>
    tpu.enqueue_indirect_dma source(%dma_start3A_47 : memref<10000x64xf32, #tpu.memory_space<hbm>>) target(%arg9 : memref<80x64xf32, #tpu.memory_space<vmem>>) offsets(%dma_start3A_44 : memref<80xi32, #tpu.memory_space<vmem>>) semaphore(%arg13 : memref<!tpu.dma_semaphore, #tpu.memory_space<semaphore_mem>>)
    %scan3A_48 = arith.constant 0 : i32
    %scan3A_49 = arith.constant 0 : i32
    %scan3A_50 = arith.constant 62 : i32
    %scan3A_51 = arith.addi %scan3A_49, %scan3A_50 : i32
    %scan3A_52 = arith.constant 1 : i32
    scf.for %scan3A_216 = %scan3A_49 to %scan3A_51 step %scan3A_52  : i32 {
      %mul3A_217 = arith.constant 2 : i32
      %mul3A_218 = arith.muli %mul3A_217, %scan3A_216 : i32
      %add3A_219 = arith.constant 1 : i32
      %add3A_220 = arith.addi %mul3A_218, %add3A_219 : i32
      %dma_start3A_221 = arith.constant 0 : i32
      %dma_start3A_222 = tpu.memref_slice %arg7[%add3A_220, %dma_start3A_221] : memref<125x80xi32, #tpu.memory_space<vmem>> -> memref<1x80xi32, #tpu.memory_space<vmem>>
      %dma_start3A_223 = tpu.memref_squeeze %dma_start3A_222 : memref<1x80xi32, #tpu.memory_space<vmem>> -> memref<80xi32, #tpu.memory_space<vmem>>
      %dma_start3A_224 = arith.constant 0 : i32
      %dma_start3A_225 = arith.constant 0 : i32
      %dma_start3A_226 = tpu.memref_slice %arg2[%dma_start3A_224, %dma_start3A_225] : memref<10000x64xf32, #tpu.memory_space<hbm>> -> memref<10000x64xf32, #tpu.memory_space<hbm>>
      tpu.enqueue_indirect_dma source(%dma_start3A_226 : memref<10000x64xf32, #tpu.memory_space<hbm>>) target(%arg10 : memref<80x64xf32, #tpu.memory_space<vmem>>) offsets(%dma_start3A_223 : memref<80xi32, #tpu.memory_space<vmem>>) semaphore(%arg14 : memref<!tpu.dma_semaphore, #tpu.memory_space<semaphore_mem>>)
      %dma_wait3A_227 = arith.constant 0 : i32
      %dma_wait3A_228 = tpu.memref_slice %arg7[%mul3A_218, %dma_wait3A_227] : memref<125x80xi32, #tpu.memory_space<vmem>> -> memref<1x80xi32, #tpu.memory_space<vmem>>
      %dma_wait3A_229 = tpu.memref_squeeze %dma_wait3A_228 : memref<1x80xi32, #tpu.memory_space<vmem>> -> memref<80xi32, #tpu.memory_space<vmem>>
      %dma_wait3A_230 = arith.constant 0 : i32
      %dma_wait3A_231 = arith.constant 0 : i32
      %dma_wait3A_232 = tpu.memref_slice %arg2[%dma_wait3A_230, %dma_wait3A_231] : memref<10000x64xf32, #tpu.memory_space<hbm>> -> memref<10000x64xf32, #tpu.memory_space<hbm>>
      tpu.wait_indirect_dma semaphore(%arg13 : memref<!tpu.dma_semaphore, #tpu.memory_space<semaphore_mem>>) src(%dma_wait3A_232 : memref<10000x64xf32, #tpu.memory_space<hbm>>) dst(%arg9 : memref<80x64xf32, #tpu.memory_space<vmem>>)
      "tpu.region"() ({
        %run_scoped3A_249 = tpu.sem_alloc : memref<!tpu.dma_semaphore, #tpu.memory_space<semaphore_mem>>
        %dma_start3A_250 = arith.constant 0 : i32
        %dma_start3A_251 = tpu.memref_slice %arg8[%mul3A_218, %dma_start3A_250] : memref<125x80xi32, #tpu.memory_space<vmem>> -> memref<1x80xi32, #tpu.memory_space<vmem>>
        %dma_start3A_252 = tpu.memref_squeeze %dma_start3A_251 : memref<1x80xi32, #tpu.memory_space<vmem>> -> memref<80xi32, #tpu.memory_space<vmem>>
        %dma_start3A_253 = arith.constant 0 : i32
        %dma_start3A_254 = arith.constant 0 : i32
        %dma_start3A_255 = tpu.memref_slice %arg12[%dma_start3A_253, %dma_start3A_254] : memref<10112x64xf32, #tpu.memory_space<vmem_shared>> -> memref<10112x64xf32, #tpu.memory_space<vmem_shared>>
        tpu.enqueue_indirect_dma source(%arg9 : memref<80x64xf32, #tpu.memory_space<vmem>>) target(%dma_start3A_255 : memref<10112x64xf32, #tpu.memory_space<vmem_shared>>) offsets(%dma_start3A_252 : memref<80xi32, #tpu.memory_space<vmem>>) semaphore(%run_scoped3A_249 : memref<!tpu.dma_semaphore, #tpu.memory_space<semaphore_mem>>) {add = true}
        %dma_wait3A_256 = arith.constant 0 : i32
        %dma_wait3A_257 = tpu.memref_slice %arg8[%mul3A_218, %dma_wait3A_256] : memref<125x80xi32, #tpu.memory_space<vmem>> -> memref<1x80xi32, #tpu.memory_space<vmem>>
        %dma_wait3A_258 = tpu.memref_squeeze %dma_wait3A_257 : memref<1x80xi32, #tpu.memory_space<vmem>> -> memref<80xi32, #tpu.memory_space<vmem>>
        %dma_wait3A_259 = arith.constant 0 : i32
        %dma_wait3A_260 = arith.constant 0 : i32
        %dma_wait3A_261 = tpu.memref_slice %arg12[%dma_wait3A_259, %dma_wait3A_260] : memref<10112x64xf32, #tpu.memory_space<vmem_shared>> -> memref<10112x64xf32, #tpu.memory_space<vmem_shared>>
        tpu.wait_indirect_dma semaphore(%run_scoped3A_249 : memref<!tpu.dma_semaphore, #tpu.memory_space<semaphore_mem>>) src(%arg9 : memref<80x64xf32, #tpu.memory_space<vmem>>) dst(%dma_wait3A_261 : memref<10112x64xf32, #tpu.memory_space<vmem_shared>>)
        tpu.yield
      }) : () -> ()
      %add3A_233 = arith.constant 2 : i32
      %add3A_234 = arith.addi %mul3A_218, %add3A_233 : i32
      %dma_start3A_235 = arith.constant 0 : i32
      %dma_start3A_236 = tpu.memref_slice %arg7[%add3A_234, %dma_start3A_235] : memref<125x80xi32, #tpu.memory_space<vmem>> -> memref<1x80xi32, #tpu.memory_space<vmem>>
      %dma_start3A_237 = tpu.memref_squeeze %dma_start3A_236 : memref<1x80xi32, #tpu.memory_space<vmem>> -> memref<80xi32, #tpu.memory_space<vmem>>
      %dma_start3A_238 = arith.constant 0 : i32
      %dma_start3A_239 = arith.constant 0 : i32
      %dma_start3A_240 = tpu.memref_slice %arg2[%dma_start3A_238, %dma_start3A_239] : memref<10000x64xf32, #tpu.memory_space<hbm>> -> memref<10000x64xf32, #tpu.memory_space<hbm>>
      tpu.enqueue_indirect_dma source(%dma_start3A_240 : memref<10000x64xf32, #tpu.memory_space<hbm>>) target(%arg9 : memref<80x64xf32, #tpu.memory_space<vmem>>) offsets(%dma_start3A_237 : memref<80xi32, #tpu.memory_space<vmem>>) semaphore(%arg13 : memref<!tpu.dma_semaphore, #tpu.memory_space<semaphore_mem>>)
      %add3A_241 = arith.constant 1 : i32
      %add3A_242 = arith.addi %mul3A_218, %add3A_241 : i32
      %dma_wait3A_243 = arith.constant 0 : i32
      %dma_wait3A_244 = tpu.memref_slice %arg7[%add3A_242, %dma_wait3A_243] : memref<125x80xi32, #tpu.memory_space<vmem>> -> memref<1x80xi32, #tpu.memory_space<vmem>>
      %dma_wait3A_245 = tpu.memref_squeeze %dma_wait3A_244 : memref<1x80xi32, #tpu.memory_space<vmem>> -> memref<80xi32, #tpu.memory_space<vmem>>
      %dma_wait3A_246 = arith.constant 0 : i32
      %dma_wait3A_247 = arith.constant 0 : i32
      %dma_wait3A_248 = tpu.memref_slice %arg2[%dma_wait3A_246, %dma_wait3A_247] : memref<10000x64xf32, #tpu.memory_space<hbm>> -> memref<10000x64xf32, #tpu.memory_space<hbm>>
      tpu.wait_indirect_dma semaphore(%arg14 : memref<!tpu.dma_semaphore, #tpu.memory_space<semaphore_mem>>) src(%dma_wait3A_248 : memref<10000x64xf32, #tpu.memory_space<hbm>>) dst(%arg10 : memref<80x64xf32, #tpu.memory_space<vmem>>)
      "tpu.region"() ({
        %run_scoped3A_249 = tpu.sem_alloc : memref<!tpu.dma_semaphore, #tpu.memory_space<semaphore_mem>>
        %dma_start3A_250 = arith.constant 0 : i32
        %dma_start3A_251 = tpu.memref_slice %arg8[%add3A_242, %dma_start3A_250] : memref<125x80xi32, #tpu.memory_space<vmem>> -> memref<1x80xi32, #tpu.memory_space<vmem>>
        %dma_start3A_252 = tpu.memref_squeeze %dma_start3A_251 : memref<1x80xi32, #tpu.memory_space<vmem>> -> memref<80xi32, #tpu.memory_space<vmem>>
        %dma_start3A_253 = arith.constant 0 : i32
        %dma_start3A_254 = arith.constant 0 : i32
        %dma_start3A_255 = tpu.memref_slice %arg12[%dma_start3A_253, %dma_start3A_254] : memref<10112x64xf32, #tpu.memory_space<vmem_shared>> -> memref<10112x64xf32, #tpu.memory_space<vmem_shared>>
        tpu.enqueue_indirect_dma source(%arg10 : memref<80x64xf32, #tpu.memory_space<vmem>>) target(%dma_start3A_255 : memref<10112x64xf32, #tpu.memory_space<vmem_shared>>) offsets(%dma_start3A_252 : memref<80xi32, #tpu.memory_space<vmem>>) semaphore(%run_scoped3A_249 : memref<!tpu.dma_semaphore, #tpu.memory_space<semaphore_mem>>) {add = true}
        %dma_wait3A_256 = arith.constant 0 : i32
        %dma_wait3A_257 = tpu.memref_slice %arg8[%add3A_242, %dma_wait3A_256] : memref<125x80xi32, #tpu.memory_space<vmem>> -> memref<1x80xi32, #tpu.memory_space<vmem>>
        %dma_wait3A_258 = tpu.memref_squeeze %dma_wait3A_257 : memref<1x80xi32, #tpu.memory_space<vmem>> -> memref<80xi32, #tpu.memory_space<vmem>>
        %dma_wait3A_259 = arith.constant 0 : i32
        %dma_wait3A_260 = arith.constant 0 : i32
        %dma_wait3A_261 = tpu.memref_slice %arg12[%dma_wait3A_259, %dma_wait3A_260] : memref<10112x64xf32, #tpu.memory_space<vmem_shared>> -> memref<10112x64xf32, #tpu.memory_space<vmem_shared>>
        tpu.wait_indirect_dma semaphore(%run_scoped3A_249 : memref<!tpu.dma_semaphore, #tpu.memory_space<semaphore_mem>>) src(%arg10 : memref<80x64xf32, #tpu.memory_space<vmem>>) dst(%dma_wait3A_261 : memref<10112x64xf32, #tpu.memory_space<vmem_shared>>)
        tpu.yield
      }) : () -> ()
    }
    %scan3A_53 = arith.constant 62 : i32
    %dma_wait3A = arith.constant 124 : i32
    %dma_wait3A_54 = arith.constant 0 : i32
    %dma_wait3A_55 = tpu.memref_slice %arg7[%dma_wait3A, %dma_wait3A_54] : memref<125x80xi32, #tpu.memory_space<vmem>> -> memref<1x80xi32, #tpu.memory_space<vmem>>
    %dma_wait3A_56 = tpu.memref_squeeze %dma_wait3A_55 : memref<1x80xi32, #tpu.memory_space<vmem>> -> memref<80xi32, #tpu.memory_space<vmem>>
    %dma_wait3A_57 = arith.constant 0 : i32
    %dma_wait3A_58 = arith.constant 0 : i32
    %dma_wait3A_59 = tpu.memref_slice %arg2[%dma_wait3A_57, %dma_wait3A_58] : memref<10000x64xf32, #tpu.memory_space<hbm>> -> memref<10000x64xf32, #tpu.memory_space<hbm>>
    tpu.wait_indirect_dma semaphore(%arg13 : memref<!tpu.dma_semaphore, #tpu.memory_space<semaphore_mem>>) src(%dma_wait3A_59 : memref<10000x64xf32, #tpu.memory_space<hbm>>) dst(%arg9 : memref<80x64xf32, #tpu.memory_space<vmem>>)
    %run_scoped3A = arith.constant 124 : i32
    "tpu.region"() ({
      %run_scoped3A_216 = tpu.sem_alloc : memref<!tpu.dma_semaphore, #tpu.memory_space<semaphore_mem>>
      %dma_start3A_217 = arith.constant 0 : i32
      %dma_start3A_218 = tpu.memref_slice %arg8[%run_scoped3A, %dma_start3A_217] : memref<125x80xi32, #tpu.memory_space<vmem>> -> memref<1x80xi32, #tpu.memory_space<vmem>>
      %dma_start3A_219 = tpu.memref_squeeze %dma_start3A_218 : memref<1x80xi32, #tpu.memory_space<vmem>> -> memref<80xi32, #tpu.memory_space<vmem>>
      %dma_start3A_220 = arith.constant 0 : i32
      %dma_start3A_221 = arith.constant 0 : i32
      %dma_start3A_222 = tpu.memref_slice %arg12[%dma_start3A_220, %dma_start3A_221] : memref<10112x64xf32, #tpu.memory_space<vmem_shared>> -> memref<10112x64xf32, #tpu.memory_space<vmem_shared>>
      tpu.enqueue_indirect_dma source(%arg9 : memref<80x64xf32, #tpu.memory_space<vmem>>) target(%dma_start3A_222 : memref<10112x64xf32, #tpu.memory_space<vmem_shared>>) offsets(%dma_start3A_219 : memref<80xi32, #tpu.memory_space<vmem>>) semaphore(%run_scoped3A_216 : memref<!tpu.dma_semaphore, #tpu.memory_space<semaphore_mem>>) {add = true}
      %dma_wait3A_223 = arith.constant 0 : i32
      %dma_wait3A_224 = tpu.memref_slice %arg8[%run_scoped3A, %dma_wait3A_223] : memref<125x80xi32, #tpu.memory_space<vmem>> -> memref<1x80xi32, #tpu.memory_space<vmem>>
      %dma_wait3A_225 = tpu.memref_squeeze %dma_wait3A_224 : memref<1x80xi32, #tpu.memory_space<vmem>> -> memref<80xi32, #tpu.memory_space<vmem>>
      %dma_wait3A_226 = arith.constant 0 : i32
      %dma_wait3A_227 = arith.constant 0 : i32
      %dma_wait3A_228 = tpu.memref_slice %arg12[%dma_wait3A_226, %dma_wait3A_227] : memref<10112x64xf32, #tpu.memory_space<vmem_shared>> -> memref<10112x64xf32, #tpu.memory_space<vmem_shared>>
      tpu.wait_indirect_dma semaphore(%run_scoped3A_216 : memref<!tpu.dma_semaphore, #tpu.memory_space<semaphore_mem>>) src(%arg9 : memref<80x64xf32, #tpu.memory_space<vmem>>) dst(%dma_wait3A_228 : memref<10112x64xf32, #tpu.memory_space<vmem_shared>>)
      tpu.yield
    }) : () -> ()
    %barrier3A_60 = arith.constant 0 : index
    tpu.barrier barrier_id(%barrier3A_60)
    %mul3A_61 = arith.constant 632 : i32
    %mul3A_62 = arith.muli %arg1, %mul3A_61 : i32
    %add3A_63 = arith.constant 0 : i32
    %add3A_64 = arith.addi %mul3A_62, %add3A_63 : i32
    "tpu.region"() ({
      %run_scoped3A_216 = tpu.sem_alloc : memref<!tpu.dma_semaphore, #tpu.memory_space<semaphore_mem>>
      %dma_start3A_217 = arith.constant 0 : i32
      %dma_start3A_218 = tpu.memref_slice %arg12[%add3A_64, %dma_start3A_217] : memref<10112x64xf32, #tpu.memory_space<vmem_shared>> -> memref<64x64xf32, #tpu.memory_space<vmem_shared>>
      %dma_start3A_219 = arith.constant 0 : i32
      %dma_start3A_220 = tpu.memref_slice %arg12[%add3A_64, %dma_start3A_219] : memref<10112x64xf32, #tpu.memory_space<vmem_shared>> -> memref<64x64xf32, #tpu.memory_space<vmem_shared>>
      tpu.enqueue_dma source(%dma_start3A_220 : memref<64x64xf32, #tpu.memory_space<vmem_shared>>) target(%arg11 : memref<64x64xf32, #tpu.memory_space<vmem>>) target_semaphore(%run_scoped3A_216 : memref<!tpu.dma_semaphore, #tpu.memory_space<semaphore_mem>>)
      %dma_wait3A_221 = arith.constant 0 : i32
      %dma_wait3A_222 = tpu.memref_slice %arg12[%add3A_64, %dma_wait3A_221] : memref<10112x64xf32, #tpu.memory_space<vmem_shared>> -> memref<64x64xf32, #tpu.memory_space<vmem_shared>>
      %dma_wait3A_223 = arith.constant 0 : i32
      %dma_wait3A_224 = tpu.memref_slice %arg12[%add3A_64, %dma_wait3A_223] : memref<10112x64xf32, #tpu.memory_space<vmem_shared>> -> memref<64x64xf32, #tpu.memory_space<vmem_shared>>
      tpu.wait_dma2 semaphore(%run_scoped3A_216 : memref<!tpu.dma_semaphore, #tpu.memory_space<semaphore_mem>>) src(%dma_wait3A_224 : memref<64x64xf32, #tpu.memory_space<vmem_shared>>) dst(%arg11 : memref<64x64xf32, #tpu.memory_space<vmem>>)
      tpu.yield
    }) : () -> ()
    %run_scoped3A_65 = arith.constant 0 : i32
    "tpu.region"() ({
      %run_scoped3A_216 = tpu.sem_alloc : memref<!tpu.dma_semaphore, #tpu.memory_space<semaphore_mem>>
      %dma_start3A_217 = arith.constant 0 : i32
      %dma_start3A_218 = tpu.memref_slice %arg6[%run_scoped3A_65, %arg0, %add3A_64, %dma_start3A_217] : memref<2x2x10112x64xf32, #tpu.memory_space<hbm>> -> memref<1x1x64x64xf32, #tpu.memory_space<hbm>>
      %dma_start3A_219 = tpu.memref_squeeze %dma_start3A_218 : memref<1x1x64x64xf32, #tpu.memory_space<hbm>> -> memref<64x64xf32, #tpu.memory_space<hbm>>
      %dma_start3A_220 = arith.constant 0 : i32
      %dma_start3A_221 = tpu.memref_slice %arg6[%run_scoped3A_65, %arg0, %add3A_64, %dma_start3A_220] : memref<2x2x10112x64xf32, #tpu.memory_space<hbm>> -> memref<1x1x64x64xf32, #tpu.memory_space<hbm>>
      %dma_start3A_222 = tpu.memref_squeeze %dma_start3A_221 : memref<1x1x64x64xf32, #tpu.memory_space<hbm>> -> memref<64x64xf32, #tpu.memory_space<hbm>>
      tpu.enqueue_dma source(%arg11 : memref<64x64xf32, #tpu.memory_space<vmem>>) target(%dma_start3A_222 : memref<64x64xf32, #tpu.memory_space<hbm>>) target_semaphore(%run_scoped3A_216 : memref<!tpu.dma_semaphore, #tpu.memory_space<semaphore_mem>>)
      %dma_wait3A_223 = arith.constant 0 : i32
      %dma_wait3A_224 = tpu.memref_slice %arg6[%run_scoped3A_65, %arg0, %add3A_64, %dma_wait3A_223] : memref<2x2x10112x64xf32, #tpu.memory_space<hbm>> -> memref<1x1x64x64xf32, #tpu.memory_space<hbm>>
      %dma_wait3A_225 = tpu.memref_squeeze %dma_wait3A_224 : memref<1x1x64x64xf32, #tpu.memory_space<hbm>> -> memref<64x64xf32, #tpu.memory_space<hbm>>
      %dma_wait3A_226 = arith.constant 0 : i32
      %dma_wait3A_227 = tpu.memref_slice %arg6[%run_scoped3A_65, %arg0, %add3A_64, %dma_wait3A_226] : memref<2x2x10112x64xf32, #tpu.memory_space<hbm>> -> memref<1x1x64x64xf32, #tpu.memory_space<hbm>>
      %dma_wait3A_228 = tpu.memref_squeeze %dma_wait3A_227 : memref<1x1x64x64xf32, #tpu.memory_space<hbm>> -> memref<64x64xf32, #tpu.memory_space<hbm>>
      tpu.wait_dma2 semaphore(%run_scoped3A_216 : memref<!tpu.dma_semaphore, #tpu.memory_space<semaphore_mem>>) src(%arg11 : memref<64x64xf32, #tpu.memory_space<vmem>>) dst(%dma_wait3A_228 : memref<64x64xf32, #tpu.memory_space<hbm>>)
      tpu.yield
    }) : () -> ()
    %mul3A_66 = arith.constant 632 : i32
    %mul3A_67 = arith.muli %arg1, %mul3A_66 : i32
    %add3A_68 = arith.constant 64 : i32
    %add3A_69 = arith.addi %mul3A_67, %add3A_68 : i32
    "tpu.region"() ({
      %run_scoped3A_216 = tpu.sem_alloc : memref<!tpu.dma_semaphore, #tpu.memory_space<semaphore_mem>>
      %dma_start3A_217 = arith.constant 0 : i32
      %dma_start3A_218 = tpu.memref_slice %arg12[%add3A_69, %dma_start3A_217] : memref<10112x64xf32, #tpu.memory_space<vmem_shared>> -> memref<64x64xf32, #tpu.memory_space<vmem_shared>>
      %dma_start3A_219 = arith.constant 0 : i32
      %dma_start3A_220 = tpu.memref_slice %arg12[%add3A_69, %dma_start3A_219] : memref<10112x64xf32, #tpu.memory_space<vmem_shared>> -> memref<64x64xf32, #tpu.memory_space<vmem_shared>>
      tpu.enqueue_dma source(%dma_start3A_220 : memref<64x64xf32, #tpu.memory_space<vmem_shared>>) target(%arg11 : memref<64x64xf32, #tpu.memory_space<vmem>>) target_semaphore(%run_scoped3A_216 : memref<!tpu.dma_semaphore, #tpu.memory_space<semaphore_mem>>)
      %dma_wait3A_221 = arith.constant 0 : i32
      %dma_wait3A_222 = tpu.memref_slice %arg12[%add3A_69, %dma_wait3A_221] : memref<10112x64xf32, #tpu.memory_space<vmem_shared>> -> memref<64x64xf32, #tpu.memory_space<vmem_shared>>
      %dma_wait3A_223 = arith.constant 0 : i32
      %dma_wait3A_224 = tpu.memref_slice %arg12[%add3A_69, %dma_wait3A_223] : memref<10112x64xf32, #tpu.memory_space<vmem_shared>> -> memref<64x64xf32, #tpu.memory_space<vmem_shared>>
      tpu.wait_dma2 semaphore(%run_scoped3A_216 : memref<!tpu.dma_semaphore, #tpu.memory_space<semaphore_mem>>) src(%dma_wait3A_224 : memref<64x64xf32, #tpu.memory_space<vmem_shared>>) dst(%arg11 : memref<64x64xf32, #tpu.memory_space<vmem>>)
      tpu.yield
    }) : () -> ()
    %run_scoped3A_70 = arith.constant 0 : i32
    "tpu.region"() ({
      %run_scoped3A_216 = tpu.sem_alloc : memref<!tpu.dma_semaphore, #tpu.memory_space<semaphore_mem>>
      %dma_start3A_217 = arith.constant 0 : i32
      %dma_start3A_218 = tpu.memref_slice %arg6[%run_scoped3A_70, %arg0, %add3A_69, %dma_start3A_217] : memref<2x2x10112x64xf32, #tpu.memory_space<hbm>> -> memref<1x1x64x64xf32, #tpu.memory_space<hbm>>
      %dma_start3A_219 = tpu.memref_squeeze %dma_start3A_218 : memref<1x1x64x64xf32, #tpu.memory_space<hbm>> -> memref<64x64xf32, #tpu.memory_space<hbm>>
      %dma_start3A_220 = arith.constant 0 : i32
      %dma_start3A_221 = tpu.memref_slice %arg6[%run_scoped3A_70, %arg0, %add3A_69, %dma_start3A_220] : memref<2x2x10112x64xf32, #tpu.memory_space<hbm>> -> memref<1x1x64x64xf32, #tpu.memory_space<hbm>>
      %dma_start3A_222 = tpu.memref_squeeze %dma_start3A_221 : memref<1x1x64x64xf32, #tpu.memory_space<hbm>> -> memref<64x64xf32, #tpu.memory_space<hbm>>
      tpu.enqueue_dma source(%arg11 : memref<64x64xf32, #tpu.memory_space<vmem>>) target(%dma_start3A_222 : memref<64x64xf32, #tpu.memory_space<hbm>>) target_semaphore(%run_scoped3A_216 : memref<!tpu.dma_semaphore, #tpu.memory_space<semaphore_mem>>)
      %dma_wait3A_223 = arith.constant 0 : i32
      %dma_wait3A_224 = tpu.memref_slice %arg6[%run_scoped3A_70, %arg0, %add3A_69, %dma_wait3A_223] : memref<2x2x10112x64xf32, #tpu.memory_space<hbm>> -> memref<1x1x64x64xf32, #tpu.memory_space<hbm>>
      %dma_wait3A_225 = tpu.memref_squeeze %dma_wait3A_224 : memref<1x1x64x64xf32, #tpu.memory_space<hbm>> -> memref<64x64xf32, #tpu.memory_space<hbm>>
      %dma_wait3A_226 = arith.constant 0 : i32
      %dma_wait3A_227 = tpu.memref_slice %arg6[%run_scoped3A_70, %arg0, %add3A_69, %dma_wait3A_226] : memref<2x2x10112x64xf32, #tpu.memory_space<hbm>> -> memref<1x1x64x64xf32, #tpu.memory_space<hbm>>
      %dma_wait3A_228 = tpu.memref_squeeze %dma_wait3A_227 : memref<1x1x64x64xf32, #tpu.memory_space<hbm>> -> memref<64x64xf32, #tpu.memory_space<hbm>>
      tpu.wait_dma2 semaphore(%run_scoped3A_216 : memref<!tpu.dma_semaphore, #tpu.memory_space<semaphore_mem>>) src(%arg11 : memref<64x64xf32, #tpu.memory_space<vmem>>) dst(%dma_wait3A_228 : memref<64x64xf32, #tpu.memory_space<hbm>>)
      tpu.yield
    }) : () -> ()
    %mul3A_71 = arith.constant 632 : i32
    %mul3A_72 = arith.muli %arg1, %mul3A_71 : i32
    %add3A_73 = arith.constant 128 : i32
    %add3A_74 = arith.addi %mul3A_72, %add3A_73 : i32
    "tpu.region"() ({
      %run_scoped3A_216 = tpu.sem_alloc : memref<!tpu.dma_semaphore, #tpu.memory_space<semaphore_mem>>
      %dma_start3A_217 = arith.constant 0 : i32
      %dma_start3A_218 = tpu.memref_slice %arg12[%add3A_74, %dma_start3A_217] : memref<10112x64xf32, #tpu.memory_space<vmem_shared>> -> memref<64x64xf32, #tpu.memory_space<vmem_shared>>
      %dma_start3A_219 = arith.constant 0 : i32
      %dma_start3A_220 = tpu.memref_slice %arg12[%add3A_74, %dma_start3A_219] : memref<10112x64xf32, #tpu.memory_space<vmem_shared>> -> memref<64x64xf32, #tpu.memory_space<vmem_shared>>
      tpu.enqueue_dma source(%dma_start3A_220 : memref<64x64xf32, #tpu.memory_space<vmem_shared>>) target(%arg11 : memref<64x64xf32, #tpu.memory_space<vmem>>) target_semaphore(%run_scoped3A_216 : memref<!tpu.dma_semaphore, #tpu.memory_space<semaphore_mem>>)
      %dma_wait3A_221 = arith.constant 0 : i32
      %dma_wait3A_222 = tpu.memref_slice %arg12[%add3A_74, %dma_wait3A_221] : memref<10112x64xf32, #tpu.memory_space<vmem_shared>> -> memref<64x64xf32, #tpu.memory_space<vmem_shared>>
      %dma_wait3A_223 = arith.constant 0 : i32
      %dma_wait3A_224 = tpu.memref_slice %arg12[%add3A_74, %dma_wait3A_223] : memref<10112x64xf32, #tpu.memory_space<vmem_shared>> -> memref<64x64xf32, #tpu.memory_space<vmem_shared>>
      tpu.wait_dma2 semaphore(%run_scoped3A_216 : memref<!tpu.dma_semaphore, #tpu.memory_space<semaphore_mem>>) src(%dma_wait3A_224 : memref<64x64xf32, #tpu.memory_space<vmem_shared>>) dst(%arg11 : memref<64x64xf32, #tpu.memory_space<vmem>>)
      tpu.yield
    }) : () -> ()
    %run_scoped3A_75 = arith.constant 0 : i32
    "tpu.region"() ({
      %run_scoped3A_216 = tpu.sem_alloc : memref<!tpu.dma_semaphore, #tpu.memory_space<semaphore_mem>>
      %dma_start3A_217 = arith.constant 0 : i32
      %dma_start3A_218 = tpu.memref_slice %arg6[%run_scoped3A_75, %arg0, %add3A_74, %dma_start3A_217] : memref<2x2x10112x64xf32, #tpu.memory_space<hbm>> -> memref<1x1x64x64xf32, #tpu.memory_space<hbm>>
      %dma_start3A_219 = tpu.memref_squeeze %dma_start3A_218 : memref<1x1x64x64xf32, #tpu.memory_space<hbm>> -> memref<64x64xf32, #tpu.memory_space<hbm>>
      %dma_start3A_220 = arith.constant 0 : i32
      %dma_start3A_221 = tpu.memref_slice %arg6[%run_scoped3A_75, %arg0, %add3A_74, %dma_start3A_220] : memref<2x2x10112x64xf32, #tpu.memory_space<hbm>> -> memref<1x1x64x64xf32, #tpu.memory_space<hbm>>
      %dma_start3A_222 = tpu.memref_squeeze %dma_start3A_221 : memref<1x1x64x64xf32, #tpu.memory_space<hbm>> -> memref<64x64xf32, #tpu.memory_space<hbm>>
      tpu.enqueue_dma source(%arg11 : memref<64x64xf32, #tpu.memory_space<vmem>>) target(%dma_start3A_222 : memref<64x64xf32, #tpu.memory_space<hbm>>) target_semaphore(%run_scoped3A_216 : memref<!tpu.dma_semaphore, #tpu.memory_space<semaphore_mem>>)
      %dma_wait3A_223 = arith.constant 0 : i32
      %dma_wait3A_224 = tpu.memref_slice %arg6[%run_scoped3A_75, %arg0, %add3A_74, %dma_wait3A_223] : memref<2x2x10112x64xf32, #tpu.memory_space<hbm>> -> memref<1x1x64x64xf32, #tpu.memory_space<hbm>>
      %dma_wait3A_225 = tpu.memref_squeeze %dma_wait3A_224 : memref<1x1x64x64xf32, #tpu.memory_space<hbm>> -> memref<64x64xf32, #tpu.memory_space<hbm>>
      %dma_wait3A_226 = arith.constant 0 : i32
      %dma_wait3A_227 = tpu.memref_slice %arg6[%run_scoped3A_75, %arg0, %add3A_74, %dma_wait3A_226] : memref<2x2x10112x64xf32, #tpu.memory_space<hbm>> -> memref<1x1x64x64xf32, #tpu.memory_space<hbm>>
      %dma_wait3A_228 = tpu.memref_squeeze %dma_wait3A_227 : memref<1x1x64x64xf32, #tpu.memory_space<hbm>> -> memref<64x64xf32, #tpu.memory_space<hbm>>
      tpu.wait_dma2 semaphore(%run_scoped3A_216 : memref<!tpu.dma_semaphore, #tpu.memory_space<semaphore_mem>>) src(%arg11 : memref<64x64xf32, #tpu.memory_space<vmem>>) dst(%dma_wait3A_228 : memref<64x64xf32, #tpu.memory_space<hbm>>)
      tpu.yield
    }) : () -> ()
    %mul3A_76 = arith.constant 632 : i32
    %mul3A_77 = arith.muli %arg1, %mul3A_76 : i32
    %add3A_78 = arith.constant 192 : i32
    %add3A_79 = arith.addi %mul3A_77, %add3A_78 : i32
    "tpu.region"() ({
      %run_scoped3A_216 = tpu.sem_alloc : memref<!tpu.dma_semaphore, #tpu.memory_space<semaphore_mem>>
      %dma_start3A_217 = arith.constant 0 : i32
      %dma_start3A_218 = tpu.memref_slice %arg12[%add3A_79, %dma_start3A_217] : memref<10112x64xf32, #tpu.memory_space<vmem_shared>> -> memref<64x64xf32, #tpu.memory_space<vmem_shared>>
      %dma_start3A_219 = arith.constant 0 : i32
      %dma_start3A_220 = tpu.memref_slice %arg12[%add3A_79, %dma_start3A_219] : memref<10112x64xf32, #tpu.memory_space<vmem_shared>> -> memref<64x64xf32, #tpu.memory_space<vmem_shared>>
      tpu.enqueue_dma source(%dma_start3A_220 : memref<64x64xf32, #tpu.memory_space<vmem_shared>>) target(%arg11 : memref<64x64xf32, #tpu.memory_space<vmem>>) target_semaphore(%run_scoped3A_216 : memref<!tpu.dma_semaphore, #tpu.memory_space<semaphore_mem>>)
      %dma_wait3A_221 = arith.constant 0 : i32
      %dma_wait3A_222 = tpu.memref_slice %arg12[%add3A_79, %dma_wait3A_221] : memref<10112x64xf32, #tpu.memory_space<vmem_shared>> -> memref<64x64xf32, #tpu.memory_space<vmem_shared>>
      %dma_wait3A_223 = arith.constant 0 : i32
      %dma_wait3A_224 = tpu.memref_slice %arg12[%add3A_79, %dma_wait3A_223] : memref<10112x64xf32, #tpu.memory_space<vmem_shared>> -> memref<64x64xf32, #tpu.memory_space<vmem_shared>>
      tpu.wait_dma2 semaphore(%run_scoped3A_216 : memref<!tpu.dma_semaphore, #tpu.memory_space<semaphore_mem>>) src(%dma_wait3A_224 : memref<64x64xf32, #tpu.memory_space<vmem_shared>>) dst(%arg11 : memref<64x64xf32, #tpu.memory_space<vmem>>)
      tpu.yield
    }) : () -> ()
    %run_scoped3A_80 = arith.constant 0 : i32
    "tpu.region"() ({
      %run_scoped3A_216 = tpu.sem_alloc : memref<!tpu.dma_semaphore, #tpu.memory_space<semaphore_mem>>
      %dma_start3A_217 = arith.constant 0 : i32
      %dma_start3A_218 = tpu.memref_slice %arg6[%run_scoped3A_80, %arg0, %add3A_79, %dma_start3A_217] : memref<2x2x10112x64xf32, #tpu.memory_space<hbm>> -> memref<1x1x64x64xf32, #tpu.memory_space<hbm>>
      %dma_start3A_219 = tpu.memref_squeeze %dma_start3A_218 : memref<1x1x64x64xf32, #tpu.memory_space<hbm>> -> memref<64x64xf32, #tpu.memory_space<hbm>>
      %dma_start3A_220 = arith.constant 0 : i32
      %dma_start3A_221 = tpu.memref_slice %arg6[%run_scoped3A_80, %arg0, %add3A_79, %dma_start3A_220] : memref<2x2x10112x64xf32, #tpu.memory_space<hbm>> -> memref<1x1x64x64xf32, #tpu.memory_space<hbm>>
      %dma_start3A_222 = tpu.memref_squeeze %dma_start3A_221 : memref<1x1x64x64xf32, #tpu.memory_space<hbm>> -> memref<64x64xf32, #tpu.memory_space<hbm>>
      tpu.enqueue_dma source(%arg11 : memref<64x64xf32, #tpu.memory_space<vmem>>) target(%dma_start3A_222 : memref<64x64xf32, #tpu.memory_space<hbm>>) target_semaphore(%run_scoped3A_216 : memref<!tpu.dma_semaphore, #tpu.memory_space<semaphore_mem>>)
      %dma_wait3A_223 = arith.constant 0 : i32
      %dma_wait3A_224 = tpu.memref_slice %arg6[%run_scoped3A_80, %arg0, %add3A_79, %dma_wait3A_223] : memref<2x2x10112x64xf32, #tpu.memory_space<hbm>> -> memref<1x1x64x64xf32, #tpu.memory_space<hbm>>
      %dma_wait3A_225 = tpu.memref_squeeze %dma_wait3A_224 : memref<1x1x64x64xf32, #tpu.memory_space<hbm>> -> memref<64x64xf32, #tpu.memory_space<hbm>>
      %dma_wait3A_226 = arith.constant 0 : i32
      %dma_wait3A_227 = tpu.memref_slice %arg6[%run_scoped3A_80, %arg0, %add3A_79, %dma_wait3A_226] : memref<2x2x10112x64xf32, #tpu.memory_space<hbm>> -> memref<1x1x64x64xf32, #tpu.memory_space<hbm>>
      %dma_wait3A_228 = tpu.memref_squeeze %dma_wait3A_227 : memref<1x1x64x64xf32, #tpu.memory_space<hbm>> -> memref<64x64xf32, #tpu.memory_space<hbm>>
      tpu.wait_dma2 semaphore(%run_scoped3A_216 : memref<!tpu.dma_semaphore, #tpu.memory_space<semaphore_mem>>) src(%arg11 : memref<64x64xf32, #tpu.memory_space<vmem>>) dst(%dma_wait3A_228 : memref<64x64xf32, #tpu.memory_space<hbm>>)
      tpu.yield
    }) : () -> ()
    %mul3A_81 = arith.constant 632 : i32
    %mul3A_82 = arith.muli %arg1, %mul3A_81 : i32
    %add3A_83 = arith.constant 256 : i32
    %add3A_84 = arith.addi %mul3A_82, %add3A_83 : i32
    "tpu.region"() ({
      %run_scoped3A_216 = tpu.sem_alloc : memref<!tpu.dma_semaphore, #tpu.memory_space<semaphore_mem>>
      %dma_start3A_217 = arith.constant 0 : i32
      %dma_start3A_218 = tpu.memref_slice %arg12[%add3A_84, %dma_start3A_217] : memref<10112x64xf32, #tpu.memory_space<vmem_shared>> -> memref<64x64xf32, #tpu.memory_space<vmem_shared>>
      %dma_start3A_219 = arith.constant 0 : i32
      %dma_start3A_220 = tpu.memref_slice %arg12[%add3A_84, %dma_start3A_219] : memref<10112x64xf32, #tpu.memory_space<vmem_shared>> -> memref<64x64xf32, #tpu.memory_space<vmem_shared>>
      tpu.enqueue_dma source(%dma_start3A_220 : memref<64x64xf32, #tpu.memory_space<vmem_shared>>) target(%arg11 : memref<64x64xf32, #tpu.memory_space<vmem>>) target_semaphore(%run_scoped3A_216 : memref<!tpu.dma_semaphore, #tpu.memory_space<semaphore_mem>>)
      %dma_wait3A_221 = arith.constant 0 : i32
      %dma_wait3A_222 = tpu.memref_slice %arg12[%add3A_84, %dma_wait3A_221] : memref<10112x64xf32, #tpu.memory_space<vmem_shared>> -> memref<64x64xf32, #tpu.memory_space<vmem_shared>>
      %dma_wait3A_223 = arith.constant 0 : i32
      %dma_wait3A_224 = tpu.memref_slice %arg12[%add3A_84, %dma_wait3A_223] : memref<10112x64xf32, #tpu.memory_space<vmem_shared>> -> memref<64x64xf32, #tpu.memory_space<vmem_shared>>
      tpu.wait_dma2 semaphore(%run_scoped3A_216 : memref<!tpu.dma_semaphore, #tpu.memory_space<semaphore_mem>>) src(%dma_wait3A_224 : memref<64x64xf32, #tpu.memory_space<vmem_shared>>) dst(%arg11 : memref<64x64xf32, #tpu.memory_space<vmem>>)
      tpu.yield
    }) : () -> ()
    %run_scoped3A_85 = arith.constant 0 : i32
    "tpu.region"() ({
      %run_scoped3A_216 = tpu.sem_alloc : memref<!tpu.dma_semaphore, #tpu.memory_space<semaphore_mem>>
      %dma_start3A_217 = arith.constant 0 : i32
      %dma_start3A_218 = tpu.memref_slice %arg6[%run_scoped3A_85, %arg0, %add3A_84, %dma_start3A_217] : memref<2x2x10112x64xf32, #tpu.memory_space<hbm>> -> memref<1x1x64x64xf32, #tpu.memory_space<hbm>>
      %dma_start3A_219 = tpu.memref_squeeze %dma_start3A_218 : memref<1x1x64x64xf32, #tpu.memory_space<hbm>> -> memref<64x64xf32, #tpu.memory_space<hbm>>
      %dma_start3A_220 = arith.constant 0 : i32
      %dma_start3A_221 = tpu.memref_slice %arg6[%run_scoped3A_85, %arg0, %add3A_84, %dma_start3A_220] : memref<2x2x10112x64xf32, #tpu.memory_space<hbm>> -> memref<1x1x64x64xf32, #tpu.memory_space<hbm>>
      %dma_start3A_222 = tpu.memref_squeeze %dma_start3A_221 : memref<1x1x64x64xf32, #tpu.memory_space<hbm>> -> memref<64x64xf32, #tpu.memory_space<hbm>>
      tpu.enqueue_dma source(%arg11 : memref<64x64xf32, #tpu.memory_space<vmem>>) target(%dma_start3A_222 : memref<64x64xf32, #tpu.memory_space<hbm>>) target_semaphore(%run_scoped3A_216 : memref<!tpu.dma_semaphore, #tpu.memory_space<semaphore_mem>>)
      %dma_wait3A_223 = arith.constant 0 : i32
      %dma_wait3A_224 = tpu.memref_slice %arg6[%run_scoped3A_85, %arg0, %add3A_84, %dma_wait3A_223] : memref<2x2x10112x64xf32, #tpu.memory_space<hbm>> -> memref<1x1x64x64xf32, #tpu.memory_space<hbm>>
      %dma_wait3A_225 = tpu.memref_squeeze %dma_wait3A_224 : memref<1x1x64x64xf32, #tpu.memory_space<hbm>> -> memref<64x64xf32, #tpu.memory_space<hbm>>
      %dma_wait3A_226 = arith.constant 0 : i32
      %dma_wait3A_227 = tpu.memref_slice %arg6[%run_scoped3A_85, %arg0, %add3A_84, %dma_wait3A_226] : memref<2x2x10112x64xf32, #tpu.memory_space<hbm>> -> memref<1x1x64x64xf32, #tpu.memory_space<hbm>>
      %dma_wait3A_228 = tpu.memref_squeeze %dma_wait3A_227 : memref<1x1x64x64xf32, #tpu.memory_space<hbm>> -> memref<64x64xf32, #tpu.memory_space<hbm>>
      tpu.wait_dma2 semaphore(%run_scoped3A_216 : memref<!tpu.dma_semaphore, #tpu.memory_space<semaphore_mem>>) src(%arg11 : memref<64x64xf32, #tpu.memory_space<vmem>>) dst(%dma_wait3A_228 : memref<64x64xf32, #tpu.memory_space<hbm>>)
      tpu.yield
    }) : () -> ()
    %mul3A_86 = arith.constant 632 : i32
    %mul3A_87 = arith.muli %arg1, %mul3A_86 : i32
    %add3A_88 = arith.constant 320 : i32
    %add3A_89 = arith.addi %mul3A_87, %add3A_88 : i32
    "tpu.region"() ({
      %run_scoped3A_216 = tpu.sem_alloc : memref<!tpu.dma_semaphore, #tpu.memory_space<semaphore_mem>>
      %dma_start3A_217 = arith.constant 0 : i32
      %dma_start3A_218 = tpu.memref_slice %arg12[%add3A_89, %dma_start3A_217] : memref<10112x64xf32, #tpu.memory_space<vmem_shared>> -> memref<64x64xf32, #tpu.memory_space<vmem_shared>>
      %dma_start3A_219 = arith.constant 0 : i32
      %dma_start3A_220 = tpu.memref_slice %arg12[%add3A_89, %dma_start3A_219] : memref<10112x64xf32, #tpu.memory_space<vmem_shared>> -> memref<64x64xf32, #tpu.memory_space<vmem_shared>>
      tpu.enqueue_dma source(%dma_start3A_220 : memref<64x64xf32, #tpu.memory_space<vmem_shared>>) target(%arg11 : memref<64x64xf32, #tpu.memory_space<vmem>>) target_semaphore(%run_scoped3A_216 : memref<!tpu.dma_semaphore, #tpu.memory_space<semaphore_mem>>)
      %dma_wait3A_221 = arith.constant 0 : i32
      %dma_wait3A_222 = tpu.memref_slice %arg12[%add3A_89, %dma_wait3A_221] : memref<10112x64xf32, #tpu.memory_space<vmem_shared>> -> memref<64x64xf32, #tpu.memory_space<vmem_shared>>
      %dma_wait3A_223 = arith.constant 0 : i32
      %dma_wait3A_224 = tpu.memref_slice %arg12[%add3A_89, %dma_wait3A_223] : memref<10112x64xf32, #tpu.memory_space<vmem_shared>> -> memref<64x64xf32, #tpu.memory_space<vmem_shared>>
      tpu.wait_dma2 semaphore(%run_scoped3A_216 : memref<!tpu.dma_semaphore, #tpu.memory_space<semaphore_mem>>) src(%dma_wait3A_224 : memref<64x64xf32, #tpu.memory_space<vmem_shared>>) dst(%arg11 : memref<64x64xf32, #tpu.memory_space<vmem>>)
      tpu.yield
    }) : () -> ()
    %run_scoped3A_90 = arith.constant 0 : i32
    "tpu.region"() ({
      %run_scoped3A_216 = tpu.sem_alloc : memref<!tpu.dma_semaphore, #tpu.memory_space<semaphore_mem>>
      %dma_start3A_217 = arith.constant 0 : i32
      %dma_start3A_218 = tpu.memref_slice %arg6[%run_scoped3A_90, %arg0, %add3A_89, %dma_start3A_217] : memref<2x2x10112x64xf32, #tpu.memory_space<hbm>> -> memref<1x1x64x64xf32, #tpu.memory_space<hbm>>
      %dma_start3A_219 = tpu.memref_squeeze %dma_start3A_218 : memref<1x1x64x64xf32, #tpu.memory_space<hbm>> -> memref<64x64xf32, #tpu.memory_space<hbm>>
      %dma_start3A_220 = arith.constant 0 : i32
      %dma_start3A_221 = tpu.memref_slice %arg6[%run_scoped3A_90, %arg0, %add3A_89, %dma_start3A_220] : memref<2x2x10112x64xf32, #tpu.memory_space<hbm>> -> memref<1x1x64x64xf32, #tpu.memory_space<hbm>>
      %dma_start3A_222 = tpu.memref_squeeze %dma_start3A_221 : memref<1x1x64x64xf32, #tpu.memory_space<hbm>> -> memref<64x64xf32, #tpu.memory_space<hbm>>
      tpu.enqueue_dma source(%arg11 : memref<64x64xf32, #tpu.memory_space<vmem>>) target(%dma_start3A_222 : memref<64x64xf32, #tpu.memory_space<hbm>>) target_semaphore(%run_scoped3A_216 : memref<!tpu.dma_semaphore, #tpu.memory_space<semaphore_mem>>)
      %dma_wait3A_223 = arith.constant 0 : i32
      %dma_wait3A_224 = tpu.memref_slice %arg6[%run_scoped3A_90, %arg0, %add3A_89, %dma_wait3A_223] : memref<2x2x10112x64xf32, #tpu.memory_space<hbm>> -> memref<1x1x64x64xf32, #tpu.memory_space<hbm>>
      %dma_wait3A_225 = tpu.memref_squeeze %dma_wait3A_224 : memref<1x1x64x64xf32, #tpu.memory_space<hbm>> -> memref<64x64xf32, #tpu.memory_space<hbm>>
      %dma_wait3A_226 = arith.constant 0 : i32
      %dma_wait3A_227 = tpu.memref_slice %arg6[%run_scoped3A_90, %arg0, %add3A_89, %dma_wait3A_226] : memref<2x2x10112x64xf32, #tpu.memory_space<hbm>> -> memref<1x1x64x64xf32, #tpu.memory_space<hbm>>
      %dma_wait3A_228 = tpu.memref_squeeze %dma_wait3A_227 : memref<1x1x64x64xf32, #tpu.memory_space<hbm>> -> memref<64x64xf32, #tpu.memory_space<hbm>>
      tpu.wait_dma2 semaphore(%run_scoped3A_216 : memref<!tpu.dma_semaphore, #tpu.memory_space<semaphore_mem>>) src(%arg11 : memref<64x64xf32, #tpu.memory_space<vmem>>) dst(%dma_wait3A_228 : memref<64x64xf32, #tpu.memory_space<hbm>>)
      tpu.yield
    }) : () -> ()
    %mul3A_91 = arith.constant 632 : i32
    %mul3A_92 = arith.muli %arg1, %mul3A_91 : i32
    %add3A_93 = arith.constant 384 : i32
    %add3A_94 = arith.addi %mul3A_92, %add3A_93 : i32
    "tpu.region"() ({
      %run_scoped3A_216 = tpu.sem_alloc : memref<!tpu.dma_semaphore, #tpu.memory_space<semaphore_mem>>
      %dma_start3A_217 = arith.constant 0 : i32
      %dma_start3A_218 = tpu.memref_slice %arg12[%add3A_94, %dma_start3A_217] : memref<10112x64xf32, #tpu.memory_space<vmem_shared>> -> memref<64x64xf32, #tpu.memory_space<vmem_shared>>
      %dma_start3A_219 = arith.constant 0 : i32
      %dma_start3A_220 = tpu.memref_slice %arg12[%add3A_94, %dma_start3A_219] : memref<10112x64xf32, #tpu.memory_space<vmem_shared>> -> memref<64x64xf32, #tpu.memory_space<vmem_shared>>
      tpu.enqueue_dma source(%dma_start3A_220 : memref<64x64xf32, #tpu.memory_space<vmem_shared>>) target(%arg11 : memref<64x64xf32, #tpu.memory_space<vmem>>) target_semaphore(%run_scoped3A_216 : memref<!tpu.dma_semaphore, #tpu.memory_space<semaphore_mem>>)
      %dma_wait3A_221 = arith.constant 0 : i32
      %dma_wait3A_222 = tpu.memref_slice %arg12[%add3A_94, %dma_wait3A_221] : memref<10112x64xf32, #tpu.memory_space<vmem_shared>> -> memref<64x64xf32, #tpu.memory_space<vmem_shared>>
      %dma_wait3A_223 = arith.constant 0 : i32
      %dma_wait3A_224 = tpu.memref_slice %arg12[%add3A_94, %dma_wait3A_223] : memref<10112x64xf32, #tpu.memory_space<vmem_shared>> -> memref<64x64xf32, #tpu.memory_space<vmem_shared>>
      tpu.wait_dma2 semaphore(%run_scoped3A_216 : memref<!tpu.dma_semaphore, #tpu.memory_space<semaphore_mem>>) src(%dma_wait3A_224 : memref<64x64xf32, #tpu.memory_space<vmem_shared>>) dst(%arg11 : memref<64x64xf32, #tpu.memory_space<vmem>>)
      tpu.yield
    }) : () -> ()
    %run_scoped3A_95 = arith.constant 0 : i32
    "tpu.region"() ({
      %run_scoped3A_216 = tpu.sem_alloc : memref<!tpu.dma_semaphore, #tpu.memory_space<semaphore_mem>>
      %dma_start3A_217 = arith.constant 0 : i32
      %dma_start3A_218 = tpu.memref_slice %arg6[%run_scoped3A_95, %arg0, %add3A_94, %dma_start3A_217] : memref<2x2x10112x64xf32, #tpu.memory_space<hbm>> -> memref<1x1x64x64xf32, #tpu.memory_space<hbm>>
      %dma_start3A_219 = tpu.memref_squeeze %dma_start3A_218 : memref<1x1x64x64xf32, #tpu.memory_space<hbm>> -> memref<64x64xf32, #tpu.memory_space<hbm>>
      %dma_start3A_220 = arith.constant 0 : i32
      %dma_start3A_221 = tpu.memref_slice %arg6[%run_scoped3A_95, %arg0, %add3A_94, %dma_start3A_220] : memref<2x2x10112x64xf32, #tpu.memory_space<hbm>> -> memref<1x1x64x64xf32, #tpu.memory_space<hbm>>
      %dma_start3A_222 = tpu.memref_squeeze %dma_start3A_221 : memref<1x1x64x64xf32, #tpu.memory_space<hbm>> -> memref<64x64xf32, #tpu.memory_space<hbm>>
      tpu.enqueue_dma source(%arg11 : memref<64x64xf32, #tpu.memory_space<vmem>>) target(%dma_start3A_222 : memref<64x64xf32, #tpu.memory_space<hbm>>) target_semaphore(%run_scoped3A_216 : memref<!tpu.dma_semaphore, #tpu.memory_space<semaphore_mem>>)
      %dma_wait3A_223 = arith.constant 0 : i32
      %dma_wait3A_224 = tpu.memref_slice %arg6[%run_scoped3A_95, %arg0, %add3A_94, %dma_wait3A_223] : memref<2x2x10112x64xf32, #tpu.memory_space<hbm>> -> memref<1x1x64x64xf32, #tpu.memory_space<hbm>>
      %dma_wait3A_225 = tpu.memref_squeeze %dma_wait3A_224 : memref<1x1x64x64xf32, #tpu.memory_space<hbm>> -> memref<64x64xf32, #tpu.memory_space<hbm>>
      %dma_wait3A_226 = arith.constant 0 : i32
      %dma_wait3A_227 = tpu.memref_slice %arg6[%run_scoped3A_95, %arg0, %add3A_94, %dma_wait3A_226] : memref<2x2x10112x64xf32, #tpu.memory_space<hbm>> -> memref<1x1x64x64xf32, #tpu.memory_space<hbm>>
      %dma_wait3A_228 = tpu.memref_squeeze %dma_wait3A_227 : memref<1x1x64x64xf32, #tpu.memory_space<hbm>> -> memref<64x64xf32, #tpu.memory_space<hbm>>
      tpu.wait_dma2 semaphore(%run_scoped3A_216 : memref<!tpu.dma_semaphore, #tpu.memory_space<semaphore_mem>>) src(%arg11 : memref<64x64xf32, #tpu.memory_space<vmem>>) dst(%dma_wait3A_228 : memref<64x64xf32, #tpu.memory_space<hbm>>)
      tpu.yield
    }) : () -> ()
    %mul3A_96 = arith.constant 632 : i32
    %mul3A_97 = arith.muli %arg1, %mul3A_96 : i32
    %add3A_98 = arith.constant 448 : i32
    %add3A_99 = arith.addi %mul3A_97, %add3A_98 : i32
    "tpu.region"() ({
      %run_scoped3A_216 = tpu.sem_alloc : memref<!tpu.dma_semaphore, #tpu.memory_space<semaphore_mem>>
      %dma_start3A_217 = arith.constant 0 : i32
      %dma_start3A_218 = tpu.memref_slice %arg12[%add3A_99, %dma_start3A_217] : memref<10112x64xf32, #tpu.memory_space<vmem_shared>> -> memref<64x64xf32, #tpu.memory_space<vmem_shared>>
      %dma_start3A_219 = arith.constant 0 : i32
      %dma_start3A_220 = tpu.memref_slice %arg12[%add3A_99, %dma_start3A_219] : memref<10112x64xf32, #tpu.memory_space<vmem_shared>> -> memref<64x64xf32, #tpu.memory_space<vmem_shared>>
      tpu.enqueue_dma source(%dma_start3A_220 : memref<64x64xf32, #tpu.memory_space<vmem_shared>>) target(%arg11 : memref<64x64xf32, #tpu.memory_space<vmem>>) target_semaphore(%run_scoped3A_216 : memref<!tpu.dma_semaphore, #tpu.memory_space<semaphore_mem>>)
      %dma_wait3A_221 = arith.constant 0 : i32
      %dma_wait3A_222 = tpu.memref_slice %arg12[%add3A_99, %dma_wait3A_221] : memref<10112x64xf32, #tpu.memory_space<vmem_shared>> -> memref<64x64xf32, #tpu.memory_space<vmem_shared>>
      %dma_wait3A_223 = arith.constant 0 : i32
      %dma_wait3A_224 = tpu.memref_slice %arg12[%add3A_99, %dma_wait3A_223] : memref<10112x64xf32, #tpu.memory_space<vmem_shared>> -> memref<64x64xf32, #tpu.memory_space<vmem_shared>>
      tpu.wait_dma2 semaphore(%run_scoped3A_216 : memref<!tpu.dma_semaphore, #tpu.memory_space<semaphore_mem>>) src(%dma_wait3A_224 : memref<64x64xf32, #tpu.memory_space<vmem_shared>>) dst(%arg11 : memref<64x64xf32, #tpu.memory_space<vmem>>)
      tpu.yield
    }) : () -> ()
    %run_scoped3A_100 = arith.constant 0 : i32
    "tpu.region"() ({
      %run_scoped3A_216 = tpu.sem_alloc : memref<!tpu.dma_semaphore, #tpu.memory_space<semaphore_mem>>
      %dma_start3A_217 = arith.constant 0 : i32
      %dma_start3A_218 = tpu.memref_slice %arg6[%run_scoped3A_100, %arg0, %add3A_99, %dma_start3A_217] : memref<2x2x10112x64xf32, #tpu.memory_space<hbm>> -> memref<1x1x64x64xf32, #tpu.memory_space<hbm>>
      %dma_start3A_219 = tpu.memref_squeeze %dma_start3A_218 : memref<1x1x64x64xf32, #tpu.memory_space<hbm>> -> memref<64x64xf32, #tpu.memory_space<hbm>>
      %dma_start3A_220 = arith.constant 0 : i32
      %dma_start3A_221 = tpu.memref_slice %arg6[%run_scoped3A_100, %arg0, %add3A_99, %dma_start3A_220] : memref<2x2x10112x64xf32, #tpu.memory_space<hbm>> -> memref<1x1x64x64xf32, #tpu.memory_space<hbm>>
      %dma_start3A_222 = tpu.memref_squeeze %dma_start3A_221 : memref<1x1x64x64xf32, #tpu.memory_space<hbm>> -> memref<64x64xf32, #tpu.memory_space<hbm>>
      tpu.enqueue_dma source(%arg11 : memref<64x64xf32, #tpu.memory_space<vmem>>) target(%dma_start3A_222 : memref<64x64xf32, #tpu.memory_space<hbm>>) target_semaphore(%run_scoped3A_216 : memref<!tpu.dma_semaphore, #tpu.memory_space<semaphore_mem>>)
      %dma_wait3A_223 = arith.constant 0 : i32
      %dma_wait3A_224 = tpu.memref_slice %arg6[%run_scoped3A_100, %arg0, %add3A_99, %dma_wait3A_223] : memref<2x2x10112x64xf32, #tpu.memory_space<hbm>> -> memref<1x1x64x64xf32, #tpu.memory_space<hbm>>
      %dma_wait3A_225 = tpu.memref_squeeze %dma_wait3A_224 : memref<1x1x64x64xf32, #tpu.memory_space<hbm>> -> memref<64x64xf32, #tpu.memory_space<hbm>>
      %dma_wait3A_226 = arith.constant 0 : i32
      %dma_wait3A_227 = tpu.memref_slice %arg6[%run_scoped3A_100, %arg0, %add3A_99, %dma_wait3A_226] : memref<2x2x10112x64xf32, #tpu.memory_space<hbm>> -> memref<1x1x64x64xf32, #tpu.memory_space<hbm>>
      %dma_wait3A_228 = tpu.memref_squeeze %dma_wait3A_227 : memref<1x1x64x64xf32, #tpu.memory_space<hbm>> -> memref<64x64xf32, #tpu.memory_space<hbm>>
      tpu.wait_dma2 semaphore(%run_scoped3A_216 : memref<!tpu.dma_semaphore, #tpu.memory_space<semaphore_mem>>) src(%arg11 : memref<64x64xf32, #tpu.memory_space<vmem>>) dst(%dma_wait3A_228 : memref<64x64xf32, #tpu.memory_space<hbm>>)
      tpu.yield
    }) : () -> ()
    %mul3A_101 = arith.constant 632 : i32
    %mul3A_102 = arith.muli %arg1, %mul3A_101 : i32
    %add3A_103 = arith.constant 512 : i32
    %add3A_104 = arith.addi %mul3A_102, %add3A_103 : i32
    "tpu.region"() ({
      %run_scoped3A_216 = tpu.sem_alloc : memref<!tpu.dma_semaphore, #tpu.memory_space<semaphore_mem>>
      %dma_start3A_217 = arith.constant 0 : i32
      %dma_start3A_218 = tpu.memref_slice %arg12[%add3A_104, %dma_start3A_217] : memref<10112x64xf32, #tpu.memory_space<vmem_shared>> -> memref<64x64xf32, #tpu.memory_space<vmem_shared>>
      %dma_start3A_219 = arith.constant 0 : i32
      %dma_start3A_220 = tpu.memref_slice %arg12[%add3A_104, %dma_start3A_219] : memref<10112x64xf32, #tpu.memory_space<vmem_shared>> -> memref<64x64xf32, #tpu.memory_space<vmem_shared>>
      tpu.enqueue_dma source(%dma_start3A_220 : memref<64x64xf32, #tpu.memory_space<vmem_shared>>) target(%arg11 : memref<64x64xf32, #tpu.memory_space<vmem>>) target_semaphore(%run_scoped3A_216 : memref<!tpu.dma_semaphore, #tpu.memory_space<semaphore_mem>>)
      %dma_wait3A_221 = arith.constant 0 : i32
      %dma_wait3A_222 = tpu.memref_slice %arg12[%add3A_104, %dma_wait3A_221] : memref<10112x64xf32, #tpu.memory_space<vmem_shared>> -> memref<64x64xf32, #tpu.memory_space<vmem_shared>>
      %dma_wait3A_223 = arith.constant 0 : i32
      %dma_wait3A_224 = tpu.memref_slice %arg12[%add3A_104, %dma_wait3A_223] : memref<10112x64xf32, #tpu.memory_space<vmem_shared>> -> memref<64x64xf32, #tpu.memory_space<vmem_shared>>
      tpu.wait_dma2 semaphore(%run_scoped3A_216 : memref<!tpu.dma_semaphore, #tpu.memory_space<semaphore_mem>>) src(%dma_wait3A_224 : memref<64x64xf32, #tpu.memory_space<vmem_shared>>) dst(%arg11 : memref<64x64xf32, #tpu.memory_space<vmem>>)
      tpu.yield
    }) : () -> ()
    %run_scoped3A_105 = arith.constant 0 : i32
    "tpu.region"() ({
      %run_scoped3A_216 = tpu.sem_alloc : memref<!tpu.dma_semaphore, #tpu.memory_space<semaphore_mem>>
      %dma_start3A_217 = arith.constant 0 : i32
      %dma_start3A_218 = tpu.memref_slice %arg6[%run_scoped3A_105, %arg0, %add3A_104, %dma_start3A_217] : memref<2x2x10112x64xf32, #tpu.memory_space<hbm>> -> memref<1x1x64x64xf32, #tpu.memory_space<hbm>>
      %dma_start3A_219 = tpu.memref_squeeze %dma_start3A_218 : memref<1x1x64x64xf32, #tpu.memory_space<hbm>> -> memref<64x64xf32, #tpu.memory_space<hbm>>
      %dma_start3A_220 = arith.constant 0 : i32
      %dma_start3A_221 = tpu.memref_slice %arg6[%run_scoped3A_105, %arg0, %add3A_104, %dma_start3A_220] : memref<2x2x10112x64xf32, #tpu.memory_space<hbm>> -> memref<1x1x64x64xf32, #tpu.memory_space<hbm>>
      %dma_start3A_222 = tpu.memref_squeeze %dma_start3A_221 : memref<1x1x64x64xf32, #tpu.memory_space<hbm>> -> memref<64x64xf32, #tpu.memory_space<hbm>>
      tpu.enqueue_dma source(%arg11 : memref<64x64xf32, #tpu.memory_space<vmem>>) target(%dma_start3A_222 : memref<64x64xf32, #tpu.memory_space<hbm>>) target_semaphore(%run_scoped3A_216 : memref<!tpu.dma_semaphore, #tpu.memory_space<semaphore_mem>>)
      %dma_wait3A_223 = arith.constant 0 : i32
      %dma_wait3A_224 = tpu.memref_slice %arg6[%run_scoped3A_105, %arg0, %add3A_104, %dma_wait3A_223] : memref<2x2x10112x64xf32, #tpu.memory_space<hbm>> -> memref<1x1x64x64xf32, #tpu.memory_space<hbm>>
      %dma_wait3A_225 = tpu.memref_squeeze %dma_wait3A_224 : memref<1x1x64x64xf32, #tpu.memory_space<hbm>> -> memref<64x64xf32, #tpu.memory_space<hbm>>
      %dma_wait3A_226 = arith.constant 0 : i32
      %dma_wait3A_227 = tpu.memref_slice %arg6[%run_scoped3A_105, %arg0, %add3A_104, %dma_wait3A_226] : memref<2x2x10112x64xf32, #tpu.memory_space<hbm>> -> memref<1x1x64x64xf32, #tpu.memory_space<hbm>>
      %dma_wait3A_228 = tpu.memref_squeeze %dma_wait3A_227 : memref<1x1x64x64xf32, #tpu.memory_space<hbm>> -> memref<64x64xf32, #tpu.memory_space<hbm>>
      tpu.wait_dma2 semaphore(%run_scoped3A_216 : memref<!tpu.dma_semaphore, #tpu.memory_space<semaphore_mem>>) src(%arg11 : memref<64x64xf32, #tpu.memory_space<vmem>>) dst(%dma_wait3A_228 : memref<64x64xf32, #tpu.memory_space<hbm>>)
      tpu.yield
    }) : () -> ()
    %scan3A_106 = arith.constant 0 : i32
    %scan3A_107 = arith.constant 0 : i32
    %scan3A_108 = arith.constant 64 : i32
    %scan3A_109 = arith.addi %scan3A_107, %scan3A_108 : i32
    %scan3A_110 = arith.constant 1 : i32
    scf.for %scan3A_216 = %scan3A_107 to %scan3A_109 step %scan3A_110  : i32 {
      %broadcast_in_dim3A = arith.constant 0.000000e+00 : f32
      %broadcast_in_dim3A_217 = vector.broadcast %broadcast_in_dim3A : f32 to vector<16xf32>
      %swap3A = arith.index_cast %scan3A_216 : i32 to index
      %swap3A_218 = arith.constant 0 : index
      %swap3A_219 = tpu.vector_load %arg11[%swap3A, %swap3A_218] {strides = array<i32>} : memref<64x64xf32, #tpu.memory_space<vmem>>, vector<1x16xf32>,
      %swap3A_220 = vector.shape_cast %swap3A_219 : vector<1x16xf32> to vector<16xf32>
      %swap3A_221 = vector.shape_cast %broadcast_in_dim3A_217 : vector<16xf32> to vector<1x16xf32>
      tpu.vector_store %arg11[%swap3A, %swap3A_218], %swap3A_221 {strides = array<i32>} : memref<64x64xf32, #tpu.memory_space<vmem>>, vector<1x16xf32>,
      %broadcast_in_dim3A_222 = arith.constant 0.000000e+00 : f32
      %broadcast_in_dim3A_223 = vector.broadcast %broadcast_in_dim3A_222 : f32 to vector<16xf32>
      %swap3A_224 = arith.index_cast %scan3A_216 : i32 to index
      %swap3A_225 = arith.constant 16 : index
      %swap3A_226 = tpu.vector_load %arg11[%swap3A_224, %swap3A_225] {strides = array<i32>} : memref<64x64xf32, #tpu.memory_space<vmem>>, vector<1x16xf32>,
      %swap3A_227 = vector.shape_cast %swap3A_226 : vector<1x16xf32> to vector<16xf32>
      %swap3A_228 = vector.shape_cast %broadcast_in_dim3A_223 : vector<16xf32> to vector<1x16xf32>
      tpu.vector_store %arg11[%swap3A_224, %swap3A_225], %swap3A_228 {strides = array<i32>} : memref<64x64xf32, #tpu.memory_space<vmem>>, vector<1x16xf32>,
      %broadcast_in_dim3A_229 = arith.constant 0.000000e+00 : f32
      %broadcast_in_dim3A_230 = vector.broadcast %broadcast_in_dim3A_229 : f32 to vector<16xf32>
      %swap3A_231 = arith.index_cast %scan3A_216 : i32 to index
      %swap3A_232 = arith.constant 32 : index
      %swap3A_233 = tpu.vector_load %arg11[%swap3A_231, %swap3A_232] {strides = array<i32>} : memref<64x64xf32, #tpu.memory_space<vmem>>, vector<1x16xf32>,
      %swap3A_234 = vector.shape_cast %swap3A_233 : vector<1x16xf32> to vector<16xf32>
      %swap3A_235 = vector.shape_cast %broadcast_in_dim3A_230 : vector<16xf32> to vector<1x16xf32>
      tpu.vector_store %arg11[%swap3A_231, %swap3A_232], %swap3A_235 {strides = array<i32>} : memref<64x64xf32, #tpu.memory_space<vmem>>, vector<1x16xf32>,
      %broadcast_in_dim3A_236 = arith.constant 0.000000e+00 : f32
      %broadcast_in_dim3A_237 = vector.broadcast %broadcast_in_dim3A_236 : f32 to vector<16xf32>
      %swap3A_238 = arith.index_cast %scan3A_216 : i32 to index
      %swap3A_239 = arith.constant 48 : index
      %swap3A_240 = tpu.vector_load %arg11[%swap3A_238, %swap3A_239] {strides = array<i32>} : memref<64x64xf32, #tpu.memory_space<vmem>>, vector<1x16xf32>,
      %swap3A_241 = vector.shape_cast %swap3A_240 : vector<1x16xf32> to vector<16xf32>
      %swap3A_242 = vector.shape_cast %broadcast_in_dim3A_237 : vector<16xf32> to vector<1x16xf32>
      tpu.vector_store %arg11[%swap3A_238, %swap3A_239], %swap3A_242 {strides = array<i32>} : memref<64x64xf32, #tpu.memory_space<vmem>>, vector<1x16xf32>,
    }
    %scan3A_111 = arith.constant 64 : i32
    %mul3A_112 = arith.constant 632 : i32
    %mul3A_113 = arith.muli %arg1, %mul3A_112 : i32
    %add3A_114 = arith.constant 0 : i32
    %add3A_115 = arith.addi %mul3A_113, %add3A_114 : i32
    "tpu.region"() ({
      %run_scoped3A_216 = tpu.sem_alloc : memref<!tpu.dma_semaphore, #tpu.memory_space<semaphore_mem>>
      %dma_start3A_217 = arith.constant 0 : i32
      %dma_start3A_218 = tpu.memref_slice %arg12[%add3A_115, %dma_start3A_217] : memref<10112x64xf32, #tpu.memory_space<vmem_shared>> -> memref<64x64xf32, #tpu.memory_space<vmem_shared>>
      %dma_start3A_219 = arith.constant 0 : i32
      %dma_start3A_220 = tpu.memref_slice %arg12[%add3A_115, %dma_start3A_219] : memref<10112x64xf32, #tpu.memory_space<vmem_shared>> -> memref<64x64xf32, #tpu.memory_space<vmem_shared>>
      tpu.enqueue_dma source(%arg11 : memref<64x64xf32, #tpu.memory_space<vmem>>) target(%dma_start3A_220 : memref<64x64xf32, #tpu.memory_space<vmem_shared>>) target_semaphore(%run_scoped3A_216 : memref<!tpu.dma_semaphore, #tpu.memory_space<semaphore_mem>>)
      %dma_wait3A_221 = arith.constant 0 : i32
      %dma_wait3A_222 = tpu.memref_slice %arg12[%add3A_115, %dma_wait3A_221] : memref<10112x64xf32, #tpu.memory_space<vmem_shared>> -> memref<64x64xf32, #tpu.memory_space<vmem_shared>>
      %dma_wait3A_223 = arith.constant 0 : i32
      %dma_wait3A_224 = tpu.memref_slice %arg12[%add3A_115, %dma_wait3A_223] : memref<10112x64xf32, #tpu.memory_space<vmem_shared>> -> memref<64x64xf32, #tpu.memory_space<vmem_shared>>
      tpu.wait_dma2 semaphore(%run_scoped3A_216 : memref<!tpu.dma_semaphore, #tpu.memory_space<semaphore_mem>>) src(%arg11 : memref<64x64xf32, #tpu.memory_space<vmem>>) dst(%dma_wait3A_224 : memref<64x64xf32, #tpu.memory_space<vmem_shared>>)
      tpu.yield
    }) : () -> ()
    %mul3A_116 = arith.constant 632 : i32
    %mul3A_117 = arith.muli %arg1, %mul3A_116 : i32
    %add3A_118 = arith.constant 64 : i32
    %add3A_119 = arith.addi %mul3A_117, %add3A_118 : i32
    "tpu.region"() ({
      %run_scoped3A_216 = tpu.sem_alloc : memref<!tpu.dma_semaphore, #tpu.memory_space<semaphore_mem>>
      %dma_start3A_217 = arith.constant 0 : i32
      %dma_start3A_218 = tpu.memref_slice %arg12[%add3A_119, %dma_start3A_217] : memref<10112x64xf32, #tpu.memory_space<vmem_shared>> -> memref<64x64xf32, #tpu.memory_space<vmem_shared>>
      %dma_start3A_219 = arith.constant 0 : i32
      %dma_start3A_220 = tpu.memref_slice %arg12[%add3A_119, %dma_start3A_219] : memref<10112x64xf32, #tpu.memory_space<vmem_shared>> -> memref<64x64xf32, #tpu.memory_space<vmem_shared>>
      tpu.enqueue_dma source(%arg11 : memref<64x64xf32, #tpu.memory_space<vmem>>) target(%dma_start3A_220 : memref<64x64xf32, #tpu.memory_space<vmem_shared>>) target_semaphore(%run_scoped3A_216 : memref<!tpu.dma_semaphore, #tpu.memory_space<semaphore_mem>>)
      %dma_wait3A_221 = arith.constant 0 : i32
      %dma_wait3A_222 = tpu.memref_slice %arg12[%add3A_119, %dma_wait3A_221] : memref<10112x64xf32, #tpu.memory_space<vmem_shared>> -> memref<64x64xf32, #tpu.memory_space<vmem_shared>>
      %dma_wait3A_223 = arith.constant 0 : i32
      %dma_wait3A_224 = tpu.memref_slice %arg12[%add3A_119, %dma_wait3A_223] : memref<10112x64xf32, #tpu.memory_space<vmem_shared>> -> memref<64x64xf32, #tpu.memory_space<vmem_shared>>
      tpu.wait_dma2 semaphore(%run_scoped3A_216 : memref<!tpu.dma_semaphore, #tpu.memory_space<semaphore_mem>>) src(%arg11 : memref<64x64xf32, #tpu.memory_space<vmem>>) dst(%dma_wait3A_224 : memref<64x64xf32, #tpu.memory_space<vmem_shared>>)
      tpu.yield
    }) : () -> ()
    %mul3A_120 = arith.constant 632 : i32
    %mul3A_121 = arith.muli %arg1, %mul3A_120 : i32
    %add3A_122 = arith.constant 128 : i32
    %add3A_123 = arith.addi %mul3A_121, %add3A_122 : i32
    "tpu.region"() ({
      %run_scoped3A_216 = tpu.sem_alloc : memref<!tpu.dma_semaphore, #tpu.memory_space<semaphore_mem>>
      %dma_start3A_217 = arith.constant 0 : i32
      %dma_start3A_218 = tpu.memref_slice %arg12[%add3A_123, %dma_start3A_217] : memref<10112x64xf32, #tpu.memory_space<vmem_shared>> -> memref<64x64xf32, #tpu.memory_space<vmem_shared>>
      %dma_start3A_219 = arith.constant 0 : i32
      %dma_start3A_220 = tpu.memref_slice %arg12[%add3A_123, %dma_start3A_219] : memref<10112x64xf32, #tpu.memory_space<vmem_shared>> -> memref<64x64xf32, #tpu.memory_space<vmem_shared>>
      tpu.enqueue_dma source(%arg11 : memref<64x64xf32, #tpu.memory_space<vmem>>) target(%dma_start3A_220 : memref<64x64xf32, #tpu.memory_space<vmem_shared>>) target_semaphore(%run_scoped3A_216 : memref<!tpu.dma_semaphore, #tpu.memory_space<semaphore_mem>>)
      %dma_wait3A_221 = arith.constant 0 : i32
      %dma_wait3A_222 = tpu.memref_slice %arg12[%add3A_123, %dma_wait3A_221] : memref<10112x64xf32, #tpu.memory_space<vmem_shared>> -> memref<64x64xf32, #tpu.memory_space<vmem_shared>>
      %dma_wait3A_223 = arith.constant 0 : i32
      %dma_wait3A_224 = tpu.memref_slice %arg12[%add3A_123, %dma_wait3A_223] : memref<10112x64xf32, #tpu.memory_space<vmem_shared>> -> memref<64x64xf32, #tpu.memory_space<vmem_shared>>
      tpu.wait_dma2 semaphore(%run_scoped3A_216 : memref<!tpu.dma_semaphore, #tpu.memory_space<semaphore_mem>>) src(%arg11 : memref<64x64xf32, #tpu.memory_space<vmem>>) dst(%dma_wait3A_224 : memref<64x64xf32, #tpu.memory_space<vmem_shared>>)
      tpu.yield
    }) : () -> ()
    %mul3A_124 = arith.constant 632 : i32
    %mul3A_125 = arith.muli %arg1, %mul3A_124 : i32
    %add3A_126 = arith.constant 192 : i32
    %add3A_127 = arith.addi %mul3A_125, %add3A_126 : i32
    "tpu.region"() ({
      %run_scoped3A_216 = tpu.sem_alloc : memref<!tpu.dma_semaphore, #tpu.memory_space<semaphore_mem>>
      %dma_start3A_217 = arith.constant 0 : i32
      %dma_start3A_218 = tpu.memref_slice %arg12[%add3A_127, %dma_start3A_217] : memref<10112x64xf32, #tpu.memory_space<vmem_shared>> -> memref<64x64xf32, #tpu.memory_space<vmem_shared>>
      %dma_start3A_219 = arith.constant 0 : i32
      %dma_start3A_220 = tpu.memref_slice %arg12[%add3A_127, %dma_start3A_219] : memref<10112x64xf32, #tpu.memory_space<vmem_shared>> -> memref<64x64xf32, #tpu.memory_space<vmem_shared>>
      tpu.enqueue_dma source(%arg11 : memref<64x64xf32, #tpu.memory_space<vmem>>) target(%dma_start3A_220 : memref<64x64xf32, #tpu.memory_space<vmem_shared>>) target_semaphore(%run_scoped3A_216 : memref<!tpu.dma_semaphore, #tpu.memory_space<semaphore_mem>>)
      %dma_wait3A_221 = arith.constant 0 : i32
      %dma_wait3A_222 = tpu.memref_slice %arg12[%add3A_127, %dma_wait3A_221] : memref<10112x64xf32, #tpu.memory_space<vmem_shared>> -> memref<64x64xf32, #tpu.memory_space<vmem_shared>>
      %dma_wait3A_223 = arith.constant 0 : i32
      %dma_wait3A_224 = tpu.memref_slice %arg12[%add3A_127, %dma_wait3A_223] : memref<10112x64xf32, #tpu.memory_space<vmem_shared>> -> memref<64x64xf32, #tpu.memory_space<vmem_shared>>
      tpu.wait_dma2 semaphore(%run_scoped3A_216 : memref<!tpu.dma_semaphore, #tpu.memory_space<semaphore_mem>>) src(%arg11 : memref<64x64xf32, #tpu.memory_space<vmem>>) dst(%dma_wait3A_224 : memref<64x64xf32, #tpu.memory_space<vmem_shared>>)
      tpu.yield
    }) : () -> ()
    %mul3A_128 = arith.constant 632 : i32
    %mul3A_129 = arith.muli %arg1, %mul3A_128 : i32
    %add3A_130 = arith.constant 256 : i32
    %add3A_131 = arith.addi %mul3A_129, %add3A_130 : i32
    "tpu.region"() ({
      %run_scoped3A_216 = tpu.sem_alloc : memref<!tpu.dma_semaphore, #tpu.memory_space<semaphore_mem>>
      %dma_start3A_217 = arith.constant 0 : i32
      %dma_start3A_218 = tpu.memref_slice %arg12[%add3A_131, %dma_start3A_217] : memref<10112x64xf32, #tpu.memory_space<vmem_shared>> -> memref<64x64xf32, #tpu.memory_space<vmem_shared>>
      %dma_start3A_219 = arith.constant 0 : i32
      %dma_start3A_220 = tpu.memref_slice %arg12[%add3A_131, %dma_start3A_219] : memref<10112x64xf32, #tpu.memory_space<vmem_shared>> -> memref<64x64xf32, #tpu.memory_space<vmem_shared>>
      tpu.enqueue_dma source(%arg11 : memref<64x64xf32, #tpu.memory_space<vmem>>) target(%dma_start3A_220 : memref<64x64xf32, #tpu.memory_space<vmem_shared>>) target_semaphore(%run_scoped3A_216 : memref<!tpu.dma_semaphore, #tpu.memory_space<semaphore_mem>>)
      %dma_wait3A_221 = arith.constant 0 : i32
      %dma_wait3A_222 = tpu.memref_slice %arg12[%add3A_131, %dma_wait3A_221] : memref<10112x64xf32, #tpu.memory_space<vmem_shared>> -> memref<64x64xf32, #tpu.memory_space<vmem_shared>>
      %dma_wait3A_223 = arith.constant 0 : i32
      %dma_wait3A_224 = tpu.memref_slice %arg12[%add3A_131, %dma_wait3A_223] : memref<10112x64xf32, #tpu.memory_space<vmem_shared>> -> memref<64x64xf32, #tpu.memory_space<vmem_shared>>
      tpu.wait_dma2 semaphore(%run_scoped3A_216 : memref<!tpu.dma_semaphore, #tpu.memory_space<semaphore_mem>>) src(%arg11 : memref<64x64xf32, #tpu.memory_space<vmem>>) dst(%dma_wait3A_224 : memref<64x64xf32, #tpu.memory_space<vmem_shared>>)
      tpu.yield
    }) : () -> ()
    %mul3A_132 = arith.constant 632 : i32
    %mul3A_133 = arith.muli %arg1, %mul3A_132 : i32
    %add3A_134 = arith.constant 320 : i32
    %add3A_135 = arith.addi %mul3A_133, %add3A_134 : i32
    "tpu.region"() ({
      %run_scoped3A_216 = tpu.sem_alloc : memref<!tpu.dma_semaphore, #tpu.memory_space<semaphore_mem>>
      %dma_start3A_217 = arith.constant 0 : i32
      %dma_start3A_218 = tpu.memref_slice %arg12[%add3A_135, %dma_start3A_217] : memref<10112x64xf32, #tpu.memory_space<vmem_shared>> -> memref<64x64xf32, #tpu.memory_space<vmem_shared>>
      %dma_start3A_219 = arith.constant 0 : i32
      %dma_start3A_220 = tpu.memref_slice %arg12[%add3A_135, %dma_start3A_219] : memref<10112x64xf32, #tpu.memory_space<vmem_shared>> -> memref<64x64xf32, #tpu.memory_space<vmem_shared>>
      tpu.enqueue_dma source(%arg11 : memref<64x64xf32, #tpu.memory_space<vmem>>) target(%dma_start3A_220 : memref<64x64xf32, #tpu.memory_space<vmem_shared>>) target_semaphore(%run_scoped3A_216 : memref<!tpu.dma_semaphore, #tpu.memory_space<semaphore_mem>>)
      %dma_wait3A_221 = arith.constant 0 : i32
      %dma_wait3A_222 = tpu.memref_slice %arg12[%add3A_135, %dma_wait3A_221] : memref<10112x64xf32, #tpu.memory_space<vmem_shared>> -> memref<64x64xf32, #tpu.memory_space<vmem_shared>>
      %dma_wait3A_223 = arith.constant 0 : i32
      %dma_wait3A_224 = tpu.memref_slice %arg12[%add3A_135, %dma_wait3A_223] : memref<10112x64xf32, #tpu.memory_space<vmem_shared>> -> memref<64x64xf32, #tpu.memory_space<vmem_shared>>
      tpu.wait_dma2 semaphore(%run_scoped3A_216 : memref<!tpu.dma_semaphore, #tpu.memory_space<semaphore_mem>>) src(%arg11 : memref<64x64xf32, #tpu.memory_space<vmem>>) dst(%dma_wait3A_224 : memref<64x64xf32, #tpu.memory_space<vmem_shared>>)
      tpu.yield
    }) : () -> ()
    %mul3A_136 = arith.constant 632 : i32
    %mul3A_137 = arith.muli %arg1, %mul3A_136 : i32
    %add3A_138 = arith.constant 384 : i32
    %add3A_139 = arith.addi %mul3A_137, %add3A_138 : i32
    "tpu.region"() ({
      %run_scoped3A_216 = tpu.sem_alloc : memref<!tpu.dma_semaphore, #tpu.memory_space<semaphore_mem>>
      %dma_start3A_217 = arith.constant 0 : i32
      %dma_start3A_218 = tpu.memref_slice %arg12[%add3A_139, %dma_start3A_217] : memref<10112x64xf32, #tpu.memory_space<vmem_shared>> -> memref<64x64xf32, #tpu.memory_space<vmem_shared>>
      %dma_start3A_219 = arith.constant 0 : i32
      %dma_start3A_220 = tpu.memref_slice %arg12[%add3A_139, %dma_start3A_219] : memref<10112x64xf32, #tpu.memory_space<vmem_shared>> -> memref<64x64xf32, #tpu.memory_space<vmem_shared>>
      tpu.enqueue_dma source(%arg11 : memref<64x64xf32, #tpu.memory_space<vmem>>) target(%dma_start3A_220 : memref<64x64xf32, #tpu.memory_space<vmem_shared>>) target_semaphore(%run_scoped3A_216 : memref<!tpu.dma_semaphore, #tpu.memory_space<semaphore_mem>>)
      %dma_wait3A_221 = arith.constant 0 : i32
      %dma_wait3A_222 = tpu.memref_slice %arg12[%add3A_139, %dma_wait3A_221] : memref<10112x64xf32, #tpu.memory_space<vmem_shared>> -> memref<64x64xf32, #tpu.memory_space<vmem_shared>>
      %dma_wait3A_223 = arith.constant 0 : i32
      %dma_wait3A_224 = tpu.memref_slice %arg12[%add3A_139, %dma_wait3A_223] : memref<10112x64xf32, #tpu.memory_space<vmem_shared>> -> memref<64x64xf32, #tpu.memory_space<vmem_shared>>
      tpu.wait_dma2 semaphore(%run_scoped3A_216 : memref<!tpu.dma_semaphore, #tpu.memory_space<semaphore_mem>>) src(%arg11 : memref<64x64xf32, #tpu.memory_space<vmem>>) dst(%dma_wait3A_224 : memref<64x64xf32, #tpu.memory_space<vmem_shared>>)
      tpu.yield
    }) : () -> ()
    %mul3A_140 = arith.constant 632 : i32
    %mul3A_141 = arith.muli %arg1, %mul3A_140 : i32
    %add3A_142 = arith.constant 448 : i32
    %add3A_143 = arith.addi %mul3A_141, %add3A_142 : i32
    "tpu.region"() ({
      %run_scoped3A_216 = tpu.sem_alloc : memref<!tpu.dma_semaphore, #tpu.memory_space<semaphore_mem>>
      %dma_start3A_217 = arith.constant 0 : i32
      %dma_start3A_218 = tpu.memref_slice %arg12[%add3A_143, %dma_start3A_217] : memref<10112x64xf32, #tpu.memory_space<vmem_shared>> -> memref<64x64xf32, #tpu.memory_space<vmem_shared>>
      %dma_start3A_219 = arith.constant 0 : i32
      %dma_start3A_220 = tpu.memref_slice %arg12[%add3A_143, %dma_start3A_219] : memref<10112x64xf32, #tpu.memory_space<vmem_shared>> -> memref<64x64xf32, #tpu.memory_space<vmem_shared>>
      tpu.enqueue_dma source(%arg11 : memref<64x64xf32, #tpu.memory_space<vmem>>) target(%dma_start3A_220 : memref<64x64xf32, #tpu.memory_space<vmem_shared>>) target_semaphore(%run_scoped3A_216 : memref<!tpu.dma_semaphore, #tpu.memory_space<semaphore_mem>>)
      %dma_wait3A_221 = arith.constant 0 : i32
      %dma_wait3A_222 = tpu.memref_slice %arg12[%add3A_143, %dma_wait3A_221] : memref<10112x64xf32, #tpu.memory_space<vmem_shared>> -> memref<64x64xf32, #tpu.memory_space<vmem_shared>>
      %dma_wait3A_223 = arith.constant 0 : i32
      %dma_wait3A_224 = tpu.memref_slice %arg12[%add3A_143, %dma_wait3A_223] : memref<10112x64xf32, #tpu.memory_space<vmem_shared>> -> memref<64x64xf32, #tpu.memory_space<vmem_shared>>
      tpu.wait_dma2 semaphore(%run_scoped3A_216 : memref<!tpu.dma_semaphore, #tpu.memory_space<semaphore_mem>>) src(%arg11 : memref<64x64xf32, #tpu.memory_space<vmem>>) dst(%dma_wait3A_224 : memref<64x64xf32, #tpu.memory_space<vmem_shared>>)
      tpu.yield
    }) : () -> ()
    %mul3A_144 = arith.constant 632 : i32
    %mul3A_145 = arith.muli %arg1, %mul3A_144 : i32
    %add3A_146 = arith.constant 512 : i32
    %add3A_147 = arith.addi %mul3A_145, %add3A_146 : i32
    "tpu.region"() ({
      %run_scoped3A_216 = tpu.sem_alloc : memref<!tpu.dma_semaphore, #tpu.memory_space<semaphore_mem>>
      %dma_start3A_217 = arith.constant 0 : i32
      %dma_start3A_218 = tpu.memref_slice %arg12[%add3A_147, %dma_start3A_217] : memref<10112x64xf32, #tpu.memory_space<vmem_shared>> -> memref<64x64xf32, #tpu.memory_space<vmem_shared>>
      %dma_start3A_219 = arith.constant 0 : i32
      %dma_start3A_220 = tpu.memref_slice %arg12[%add3A_147, %dma_start3A_219] : memref<10112x64xf32, #tpu.memory_space<vmem_shared>> -> memref<64x64xf32, #tpu.memory_space<vmem_shared>>
      tpu.enqueue_dma source(%arg11 : memref<64x64xf32, #tpu.memory_space<vmem>>) target(%dma_start3A_220 : memref<64x64xf32, #tpu.memory_space<vmem_shared>>) target_semaphore(%run_scoped3A_216 : memref<!tpu.dma_semaphore, #tpu.memory_space<semaphore_mem>>)
      %dma_wait3A_221 = arith.constant 0 : i32
      %dma_wait3A_222 = tpu.memref_slice %arg12[%add3A_147, %dma_wait3A_221] : memref<10112x64xf32, #tpu.memory_space<vmem_shared>> -> memref<64x64xf32, #tpu.memory_space<vmem_shared>>
      %dma_wait3A_223 = arith.constant 0 : i32
      %dma_wait3A_224 = tpu.memref_slice %arg12[%add3A_147, %dma_wait3A_223] : memref<10112x64xf32, #tpu.memory_space<vmem_shared>> -> memref<64x64xf32, #tpu.memory_space<vmem_shared>>
      tpu.wait_dma2 semaphore(%run_scoped3A_216 : memref<!tpu.dma_semaphore, #tpu.memory_space<semaphore_mem>>) src(%arg11 : memref<64x64xf32, #tpu.memory_space<vmem>>) dst(%dma_wait3A_224 : memref<64x64xf32, #tpu.memory_space<vmem_shared>>)
      tpu.yield
    }) : () -> ()
    %barrier3A_148 = arith.constant 0 : index
    tpu.barrier barrier_id(%barrier3A_148)
    %dma_start3A_149 = arith.constant 0 : i32
    %dma_start3A_150 = arith.constant 0 : i32
    %dma_start3A_151 = tpu.memref_slice %arg7[%dma_start3A_149, %dma_start3A_150] : memref<125x80xi32, #tpu.memory_space<vmem>> -> memref<1x80xi32, #tpu.memory_space<vmem>>
    %dma_start3A_152 = tpu.memref_squeeze %dma_start3A_151 : memref<1x80xi32, #tpu.memory_space<vmem>> -> memref<80xi32, #tpu.memory_space<vmem>>
    %dma_start3A_153 = arith.constant 0 : i32
    %dma_start3A_154 = arith.constant 0 : i32
    %dma_start3A_155 = tpu.memref_slice %arg3[%dma_start3A_153, %dma_start3A_154] : memref<10000x64xf32, #tpu.memory_space<hbm>> -> memref<10000x64xf32, #tpu.memory_space<hbm>>
    tpu.enqueue_indirect_dma source(%dma_start3A_155 : memref<10000x64xf32, #tpu.memory_space<hbm>>) target(%arg9 : memref<80x64xf32, #tpu.memory_space<vmem>>) offsets(%dma_start3A_152 : memref<80xi32, #tpu.memory_space<vmem>>) semaphore(%arg13 : memref<!tpu.dma_semaphore, #tpu.memory_space<semaphore_mem>>)
    %scan3A_156 = arith.constant 0 : i32
    %scan3A_157 = arith.constant 0 : i32
    %scan3A_158 = arith.constant 62 : i32
    %scan3A_159 = arith.addi %scan3A_157, %scan3A_158 : i32
    %scan3A_160 = arith.constant 1 : i32
    scf.for %scan3A_216 = %scan3A_157 to %scan3A_159 step %scan3A_160  : i32 {
      %mul3A_217 = arith.constant 2 : i32
      %mul3A_218 = arith.muli %mul3A_217, %scan3A_216 : i32
      %add3A_219 = arith.constant 1 : i32
      %add3A_220 = arith.addi %mul3A_218, %add3A_219 : i32
      %dma_start3A_221 = arith.constant 0 : i32
      %dma_start3A_222 = tpu.memref_slice %arg7[%add3A_220, %dma_start3A_221] : memref<125x80xi32, #tpu.memory_space<vmem>> -> memref<1x80xi32, #tpu.memory_space<vmem>>
      %dma_start3A_223 = tpu.memref_squeeze %dma_start3A_222 : memref<1x80xi32, #tpu.memory_space<vmem>> -> memref<80xi32, #tpu.memory_space<vmem>>
      %dma_start3A_224 = arith.constant 0 : i32
      %dma_start3A_225 = arith.constant 0 : i32
      %dma_start3A_226 = tpu.memref_slice %arg3[%dma_start3A_224, %dma_start3A_225] : memref<10000x64xf32, #tpu.memory_space<hbm>> -> memref<10000x64xf32, #tpu.memory_space<hbm>>
      tpu.enqueue_indirect_dma source(%dma_start3A_226 : memref<10000x64xf32, #tpu.memory_space<hbm>>) target(%arg10 : memref<80x64xf32, #tpu.memory_space<vmem>>) offsets(%dma_start3A_223 : memref<80xi32, #tpu.memory_space<vmem>>) semaphore(%arg14 : memref<!tpu.dma_semaphore, #tpu.memory_space<semaphore_mem>>)
      %dma_wait3A_227 = arith.constant 0 : i32
      %dma_wait3A_228 = tpu.memref_slice %arg7[%mul3A_218, %dma_wait3A_227] : memref<125x80xi32, #tpu.memory_space<vmem>> -> memref<1x80xi32, #tpu.memory_space<vmem>>
      %dma_wait3A_229 = tpu.memref_squeeze %dma_wait3A_228 : memref<1x80xi32, #tpu.memory_space<vmem>> -> memref<80xi32, #tpu.memory_space<vmem>>
      %dma_wait3A_230 = arith.constant 0 : i32
      %dma_wait3A_231 = arith.constant 0 : i32
      %dma_wait3A_232 = tpu.memref_slice %arg3[%dma_wait3A_230, %dma_wait3A_231] : memref<10000x64xf32, #tpu.memory_space<hbm>> -> memref<10000x64xf32, #tpu.memory_space<hbm>>
      tpu.wait_indirect_dma semaphore(%arg13 : memref<!tpu.dma_semaphore, #tpu.memory_space<semaphore_mem>>) src(%dma_wait3A_232 : memref<10000x64xf32, #tpu.memory_space<hbm>>) dst(%arg9 : memref<80x64xf32, #tpu.memory_space<vmem>>)
      "tpu.region"() ({
        %run_scoped3A_249 = tpu.sem_alloc : memref<!tpu.dma_semaphore, #tpu.memory_space<semaphore_mem>>
        %dma_start3A_250 = arith.constant 0 : i32
        %dma_start3A_251 = tpu.memref_slice %arg8[%mul3A_218, %dma_start3A_250] : memref<125x80xi32, #tpu.memory_space<vmem>> -> memref<1x80xi32, #tpu.memory_space<vmem>>
        %dma_start3A_252 = tpu.memref_squeeze %dma_start3A_251 : memref<1x80xi32, #tpu.memory_space<vmem>> -> memref<80xi32, #tpu.memory_space<vmem>>
        %dma_start3A_253 = arith.constant 0 : i32
        %dma_start3A_254 = arith.constant 0 : i32
        %dma_start3A_255 = tpu.memref_slice %arg12[%dma_start3A_253, %dma_start3A_254] : memref<10112x64xf32, #tpu.memory_space<vmem_shared>> -> memref<10112x64xf32, #tpu.memory_space<vmem_shared>>
        tpu.enqueue_indirect_dma source(%arg9 : memref<80x64xf32, #tpu.memory_space<vmem>>) target(%dma_start3A_255 : memref<10112x64xf32, #tpu.memory_space<vmem_shared>>) offsets(%dma_start3A_252 : memref<80xi32, #tpu.memory_space<vmem>>) semaphore(%run_scoped3A_249 : memref<!tpu.dma_semaphore, #tpu.memory_space<semaphore_mem>>) {add = true}
        %dma_wait3A_256 = arith.constant 0 : i32
        %dma_wait3A_257 = tpu.memref_slice %arg8[%mul3A_218, %dma_wait3A_256] : memref<125x80xi32, #tpu.memory_space<vmem>> -> memref<1x80xi32, #tpu.memory_space<vmem>>
        %dma_wait3A_258 = tpu.memref_squeeze %dma_wait3A_257 : memref<1x80xi32, #tpu.memory_space<vmem>> -> memref<80xi32, #tpu.memory_space<vmem>>
        %dma_wait3A_259 = arith.constant 0 : i32
        %dma_wait3A_260 = arith.constant 0 : i32
        %dma_wait3A_261 = tpu.memref_slice %arg12[%dma_wait3A_259, %dma_wait3A_260] : memref<10112x64xf32, #tpu.memory_space<vmem_shared>> -> memref<10112x64xf32, #tpu.memory_space<vmem_shared>>
        tpu.wait_indirect_dma semaphore(%run_scoped3A_249 : memref<!tpu.dma_semaphore, #tpu.memory_space<semaphore_mem>>) src(%arg9 : memref<80x64xf32, #tpu.memory_space<vmem>>) dst(%dma_wait3A_261 : memref<10112x64xf32, #tpu.memory_space<vmem_shared>>)
        tpu.yield
      }) : () -> ()
      %add3A_233 = arith.constant 2 : i32
      %add3A_234 = arith.addi %mul3A_218, %add3A_233 : i32
      %dma_start3A_235 = arith.constant 0 : i32
      %dma_start3A_236 = tpu.memref_slice %arg7[%add3A_234, %dma_start3A_235] : memref<125x80xi32, #tpu.memory_space<vmem>> -> memref<1x80xi32, #tpu.memory_space<vmem>>
      %dma_start3A_237 = tpu.memref_squeeze %dma_start3A_236 : memref<1x80xi32, #tpu.memory_space<vmem>> -> memref<80xi32, #tpu.memory_space<vmem>>
      %dma_start3A_238 = arith.constant 0 : i32
      %dma_start3A_239 = arith.constant 0 : i32
      %dma_start3A_240 = tpu.memref_slice %arg3[%dma_start3A_238, %dma_start3A_239] : memref<10000x64xf32, #tpu.memory_space<hbm>> -> memref<10000x64xf32, #tpu.memory_space<hbm>>
      tpu.enqueue_indirect_dma source(%dma_start3A_240 : memref<10000x64xf32, #tpu.memory_space<hbm>>) target(%arg9 : memref<80x64xf32, #tpu.memory_space<vmem>>) offsets(%dma_start3A_237 : memref<80xi32, #tpu.memory_space<vmem>>) semaphore(%arg13 : memref<!tpu.dma_semaphore, #tpu.memory_space<semaphore_mem>>)
      %add3A_241 = arith.constant 1 : i32
      %add3A_242 = arith.addi %mul3A_218, %add3A_241 : i32
      %dma_wait3A_243 = arith.constant 0 : i32
      %dma_wait3A_244 = tpu.memref_slice %arg7[%add3A_242, %dma_wait3A_243] : memref<125x80xi32, #tpu.memory_space<vmem>> -> memref<1x80xi32, #tpu.memory_space<vmem>>
      %dma_wait3A_245 = tpu.memref_squeeze %dma_wait3A_244 : memref<1x80xi32, #tpu.memory_space<vmem>> -> memref<80xi32, #tpu.memory_space<vmem>>
      %dma_wait3A_246 = arith.constant 0 : i32
      %dma_wait3A_247 = arith.constant 0 : i32
      %dma_wait3A_248 = tpu.memref_slice %arg3[%dma_wait3A_246, %dma_wait3A_247] : memref<10000x64xf32, #tpu.memory_space<hbm>> -> memref<10000x64xf32, #tpu.memory_space<hbm>>
      tpu.wait_indirect_dma semaphore(%arg14 : memref<!tpu.dma_semaphore, #tpu.memory_space<semaphore_mem>>) src(%dma_wait3A_248 : memref<10000x64xf32, #tpu.memory_space<hbm>>) dst(%arg10 : memref<80x64xf32, #tpu.memory_space<vmem>>)
      "tpu.region"() ({
        %run_scoped3A_249 = tpu.sem_alloc : memref<!tpu.dma_semaphore, #tpu.memory_space<semaphore_mem>>
        %dma_start3A_250 = arith.constant 0 : i32
        %dma_start3A_251 = tpu.memref_slice %arg8[%add3A_242, %dma_start3A_250] : memref<125x80xi32, #tpu.memory_space<vmem>> -> memref<1x80xi32, #tpu.memory_space<vmem>>
        %dma_start3A_252 = tpu.memref_squeeze %dma_start3A_251 : memref<1x80xi32, #tpu.memory_space<vmem>> -> memref<80xi32, #tpu.memory_space<vmem>>
        %dma_start3A_253 = arith.constant 0 : i32
        %dma_start3A_254 = arith.constant 0 : i32
        %dma_start3A_255 = tpu.memref_slice %arg12[%dma_start3A_253, %dma_start3A_254] : memref<10112x64xf32, #tpu.memory_space<vmem_shared>> -> memref<10112x64xf32, #tpu.memory_space<vmem_shared>>
        tpu.enqueue_indirect_dma source(%arg10 : memref<80x64xf32, #tpu.memory_space<vmem>>) target(%dma_start3A_255 : memref<10112x64xf32, #tpu.memory_space<vmem_shared>>) offsets(%dma_start3A_252 : memref<80xi32, #tpu.memory_space<vmem>>) semaphore(%run_scoped3A_249 : memref<!tpu.dma_semaphore, #tpu.memory_space<semaphore_mem>>) {add = true}
        %dma_wait3A_256 = arith.constant 0 : i32
        %dma_wait3A_257 = tpu.memref_slice %arg8[%add3A_242, %dma_wait3A_256] : memref<125x80xi32, #tpu.memory_space<vmem>> -> memref<1x80xi32, #tpu.memory_space<vmem>>
        %dma_wait3A_258 = tpu.memref_squeeze %dma_wait3A_257 : memref<1x80xi32, #tpu.memory_space<vmem>> -> memref<80xi32, #tpu.memory_space<vmem>>
        %dma_wait3A_259 = arith.constant 0 : i32
        %dma_wait3A_260 = arith.constant 0 : i32
        %dma_wait3A_261 = tpu.memref_slice %arg12[%dma_wait3A_259, %dma_wait3A_260] : memref<10112x64xf32, #tpu.memory_space<vmem_shared>> -> memref<10112x64xf32, #tpu.memory_space<vmem_shared>>
        tpu.wait_indirect_dma semaphore(%run_scoped3A_249 : memref<!tpu.dma_semaphore, #tpu.memory_space<semaphore_mem>>) src(%arg10 : memref<80x64xf32, #tpu.memory_space<vmem>>) dst(%dma_wait3A_261 : memref<10112x64xf32, #tpu.memory_space<vmem_shared>>)
        tpu.yield
      }) : () -> ()
    }
    %scan3A_161 = arith.constant 62 : i32
    %dma_wait3A_162 = arith.constant 124 : i32
    %dma_wait3A_163 = arith.constant 0 : i32
    %dma_wait3A_164 = tpu.memref_slice %arg7[%dma_wait3A_162, %dma_wait3A_163] : memref<125x80xi32, #tpu.memory_space<vmem>> -> memref<1x80xi32, #tpu.memory_space<vmem>>
    %dma_wait3A_165 = tpu.memref_squeeze %dma_wait3A_164 : memref<1x80xi32, #tpu.memory_space<vmem>> -> memref<80xi32, #tpu.memory_space<vmem>>
    %dma_wait3A_166 = arith.constant 0 : i32
    %dma_wait3A_167 = arith.constant 0 : i32
    %dma_wait3A_168 = tpu.memref_slice %arg3[%dma_wait3A_166, %dma_wait3A_167] : memref<10000x64xf32, #tpu.memory_space<hbm>> -> memref<10000x64xf32, #tpu.memory_space<hbm>>
    tpu.wait_indirect_dma semaphore(%arg13 : memref<!tpu.dma_semaphore, #tpu.memory_space<semaphore_mem>>) src(%dma_wait3A_168 : memref<10000x64xf32, #tpu.memory_space<hbm>>) dst(%arg9 : memref<80x64xf32, #tpu.memory_space<vmem>>)
    %run_scoped3A_169 = arith.constant 124 : i32
    "tpu.region"() ({
      %run_scoped3A_216 = tpu.sem_alloc : memref<!tpu.dma_semaphore, #tpu.memory_space<semaphore_mem>>
      %dma_start3A_217 = arith.constant 0 : i32
      %dma_start3A_218 = tpu.memref_slice %arg8[%run_scoped3A_169, %dma_start3A_217] : memref<125x80xi32, #tpu.memory_space<vmem>> -> memref<1x80xi32, #tpu.memory_space<vmem>>
      %dma_start3A_219 = tpu.memref_squeeze %dma_start3A_218 : memref<1x80xi32, #tpu.memory_space<vmem>> -> memref<80xi32, #tpu.memory_space<vmem>>
      %dma_start3A_220 = arith.constant 0 : i32
      %dma_start3A_221 = arith.constant 0 : i32
      %dma_start3A_222 = tpu.memref_slice %arg12[%dma_start3A_220, %dma_start3A_221] : memref<10112x64xf32, #tpu.memory_space<vmem_shared>> -> memref<10112x64xf32, #tpu.memory_space<vmem_shared>>
      tpu.enqueue_indirect_dma source(%arg9 : memref<80x64xf32, #tpu.memory_space<vmem>>) target(%dma_start3A_222 : memref<10112x64xf32, #tpu.memory_space<vmem_shared>>) offsets(%dma_start3A_219 : memref<80xi32, #tpu.memory_space<vmem>>) semaphore(%run_scoped3A_216 : memref<!tpu.dma_semaphore, #tpu.memory_space<semaphore_mem>>) {add = true}
      %dma_wait3A_223 = arith.constant 0 : i32
      %dma_wait3A_224 = tpu.memref_slice %arg8[%run_scoped3A_169, %dma_wait3A_223] : memref<125x80xi32, #tpu.memory_space<vmem>> -> memref<1x80xi32, #tpu.memory_space<vmem>>
      %dma_wait3A_225 = tpu.memref_squeeze %dma_wait3A_224 : memref<1x80xi32, #tpu.memory_space<vmem>> -> memref<80xi32, #tpu.memory_space<vmem>>
      %dma_wait3A_226 = arith.constant 0 : i32
      %dma_wait3A_227 = arith.constant 0 : i32
      %dma_wait3A_228 = tpu.memref_slice %arg12[%dma_wait3A_226, %dma_wait3A_227] : memref<10112x64xf32, #tpu.memory_space<vmem_shared>> -> memref<10112x64xf32, #tpu.memory_space<vmem_shared>>
      tpu.wait_indirect_dma semaphore(%run_scoped3A_216 : memref<!tpu.dma_semaphore, #tpu.memory_space<semaphore_mem>>) src(%arg9 : memref<80x64xf32, #tpu.memory_space<vmem>>) dst(%dma_wait3A_228 : memref<10112x64xf32, #tpu.memory_space<vmem_shared>>)
      tpu.yield
    }) : () -> ()
    %barrier3A_170 = arith.constant 0 : index
    tpu.barrier barrier_id(%barrier3A_170)
    %mul3A_171 = arith.constant 632 : i32
    %mul3A_172 = arith.muli %arg1, %mul3A_171 : i32
    %add3A_173 = arith.constant 0 : i32
    %add3A_174 = arith.addi %mul3A_172, %add3A_173 : i32
    "tpu.region"() ({
      %run_scoped3A_216 = tpu.sem_alloc : memref<!tpu.dma_semaphore, #tpu.memory_space<semaphore_mem>>
      %dma_start3A_217 = arith.constant 0 : i32
      %dma_start3A_218 = tpu.memref_slice %arg12[%add3A_174, %dma_start3A_217] : memref<10112x64xf32, #tpu.memory_space<vmem_shared>> -> memref<64x64xf32, #tpu.memory_space<vmem_shared>>
      %dma_start3A_219 = arith.constant 0 : i32
      %dma_start3A_220 = tpu.memref_slice %arg12[%add3A_174, %dma_start3A_219] : memref<10112x64xf32, #tpu.memory_space<vmem_shared>> -> memref<64x64xf32, #tpu.memory_space<vmem_shared>>
      tpu.enqueue_dma source(%dma_start3A_220 : memref<64x64xf32, #tpu.memory_space<vmem_shared>>) target(%arg11 : memref<64x64xf32, #tpu.memory_space<vmem>>) target_semaphore(%run_scoped3A_216 : memref<!tpu.dma_semaphore, #tpu.memory_space<semaphore_mem>>)
      %dma_wait3A_221 = arith.constant 0 : i32
      %dma_wait3A_222 = tpu.memref_slice %arg12[%add3A_174, %dma_wait3A_221] : memref<10112x64xf32, #tpu.memory_space<vmem_shared>> -> memref<64x64xf32, #tpu.memory_space<vmem_shared>>
      %dma_wait3A_223 = arith.constant 0 : i32
      %dma_wait3A_224 = tpu.memref_slice %arg12[%add3A_174, %dma_wait3A_223] : memref<10112x64xf32, #tpu.memory_space<vmem_shared>> -> memref<64x64xf32, #tpu.memory_space<vmem_shared>>
      tpu.wait_dma2 semaphore(%run_scoped3A_216 : memref<!tpu.dma_semaphore, #tpu.memory_space<semaphore_mem>>) src(%dma_wait3A_224 : memref<64x64xf32, #tpu.memory_space<vmem_shared>>) dst(%arg11 : memref<64x64xf32, #tpu.memory_space<vmem>>)
      tpu.yield
    }) : () -> ()
    %run_scoped3A_175 = arith.constant 1 : i32
    "tpu.region"() ({
      %run_scoped3A_216 = tpu.sem_alloc : memref<!tpu.dma_semaphore, #tpu.memory_space<semaphore_mem>>
      %dma_start3A_217 = arith.constant 0 : i32
      %dma_start3A_218 = tpu.memref_slice %arg6[%run_scoped3A_175, %arg0, %add3A_174, %dma_start3A_217] : memref<2x2x10112x64xf32, #tpu.memory_space<hbm>> -> memref<1x1x64x64xf32, #tpu.memory_space<hbm>>
      %dma_start3A_219 = tpu.memref_squeeze %dma_start3A_218 : memref<1x1x64x64xf32, #tpu.memory_space<hbm>> -> memref<64x64xf32, #tpu.memory_space<hbm>>
      %dma_start3A_220 = arith.constant 0 : i32
      %dma_start3A_221 = tpu.memref_slice %arg6[%run_scoped3A_175, %arg0, %add3A_174, %dma_start3A_220] : memref<2x2x10112x64xf32, #tpu.memory_space<hbm>> -> memref<1x1x64x64xf32, #tpu.memory_space<hbm>>
      %dma_start3A_222 = tpu.memref_squeeze %dma_start3A_221 : memref<1x1x64x64xf32, #tpu.memory_space<hbm>> -> memref<64x64xf32, #tpu.memory_space<hbm>>
      tpu.enqueue_dma source(%arg11 : memref<64x64xf32, #tpu.memory_space<vmem>>) target(%dma_start3A_222 : memref<64x64xf32, #tpu.memory_space<hbm>>) target_semaphore(%run_scoped3A_216 : memref<!tpu.dma_semaphore, #tpu.memory_space<semaphore_mem>>)
      %dma_wait3A_223 = arith.constant 0 : i32
      %dma_wait3A_224 = tpu.memref_slice %arg6[%run_scoped3A_175, %arg0, %add3A_174, %dma_wait3A_223] : memref<2x2x10112x64xf32, #tpu.memory_space<hbm>> -> memref<1x1x64x64xf32, #tpu.memory_space<hbm>>
      %dma_wait3A_225 = tpu.memref_squeeze %dma_wait3A_224 : memref<1x1x64x64xf32, #tpu.memory_space<hbm>> -> memref<64x64xf32, #tpu.memory_space<hbm>>
      %dma_wait3A_226 = arith.constant 0 : i32
      %dma_wait3A_227 = tpu.memref_slice %arg6[%run_scoped3A_175, %arg0, %add3A_174, %dma_wait3A_226] : memref<2x2x10112x64xf32, #tpu.memory_space<hbm>> -> memref<1x1x64x64xf32, #tpu.memory_space<hbm>>
      %dma_wait3A_228 = tpu.memref_squeeze %dma_wait3A_227 : memref<1x1x64x64xf32, #tpu.memory_space<hbm>> -> memref<64x64xf32, #tpu.memory_space<hbm>>
      tpu.wait_dma2 semaphore(%run_scoped3A_216 : memref<!tpu.dma_semaphore, #tpu.memory_space<semaphore_mem>>) src(%arg11 : memref<64x64xf32, #tpu.memory_space<vmem>>) dst(%dma_wait3A_228 : memref<64x64xf32, #tpu.memory_space<hbm>>)
      tpu.yield
    }) : () -> ()
    %mul3A_176 = arith.constant 632 : i32
    %mul3A_177 = arith.muli %arg1, %mul3A_176 : i32
    %add3A_178 = arith.constant 64 : i32
    %add3A_179 = arith.addi %mul3A_177, %add3A_178 : i32
    "tpu.region"() ({
      %run_scoped3A_216 = tpu.sem_alloc : memref<!tpu.dma_semaphore, #tpu.memory_space<semaphore_mem>>
      %dma_start3A_217 = arith.constant 0 : i32
      %dma_start3A_218 = tpu.memref_slice %arg12[%add3A_179, %dma_start3A_217] : memref<10112x64xf32, #tpu.memory_space<vmem_shared>> -> memref<64x64xf32, #tpu.memory_space<vmem_shared>>
      %dma_start3A_219 = arith.constant 0 : i32
      %dma_start3A_220 = tpu.memref_slice %arg12[%add3A_179, %dma_start3A_219] : memref<10112x64xf32, #tpu.memory_space<vmem_shared>> -> memref<64x64xf32, #tpu.memory_space<vmem_shared>>
      tpu.enqueue_dma source(%dma_start3A_220 : memref<64x64xf32, #tpu.memory_space<vmem_shared>>) target(%arg11 : memref<64x64xf32, #tpu.memory_space<vmem>>) target_semaphore(%run_scoped3A_216 : memref<!tpu.dma_semaphore, #tpu.memory_space<semaphore_mem>>)
      %dma_wait3A_221 = arith.constant 0 : i32
      %dma_wait3A_222 = tpu.memref_slice %arg12[%add3A_179, %dma_wait3A_221] : memref<10112x64xf32, #tpu.memory_space<vmem_shared>> -> memref<64x64xf32, #tpu.memory_space<vmem_shared>>
      %dma_wait3A_223 = arith.constant 0 : i32
      %dma_wait3A_224 = tpu.memref_slice %arg12[%add3A_179, %dma_wait3A_223] : memref<10112x64xf32, #tpu.memory_space<vmem_shared>> -> memref<64x64xf32, #tpu.memory_space<vmem_shared>>
      tpu.wait_dma2 semaphore(%run_scoped3A_216 : memref<!tpu.dma_semaphore, #tpu.memory_space<semaphore_mem>>) src(%dma_wait3A_224 : memref<64x64xf32, #tpu.memory_space<vmem_shared>>) dst(%arg11 : memref<64x64xf32, #tpu.memory_space<vmem>>)
      tpu.yield
    }) : () -> ()
    %run_scoped3A_180 = arith.constant 1 : i32
    "tpu.region"() ({
      %run_scoped3A_216 = tpu.sem_alloc : memref<!tpu.dma_semaphore, #tpu.memory_space<semaphore_mem>>
      %dma_start3A_217 = arith.constant 0 : i32
      %dma_start3A_218 = tpu.memref_slice %arg6[%run_scoped3A_180, %arg0, %add3A_179, %dma_start3A_217] : memref<2x2x10112x64xf32, #tpu.memory_space<hbm>> -> memref<1x1x64x64xf32, #tpu.memory_space<hbm>>
      %dma_start3A_219 = tpu.memref_squeeze %dma_start3A_218 : memref<1x1x64x64xf32, #tpu.memory_space<hbm>> -> memref<64x64xf32, #tpu.memory_space<hbm>>
      %dma_start3A_220 = arith.constant 0 : i32
      %dma_start3A_221 = tpu.memref_slice %arg6[%run_scoped3A_180, %arg0, %add3A_179, %dma_start3A_220] : memref<2x2x10112x64xf32, #tpu.memory_space<hbm>> -> memref<1x1x64x64xf32, #tpu.memory_space<hbm>>
      %dma_start3A_222 = tpu.memref_squeeze %dma_start3A_221 : memref<1x1x64x64xf32, #tpu.memory_space<hbm>> -> memref<64x64xf32, #tpu.memory_space<hbm>>
      tpu.enqueue_dma source(%arg11 : memref<64x64xf32, #tpu.memory_space<vmem>>) target(%dma_start3A_222 : memref<64x64xf32, #tpu.memory_space<hbm>>) target_semaphore(%run_scoped3A_216 : memref<!tpu.dma_semaphore, #tpu.memory_space<semaphore_mem>>)
      %dma_wait3A_223 = arith.constant 0 : i32
      %dma_wait3A_224 = tpu.memref_slice %arg6[%run_scoped3A_180, %arg0, %add3A_179, %dma_wait3A_223] : memref<2x2x10112x64xf32, #tpu.memory_space<hbm>> -> memref<1x1x64x64xf32, #tpu.memory_space<hbm>>
      %dma_wait3A_225 = tpu.memref_squeeze %dma_wait3A_224 : memref<1x1x64x64xf32, #tpu.memory_space<hbm>> -> memref<64x64xf32, #tpu.memory_space<hbm>>
      %dma_wait3A_226 = arith.constant 0 : i32
      %dma_wait3A_227 = tpu.memref_slice %arg6[%run_scoped3A_180, %arg0, %add3A_179, %dma_wait3A_226] : memref<2x2x10112x64xf32, #tpu.memory_space<hbm>> -> memref<1x1x64x64xf32, #tpu.memory_space<hbm>>
      %dma_wait3A_228 = tpu.memref_squeeze %dma_wait3A_227 : memref<1x1x64x64xf32, #tpu.memory_space<hbm>> -> memref<64x64xf32, #tpu.memory_space<hbm>>
      tpu.wait_dma2 semaphore(%run_scoped3A_216 : memref<!tpu.dma_semaphore, #tpu.memory_space<semaphore_mem>>) src(%arg11 : memref<64x64xf32, #tpu.memory_space<vmem>>) dst(%dma_wait3A_228 : memref<64x64xf32, #tpu.memory_space<hbm>>)
      tpu.yield
    }) : () -> ()
    %mul3A_181 = arith.constant 632 : i32
    %mul3A_182 = arith.muli %arg1, %mul3A_181 : i32
    %add3A_183 = arith.constant 128 : i32
    %add3A_184 = arith.addi %mul3A_182, %add3A_183 : i32
    "tpu.region"() ({
      %run_scoped3A_216 = tpu.sem_alloc : memref<!tpu.dma_semaphore, #tpu.memory_space<semaphore_mem>>
      %dma_start3A_217 = arith.constant 0 : i32
      %dma_start3A_218 = tpu.memref_slice %arg12[%add3A_184, %dma_start3A_217] : memref<10112x64xf32, #tpu.memory_space<vmem_shared>> -> memref<64x64xf32, #tpu.memory_space<vmem_shared>>
      %dma_start3A_219 = arith.constant 0 : i32
      %dma_start3A_220 = tpu.memref_slice %arg12[%add3A_184, %dma_start3A_219] : memref<10112x64xf32, #tpu.memory_space<vmem_shared>> -> memref<64x64xf32, #tpu.memory_space<vmem_shared>>
      tpu.enqueue_dma source(%dma_start3A_220 : memref<64x64xf32, #tpu.memory_space<vmem_shared>>) target(%arg11 : memref<64x64xf32, #tpu.memory_space<vmem>>) target_semaphore(%run_scoped3A_216 : memref<!tpu.dma_semaphore, #tpu.memory_space<semaphore_mem>>)
      %dma_wait3A_221 = arith.constant 0 : i32
      %dma_wait3A_222 = tpu.memref_slice %arg12[%add3A_184, %dma_wait3A_221] : memref<10112x64xf32, #tpu.memory_space<vmem_shared>> -> memref<64x64xf32, #tpu.memory_space<vmem_shared>>
      %dma_wait3A_223 = arith.constant 0 : i32
      %dma_wait3A_224 = tpu.memref_slice %arg12[%add3A_184, %dma_wait3A_223] : memref<10112x64xf32, #tpu.memory_space<vmem_shared>> -> memref<64x64xf32, #tpu.memory_space<vmem_shared>>
      tpu.wait_dma2 semaphore(%run_scoped3A_216 : memref<!tpu.dma_semaphore, #tpu.memory_space<semaphore_mem>>) src(%dma_wait3A_224 : memref<64x64xf32, #tpu.memory_space<vmem_shared>>) dst(%arg11 : memref<64x64xf32, #tpu.memory_space<vmem>>)
      tpu.yield
    }) : () -> ()
    %run_scoped3A_185 = arith.constant 1 : i32
    "tpu.region"() ({
      %run_scoped3A_216 = tpu.sem_alloc : memref<!tpu.dma_semaphore, #tpu.memory_space<semaphore_mem>>
      %dma_start3A_217 = arith.constant 0 : i32
      %dma_start3A_218 = tpu.memref_slice %arg6[%run_scoped3A_185, %arg0, %add3A_184, %dma_start3A_217] : memref<2x2x10112x64xf32, #tpu.memory_space<hbm>> -> memref<1x1x64x64xf32, #tpu.memory_space<hbm>>
      %dma_start3A_219 = tpu.memref_squeeze %dma_start3A_218 : memref<1x1x64x64xf32, #tpu.memory_space<hbm>> -> memref<64x64xf32, #tpu.memory_space<hbm>>
      %dma_start3A_220 = arith.constant 0 : i32
      %dma_start3A_221 = tpu.memref_slice %arg6[%run_scoped3A_185, %arg0, %add3A_184, %dma_start3A_220] : memref<2x2x10112x64xf32, #tpu.memory_space<hbm>> -> memref<1x1x64x64xf32, #tpu.memory_space<hbm>>
      %dma_start3A_222 = tpu.memref_squeeze %dma_start3A_221 : memref<1x1x64x64xf32, #tpu.memory_space<hbm>> -> memref<64x64xf32, #tpu.memory_space<hbm>>
      tpu.enqueue_dma source(%arg11 : memref<64x64xf32, #tpu.memory_space<vmem>>) target(%dma_start3A_222 : memref<64x64xf32, #tpu.memory_space<hbm>>) target_semaphore(%run_scoped3A_216 : memref<!tpu.dma_semaphore, #tpu.memory_space<semaphore_mem>>)
      %dma_wait3A_223 = arith.constant 0 : i32
      %dma_wait3A_224 = tpu.memref_slice %arg6[%run_scoped3A_185, %arg0, %add3A_184, %dma_wait3A_223] : memref<2x2x10112x64xf32, #tpu.memory_space<hbm>> -> memref<1x1x64x64xf32, #tpu.memory_space<hbm>>
      %dma_wait3A_225 = tpu.memref_squeeze %dma_wait3A_224 : memref<1x1x64x64xf32, #tpu.memory_space<hbm>> -> memref<64x64xf32, #tpu.memory_space<hbm>>
      %dma_wait3A_226 = arith.constant 0 : i32
      %dma_wait3A_227 = tpu.memref_slice %arg6[%run_scoped3A_185, %arg0, %add3A_184, %dma_wait3A_226] : memref<2x2x10112x64xf32, #tpu.memory_space<hbm>> -> memref<1x1x64x64xf32, #tpu.memory_space<hbm>>
      %dma_wait3A_228 = tpu.memref_squeeze %dma_wait3A_227 : memref<1x1x64x64xf32, #tpu.memory_space<hbm>> -> memref<64x64xf32, #tpu.memory_space<hbm>>
      tpu.wait_dma2 semaphore(%run_scoped3A_216 : memref<!tpu.dma_semaphore, #tpu.memory_space<semaphore_mem>>) src(%arg11 : memref<64x64xf32, #tpu.memory_space<vmem>>) dst(%dma_wait3A_228 : memref<64x64xf32, #tpu.memory_space<hbm>>)
      tpu.yield
    }) : () -> ()
    %mul3A_186 = arith.constant 632 : i32
    %mul3A_187 = arith.muli %arg1, %mul3A_186 : i32
    %add3A_188 = arith.constant 192 : i32
    %add3A_189 = arith.addi %mul3A_187, %add3A_188 : i32
    "tpu.region"() ({
      %run_scoped3A_216 = tpu.sem_alloc : memref<!tpu.dma_semaphore, #tpu.memory_space<semaphore_mem>>
      %dma_start3A_217 = arith.constant 0 : i32
      %dma_start3A_218 = tpu.memref_slice %arg12[%add3A_189, %dma_start3A_217] : memref<10112x64xf32, #tpu.memory_space<vmem_shared>> -> memref<64x64xf32, #tpu.memory_space<vmem_shared>>
      %dma_start3A_219 = arith.constant 0 : i32
      %dma_start3A_220 = tpu.memref_slice %arg12[%add3A_189, %dma_start3A_219] : memref<10112x64xf32, #tpu.memory_space<vmem_shared>> -> memref<64x64xf32, #tpu.memory_space<vmem_shared>>
      tpu.enqueue_dma source(%dma_start3A_220 : memref<64x64xf32, #tpu.memory_space<vmem_shared>>) target(%arg11 : memref<64x64xf32, #tpu.memory_space<vmem>>) target_semaphore(%run_scoped3A_216 : memref<!tpu.dma_semaphore, #tpu.memory_space<semaphore_mem>>)
      %dma_wait3A_221 = arith.constant 0 : i32
      %dma_wait3A_222 = tpu.memref_slice %arg12[%add3A_189, %dma_wait3A_221] : memref<10112x64xf32, #tpu.memory_space<vmem_shared>> -> memref<64x64xf32, #tpu.memory_space<vmem_shared>>
      %dma_wait3A_223 = arith.constant 0 : i32
      %dma_wait3A_224 = tpu.memref_slice %arg12[%add3A_189, %dma_wait3A_223] : memref<10112x64xf32, #tpu.memory_space<vmem_shared>> -> memref<64x64xf32, #tpu.memory_space<vmem_shared>>
      tpu.wait_dma2 semaphore(%run_scoped3A_216 : memref<!tpu.dma_semaphore, #tpu.memory_space<semaphore_mem>>) src(%dma_wait3A_224 : memref<64x64xf32, #tpu.memory_space<vmem_shared>>) dst(%arg11 : memref<64x64xf32, #tpu.memory_space<vmem>>)
      tpu.yield
    }) : () -> ()
    %run_scoped3A_190 = arith.constant 1 : i32
    "tpu.region"() ({
      %run_scoped3A_216 = tpu.sem_alloc : memref<!tpu.dma_semaphore, #tpu.memory_space<semaphore_mem>>
      %dma_start3A_217 = arith.constant 0 : i32
      %dma_start3A_218 = tpu.memref_slice %arg6[%run_scoped3A_190, %arg0, %add3A_189, %dma_start3A_217] : memref<2x2x10112x64xf32, #tpu.memory_space<hbm>> -> memref<1x1x64x64xf32, #tpu.memory_space<hbm>>
      %dma_start3A_219 = tpu.memref_squeeze %dma_start3A_218 : memref<1x1x64x64xf32, #tpu.memory_space<hbm>> -> memref<64x64xf32, #tpu.memory_space<hbm>>
      %dma_start3A_220 = arith.constant 0 : i32
      %dma_start3A_221 = tpu.memref_slice %arg6[%run_scoped3A_190, %arg0, %add3A_189, %dma_start3A_220] : memref<2x2x10112x64xf32, #tpu.memory_space<hbm>> -> memref<1x1x64x64xf32, #tpu.memory_space<hbm>>
      %dma_start3A_222 = tpu.memref_squeeze %dma_start3A_221 : memref<1x1x64x64xf32, #tpu.memory_space<hbm>> -> memref<64x64xf32, #tpu.memory_space<hbm>>
      tpu.enqueue_dma source(%arg11 : memref<64x64xf32, #tpu.memory_space<vmem>>) target(%dma_start3A_222 : memref<64x64xf32, #tpu.memory_space<hbm>>) target_semaphore(%run_scoped3A_216 : memref<!tpu.dma_semaphore, #tpu.memory_space<semaphore_mem>>)
      %dma_wait3A_223 = arith.constant 0 : i32
      %dma_wait3A_224 = tpu.memref_slice %arg6[%run_scoped3A_190, %arg0, %add3A_189, %dma_wait3A_223] : memref<2x2x10112x64xf32, #tpu.memory_space<hbm>> -> memref<1x1x64x64xf32, #tpu.memory_space<hbm>>
      %dma_wait3A_225 = tpu.memref_squeeze %dma_wait3A_224 : memref<1x1x64x64xf32, #tpu.memory_space<hbm>> -> memref<64x64xf32, #tpu.memory_space<hbm>>
      %dma_wait3A_226 = arith.constant 0 : i32
      %dma_wait3A_227 = tpu.memref_slice %arg6[%run_scoped3A_190, %arg0, %add3A_189, %dma_wait3A_226] : memref<2x2x10112x64xf32, #tpu.memory_space<hbm>> -> memref<1x1x64x64xf32, #tpu.memory_space<hbm>>
      %dma_wait3A_228 = tpu.memref_squeeze %dma_wait3A_227 : memref<1x1x64x64xf32, #tpu.memory_space<hbm>> -> memref<64x64xf32, #tpu.memory_space<hbm>>
      tpu.wait_dma2 semaphore(%run_scoped3A_216 : memref<!tpu.dma_semaphore, #tpu.memory_space<semaphore_mem>>) src(%arg11 : memref<64x64xf32, #tpu.memory_space<vmem>>) dst(%dma_wait3A_228 : memref<64x64xf32, #tpu.memory_space<hbm>>)
      tpu.yield
    }) : () -> ()
    %mul3A_191 = arith.constant 632 : i32
    %mul3A_192 = arith.muli %arg1, %mul3A_191 : i32
    %add3A_193 = arith.constant 256 : i32
    %add3A_194 = arith.addi %mul3A_192, %add3A_193 : i32
    "tpu.region"() ({
      %run_scoped3A_216 = tpu.sem_alloc : memref<!tpu.dma_semaphore, #tpu.memory_space<semaphore_mem>>
      %dma_start3A_217 = arith.constant 0 : i32
      %dma_start3A_218 = tpu.memref_slice %arg12[%add3A_194, %dma_start3A_217] : memref<10112x64xf32, #tpu.memory_space<vmem_shared>> -> memref<64x64xf32, #tpu.memory_space<vmem_shared>>
      %dma_start3A_219 = arith.constant 0 : i32
      %dma_start3A_220 = tpu.memref_slice %arg12[%add3A_194, %dma_start3A_219] : memref<10112x64xf32, #tpu.memory_space<vmem_shared>> -> memref<64x64xf32, #tpu.memory_space<vmem_shared>>
      tpu.enqueue_dma source(%dma_start3A_220 : memref<64x64xf32, #tpu.memory_space<vmem_shared>>) target(%arg11 : memref<64x64xf32, #tpu.memory_space<vmem>>) target_semaphore(%run_scoped3A_216 : memref<!tpu.dma_semaphore, #tpu.memory_space<semaphore_mem>>)
      %dma_wait3A_221 = arith.constant 0 : i32
      %dma_wait3A_222 = tpu.memref_slice %arg12[%add3A_194, %dma_wait3A_221] : memref<10112x64xf32, #tpu.memory_space<vmem_shared>> -> memref<64x64xf32, #tpu.memory_space<vmem_shared>>
      %dma_wait3A_223 = arith.constant 0 : i32
      %dma_wait3A_224 = tpu.memref_slice %arg12[%add3A_194, %dma_wait3A_223] : memref<10112x64xf32, #tpu.memory_space<vmem_shared>> -> memref<64x64xf32, #tpu.memory_space<vmem_shared>>
      tpu.wait_dma2 semaphore(%run_scoped3A_216 : memref<!tpu.dma_semaphore, #tpu.memory_space<semaphore_mem>>) src(%dma_wait3A_224 : memref<64x64xf32, #tpu.memory_space<vmem_shared>>) dst(%arg11 : memref<64x64xf32, #tpu.memory_space<vmem>>)
      tpu.yield
    }) : () -> ()
    %run_scoped3A_195 = arith.constant 1 : i32
    "tpu.region"() ({
      %run_scoped3A_216 = tpu.sem_alloc : memref<!tpu.dma_semaphore, #tpu.memory_space<semaphore_mem>>
      %dma_start3A_217 = arith.constant 0 : i32
      %dma_start3A_218 = tpu.memref_slice %arg6[%run_scoped3A_195, %arg0, %add3A_194, %dma_start3A_217] : memref<2x2x10112x64xf32, #tpu.memory_space<hbm>> -> memref<1x1x64x64xf32, #tpu.memory_space<hbm>>
      %dma_start3A_219 = tpu.memref_squeeze %dma_start3A_218 : memref<1x1x64x64xf32, #tpu.memory_space<hbm>> -> memref<64x64xf32, #tpu.memory_space<hbm>>
      %dma_start3A_220 = arith.constant 0 : i32
      %dma_start3A_221 = tpu.memref_slice %arg6[%run_scoped3A_195, %arg0, %add3A_194, %dma_start3A_220] : memref<2x2x10112x64xf32, #tpu.memory_space<hbm>> -> memref<1x1x64x64xf32, #tpu.memory_space<hbm>>
      %dma_start3A_222 = tpu.memref_squeeze %dma_start3A_221 : memref<1x1x64x64xf32, #tpu.memory_space<hbm>> -> memref<64x64xf32, #tpu.memory_space<hbm>>
      tpu.enqueue_dma source(%arg11 : memref<64x64xf32, #tpu.memory_space<vmem>>) target(%dma_start3A_222 : memref<64x64xf32, #tpu.memory_space<hbm>>) target_semaphore(%run_scoped3A_216 : memref<!tpu.dma_semaphore, #tpu.memory_space<semaphore_mem>>)
      %dma_wait3A_223 = arith.constant 0 : i32
      %dma_wait3A_224 = tpu.memref_slice %arg6[%run_scoped3A_195, %arg0, %add3A_194, %dma_wait3A_223] : memref<2x2x10112x64xf32, #tpu.memory_space<hbm>> -> memref<1x1x64x64xf32, #tpu.memory_space<hbm>>
      %dma_wait3A_225 = tpu.memref_squeeze %dma_wait3A_224 : memref<1x1x64x64xf32, #tpu.memory_space<hbm>> -> memref<64x64xf32, #tpu.memory_space<hbm>>
      %dma_wait3A_226 = arith.constant 0 : i32
      %dma_wait3A_227 = tpu.memref_slice %arg6[%run_scoped3A_195, %arg0, %add3A_194, %dma_wait3A_226] : memref<2x2x10112x64xf32, #tpu.memory_space<hbm>> -> memref<1x1x64x64xf32, #tpu.memory_space<hbm>>
      %dma_wait3A_228 = tpu.memref_squeeze %dma_wait3A_227 : memref<1x1x64x64xf32, #tpu.memory_space<hbm>> -> memref<64x64xf32, #tpu.memory_space<hbm>>
      tpu.wait_dma2 semaphore(%run_scoped3A_216 : memref<!tpu.dma_semaphore, #tpu.memory_space<semaphore_mem>>) src(%arg11 : memref<64x64xf32, #tpu.memory_space<vmem>>) dst(%dma_wait3A_228 : memref<64x64xf32, #tpu.memory_space<hbm>>)
      tpu.yield
    }) : () -> ()
    %mul3A_196 = arith.constant 632 : i32
    %mul3A_197 = arith.muli %arg1, %mul3A_196 : i32
    %add3A_198 = arith.constant 320 : i32
    %add3A_199 = arith.addi %mul3A_197, %add3A_198 : i32
    "tpu.region"() ({
      %run_scoped3A_216 = tpu.sem_alloc : memref<!tpu.dma_semaphore, #tpu.memory_space<semaphore_mem>>
      %dma_start3A_217 = arith.constant 0 : i32
      %dma_start3A_218 = tpu.memref_slice %arg12[%add3A_199, %dma_start3A_217] : memref<10112x64xf32, #tpu.memory_space<vmem_shared>> -> memref<64x64xf32, #tpu.memory_space<vmem_shared>>
      %dma_start3A_219 = arith.constant 0 : i32
      %dma_start3A_220 = tpu.memref_slice %arg12[%add3A_199, %dma_start3A_219] : memref<10112x64xf32, #tpu.memory_space<vmem_shared>> -> memref<64x64xf32, #tpu.memory_space<vmem_shared>>
      tpu.enqueue_dma source(%dma_start3A_220 : memref<64x64xf32, #tpu.memory_space<vmem_shared>>) target(%arg11 : memref<64x64xf32, #tpu.memory_space<vmem>>) target_semaphore(%run_scoped3A_216 : memref<!tpu.dma_semaphore, #tpu.memory_space<semaphore_mem>>)
      %dma_wait3A_221 = arith.constant 0 : i32
      %dma_wait3A_222 = tpu.memref_slice %arg12[%add3A_199, %dma_wait3A_221] : memref<10112x64xf32, #tpu.memory_space<vmem_shared>> -> memref<64x64xf32, #tpu.memory_space<vmem_shared>>
      %dma_wait3A_223 = arith.constant 0 : i32
      %dma_wait3A_224 = tpu.memref_slice %arg12[%add3A_199, %dma_wait3A_223] : memref<10112x64xf32, #tpu.memory_space<vmem_shared>> -> memref<64x64xf32, #tpu.memory_space<vmem_shared>>
      tpu.wait_dma2 semaphore(%run_scoped3A_216 : memref<!tpu.dma_semaphore, #tpu.memory_space<semaphore_mem>>) src(%dma_wait3A_224 : memref<64x64xf32, #tpu.memory_space<vmem_shared>>) dst(%arg11 : memref<64x64xf32, #tpu.memory_space<vmem>>)
      tpu.yield
    }) : () -> ()
    %run_scoped3A_200 = arith.constant 1 : i32
    "tpu.region"() ({
      %run_scoped3A_216 = tpu.sem_alloc : memref<!tpu.dma_semaphore, #tpu.memory_space<semaphore_mem>>
      %dma_start3A_217 = arith.constant 0 : i32
      %dma_start3A_218 = tpu.memref_slice %arg6[%run_scoped3A_200, %arg0, %add3A_199, %dma_start3A_217] : memref<2x2x10112x64xf32, #tpu.memory_space<hbm>> -> memref<1x1x64x64xf32, #tpu.memory_space<hbm>>
      %dma_start3A_219 = tpu.memref_squeeze %dma_start3A_218 : memref<1x1x64x64xf32, #tpu.memory_space<hbm>> -> memref<64x64xf32, #tpu.memory_space<hbm>>
      %dma_start3A_220 = arith.constant 0 : i32
      %dma_start3A_221 = tpu.memref_slice %arg6[%run_scoped3A_200, %arg0, %add3A_199, %dma_start3A_220] : memref<2x2x10112x64xf32, #tpu.memory_space<hbm>> -> memref<1x1x64x64xf32, #tpu.memory_space<hbm>>
      %dma_start3A_222 = tpu.memref_squeeze %dma_start3A_221 : memref<1x1x64x64xf32, #tpu.memory_space<hbm>> -> memref<64x64xf32, #tpu.memory_space<hbm>>
      tpu.enqueue_dma source(%arg11 : memref<64x64xf32, #tpu.memory_space<vmem>>) target(%dma_start3A_222 : memref<64x64xf32, #tpu.memory_space<hbm>>) target_semaphore(%run_scoped3A_216 : memref<!tpu.dma_semaphore, #tpu.memory_space<semaphore_mem>>)
      %dma_wait3A_223 = arith.constant 0 : i32
      %dma_wait3A_224 = tpu.memref_slice %arg6[%run_scoped3A_200, %arg0, %add3A_199, %dma_wait3A_223] : memref<2x2x10112x64xf32, #tpu.memory_space<hbm>> -> memref<1x1x64x64xf32, #tpu.memory_space<hbm>>
      %dma_wait3A_225 = tpu.memref_squeeze %dma_wait3A_224 : memref<1x1x64x64xf32, #tpu.memory_space<hbm>> -> memref<64x64xf32, #tpu.memory_space<hbm>>
      %dma_wait3A_226 = arith.constant 0 : i32
      %dma_wait3A_227 = tpu.memref_slice %arg6[%run_scoped3A_200, %arg0, %add3A_199, %dma_wait3A_226] : memref<2x2x10112x64xf32, #tpu.memory_space<hbm>> -> memref<1x1x64x64xf32, #tpu.memory_space<hbm>>
      %dma_wait3A_228 = tpu.memref_squeeze %dma_wait3A_227 : memref<1x1x64x64xf32, #tpu.memory_space<hbm>> -> memref<64x64xf32, #tpu.memory_space<hbm>>
      tpu.wait_dma2 semaphore(%run_scoped3A_216 : memref<!tpu.dma_semaphore, #tpu.memory_space<semaphore_mem>>) src(%arg11 : memref<64x64xf32, #tpu.memory_space<vmem>>) dst(%dma_wait3A_228 : memref<64x64xf32, #tpu.memory_space<hbm>>)
      tpu.yield
    }) : () -> ()
    %mul3A_201 = arith.constant 632 : i32
    %mul3A_202 = arith.muli %arg1, %mul3A_201 : i32
    %add3A_203 = arith.constant 384 : i32
    %add3A_204 = arith.addi %mul3A_202, %add3A_203 : i32
    "tpu.region"() ({
      %run_scoped3A_216 = tpu.sem_alloc : memref<!tpu.dma_semaphore, #tpu.memory_space<semaphore_mem>>
      %dma_start3A_217 = arith.constant 0 : i32
      %dma_start3A_218 = tpu.memref_slice %arg12[%add3A_204, %dma_start3A_217] : memref<10112x64xf32, #tpu.memory_space<vmem_shared>> -> memref<64x64xf32, #tpu.memory_space<vmem_shared>>
      %dma_start3A_219 = arith.constant 0 : i32
      %dma_start3A_220 = tpu.memref_slice %arg12[%add3A_204, %dma_start3A_219] : memref<10112x64xf32, #tpu.memory_space<vmem_shared>> -> memref<64x64xf32, #tpu.memory_space<vmem_shared>>
      tpu.enqueue_dma source(%dma_start3A_220 : memref<64x64xf32, #tpu.memory_space<vmem_shared>>) target(%arg11 : memref<64x64xf32, #tpu.memory_space<vmem>>) target_semaphore(%run_scoped3A_216 : memref<!tpu.dma_semaphore, #tpu.memory_space<semaphore_mem>>)
      %dma_wait3A_221 = arith.constant 0 : i32
      %dma_wait3A_222 = tpu.memref_slice %arg12[%add3A_204, %dma_wait3A_221] : memref<10112x64xf32, #tpu.memory_space<vmem_shared>> -> memref<64x64xf32, #tpu.memory_space<vmem_shared>>
      %dma_wait3A_223 = arith.constant 0 : i32
      %dma_wait3A_224 = tpu.memref_slice %arg12[%add3A_204, %dma_wait3A_223] : memref<10112x64xf32, #tpu.memory_space<vmem_shared>> -> memref<64x64xf32, #tpu.memory_space<vmem_shared>>
      tpu.wait_dma2 semaphore(%run_scoped3A_216 : memref<!tpu.dma_semaphore, #tpu.memory_space<semaphore_mem>>) src(%dma_wait3A_224 : memref<64x64xf32, #tpu.memory_space<vmem_shared>>) dst(%arg11 : memref<64x64xf32, #tpu.memory_space<vmem>>)
      tpu.yield
    }) : () -> ()
    %run_scoped3A_205 = arith.constant 1 : i32
    "tpu.region"() ({
      %run_scoped3A_216 = tpu.sem_alloc : memref<!tpu.dma_semaphore, #tpu.memory_space<semaphore_mem>>
      %dma_start3A_217 = arith.constant 0 : i32
      %dma_start3A_218 = tpu.memref_slice %arg6[%run_scoped3A_205, %arg0, %add3A_204, %dma_start3A_217] : memref<2x2x10112x64xf32, #tpu.memory_space<hbm>> -> memref<1x1x64x64xf32, #tpu.memory_space<hbm>>
      %dma_start3A_219 = tpu.memref_squeeze %dma_start3A_218 : memref<1x1x64x64xf32, #tpu.memory_space<hbm>> -> memref<64x64xf32, #tpu.memory_space<hbm>>
      %dma_start3A_220 = arith.constant 0 : i32
      %dma_start3A_221 = tpu.memref_slice %arg6[%run_scoped3A_205, %arg0, %add3A_204, %dma_start3A_220] : memref<2x2x10112x64xf32, #tpu.memory_space<hbm>> -> memref<1x1x64x64xf32, #tpu.memory_space<hbm>>
      %dma_start3A_222 = tpu.memref_squeeze %dma_start3A_221 : memref<1x1x64x64xf32, #tpu.memory_space<hbm>> -> memref<64x64xf32, #tpu.memory_space<hbm>>
      tpu.enqueue_dma source(%arg11 : memref<64x64xf32, #tpu.memory_space<vmem>>) target(%dma_start3A_222 : memref<64x64xf32, #tpu.memory_space<hbm>>) target_semaphore(%run_scoped3A_216 : memref<!tpu.dma_semaphore, #tpu.memory_space<semaphore_mem>>)
      %dma_wait3A_223 = arith.constant 0 : i32
      %dma_wait3A_224 = tpu.memref_slice %arg6[%run_scoped3A_205, %arg0, %add3A_204, %dma_wait3A_223] : memref<2x2x10112x64xf32, #tpu.memory_space<hbm>> -> memref<1x1x64x64xf32, #tpu.memory_space<hbm>>
      %dma_wait3A_225 = tpu.memref_squeeze %dma_wait3A_224 : memref<1x1x64x64xf32, #tpu.memory_space<hbm>> -> memref<64x64xf32, #tpu.memory_space<hbm>>
      %dma_wait3A_226 = arith.constant 0 : i32
      %dma_wait3A_227 = tpu.memref_slice %arg6[%run_scoped3A_205, %arg0, %add3A_204, %dma_wait3A_226] : memref<2x2x10112x64xf32, #tpu.memory_space<hbm>> -> memref<1x1x64x64xf32, #tpu.memory_space<hbm>>
      %dma_wait3A_228 = tpu.memref_squeeze %dma_wait3A_227 : memref<1x1x64x64xf32, #tpu.memory_space<hbm>> -> memref<64x64xf32, #tpu.memory_space<hbm>>
      tpu.wait_dma2 semaphore(%run_scoped3A_216 : memref<!tpu.dma_semaphore, #tpu.memory_space<semaphore_mem>>) src(%arg11 : memref<64x64xf32, #tpu.memory_space<vmem>>) dst(%dma_wait3A_228 : memref<64x64xf32, #tpu.memory_space<hbm>>)
      tpu.yield
    }) : () -> ()
    %mul3A_206 = arith.constant 632 : i32
    %mul3A_207 = arith.muli %arg1, %mul3A_206 : i32
    %add3A_208 = arith.constant 448 : i32
    %add3A_209 = arith.addi %mul3A_207, %add3A_208 : i32
    "tpu.region"() ({
      %run_scoped3A_216 = tpu.sem_alloc : memref<!tpu.dma_semaphore, #tpu.memory_space<semaphore_mem>>
      %dma_start3A_217 = arith.constant 0 : i32
      %dma_start3A_218 = tpu.memref_slice %arg12[%add3A_209, %dma_start3A_217] : memref<10112x64xf32, #tpu.memory_space<vmem_shared>> -> memref<64x64xf32, #tpu.memory_space<vmem_shared>>
      %dma_start3A_219 = arith.constant 0 : i32
      %dma_start3A_220 = tpu.memref_slice %arg12[%add3A_209, %dma_start3A_219] : memref<10112x64xf32, #tpu.memory_space<vmem_shared>> -> memref<64x64xf32, #tpu.memory_space<vmem_shared>>
      tpu.enqueue_dma source(%dma_start3A_220 : memref<64x64xf32, #tpu.memory_space<vmem_shared>>) target(%arg11 : memref<64x64xf32, #tpu.memory_space<vmem>>) target_semaphore(%run_scoped3A_216 : memref<!tpu.dma_semaphore, #tpu.memory_space<semaphore_mem>>)
      %dma_wait3A_221 = arith.constant 0 : i32
      %dma_wait3A_222 = tpu.memref_slice %arg12[%add3A_209, %dma_wait3A_221] : memref<10112x64xf32, #tpu.memory_space<vmem_shared>> -> memref<64x64xf32, #tpu.memory_space<vmem_shared>>
      %dma_wait3A_223 = arith.constant 0 : i32
      %dma_wait3A_224 = tpu.memref_slice %arg12[%add3A_209, %dma_wait3A_223] : memref<10112x64xf32, #tpu.memory_space<vmem_shared>> -> memref<64x64xf32, #tpu.memory_space<vmem_shared>>
      tpu.wait_dma2 semaphore(%run_scoped3A_216 : memref<!tpu.dma_semaphore, #tpu.memory_space<semaphore_mem>>) src(%dma_wait3A_224 : memref<64x64xf32, #tpu.memory_space<vmem_shared>>) dst(%arg11 : memref<64x64xf32, #tpu.memory_space<vmem>>)
      tpu.yield
    }) : () -> ()
    %run_scoped3A_210 = arith.constant 1 : i32
    "tpu.region"() ({
      %run_scoped3A_216 = tpu.sem_alloc : memref<!tpu.dma_semaphore, #tpu.memory_space<semaphore_mem>>
      %dma_start3A_217 = arith.constant 0 : i32
      %dma_start3A_218 = tpu.memref_slice %arg6[%run_scoped3A_210, %arg0, %add3A_209, %dma_start3A_217] : memref<2x2x10112x64xf32, #tpu.memory_space<hbm>> -> memref<1x1x64x64xf32, #tpu.memory_space<hbm>>
      %dma_start3A_219 = tpu.memref_squeeze %dma_start3A_218 : memref<1x1x64x64xf32, #tpu.memory_space<hbm>> -> memref<64x64xf32, #tpu.memory_space<hbm>>
      %dma_start3A_220 = arith.constant 0 : i32
      %dma_start3A_221 = tpu.memref_slice %arg6[%run_scoped3A_210, %arg0, %add3A_209, %dma_start3A_220] : memref<2x2x10112x64xf32, #tpu.memory_space<hbm>> -> memref<1x1x64x64xf32, #tpu.memory_space<hbm>>
      %dma_start3A_222 = tpu.memref_squeeze %dma_start3A_221 : memref<1x1x64x64xf32, #tpu.memory_space<hbm>> -> memref<64x64xf32, #tpu.memory_space<hbm>>
      tpu.enqueue_dma source(%arg11 : memref<64x64xf32, #tpu.memory_space<vmem>>) target(%dma_start3A_222 : memref<64x64xf32, #tpu.memory_space<hbm>>) target_semaphore(%run_scoped3A_216 : memref<!tpu.dma_semaphore, #tpu.memory_space<semaphore_mem>>)
      %dma_wait3A_223 = arith.constant 0 : i32
      %dma_wait3A_224 = tpu.memref_slice %arg6[%run_scoped3A_210, %arg0, %add3A_209, %dma_wait3A_223] : memref<2x2x10112x64xf32, #tpu.memory_space<hbm>> -> memref<1x1x64x64xf32, #tpu.memory_space<hbm>>
      %dma_wait3A_225 = tpu.memref_squeeze %dma_wait3A_224 : memref<1x1x64x64xf32, #tpu.memory_space<hbm>> -> memref<64x64xf32, #tpu.memory_space<hbm>>
      %dma_wait3A_226 = arith.constant 0 : i32
      %dma_wait3A_227 = tpu.memref_slice %arg6[%run_scoped3A_210, %arg0, %add3A_209, %dma_wait3A_226] : memref<2x2x10112x64xf32, #tpu.memory_space<hbm>> -> memref<1x1x64x64xf32, #tpu.memory_space<hbm>>
      %dma_wait3A_228 = tpu.memref_squeeze %dma_wait3A_227 : memref<1x1x64x64xf32, #tpu.memory_space<hbm>> -> memref<64x64xf32, #tpu.memory_space<hbm>>
      tpu.wait_dma2 semaphore(%run_scoped3A_216 : memref<!tpu.dma_semaphore, #tpu.memory_space<semaphore_mem>>) src(%arg11 : memref<64x64xf32, #tpu.memory_space<vmem>>) dst(%dma_wait3A_228 : memref<64x64xf32, #tpu.memory_space<hbm>>)
      tpu.yield
    }) : () -> ()
    %mul3A_211 = arith.constant 632 : i32
    %mul3A_212 = arith.muli %arg1, %mul3A_211 : i32
    %add3A_213 = arith.constant 512 : i32
    %add3A_214 = arith.addi %mul3A_212, %add3A_213 : i32
    "tpu.region"() ({
      %run_scoped3A_216 = tpu.sem_alloc : memref<!tpu.dma_semaphore, #tpu.memory_space<semaphore_mem>>
      %dma_start3A_217 = arith.constant 0 : i32
      %dma_start3A_218 = tpu.memref_slice %arg12[%add3A_214, %dma_start3A_217] : memref<10112x64xf32, #tpu.memory_space<vmem_shared>> -> memref<64x64xf32, #tpu.memory_space<vmem_shared>>
      %dma_start3A_219 = arith.constant 0 : i32
      %dma_start3A_220 = tpu.memref_slice %arg12[%add3A_214, %dma_start3A_219] : memref<10112x64xf32, #tpu.memory_space<vmem_shared>> -> memref<64x64xf32, #tpu.memory_space<vmem_shared>>
      tpu.enqueue_dma source(%dma_start3A_220 : memref<64x64xf32, #tpu.memory_space<vmem_shared>>) target(%arg11 : memref<64x64xf32, #tpu.memory_space<vmem>>) target_semaphore(%run_scoped3A_216 : memref<!tpu.dma_semaphore, #tpu.memory_space<semaphore_mem>>)
      %dma_wait3A_221 = arith.constant 0 : i32
      %dma_wait3A_222 = tpu.memref_slice %arg12[%add3A_214, %dma_wait3A_221] : memref<10112x64xf32, #tpu.memory_space<vmem_shared>> -> memref<64x64xf32, #tpu.memory_space<vmem_shared>>
      %dma_wait3A_223 = arith.constant 0 : i32
      %dma_wait3A_224 = tpu.memref_slice %arg12[%add3A_214, %dma_wait3A_223] : memref<10112x64xf32, #tpu.memory_space<vmem_shared>> -> memref<64x64xf32, #tpu.memory_space<vmem_shared>>
      tpu.wait_dma2 semaphore(%run_scoped3A_216 : memref<!tpu.dma_semaphore, #tpu.memory_space<semaphore_mem>>) src(%dma_wait3A_224 : memref<64x64xf32, #tpu.memory_space<vmem_shared>>) dst(%arg11 : memref<64x64xf32, #tpu.memory_space<vmem>>)
      tpu.yield
    }) : () -> ()
    %run_scoped3A_215 = arith.constant 1 : i32
    "tpu.region"() ({
      %run_scoped3A_216 = tpu.sem_alloc : memref<!tpu.dma_semaphore, #tpu.memory_space<semaphore_mem>>
      %dma_start3A_217 = arith.constant 0 : i32
      %dma_start3A_218 = tpu.memref_slice %arg6[%run_scoped3A_215, %arg0, %add3A_214, %dma_start3A_217] : memref<2x2x10112x64xf32, #tpu.memory_space<hbm>> -> memref<1x1x64x64xf32, #tpu.memory_space<hbm>>
      %dma_start3A_219 = tpu.memref_squeeze %dma_start3A_218 : memref<1x1x64x64xf32, #tpu.memory_space<hbm>> -> memref<64x64xf32, #tpu.memory_space<hbm>>
      %dma_start3A_220 = arith.constant 0 : i32
      %dma_start3A_221 = tpu.memref_slice %arg6[%run_scoped3A_215, %arg0, %add3A_214, %dma_start3A_220] : memref<2x2x10112x64xf32, #tpu.memory_space<hbm>> -> memref<1x1x64x64xf32, #tpu.memory_space<hbm>>
      %dma_start3A_222 = tpu.memref_squeeze %dma_start3A_221 : memref<1x1x64x64xf32, #tpu.memory_space<hbm>> -> memref<64x64xf32, #tpu.memory_space<hbm>>
      tpu.enqueue_dma source(%arg11 : memref<64x64xf32, #tpu.memory_space<vmem>>) target(%dma_start3A_222 : memref<64x64xf32, #tpu.memory_space<hbm>>) target_semaphore(%run_scoped3A_216 : memref<!tpu.dma_semaphore, #tpu.memory_space<semaphore_mem>>)
      %dma_wait3A_223 = arith.constant 0 : i32
      %dma_wait3A_224 = tpu.memref_slice %arg6[%run_scoped3A_215, %arg0, %add3A_214, %dma_wait3A_223] : memref<2x2x10112x64xf32, #tpu.memory_space<hbm>> -> memref<1x1x64x64xf32, #tpu.memory_space<hbm>>
      %dma_wait3A_225 = tpu.memref_squeeze %dma_wait3A_224 : memref<1x1x64x64xf32, #tpu.memory_space<hbm>> -> memref<64x64xf32, #tpu.memory_space<hbm>>
      %dma_wait3A_226 = arith.constant 0 : i32
      %dma_wait3A_227 = tpu.memref_slice %arg6[%run_scoped3A_215, %arg0, %add3A_214, %dma_wait3A_226] : memref<2x2x10112x64xf32, #tpu.memory_space<hbm>> -> memref<1x1x64x64xf32, #tpu.memory_space<hbm>>
      %dma_wait3A_228 = tpu.memref_squeeze %dma_wait3A_227 : memref<1x1x64x64xf32, #tpu.memory_space<hbm>> -> memref<64x64xf32, #tpu.memory_space<hbm>>
      tpu.wait_dma2 semaphore(%run_scoped3A_216 : memref<!tpu.dma_semaphore, #tpu.memory_space<semaphore_mem>>) src(%arg11 : memref<64x64xf32, #tpu.memory_space<vmem>>) dst(%dma_wait3A_228 : memref<64x64xf32, #tpu.memory_space<hbm>>)
      tpu.yield
    }) : () -> ()
    return
  }
}

module attributes {stable_mosaic.version = 14 : i64} {
  func.func @body(%arg0: i32, %arg1: memref<1000x128xf32, #tpu.memory_space<vmem>>, %arg2: memref<128x128xf32, #tpu.memory_space<vmem>>, %arg3: memref<2x1000x1xf32, #tpu.memory_space<vmem>>, %arg4: memref<1000x64xf32, #tpu.memory_space<vmem>>, %arg5: memref<1000x64xf32, #tpu.memory_space<vmem>>, %arg6: memref<1000x1xf32, #tpu.memory_space<vmem>>) attributes {dimension_semantics = [#tpu.dimension_semantics<arbitrary>], iteration_bounds = array<i64: 10>, scalar_prefetch = 0 : i64, scratch_operands = 0 : i64, tpu.core_type = #tpu.core_type<tc>, window_params = [{transform_indices = @transform_0, window_bounds = array<i64: 1000, 128>}, {pipeline_mode = #tpu.pipeline_mode<synchronous>, transform_indices = @transform_1, window_bounds = array<i64: 128, 128>}, {transform_indices = @transform_2, window_bounds = array<i64: 2, 1000, 1>}, {transform_indices = @transform_3, window_bounds = array<i64: 1000, 64>}, {transform_indices = @transform_4, window_bounds = array<i64: 1000, 64>}, {transform_indices = @transform_5, window_bounds = array<i64: 1000, 1>}]} {
    %get3A = arith.constant 0 : index
    %get3A_0 = arith.constant 0 : index
    %get3A_1 = arith.constant 0 : index
    %get3A_2 = vector.load %arg3[%get3A, %get3A_0, %get3A_1] : memref<2x1000x1xf32, #tpu.memory_space<vmem>>, vector<1x1000x1xf32>
    %get3A_3 = vector.shape_cast %get3A_2 : vector<1x1000x1xf32> to vector<1000x1xf32>
    %get3A_4 = arith.constant 1 : index
    %get3A_5 = arith.constant 0 : index
    %get3A_6 = arith.constant 0 : index
    %get3A_7 = vector.load %arg3[%get3A_4, %get3A_5, %get3A_6] : memref<2x1000x1xf32, #tpu.memory_space<vmem>>, vector<1x1000x1xf32>
    %get3A_8 = vector.shape_cast %get3A_7 : vector<1x1000x1xf32> to vector<1000x1xf32>
    %add3A = arith.addf %get3A_3, %get3A_8 : vector<1000x1xf32>
    %add3A_9 = arith.constant 1.000000e+00 : f32
    %add3A_10 = vector.broadcast %add3A_9 : f32 to vector<1000x1xf32>
    %add3A_11 = arith.addf %add3A, %add3A_10 : vector<1000x1xf32>
    %rsqrt3A = math.rsqrt %add3A_11 : vector<1000x1xf32>
    %get3A_12 = arith.constant 0 : index
    %get3A_13 = arith.constant 0 : index
    %get3A_14 = vector.load %arg1[%get3A_12, %get3A_13] : memref<1000x128xf32, #tpu.memory_space<vmem>>, vector<1000x128xf32>
    %get3A_15 = arith.constant 0 : index
    %get3A_16 = arith.constant 0 : index
    %get3A_17 = vector.load %arg2[%get3A_15, %get3A_16] : memref<128x128xf32, #tpu.memory_space<vmem>>, vector<128x128xf32>
    %dot_general3A = arith.constant dense<0.000000e+00> : vector<1000x128xf32>
    %dot_general3A_18 = tpu.matmul %get3A_14, %get3A_17, %dot_general3A {dimension_numbers = #tpu.dot_dimension_numbers<[1], [0], [0], [1], [0, 0, 1, 1], [], []>, precision = #tpu.contract_precision<fp32>, transpose_lhs_hint = false} : vector<1000x128xf32>, vector<128x128xf32>, vector<1000x128xf32> -> vector<1000x128xf32>
    %mul3A = vector.broadcast %rsqrt3A : vector<1000x1xf32> to vector<1000x128xf32>
    %mul3A_19 = arith.mulf %dot_general3A_18, %mul3A : vector<1000x128xf32>
    %slice3A = vector.extract_strided_slice %mul3A_19 {offsets = [0, 0], sizes = [1000, 64], strides = [1, 1]} : vector<1000x128xf32> to vector<1000x64xf32>
    %swap3A = arith.constant 0 : index
    %swap3A_20 = arith.constant 0 : index
    %swap3A_21 = vector.load %arg4[%swap3A, %swap3A_20] : memref<1000x64xf32, #tpu.memory_space<vmem>>, vector<1000x64xf32>
    tpu.vector_store %arg4[%swap3A, %swap3A_20], %slice3A {strides = array<i32>} : memref<1000x64xf32, #tpu.memory_space<vmem>>, vector<1000x64xf32>,
    %slice3A_22 = vector.extract_strided_slice %mul3A_19 {offsets = [0, 64], sizes = [1000, 64], strides = [1, 1]} : vector<1000x128xf32> to vector<1000x64xf32>
    %swap3A_23 = arith.constant 0 : index
    %swap3A_24 = arith.constant 0 : index
    %swap3A_25 = vector.load %arg5[%swap3A_23, %swap3A_24] : memref<1000x64xf32, #tpu.memory_space<vmem>>, vector<1000x64xf32>
    tpu.vector_store %arg5[%swap3A_23, %swap3A_24], %slice3A_22 {strides = array<i32>} : memref<1000x64xf32, #tpu.memory_space<vmem>>, vector<1000x64xf32>,
    %swap3A_26 = arith.constant 0 : index
    %swap3A_27 = arith.constant 0 : index
    %swap3A_28 = vector.load %arg6[%swap3A_26, %swap3A_27] : memref<1000x1xf32, #tpu.memory_space<vmem>>, vector<1000x1xf32>
    tpu.vector_store %arg6[%swap3A_26, %swap3A_27], %rsqrt3A {strides = array<i32>} : memref<1000x1xf32, #tpu.memory_space<vmem>>, vector<1000x1xf32>,
    return
  }
  func.func @transform_0(%arg0: i32) -> (i32, i32) {
    %c0_i32 = arith.constant 0 : i32
    %c0_i32_0 = arith.constant 0 : i32
    return %arg0, %c0_i32 : i32, i32
  }
  func.func @transform_1(%arg0: i32) -> (i32, i32) {
    %c0_i32 = arith.constant 0 : i32
    %c0_i32_0 = arith.constant 0 : i32
    %c0_i32_1 = arith.constant 0 : i32
    return %c0_i32, %c0_i32_0 : i32, i32
  }
  func.func @transform_2(%arg0: i32) -> (i32, i32, i32) {
    %c0_i32 = arith.constant 0 : i32
    %c0_i32_0 = arith.constant 0 : i32
    %c0_i32_1 = arith.constant 0 : i32
    return %c0_i32, %arg0, %c0_i32_0 : i32, i32, i32
  }
  func.func @transform_3(%arg0: i32) -> (i32, i32) {
    %c0_i32 = arith.constant 0 : i32
    %c0_i32_0 = arith.constant 0 : i32
    return %arg0, %c0_i32 : i32, i32
  }
  func.func @transform_4(%arg0: i32) -> (i32, i32) {
    %c0_i32 = arith.constant 0 : i32
    %c0_i32_0 = arith.constant 0 : i32
    return %arg0, %c0_i32 : i32, i32
  }
  func.func @transform_5(%arg0: i32) -> (i32, i32) {
    %c0_i32 = arith.constant 0 : i32
    %c0_i32_0 = arith.constant 0 : i32
    return %arg0, %c0_i32 : i32, i32
  }
}

module attributes {stable_mosaic.version = 14 : i64} {
  func.func @body(%arg0: i32, %arg1: memref<1x2x1000x64xf32, #tpu.memory_space<vmem>>, %arg2: memref<1x2x1000x64xf32, #tpu.memory_space<vmem>>, %arg3: memref<1000x64xf32, #tpu.memory_space<vmem>>, %arg4: memref<1000x64xf32, #tpu.memory_space<vmem>>, %arg5: memref<1000x1xf32, #tpu.memory_space<vmem>>, %arg6: memref<1x128xf32, #tpu.memory_space<vmem>>, %arg7: memref<128x32xf32, #tpu.memory_space<vmem>>, %arg8: memref<1000x128xf32, #tpu.memory_space<vmem>>, %arg9: memref<1000x32xf32, #tpu.memory_space<vmem>>) attributes {dimension_semantics = [#tpu.dimension_semantics<arbitrary>], iteration_bounds = array<i64: 10>, scalar_prefetch = 0 : i64, scratch_operands = 0 : i64, tpu.core_type = #tpu.core_type<tc>, window_params = [{transform_indices = @transform_0, window_bounds = array<i64: 1, 2, 1000, 64>}, {transform_indices = @transform_1, window_bounds = array<i64: 1, 2, 1000, 64>}, {transform_indices = @transform_2, window_bounds = array<i64: 1000, 64>}, {transform_indices = @transform_3, window_bounds = array<i64: 1000, 64>}, {transform_indices = @transform_4, window_bounds = array<i64: 1000, 1>}, {pipeline_mode = #tpu.pipeline_mode<synchronous>, transform_indices = @transform_5, window_bounds = array<i64: 1, 128>}, {pipeline_mode = #tpu.pipeline_mode<synchronous>, transform_indices = @transform_6, window_bounds = array<i64: 128, 32>}, {transform_indices = @transform_7, window_bounds = array<i64: 1000, 128>}, {transform_indices = @transform_8, window_bounds = array<i64: 1000, 32>}]} {
    %get3A = arith.constant 0 : index
    %get3A_0 = arith.constant 0 : index
    %get3A_1 = vector.load %arg5[%get3A, %get3A_0] : memref<1000x1xf32, #tpu.memory_space<vmem>>, vector<1000x1xf32>
    %get3A_2 = arith.constant 0 : index
    %get3A_3 = arith.constant 0 : index
    %get3A_4 = vector.load %arg6[%get3A_2, %get3A_3] : memref<1x128xf32, #tpu.memory_space<vmem>>, vector<1x128xf32>
    %get3A_5 = arith.constant 0 : index
    %get3A_6 = arith.constant 0 : index
    %get3A_7 = arith.constant 0 : index
    %get3A_8 = arith.constant 0 : index
    %get3A_9 = vector.load %arg1[%get3A_5, %get3A_6, %get3A_7, %get3A_8] : memref<1x2x1000x64xf32, #tpu.memory_space<vmem>>, vector<1x1x1000x64xf32>
    %get3A_10 = vector.shape_cast %get3A_9 : vector<1x1x1000x64xf32> to vector<1000x64xf32>
    %get3A_11 = arith.constant 0 : index
    %get3A_12 = arith.constant 1 : index
    %get3A_13 = arith.constant 0 : index
    %get3A_14 = arith.constant 0 : index
    %get3A_15 = vector.load %arg1[%get3A_11, %get3A_12, %get3A_13, %get3A_14] : memref<1x2x1000x64xf32, #tpu.memory_space<vmem>>, vector<1x1x1000x64xf32>
    %get3A_16 = vector.shape_cast %get3A_15 : vector<1x1x1000x64xf32> to vector<1000x64xf32>
    %add3A = arith.addf %get3A_10, %get3A_16 : vector<1000x64xf32>
    %get3A_17 = arith.constant 0 : index
    %get3A_18 = arith.constant 0 : index
    %get3A_19 = vector.load %arg3[%get3A_17, %get3A_18] : memref<1000x64xf32, #tpu.memory_space<vmem>>, vector<1000x64xf32>
    %add3A_20 = arith.addf %add3A, %get3A_19 : vector<1000x64xf32>
    %mul3A = vector.broadcast %get3A_1 : vector<1000x1xf32> to vector<1000x64xf32>
    %mul3A_21 = arith.mulf %add3A_20, %mul3A : vector<1000x64xf32>
    %slice3A = vector.extract_strided_slice %get3A_4 {offsets = [0, 0], sizes = [1, 64], strides = [1, 1]} : vector<1x128xf32> to vector<1x64xf32>
    %add3A_22 = vector.broadcast %slice3A : vector<1x64xf32> to vector<1000x64xf32>
    %add3A_23 = arith.addf %mul3A_21, %add3A_22 : vector<1000x64xf32>
    %get3A_24 = arith.constant 0 : index
    %get3A_25 = arith.constant 0 : index
    %get3A_26 = arith.constant 0 : index
    %get3A_27 = arith.constant 0 : index
    %get3A_28 = vector.load %arg2[%get3A_24, %get3A_25, %get3A_26, %get3A_27] : memref<1x2x1000x64xf32, #tpu.memory_space<vmem>>, vector<1x1x1000x64xf32>
    %get3A_29 = vector.shape_cast %get3A_28 : vector<1x1x1000x64xf32> to vector<1000x64xf32>
    %get3A_30 = arith.constant 0 : index
    %get3A_31 = arith.constant 1 : index
    %get3A_32 = arith.constant 0 : index
    %get3A_33 = arith.constant 0 : index
    %get3A_34 = vector.load %arg2[%get3A_30, %get3A_31, %get3A_32, %get3A_33] : memref<1x2x1000x64xf32, #tpu.memory_space<vmem>>, vector<1x1x1000x64xf32>
    %get3A_35 = vector.shape_cast %get3A_34 : vector<1x1x1000x64xf32> to vector<1000x64xf32>
    %add3A_36 = arith.addf %get3A_29, %get3A_35 : vector<1000x64xf32>
    %get3A_37 = arith.constant 0 : index
    %get3A_38 = arith.constant 0 : index
    %get3A_39 = vector.load %arg4[%get3A_37, %get3A_38] : memref<1000x64xf32, #tpu.memory_space<vmem>>, vector<1000x64xf32>
    %add3A_40 = arith.addf %add3A_36, %get3A_39 : vector<1000x64xf32>
    %mul3A_41 = vector.broadcast %get3A_1 : vector<1000x1xf32> to vector<1000x64xf32>
    %mul3A_42 = arith.mulf %add3A_40, %mul3A_41 : vector<1000x64xf32>
    %slice3A_43 = vector.extract_strided_slice %get3A_4 {offsets = [0, 64], sizes = [1, 64], strides = [1, 1]} : vector<1x128xf32> to vector<1x64xf32>
    %add3A_44 = vector.broadcast %slice3A_43 : vector<1x64xf32> to vector<1000x64xf32>
    %add3A_45 = arith.addf %mul3A_42, %add3A_44 : vector<1000x64xf32>
    %concatenate3A = tpu.concatenate %add3A_23, %add3A_45 in 1 : vector<1000x64xf32>, vector<1000x64xf32> -> vector<1000x128xf32>
    %swap3A = arith.constant 0 : index
    %swap3A_46 = arith.constant 0 : index
    %swap3A_47 = vector.load %arg8[%swap3A, %swap3A_46] : memref<1000x128xf32, #tpu.memory_space<vmem>>, vector<1000x128xf32>
    tpu.vector_store %arg8[%swap3A, %swap3A_46], %concatenate3A {strides = array<i32>} : memref<1000x128xf32, #tpu.memory_space<vmem>>, vector<1000x128xf32>,
    %get3A_48 = arith.constant 0 : index
    %get3A_49 = arith.constant 0 : index
    %get3A_50 = vector.load %arg7[%get3A_48, %get3A_49] : memref<128x32xf32, #tpu.memory_space<vmem>>, vector<128x32xf32>
    %slice3A_51 = vector.extract_strided_slice %get3A_50 {offsets = [0, 0], sizes = [64, 32], strides = [1, 1]} : vector<128x32xf32> to vector<64x32xf32>
    %dot_general3A = arith.constant dense<0.000000e+00> : vector<1000x32xf32>
    %dot_general3A_52 = tpu.matmul %add3A_23, %slice3A_51, %dot_general3A {dimension_numbers = #tpu.dot_dimension_numbers<[1], [0], [0], [1], [0, 0, 1, 1], [], []>, precision = #tpu.contract_precision<fp32>, transpose_lhs_hint = false} : vector<1000x64xf32>, vector<64x32xf32>, vector<1000x32xf32> -> vector<1000x32xf32>
    %slice3A_53 = vector.extract_strided_slice %get3A_50 {offsets = [64, 0], sizes = [64, 32], strides = [1, 1]} : vector<128x32xf32> to vector<64x32xf32>
    %dot_general3A_54 = arith.constant dense<0.000000e+00> : vector<1000x32xf32>
    %dot_general3A_55 = tpu.matmul %add3A_45, %slice3A_53, %dot_general3A_54 {dimension_numbers = #tpu.dot_dimension_numbers<[1], [0], [0], [1], [0, 0, 1, 1], [], []>, precision = #tpu.contract_precision<fp32>, transpose_lhs_hint = false} : vector<1000x64xf32>, vector<64x32xf32>, vector<1000x32xf32> -> vector<1000x32xf32>
    %add3A_56 = arith.addf %dot_general3A_52, %dot_general3A_55 : vector<1000x32xf32>
    %mul3A_57 = vector.broadcast %get3A_1 : vector<1000x1xf32> to vector<1000x32xf32>
    %mul3A_58 = arith.mulf %add3A_56, %mul3A_57 : vector<1000x32xf32>
    %swap3A_59 = arith.constant 0 : index
    %swap3A_60 = arith.constant 0 : index
    %swap3A_61 = vector.load %arg9[%swap3A_59, %swap3A_60] : memref<1000x32xf32, #tpu.memory_space<vmem>>, vector<1000x32xf32>
    tpu.vector_store %arg9[%swap3A_59, %swap3A_60], %mul3A_58 {strides = array<i32>} : memref<1000x32xf32, #tpu.memory_space<vmem>>, vector<1000x32xf32>,
    return
  }
  func.func @transform_0(%arg0: i32) -> (i32, i32, i32, i32) {
    %c0_i32 = arith.constant 0 : i32
    %c0_i32_0 = arith.constant 0 : i32
    %c0_i32_1 = arith.constant 0 : i32
    %c0_i32_2 = arith.constant 0 : i32
    return %c0_i32, %c0_i32_0, %arg0, %c0_i32_1 : i32, i32, i32, i32
  }
  func.func @transform_1(%arg0: i32) -> (i32, i32, i32, i32) {
    %c1_i32 = arith.constant 1 : i32
    %c0_i32 = arith.constant 0 : i32
    %c0_i32_0 = arith.constant 0 : i32
    %c0_i32_1 = arith.constant 0 : i32
    return %c1_i32, %c0_i32, %arg0, %c0_i32_0 : i32, i32, i32, i32
  }
  func.func @transform_2(%arg0: i32) -> (i32, i32) {
    %c0_i32 = arith.constant 0 : i32
    %c0_i32_0 = arith.constant 0 : i32
    return %arg0, %c0_i32 : i32, i32
  }
  func.func @transform_3(%arg0: i32) -> (i32, i32) {
    %c0_i32 = arith.constant 0 : i32
    %c0_i32_0 = arith.constant 0 : i32
    return %arg0, %c0_i32 : i32, i32
  }
  func.func @transform_4(%arg0: i32) -> (i32, i32) {
    %c0_i32 = arith.constant 0 : i32
    %c0_i32_0 = arith.constant 0 : i32
    return %arg0, %c0_i32 : i32, i32
  }
  func.func @transform_5(%arg0: i32) -> (i32, i32) {
    %c0_i32 = arith.constant 0 : i32
    %c0_i32_0 = arith.constant 0 : i32
    %c0_i32_1 = arith.constant 0 : i32
    return %c0_i32, %c0_i32_0 : i32, i32
  }
  func.func @transform_6(%arg0: i32) -> (i32, i32) {
    %c0_i32 = arith.constant 0 : i32
    %c0_i32_0 = arith.constant 0 : i32
    %c0_i32_1 = arith.constant 0 : i32
    return %c0_i32, %c0_i32_0 : i32, i32
  }
  func.func @transform_7(%arg0: i32) -> (i32, i32) {
    %c0_i32 = arith.constant 0 : i32
    %c0_i32_0 = arith.constant 0 : i32
    return %arg0, %c0_i32 : i32, i32
  }
  func.func @transform_8(%arg0: i32) -> (i32, i32) {
    %c0_i32 = arith.constant 0 : i32
    %c0_i32_0 = arith.constant 0 : i32
    return %arg0, %c0_i32 : i32, i32
  }
}

module attributes {stable_mosaic.version = 14 : i64} {
  func.func @body(%arg0: i32, %arg1: memref<1x2x1000x32xf32, #tpu.memory_space<vmem>>, %arg2: memref<1000x32xf32, #tpu.memory_space<vmem>>, %arg3: memref<1000x1xf32, #tpu.memory_space<vmem>>, %arg4: memref<1x32xf32, #tpu.memory_space<vmem>>, %arg5: memref<1000x1xf32, #tpu.memory_space<vmem>>, %arg6: memref<1000x128xf32, #tpu.memory_space<vmem>>, %arg7: memref<16x32x128xf32, #tpu.memory_space<vmem>>) attributes {dimension_semantics = [#tpu.dimension_semantics<arbitrary>], iteration_bounds = array<i64: 10>, scalar_prefetch = 0 : i64, scratch_operands = 0 : i64, tpu.core_type = #tpu.core_type<tc>, window_params = [{transform_indices = @transform_0, window_bounds = array<i64: 1, 2, 1000, 32>}, {transform_indices = @transform_1, window_bounds = array<i64: 1000, 32>}, {transform_indices = @transform_2, window_bounds = array<i64: 1000, 1>}, {pipeline_mode = #tpu.pipeline_mode<synchronous>, transform_indices = @transform_3, window_bounds = array<i64: 1, 32>}, {transform_indices = @transform_4, window_bounds = array<i64: 1000, 1>}, {transform_indices = @transform_5, window_bounds = array<i64: 1000, 128>}, {pipeline_mode = #tpu.pipeline_mode<synchronous>, transform_indices = @transform_6, window_bounds = array<i64: 16, 32, 128>}]} {
    %get3A = arith.constant 0 : index
    %get3A_0 = arith.constant 0 : index
    %get3A_1 = arith.constant 0 : index
    %get3A_2 = arith.constant 0 : index
    %get3A_3 = vector.load %arg1[%get3A, %get3A_0, %get3A_1, %get3A_2] : memref<1x2x1000x32xf32, #tpu.memory_space<vmem>>, vector<1x1x1000x32xf32>
    %get3A_4 = vector.shape_cast %get3A_3 : vector<1x1x1000x32xf32> to vector<1000x32xf32>
    %get3A_5 = arith.constant 0 : index
    %get3A_6 = arith.constant 1 : index
    %get3A_7 = arith.constant 0 : index
    %get3A_8 = arith.constant 0 : index
    %get3A_9 = vector.load %arg1[%get3A_5, %get3A_6, %get3A_7, %get3A_8] : memref<1x2x1000x32xf32, #tpu.memory_space<vmem>>, vector<1x1x1000x32xf32>
    %get3A_10 = vector.shape_cast %get3A_9 : vector<1x1x1000x32xf32> to vector<1000x32xf32>
    %add3A = arith.addf %get3A_4, %get3A_10 : vector<1000x32xf32>
    %get3A_11 = arith.constant 0 : index
    %get3A_12 = arith.constant 0 : index
    %get3A_13 = vector.load %arg2[%get3A_11, %get3A_12] : memref<1000x32xf32, #tpu.memory_space<vmem>>, vector<1000x32xf32>
    %add3A_14 = arith.addf %add3A, %get3A_13 : vector<1000x32xf32>
    %get3A_15 = arith.constant 0 : index
    %get3A_16 = arith.constant 0 : index
    %get3A_17 = vector.load %arg3[%get3A_15, %get3A_16] : memref<1000x1xf32, #tpu.memory_space<vmem>>, vector<1000x1xf32>
    %mul3A = vector.broadcast %get3A_17 : vector<1000x1xf32> to vector<1000x32xf32>
    %mul3A_18 = arith.mulf %add3A_14, %mul3A : vector<1000x32xf32>
    %get3A_19 = arith.constant 0 : index
    %get3A_20 = arith.constant 0 : index
    %get3A_21 = vector.load %arg4[%get3A_19, %get3A_20] : memref<1x32xf32, #tpu.memory_space<vmem>>, vector<1x32xf32>
    %add3A_22 = vector.broadcast %get3A_21 : vector<1x32xf32> to vector<1000x32xf32>
    %add3A_23 = arith.addf %mul3A_18, %add3A_22 : vector<1000x32xf32>
    %reduce_max3A = arith.constant dense<0xFF800000> : vector<1000xf32>
    %reduce_max3A_24 = vector.multi_reduction <maximumf>, %add3A_23, %reduce_max3A [1] : vector<1000x32xf32> to vector<1000xf32>
    %broadcast_in_dim3A = vector.shape_cast %reduce_max3A_24 : vector<1000xf32> to vector<1000x1xf32>
    %sub3A = vector.broadcast %broadcast_in_dim3A : vector<1000x1xf32> to vector<1000x32xf32>
    %sub3A_25 = arith.subf %add3A_23, %sub3A : vector<1000x32xf32>
    %exp3A = math.exp %sub3A_25 : vector<1000x32xf32>
    %reduce_sum3A = arith.constant dense<0.000000e+00> : vector<1000xf32>
    %reduce_sum3A_26 = vector.multi_reduction <add>, %exp3A, %reduce_sum3A [1] : vector<1000x32xf32> to vector<1000xf32>
    %broadcast_in_dim3A_27 = vector.shape_cast %reduce_sum3A_26 : vector<1000xf32> to vector<1000x1xf32>
    %div3A = vector.broadcast %broadcast_in_dim3A_27 : vector<1000x1xf32> to vector<1000x32xf32>
    %div3A_28 = arith.divf %exp3A, %div3A : vector<1000x32xf32>
    %eq3A = arith.constant 0 : i32
    %eq3A_29 = arith.cmpi eq, %arg0, %eq3A : i32
    %convert_element_type3A = arith.extui %eq3A_29 : i1 to i32
    %cond3A = arith.constant 0 : i32
    %cond3A_30 = arith.cmpi ne, %convert_element_type3A, %cond3A : i32
    scf.if %cond3A_30 {
      %broadcast_in_dim3A_385 = arith.constant 0.000000e+00 : f32
      %broadcast_in_dim3A_386 = vector.broadcast %broadcast_in_dim3A_385 : f32 to vector<16x32x128xf32>
      %swap3A_387 = arith.constant 0 : index
      %swap3A_388 = arith.constant 0 : index
      %swap3A_389 = arith.constant 0 : index
      %swap3A_390 = vector.load %arg7[%swap3A_387, %swap3A_388, %swap3A_389] : memref<16x32x128xf32, #tpu.memory_space<vmem>>, vector<16x32x128xf32>
      tpu.vector_store %arg7[%swap3A_387, %swap3A_388, %swap3A_389], %broadcast_in_dim3A_386 {strides = array<i32>} : memref<16x32x128xf32, #tpu.memory_space<vmem>>, vector<16x32x128xf32>,
    } else {
    }
    %get3A_31 = arith.constant 0 : index
    %get3A_32 = arith.constant 0 : index
    %get3A_33 = vector.load %arg6[%get3A_31, %get3A_32] : memref<1000x128xf32, #tpu.memory_space<vmem>>, vector<1000x128xf32>
    %get3A_34 = arith.constant 0 : index
    %get3A_35 = arith.constant 0 : index
    %get3A_36 = vector.load %arg5[%get3A_34, %get3A_35] : memref<1000x1xf32, #tpu.memory_space<vmem>>, vector<1000x1xf32>
    %eq3A_37 = arith.constant 0.000000e+00 : f32
    %eq3A_38 = vector.broadcast %eq3A_37 : f32 to vector<1000x1xf32>
    %eq3A_39 = arith.cmpf oeq, %get3A_36, %eq3A_38 : vector<1000x1xf32>
    %jit3A = arith.constant 0.000000e+00 : f32
    %broadcast_in_dim3A_40 = vector.shape_cast %eq3A_39 : vector<1000x1xi1> to vector<1000x1xi1>
    %broadcast_in_dim3A_41 = vector.broadcast %broadcast_in_dim3A_40 : vector<1000x1xi1> to vector<1000x32xi1>
    %broadcast_in_dim3A_42 = vector.broadcast %jit3A : f32 to vector<1000x32xf32>
    %select_n3A = arith.select %broadcast_in_dim3A_41, %div3A_28, %broadcast_in_dim3A_42 : vector<1000x32xi1>, vector<1000x32xf32>
    %dot_general3A = arith.constant dense<0.000000e+00> : vector<32x128xf32>
    %dot_general3A_43 = tpu.matmul %select_n3A, %get3A_33, %dot_general3A {dimension_numbers = #tpu.dot_dimension_numbers<[0], [0], [1], [1], [0, 1, 1, 1], [], []>, precision = #tpu.contract_precision<fp32>, transpose_lhs_hint = false} : vector<1000x32xf32>, vector<1000x128xf32>, vector<32x128xf32> -> vector<32x128xf32>
    %get3A_44 = arith.constant 0 : index
    %get3A_45 = arith.constant 0 : index
    %get3A_46 = arith.constant 0 : index
    %get3A_47 = vector.load %arg7[%get3A_44, %get3A_45, %get3A_46] : memref<16x32x128xf32, #tpu.memory_space<vmem>>, vector<1x32x128xf32>
    %get3A_48 = vector.shape_cast %get3A_47 : vector<1x32x128xf32> to vector<32x128xf32>
    %add3A_49 = arith.addf %get3A_48, %dot_general3A_43 : vector<32x128xf32>
    %swap3A = arith.constant 0 : index
    %swap3A_50 = arith.constant 0 : index
    %swap3A_51 = arith.constant 0 : index
    %swap3A_52 = vector.load %arg7[%swap3A, %swap3A_50, %swap3A_51] : memref<16x32x128xf32, #tpu.memory_space<vmem>>, vector<1x32x128xf32>
    %swap3A_53 = vector.shape_cast %swap3A_52 : vector<1x32x128xf32> to vector<32x128xf32>
    %swap3A_54 = vector.shape_cast %add3A_49 : vector<32x128xf32> to vector<1x32x128xf32>
    tpu.vector_store %arg7[%swap3A, %swap3A_50, %swap3A_51], %swap3A_54 {strides = array<i32>} : memref<16x32x128xf32, #tpu.memory_space<vmem>>, vector<1x32x128xf32>,
    %eq3A_55 = arith.constant 1.000000e+00 : f32
    %eq3A_56 = vector.broadcast %eq3A_55 : f32 to vector<1000x1xf32>
    %eq3A_57 = arith.cmpf oeq, %get3A_36, %eq3A_56 : vector<1000x1xf32>
    %jit3A_58 = arith.constant 0.000000e+00 : f32
    %broadcast_in_dim3A_59 = vector.shape_cast %eq3A_57 : vector<1000x1xi1> to vector<1000x1xi1>
    %broadcast_in_dim3A_60 = vector.broadcast %broadcast_in_dim3A_59 : vector<1000x1xi1> to vector<1000x32xi1>
    %broadcast_in_dim3A_61 = vector.broadcast %jit3A_58 : f32 to vector<1000x32xf32>
    %select_n3A_62 = arith.select %broadcast_in_dim3A_60, %div3A_28, %broadcast_in_dim3A_61 : vector<1000x32xi1>, vector<1000x32xf32>
    %dot_general3A_63 = arith.constant dense<0.000000e+00> : vector<32x128xf32>
    %dot_general3A_64 = tpu.matmul %select_n3A_62, %get3A_33, %dot_general3A_63 {dimension_numbers = #tpu.dot_dimension_numbers<[0], [0], [1], [1], [0, 1, 1, 1], [], []>, precision = #tpu.contract_precision<fp32>, transpose_lhs_hint = false} : vector<1000x32xf32>, vector<1000x128xf32>, vector<32x128xf32> -> vector<32x128xf32>
    %get3A_65 = arith.constant 1 : index
    %get3A_66 = arith.constant 0 : index
    %get3A_67 = arith.constant 0 : index
    %get3A_68 = vector.load %arg7[%get3A_65, %get3A_66, %get3A_67] : memref<16x32x128xf32, #tpu.memory_space<vmem>>, vector<1x32x128xf32>
    %get3A_69 = vector.shape_cast %get3A_68 : vector<1x32x128xf32> to vector<32x128xf32>
    %add3A_70 = arith.addf %get3A_69, %dot_general3A_64 : vector<32x128xf32>
    %swap3A_71 = arith.constant 1 : index
    %swap3A_72 = arith.constant 0 : index
    %swap3A_73 = arith.constant 0 : index
    %swap3A_74 = vector.load %arg7[%swap3A_71, %swap3A_72, %swap3A_73] : memref<16x32x128xf32, #tpu.memory_space<vmem>>, vector<1x32x128xf32>
    %swap3A_75 = vector.shape_cast %swap3A_74 : vector<1x32x128xf32> to vector<32x128xf32>
    %swap3A_76 = vector.shape_cast %add3A_70 : vector<32x128xf32> to vector<1x32x128xf32>
    tpu.vector_store %arg7[%swap3A_71, %swap3A_72, %swap3A_73], %swap3A_76 {strides = array<i32>} : memref<16x32x128xf32, #tpu.memory_space<vmem>>, vector<1x32x128xf32>,
    %eq3A_77 = arith.constant 2.000000e+00 : f32
    %eq3A_78 = vector.broadcast %eq3A_77 : f32 to vector<1000x1xf32>
    %eq3A_79 = arith.cmpf oeq, %get3A_36, %eq3A_78 : vector<1000x1xf32>
    %jit3A_80 = arith.constant 0.000000e+00 : f32
    %broadcast_in_dim3A_81 = vector.shape_cast %eq3A_79 : vector<1000x1xi1> to vector<1000x1xi1>
    %broadcast_in_dim3A_82 = vector.broadcast %broadcast_in_dim3A_81 : vector<1000x1xi1> to vector<1000x32xi1>
    %broadcast_in_dim3A_83 = vector.broadcast %jit3A_80 : f32 to vector<1000x32xf32>
    %select_n3A_84 = arith.select %broadcast_in_dim3A_82, %div3A_28, %broadcast_in_dim3A_83 : vector<1000x32xi1>, vector<1000x32xf32>
    %dot_general3A_85 = arith.constant dense<0.000000e+00> : vector<32x128xf32>
    %dot_general3A_86 = tpu.matmul %select_n3A_84, %get3A_33, %dot_general3A_85 {dimension_numbers = #tpu.dot_dimension_numbers<[0], [0], [1], [1], [0, 1, 1, 1], [], []>, precision = #tpu.contract_precision<fp32>, transpose_lhs_hint = false} : vector<1000x32xf32>, vector<1000x128xf32>, vector<32x128xf32> -> vector<32x128xf32>
    %get3A_87 = arith.constant 2 : index
    %get3A_88 = arith.constant 0 : index
    %get3A_89 = arith.constant 0 : index
    %get3A_90 = vector.load %arg7[%get3A_87, %get3A_88, %get3A_89] : memref<16x32x128xf32, #tpu.memory_space<vmem>>, vector<1x32x128xf32>
    %get3A_91 = vector.shape_cast %get3A_90 : vector<1x32x128xf32> to vector<32x128xf32>
    %add3A_92 = arith.addf %get3A_91, %dot_general3A_86 : vector<32x128xf32>
    %swap3A_93 = arith.constant 2 : index
    %swap3A_94 = arith.constant 0 : index
    %swap3A_95 = arith.constant 0 : index
    %swap3A_96 = vector.load %arg7[%swap3A_93, %swap3A_94, %swap3A_95] : memref<16x32x128xf32, #tpu.memory_space<vmem>>, vector<1x32x128xf32>
    %swap3A_97 = vector.shape_cast %swap3A_96 : vector<1x32x128xf32> to vector<32x128xf32>
    %swap3A_98 = vector.shape_cast %add3A_92 : vector<32x128xf32> to vector<1x32x128xf32>
    tpu.vector_store %arg7[%swap3A_93, %swap3A_94, %swap3A_95], %swap3A_98 {strides = array<i32>} : memref<16x32x128xf32, #tpu.memory_space<vmem>>, vector<1x32x128xf32>,
    %eq3A_99 = arith.constant 3.000000e+00 : f32
    %eq3A_100 = vector.broadcast %eq3A_99 : f32 to vector<1000x1xf32>
    %eq3A_101 = arith.cmpf oeq, %get3A_36, %eq3A_100 : vector<1000x1xf32>
    %jit3A_102 = arith.constant 0.000000e+00 : f32
    %broadcast_in_dim3A_103 = vector.shape_cast %eq3A_101 : vector<1000x1xi1> to vector<1000x1xi1>
    %broadcast_in_dim3A_104 = vector.broadcast %broadcast_in_dim3A_103 : vector<1000x1xi1> to vector<1000x32xi1>
    %broadcast_in_dim3A_105 = vector.broadcast %jit3A_102 : f32 to vector<1000x32xf32>
    %select_n3A_106 = arith.select %broadcast_in_dim3A_104, %div3A_28, %broadcast_in_dim3A_105 : vector<1000x32xi1>, vector<1000x32xf32>
    %dot_general3A_107 = arith.constant dense<0.000000e+00> : vector<32x128xf32>
    %dot_general3A_108 = tpu.matmul %select_n3A_106, %get3A_33, %dot_general3A_107 {dimension_numbers = #tpu.dot_dimension_numbers<[0], [0], [1], [1], [0, 1, 1, 1], [], []>, precision = #tpu.contract_precision<fp32>, transpose_lhs_hint = false} : vector<1000x32xf32>, vector<1000x128xf32>, vector<32x128xf32> -> vector<32x128xf32>
    %get3A_109 = arith.constant 3 : index
    %get3A_110 = arith.constant 0 : index
    %get3A_111 = arith.constant 0 : index
    %get3A_112 = vector.load %arg7[%get3A_109, %get3A_110, %get3A_111] : memref<16x32x128xf32, #tpu.memory_space<vmem>>, vector<1x32x128xf32>
    %get3A_113 = vector.shape_cast %get3A_112 : vector<1x32x128xf32> to vector<32x128xf32>
    %add3A_114 = arith.addf %get3A_113, %dot_general3A_108 : vector<32x128xf32>
    %swap3A_115 = arith.constant 3 : index
    %swap3A_116 = arith.constant 0 : index
    %swap3A_117 = arith.constant 0 : index
    %swap3A_118 = vector.load %arg7[%swap3A_115, %swap3A_116, %swap3A_117] : memref<16x32x128xf32, #tpu.memory_space<vmem>>, vector<1x32x128xf32>
    %swap3A_119 = vector.shape_cast %swap3A_118 : vector<1x32x128xf32> to vector<32x128xf32>
    %swap3A_120 = vector.shape_cast %add3A_114 : vector<32x128xf32> to vector<1x32x128xf32>
    tpu.vector_store %arg7[%swap3A_115, %swap3A_116, %swap3A_117], %swap3A_120 {strides = array<i32>} : memref<16x32x128xf32, #tpu.memory_space<vmem>>, vector<1x32x128xf32>,
    %eq3A_121 = arith.constant 4.000000e+00 : f32
    %eq3A_122 = vector.broadcast %eq3A_121 : f32 to vector<1000x1xf32>
    %eq3A_123 = arith.cmpf oeq, %get3A_36, %eq3A_122 : vector<1000x1xf32>
    %jit3A_124 = arith.constant 0.000000e+00 : f32
    %broadcast_in_dim3A_125 = vector.shape_cast %eq3A_123 : vector<1000x1xi1> to vector<1000x1xi1>
    %broadcast_in_dim3A_126 = vector.broadcast %broadcast_in_dim3A_125 : vector<1000x1xi1> to vector<1000x32xi1>
    %broadcast_in_dim3A_127 = vector.broadcast %jit3A_124 : f32 to vector<1000x32xf32>
    %select_n3A_128 = arith.select %broadcast_in_dim3A_126, %div3A_28, %broadcast_in_dim3A_127 : vector<1000x32xi1>, vector<1000x32xf32>
    %dot_general3A_129 = arith.constant dense<0.000000e+00> : vector<32x128xf32>
    %dot_general3A_130 = tpu.matmul %select_n3A_128, %get3A_33, %dot_general3A_129 {dimension_numbers = #tpu.dot_dimension_numbers<[0], [0], [1], [1], [0, 1, 1, 1], [], []>, precision = #tpu.contract_precision<fp32>, transpose_lhs_hint = false} : vector<1000x32xf32>, vector<1000x128xf32>, vector<32x128xf32> -> vector<32x128xf32>
    %get3A_131 = arith.constant 4 : index
    %get3A_132 = arith.constant 0 : index
    %get3A_133 = arith.constant 0 : index
    %get3A_134 = vector.load %arg7[%get3A_131, %get3A_132, %get3A_133] : memref<16x32x128xf32, #tpu.memory_space<vmem>>, vector<1x32x128xf32>
    %get3A_135 = vector.shape_cast %get3A_134 : vector<1x32x128xf32> to vector<32x128xf32>
    %add3A_136 = arith.addf %get3A_135, %dot_general3A_130 : vector<32x128xf32>
    %swap3A_137 = arith.constant 4 : index
    %swap3A_138 = arith.constant 0 : index
    %swap3A_139 = arith.constant 0 : index
    %swap3A_140 = vector.load %arg7[%swap3A_137, %swap3A_138, %swap3A_139] : memref<16x32x128xf32, #tpu.memory_space<vmem>>, vector<1x32x128xf32>
    %swap3A_141 = vector.shape_cast %swap3A_140 : vector<1x32x128xf32> to vector<32x128xf32>
    %swap3A_142 = vector.shape_cast %add3A_136 : vector<32x128xf32> to vector<1x32x128xf32>
    tpu.vector_store %arg7[%swap3A_137, %swap3A_138, %swap3A_139], %swap3A_142 {strides = array<i32>} : memref<16x32x128xf32, #tpu.memory_space<vmem>>, vector<1x32x128xf32>,
    %eq3A_143 = arith.constant 5.000000e+00 : f32
    %eq3A_144 = vector.broadcast %eq3A_143 : f32 to vector<1000x1xf32>
    %eq3A_145 = arith.cmpf oeq, %get3A_36, %eq3A_144 : vector<1000x1xf32>
    %jit3A_146 = arith.constant 0.000000e+00 : f32
    %broadcast_in_dim3A_147 = vector.shape_cast %eq3A_145 : vector<1000x1xi1> to vector<1000x1xi1>
    %broadcast_in_dim3A_148 = vector.broadcast %broadcast_in_dim3A_147 : vector<1000x1xi1> to vector<1000x32xi1>
    %broadcast_in_dim3A_149 = vector.broadcast %jit3A_146 : f32 to vector<1000x32xf32>
    %select_n3A_150 = arith.select %broadcast_in_dim3A_148, %div3A_28, %broadcast_in_dim3A_149 : vector<1000x32xi1>, vector<1000x32xf32>
    %dot_general3A_151 = arith.constant dense<0.000000e+00> : vector<32x128xf32>
    %dot_general3A_152 = tpu.matmul %select_n3A_150, %get3A_33, %dot_general3A_151 {dimension_numbers = #tpu.dot_dimension_numbers<[0], [0], [1], [1], [0, 1, 1, 1], [], []>, precision = #tpu.contract_precision<fp32>, transpose_lhs_hint = false} : vector<1000x32xf32>, vector<1000x128xf32>, vector<32x128xf32> -> vector<32x128xf32>
    %get3A_153 = arith.constant 5 : index
    %get3A_154 = arith.constant 0 : index
    %get3A_155 = arith.constant 0 : index
    %get3A_156 = vector.load %arg7[%get3A_153, %get3A_154, %get3A_155] : memref<16x32x128xf32, #tpu.memory_space<vmem>>, vector<1x32x128xf32>
    %get3A_157 = vector.shape_cast %get3A_156 : vector<1x32x128xf32> to vector<32x128xf32>
    %add3A_158 = arith.addf %get3A_157, %dot_general3A_152 : vector<32x128xf32>
    %swap3A_159 = arith.constant 5 : index
    %swap3A_160 = arith.constant 0 : index
    %swap3A_161 = arith.constant 0 : index
    %swap3A_162 = vector.load %arg7[%swap3A_159, %swap3A_160, %swap3A_161] : memref<16x32x128xf32, #tpu.memory_space<vmem>>, vector<1x32x128xf32>
    %swap3A_163 = vector.shape_cast %swap3A_162 : vector<1x32x128xf32> to vector<32x128xf32>
    %swap3A_164 = vector.shape_cast %add3A_158 : vector<32x128xf32> to vector<1x32x128xf32>
    tpu.vector_store %arg7[%swap3A_159, %swap3A_160, %swap3A_161], %swap3A_164 {strides = array<i32>} : memref<16x32x128xf32, #tpu.memory_space<vmem>>, vector<1x32x128xf32>,
    %eq3A_165 = arith.constant 6.000000e+00 : f32
    %eq3A_166 = vector.broadcast %eq3A_165 : f32 to vector<1000x1xf32>
    %eq3A_167 = arith.cmpf oeq, %get3A_36, %eq3A_166 : vector<1000x1xf32>
    %jit3A_168 = arith.constant 0.000000e+00 : f32
    %broadcast_in_dim3A_169 = vector.shape_cast %eq3A_167 : vector<1000x1xi1> to vector<1000x1xi1>
    %broadcast_in_dim3A_170 = vector.broadcast %broadcast_in_dim3A_169 : vector<1000x1xi1> to vector<1000x32xi1>
    %broadcast_in_dim3A_171 = vector.broadcast %jit3A_168 : f32 to vector<1000x32xf32>
    %select_n3A_172 = arith.select %broadcast_in_dim3A_170, %div3A_28, %broadcast_in_dim3A_171 : vector<1000x32xi1>, vector<1000x32xf32>
    %dot_general3A_173 = arith.constant dense<0.000000e+00> : vector<32x128xf32>
    %dot_general3A_174 = tpu.matmul %select_n3A_172, %get3A_33, %dot_general3A_173 {dimension_numbers = #tpu.dot_dimension_numbers<[0], [0], [1], [1], [0, 1, 1, 1], [], []>, precision = #tpu.contract_precision<fp32>, transpose_lhs_hint = false} : vector<1000x32xf32>, vector<1000x128xf32>, vector<32x128xf32> -> vector<32x128xf32>
    %get3A_175 = arith.constant 6 : index
    %get3A_176 = arith.constant 0 : index
    %get3A_177 = arith.constant 0 : index
    %get3A_178 = vector.load %arg7[%get3A_175, %get3A_176, %get3A_177] : memref<16x32x128xf32, #tpu.memory_space<vmem>>, vector<1x32x128xf32>
    %get3A_179 = vector.shape_cast %get3A_178 : vector<1x32x128xf32> to vector<32x128xf32>
    %add3A_180 = arith.addf %get3A_179, %dot_general3A_174 : vector<32x128xf32>
    %swap3A_181 = arith.constant 6 : index
    %swap3A_182 = arith.constant 0 : index
    %swap3A_183 = arith.constant 0 : index
    %swap3A_184 = vector.load %arg7[%swap3A_181, %swap3A_182, %swap3A_183] : memref<16x32x128xf32, #tpu.memory_space<vmem>>, vector<1x32x128xf32>
    %swap3A_185 = vector.shape_cast %swap3A_184 : vector<1x32x128xf32> to vector<32x128xf32>
    %swap3A_186 = vector.shape_cast %add3A_180 : vector<32x128xf32> to vector<1x32x128xf32>
    tpu.vector_store %arg7[%swap3A_181, %swap3A_182, %swap3A_183], %swap3A_186 {strides = array<i32>} : memref<16x32x128xf32, #tpu.memory_space<vmem>>, vector<1x32x128xf32>,
    %eq3A_187 = arith.constant 7.000000e+00 : f32
    %eq3A_188 = vector.broadcast %eq3A_187 : f32 to vector<1000x1xf32>
    %eq3A_189 = arith.cmpf oeq, %get3A_36, %eq3A_188 : vector<1000x1xf32>
    %jit3A_190 = arith.constant 0.000000e+00 : f32
    %broadcast_in_dim3A_191 = vector.shape_cast %eq3A_189 : vector<1000x1xi1> to vector<1000x1xi1>
    %broadcast_in_dim3A_192 = vector.broadcast %broadcast_in_dim3A_191 : vector<1000x1xi1> to vector<1000x32xi1>
    %broadcast_in_dim3A_193 = vector.broadcast %jit3A_190 : f32 to vector<1000x32xf32>
    %select_n3A_194 = arith.select %broadcast_in_dim3A_192, %div3A_28, %broadcast_in_dim3A_193 : vector<1000x32xi1>, vector<1000x32xf32>
    %dot_general3A_195 = arith.constant dense<0.000000e+00> : vector<32x128xf32>
    %dot_general3A_196 = tpu.matmul %select_n3A_194, %get3A_33, %dot_general3A_195 {dimension_numbers = #tpu.dot_dimension_numbers<[0], [0], [1], [1], [0, 1, 1, 1], [], []>, precision = #tpu.contract_precision<fp32>, transpose_lhs_hint = false} : vector<1000x32xf32>, vector<1000x128xf32>, vector<32x128xf32> -> vector<32x128xf32>
    %get3A_197 = arith.constant 7 : index
    %get3A_198 = arith.constant 0 : index
    %get3A_199 = arith.constant 0 : index
    %get3A_200 = vector.load %arg7[%get3A_197, %get3A_198, %get3A_199] : memref<16x32x128xf32, #tpu.memory_space<vmem>>, vector<1x32x128xf32>
    %get3A_201 = vector.shape_cast %get3A_200 : vector<1x32x128xf32> to vector<32x128xf32>
    %add3A_202 = arith.addf %get3A_201, %dot_general3A_196 : vector<32x128xf32>
    %swap3A_203 = arith.constant 7 : index
    %swap3A_204 = arith.constant 0 : index
    %swap3A_205 = arith.constant 0 : index
    %swap3A_206 = vector.load %arg7[%swap3A_203, %swap3A_204, %swap3A_205] : memref<16x32x128xf32, #tpu.memory_space<vmem>>, vector<1x32x128xf32>
    %swap3A_207 = vector.shape_cast %swap3A_206 : vector<1x32x128xf32> to vector<32x128xf32>
    %swap3A_208 = vector.shape_cast %add3A_202 : vector<32x128xf32> to vector<1x32x128xf32>
    tpu.vector_store %arg7[%swap3A_203, %swap3A_204, %swap3A_205], %swap3A_208 {strides = array<i32>} : memref<16x32x128xf32, #tpu.memory_space<vmem>>, vector<1x32x128xf32>,
    %eq3A_209 = arith.constant 8.000000e+00 : f32
    %eq3A_210 = vector.broadcast %eq3A_209 : f32 to vector<1000x1xf32>
    %eq3A_211 = arith.cmpf oeq, %get3A_36, %eq3A_210 : vector<1000x1xf32>
    %jit3A_212 = arith.constant 0.000000e+00 : f32
    %broadcast_in_dim3A_213 = vector.shape_cast %eq3A_211 : vector<1000x1xi1> to vector<1000x1xi1>
    %broadcast_in_dim3A_214 = vector.broadcast %broadcast_in_dim3A_213 : vector<1000x1xi1> to vector<1000x32xi1>
    %broadcast_in_dim3A_215 = vector.broadcast %jit3A_212 : f32 to vector<1000x32xf32>
    %select_n3A_216 = arith.select %broadcast_in_dim3A_214, %div3A_28, %broadcast_in_dim3A_215 : vector<1000x32xi1>, vector<1000x32xf32>
    %dot_general3A_217 = arith.constant dense<0.000000e+00> : vector<32x128xf32>
    %dot_general3A_218 = tpu.matmul %select_n3A_216, %get3A_33, %dot_general3A_217 {dimension_numbers = #tpu.dot_dimension_numbers<[0], [0], [1], [1], [0, 1, 1, 1], [], []>, precision = #tpu.contract_precision<fp32>, transpose_lhs_hint = false} : vector<1000x32xf32>, vector<1000x128xf32>, vector<32x128xf32> -> vector<32x128xf32>
    %get3A_219 = arith.constant 8 : index
    %get3A_220 = arith.constant 0 : index
    %get3A_221 = arith.constant 0 : index
    %get3A_222 = vector.load %arg7[%get3A_219, %get3A_220, %get3A_221] : memref<16x32x128xf32, #tpu.memory_space<vmem>>, vector<1x32x128xf32>
    %get3A_223 = vector.shape_cast %get3A_222 : vector<1x32x128xf32> to vector<32x128xf32>
    %add3A_224 = arith.addf %get3A_223, %dot_general3A_218 : vector<32x128xf32>
    %swap3A_225 = arith.constant 8 : index
    %swap3A_226 = arith.constant 0 : index
    %swap3A_227 = arith.constant 0 : index
    %swap3A_228 = vector.load %arg7[%swap3A_225, %swap3A_226, %swap3A_227] : memref<16x32x128xf32, #tpu.memory_space<vmem>>, vector<1x32x128xf32>
    %swap3A_229 = vector.shape_cast %swap3A_228 : vector<1x32x128xf32> to vector<32x128xf32>
    %swap3A_230 = vector.shape_cast %add3A_224 : vector<32x128xf32> to vector<1x32x128xf32>
    tpu.vector_store %arg7[%swap3A_225, %swap3A_226, %swap3A_227], %swap3A_230 {strides = array<i32>} : memref<16x32x128xf32, #tpu.memory_space<vmem>>, vector<1x32x128xf32>,
    %eq3A_231 = arith.constant 9.000000e+00 : f32
    %eq3A_232 = vector.broadcast %eq3A_231 : f32 to vector<1000x1xf32>
    %eq3A_233 = arith.cmpf oeq, %get3A_36, %eq3A_232 : vector<1000x1xf32>
    %jit3A_234 = arith.constant 0.000000e+00 : f32
    %broadcast_in_dim3A_235 = vector.shape_cast %eq3A_233 : vector<1000x1xi1> to vector<1000x1xi1>
    %broadcast_in_dim3A_236 = vector.broadcast %broadcast_in_dim3A_235 : vector<1000x1xi1> to vector<1000x32xi1>
    %broadcast_in_dim3A_237 = vector.broadcast %jit3A_234 : f32 to vector<1000x32xf32>
    %select_n3A_238 = arith.select %broadcast_in_dim3A_236, %div3A_28, %broadcast_in_dim3A_237 : vector<1000x32xi1>, vector<1000x32xf32>
    %dot_general3A_239 = arith.constant dense<0.000000e+00> : vector<32x128xf32>
    %dot_general3A_240 = tpu.matmul %select_n3A_238, %get3A_33, %dot_general3A_239 {dimension_numbers = #tpu.dot_dimension_numbers<[0], [0], [1], [1], [0, 1, 1, 1], [], []>, precision = #tpu.contract_precision<fp32>, transpose_lhs_hint = false} : vector<1000x32xf32>, vector<1000x128xf32>, vector<32x128xf32> -> vector<32x128xf32>
    %get3A_241 = arith.constant 9 : index
    %get3A_242 = arith.constant 0 : index
    %get3A_243 = arith.constant 0 : index
    %get3A_244 = vector.load %arg7[%get3A_241, %get3A_242, %get3A_243] : memref<16x32x128xf32, #tpu.memory_space<vmem>>, vector<1x32x128xf32>
    %get3A_245 = vector.shape_cast %get3A_244 : vector<1x32x128xf32> to vector<32x128xf32>
    %add3A_246 = arith.addf %get3A_245, %dot_general3A_240 : vector<32x128xf32>
    %swap3A_247 = arith.constant 9 : index
    %swap3A_248 = arith.constant 0 : index
    %swap3A_249 = arith.constant 0 : index
    %swap3A_250 = vector.load %arg7[%swap3A_247, %swap3A_248, %swap3A_249] : memref<16x32x128xf32, #tpu.memory_space<vmem>>, vector<1x32x128xf32>
    %swap3A_251 = vector.shape_cast %swap3A_250 : vector<1x32x128xf32> to vector<32x128xf32>
    %swap3A_252 = vector.shape_cast %add3A_246 : vector<32x128xf32> to vector<1x32x128xf32>
    tpu.vector_store %arg7[%swap3A_247, %swap3A_248, %swap3A_249], %swap3A_252 {strides = array<i32>} : memref<16x32x128xf32, #tpu.memory_space<vmem>>, vector<1x32x128xf32>,
    %eq3A_253 = arith.constant 1.000000e+01 : f32
    %eq3A_254 = vector.broadcast %eq3A_253 : f32 to vector<1000x1xf32>
    %eq3A_255 = arith.cmpf oeq, %get3A_36, %eq3A_254 : vector<1000x1xf32>
    %jit3A_256 = arith.constant 0.000000e+00 : f32
    %broadcast_in_dim3A_257 = vector.shape_cast %eq3A_255 : vector<1000x1xi1> to vector<1000x1xi1>
    %broadcast_in_dim3A_258 = vector.broadcast %broadcast_in_dim3A_257 : vector<1000x1xi1> to vector<1000x32xi1>
    %broadcast_in_dim3A_259 = vector.broadcast %jit3A_256 : f32 to vector<1000x32xf32>
    %select_n3A_260 = arith.select %broadcast_in_dim3A_258, %div3A_28, %broadcast_in_dim3A_259 : vector<1000x32xi1>, vector<1000x32xf32>
    %dot_general3A_261 = arith.constant dense<0.000000e+00> : vector<32x128xf32>
    %dot_general3A_262 = tpu.matmul %select_n3A_260, %get3A_33, %dot_general3A_261 {dimension_numbers = #tpu.dot_dimension_numbers<[0], [0], [1], [1], [0, 1, 1, 1], [], []>, precision = #tpu.contract_precision<fp32>, transpose_lhs_hint = false} : vector<1000x32xf32>, vector<1000x128xf32>, vector<32x128xf32> -> vector<32x128xf32>
    %get3A_263 = arith.constant 10 : index
    %get3A_264 = arith.constant 0 : index
    %get3A_265 = arith.constant 0 : index
    %get3A_266 = vector.load %arg7[%get3A_263, %get3A_264, %get3A_265] : memref<16x32x128xf32, #tpu.memory_space<vmem>>, vector<1x32x128xf32>
    %get3A_267 = vector.shape_cast %get3A_266 : vector<1x32x128xf32> to vector<32x128xf32>
    %add3A_268 = arith.addf %get3A_267, %dot_general3A_262 : vector<32x128xf32>
    %swap3A_269 = arith.constant 10 : index
    %swap3A_270 = arith.constant 0 : index
    %swap3A_271 = arith.constant 0 : index
    %swap3A_272 = vector.load %arg7[%swap3A_269, %swap3A_270, %swap3A_271] : memref<16x32x128xf32, #tpu.memory_space<vmem>>, vector<1x32x128xf32>
    %swap3A_273 = vector.shape_cast %swap3A_272 : vector<1x32x128xf32> to vector<32x128xf32>
    %swap3A_274 = vector.shape_cast %add3A_268 : vector<32x128xf32> to vector<1x32x128xf32>
    tpu.vector_store %arg7[%swap3A_269, %swap3A_270, %swap3A_271], %swap3A_274 {strides = array<i32>} : memref<16x32x128xf32, #tpu.memory_space<vmem>>, vector<1x32x128xf32>,
    %eq3A_275 = arith.constant 1.100000e+01 : f32
    %eq3A_276 = vector.broadcast %eq3A_275 : f32 to vector<1000x1xf32>
    %eq3A_277 = arith.cmpf oeq, %get3A_36, %eq3A_276 : vector<1000x1xf32>
    %jit3A_278 = arith.constant 0.000000e+00 : f32
    %broadcast_in_dim3A_279 = vector.shape_cast %eq3A_277 : vector<1000x1xi1> to vector<1000x1xi1>
    %broadcast_in_dim3A_280 = vector.broadcast %broadcast_in_dim3A_279 : vector<1000x1xi1> to vector<1000x32xi1>
    %broadcast_in_dim3A_281 = vector.broadcast %jit3A_278 : f32 to vector<1000x32xf32>
    %select_n3A_282 = arith.select %broadcast_in_dim3A_280, %div3A_28, %broadcast_in_dim3A_281 : vector<1000x32xi1>, vector<1000x32xf32>
    %dot_general3A_283 = arith.constant dense<0.000000e+00> : vector<32x128xf32>
    %dot_general3A_284 = tpu.matmul %select_n3A_282, %get3A_33, %dot_general3A_283 {dimension_numbers = #tpu.dot_dimension_numbers<[0], [0], [1], [1], [0, 1, 1, 1], [], []>, precision = #tpu.contract_precision<fp32>, transpose_lhs_hint = false} : vector<1000x32xf32>, vector<1000x128xf32>, vector<32x128xf32> -> vector<32x128xf32>
    %get3A_285 = arith.constant 11 : index
    %get3A_286 = arith.constant 0 : index
    %get3A_287 = arith.constant 0 : index
    %get3A_288 = vector.load %arg7[%get3A_285, %get3A_286, %get3A_287] : memref<16x32x128xf32, #tpu.memory_space<vmem>>, vector<1x32x128xf32>
    %get3A_289 = vector.shape_cast %get3A_288 : vector<1x32x128xf32> to vector<32x128xf32>
    %add3A_290 = arith.addf %get3A_289, %dot_general3A_284 : vector<32x128xf32>
    %swap3A_291 = arith.constant 11 : index
    %swap3A_292 = arith.constant 0 : index
    %swap3A_293 = arith.constant 0 : index
    %swap3A_294 = vector.load %arg7[%swap3A_291, %swap3A_292, %swap3A_293] : memref<16x32x128xf32, #tpu.memory_space<vmem>>, vector<1x32x128xf32>
    %swap3A_295 = vector.shape_cast %swap3A_294 : vector<1x32x128xf32> to vector<32x128xf32>
    %swap3A_296 = vector.shape_cast %add3A_290 : vector<32x128xf32> to vector<1x32x128xf32>
    tpu.vector_store %arg7[%swap3A_291, %swap3A_292, %swap3A_293], %swap3A_296 {strides = array<i32>} : memref<16x32x128xf32, #tpu.memory_space<vmem>>, vector<1x32x128xf32>,
    %eq3A_297 = arith.constant 1.200000e+01 : f32
    %eq3A_298 = vector.broadcast %eq3A_297 : f32 to vector<1000x1xf32>
    %eq3A_299 = arith.cmpf oeq, %get3A_36, %eq3A_298 : vector<1000x1xf32>
    %jit3A_300 = arith.constant 0.000000e+00 : f32
    %broadcast_in_dim3A_301 = vector.shape_cast %eq3A_299 : vector<1000x1xi1> to vector<1000x1xi1>
    %broadcast_in_dim3A_302 = vector.broadcast %broadcast_in_dim3A_301 : vector<1000x1xi1> to vector<1000x32xi1>
    %broadcast_in_dim3A_303 = vector.broadcast %jit3A_300 : f32 to vector<1000x32xf32>
    %select_n3A_304 = arith.select %broadcast_in_dim3A_302, %div3A_28, %broadcast_in_dim3A_303 : vector<1000x32xi1>, vector<1000x32xf32>
    %dot_general3A_305 = arith.constant dense<0.000000e+00> : vector<32x128xf32>
    %dot_general3A_306 = tpu.matmul %select_n3A_304, %get3A_33, %dot_general3A_305 {dimension_numbers = #tpu.dot_dimension_numbers<[0], [0], [1], [1], [0, 1, 1, 1], [], []>, precision = #tpu.contract_precision<fp32>, transpose_lhs_hint = false} : vector<1000x32xf32>, vector<1000x128xf32>, vector<32x128xf32> -> vector<32x128xf32>
    %get3A_307 = arith.constant 12 : index
    %get3A_308 = arith.constant 0 : index
    %get3A_309 = arith.constant 0 : index
    %get3A_310 = vector.load %arg7[%get3A_307, %get3A_308, %get3A_309] : memref<16x32x128xf32, #tpu.memory_space<vmem>>, vector<1x32x128xf32>
    %get3A_311 = vector.shape_cast %get3A_310 : vector<1x32x128xf32> to vector<32x128xf32>
    %add3A_312 = arith.addf %get3A_311, %dot_general3A_306 : vector<32x128xf32>
    %swap3A_313 = arith.constant 12 : index
    %swap3A_314 = arith.constant 0 : index
    %swap3A_315 = arith.constant 0 : index
    %swap3A_316 = vector.load %arg7[%swap3A_313, %swap3A_314, %swap3A_315] : memref<16x32x128xf32, #tpu.memory_space<vmem>>, vector<1x32x128xf32>
    %swap3A_317 = vector.shape_cast %swap3A_316 : vector<1x32x128xf32> to vector<32x128xf32>
    %swap3A_318 = vector.shape_cast %add3A_312 : vector<32x128xf32> to vector<1x32x128xf32>
    tpu.vector_store %arg7[%swap3A_313, %swap3A_314, %swap3A_315], %swap3A_318 {strides = array<i32>} : memref<16x32x128xf32, #tpu.memory_space<vmem>>, vector<1x32x128xf32>,
    %eq3A_319 = arith.constant 1.300000e+01 : f32
    %eq3A_320 = vector.broadcast %eq3A_319 : f32 to vector<1000x1xf32>
    %eq3A_321 = arith.cmpf oeq, %get3A_36, %eq3A_320 : vector<1000x1xf32>
    %jit3A_322 = arith.constant 0.000000e+00 : f32
    %broadcast_in_dim3A_323 = vector.shape_cast %eq3A_321 : vector<1000x1xi1> to vector<1000x1xi1>
    %broadcast_in_dim3A_324 = vector.broadcast %broadcast_in_dim3A_323 : vector<1000x1xi1> to vector<1000x32xi1>
    %broadcast_in_dim3A_325 = vector.broadcast %jit3A_322 : f32 to vector<1000x32xf32>
    %select_n3A_326 = arith.select %broadcast_in_dim3A_324, %div3A_28, %broadcast_in_dim3A_325 : vector<1000x32xi1>, vector<1000x32xf32>
    %dot_general3A_327 = arith.constant dense<0.000000e+00> : vector<32x128xf32>
    %dot_general3A_328 = tpu.matmul %select_n3A_326, %get3A_33, %dot_general3A_327 {dimension_numbers = #tpu.dot_dimension_numbers<[0], [0], [1], [1], [0, 1, 1, 1], [], []>, precision = #tpu.contract_precision<fp32>, transpose_lhs_hint = false} : vector<1000x32xf32>, vector<1000x128xf32>, vector<32x128xf32> -> vector<32x128xf32>
    %get3A_329 = arith.constant 13 : index
    %get3A_330 = arith.constant 0 : index
    %get3A_331 = arith.constant 0 : index
    %get3A_332 = vector.load %arg7[%get3A_329, %get3A_330, %get3A_331] : memref<16x32x128xf32, #tpu.memory_space<vmem>>, vector<1x32x128xf32>
    %get3A_333 = vector.shape_cast %get3A_332 : vector<1x32x128xf32> to vector<32x128xf32>
    %add3A_334 = arith.addf %get3A_333, %dot_general3A_328 : vector<32x128xf32>
    %swap3A_335 = arith.constant 13 : index
    %swap3A_336 = arith.constant 0 : index
    %swap3A_337 = arith.constant 0 : index
    %swap3A_338 = vector.load %arg7[%swap3A_335, %swap3A_336, %swap3A_337] : memref<16x32x128xf32, #tpu.memory_space<vmem>>, vector<1x32x128xf32>
    %swap3A_339 = vector.shape_cast %swap3A_338 : vector<1x32x128xf32> to vector<32x128xf32>
    %swap3A_340 = vector.shape_cast %add3A_334 : vector<32x128xf32> to vector<1x32x128xf32>
    tpu.vector_store %arg7[%swap3A_335, %swap3A_336, %swap3A_337], %swap3A_340 {strides = array<i32>} : memref<16x32x128xf32, #tpu.memory_space<vmem>>, vector<1x32x128xf32>,
    %eq3A_341 = arith.constant 1.400000e+01 : f32
    %eq3A_342 = vector.broadcast %eq3A_341 : f32 to vector<1000x1xf32>
    %eq3A_343 = arith.cmpf oeq, %get3A_36, %eq3A_342 : vector<1000x1xf32>
    %jit3A_344 = arith.constant 0.000000e+00 : f32
    %broadcast_in_dim3A_345 = vector.shape_cast %eq3A_343 : vector<1000x1xi1> to vector<1000x1xi1>
    %broadcast_in_dim3A_346 = vector.broadcast %broadcast_in_dim3A_345 : vector<1000x1xi1> to vector<1000x32xi1>
    %broadcast_in_dim3A_347 = vector.broadcast %jit3A_344 : f32 to vector<1000x32xf32>
    %select_n3A_348 = arith.select %broadcast_in_dim3A_346, %div3A_28, %broadcast_in_dim3A_347 : vector<1000x32xi1>, vector<1000x32xf32>
    %dot_general3A_349 = arith.constant dense<0.000000e+00> : vector<32x128xf32>
    %dot_general3A_350 = tpu.matmul %select_n3A_348, %get3A_33, %dot_general3A_349 {dimension_numbers = #tpu.dot_dimension_numbers<[0], [0], [1], [1], [0, 1, 1, 1], [], []>, precision = #tpu.contract_precision<fp32>, transpose_lhs_hint = false} : vector<1000x32xf32>, vector<1000x128xf32>, vector<32x128xf32> -> vector<32x128xf32>
    %get3A_351 = arith.constant 14 : index
    %get3A_352 = arith.constant 0 : index
    %get3A_353 = arith.constant 0 : index
    %get3A_354 = vector.load %arg7[%get3A_351, %get3A_352, %get3A_353] : memref<16x32x128xf32, #tpu.memory_space<vmem>>, vector<1x32x128xf32>
    %get3A_355 = vector.shape_cast %get3A_354 : vector<1x32x128xf32> to vector<32x128xf32>
    %add3A_356 = arith.addf %get3A_355, %dot_general3A_350 : vector<32x128xf32>
    %swap3A_357 = arith.constant 14 : index
    %swap3A_358 = arith.constant 0 : index
    %swap3A_359 = arith.constant 0 : index
    %swap3A_360 = vector.load %arg7[%swap3A_357, %swap3A_358, %swap3A_359] : memref<16x32x128xf32, #tpu.memory_space<vmem>>, vector<1x32x128xf32>
    %swap3A_361 = vector.shape_cast %swap3A_360 : vector<1x32x128xf32> to vector<32x128xf32>
    %swap3A_362 = vector.shape_cast %add3A_356 : vector<32x128xf32> to vector<1x32x128xf32>
    tpu.vector_store %arg7[%swap3A_357, %swap3A_358, %swap3A_359], %swap3A_362 {strides = array<i32>} : memref<16x32x128xf32, #tpu.memory_space<vmem>>, vector<1x32x128xf32>,
    %eq3A_363 = arith.constant 1.500000e+01 : f32
    %eq3A_364 = vector.broadcast %eq3A_363 : f32 to vector<1000x1xf32>
    %eq3A_365 = arith.cmpf oeq, %get3A_36, %eq3A_364 : vector<1000x1xf32>
    %jit3A_366 = arith.constant 0.000000e+00 : f32
    %broadcast_in_dim3A_367 = vector.shape_cast %eq3A_365 : vector<1000x1xi1> to vector<1000x1xi1>
    %broadcast_in_dim3A_368 = vector.broadcast %broadcast_in_dim3A_367 : vector<1000x1xi1> to vector<1000x32xi1>
    %broadcast_in_dim3A_369 = vector.broadcast %jit3A_366 : f32 to vector<1000x32xf32>
    %select_n3A_370 = arith.select %broadcast_in_dim3A_368, %div3A_28, %broadcast_in_dim3A_369 : vector<1000x32xi1>, vector<1000x32xf32>
    %dot_general3A_371 = arith.constant dense<0.000000e+00> : vector<32x128xf32>
    %dot_general3A_372 = tpu.matmul %select_n3A_370, %get3A_33, %dot_general3A_371 {dimension_numbers = #tpu.dot_dimension_numbers<[0], [0], [1], [1], [0, 1, 1, 1], [], []>, precision = #tpu.contract_precision<fp32>, transpose_lhs_hint = false} : vector<1000x32xf32>, vector<1000x128xf32>, vector<32x128xf32> -> vector<32x128xf32>
    %get3A_373 = arith.constant 15 : index
    %get3A_374 = arith.constant 0 : index
    %get3A_375 = arith.constant 0 : index
    %get3A_376 = vector.load %arg7[%get3A_373, %get3A_374, %get3A_375] : memref<16x32x128xf32, #tpu.memory_space<vmem>>, vector<1x32x128xf32>
    %get3A_377 = vector.shape_cast %get3A_376 : vector<1x32x128xf32> to vector<32x128xf32>
    %add3A_378 = arith.addf %get3A_377, %dot_general3A_372 : vector<32x128xf32>
    %swap3A_379 = arith.constant 15 : index
    %swap3A_380 = arith.constant 0 : index
    %swap3A_381 = arith.constant 0 : index
    %swap3A_382 = vector.load %arg7[%swap3A_379, %swap3A_380, %swap3A_381] : memref<16x32x128xf32, #tpu.memory_space<vmem>>, vector<1x32x128xf32>
    %swap3A_383 = vector.shape_cast %swap3A_382 : vector<1x32x128xf32> to vector<32x128xf32>
    %swap3A_384 = vector.shape_cast %add3A_378 : vector<32x128xf32> to vector<1x32x128xf32>
    tpu.vector_store %arg7[%swap3A_379, %swap3A_380, %swap3A_381], %swap3A_384 {strides = array<i32>} : memref<16x32x128xf32, #tpu.memory_space<vmem>>, vector<1x32x128xf32>,
    return
  }
  func.func @transform_0(%arg0: i32) -> (i32, i32, i32, i32) {
    %c0_i32 = arith.constant 0 : i32
    %c0_i32_0 = arith.constant 0 : i32
    %c0_i32_1 = arith.constant 0 : i32
    %c0_i32_2 = arith.constant 0 : i32
    return %c0_i32, %c0_i32_0, %arg0, %c0_i32_1 : i32, i32, i32, i32
  }
  func.func @transform_1(%arg0: i32) -> (i32, i32) {
    %c0_i32 = arith.constant 0 : i32
    %c0_i32_0 = arith.constant 0 : i32
    return %arg0, %c0_i32 : i32, i32
  }
  func.func @transform_2(%arg0: i32) -> (i32, i32) {
    %c0_i32 = arith.constant 0 : i32
    %c0_i32_0 = arith.constant 0 : i32
    return %arg0, %c0_i32 : i32, i32
  }
  func.func @transform_3(%arg0: i32) -> (i32, i32) {
    %c0_i32 = arith.constant 0 : i32
    %c0_i32_0 = arith.constant 0 : i32
    %c0_i32_1 = arith.constant 0 : i32
    return %c0_i32, %c0_i32_0 : i32, i32
  }
  func.func @transform_4(%arg0: i32) -> (i32, i32) {
    %c0_i32 = arith.constant 0 : i32
    %c0_i32_0 = arith.constant 0 : i32
    return %arg0, %c0_i32 : i32, i32
  }
  func.func @transform_5(%arg0: i32) -> (i32, i32) {
    %c0_i32 = arith.constant 0 : i32
    %c0_i32_0 = arith.constant 0 : i32
    return %arg0, %c0_i32 : i32, i32
  }
  func.func @transform_6(%arg0: i32) -> (i32, i32, i32) {
    %c0_i32 = arith.constant 0 : i32
    %c0_i32_0 = arith.constant 0 : i32
    %c0_i32_1 = arith.constant 0 : i32
    %c0_i32_2 = arith.constant 0 : i32
    return %c0_i32, %c0_i32_0, %c0_i32_1 : i32, i32, i32
  }
}

</mosaic_0001>

<sc_bundles>
// kernel: kernel.11.cloned.1.call-start
scs
__scs_entry_jumppad:
0x0: {  	(pc) =	sbr.rel $0x88, $3  }
0x1: {  	(tag) =	ssettag $0x0;
	lr =	simm.s32 $0x1  }
0x2: {  	[smem:$0x3F9A] =	sst lr;
	_ =	strace $0xD0000000  }
0x3: {  	_ = 	snop  }
0x4: {  	_ = 	snop  }
0x5: {  	_ = 	snop  }
0x6: {  	_ = 	snop  }
0x7: {  	_ = 	snop  }
__scs_overlays_trampoline_lowered:
0x8: {  	[smem:$0x3FA9] =	sst s0  }
0x9: {  	[smem:$0x3FAA] =	sst s1  }
0xa: {  	[smem:$0x3FAB] =	sst s2  }
0xb: {  	[smem:$0x3FAC] =	sst s3  }
0xc: {  	[smem:$0x3FAD] =	sst s4  }
0xd: {  	[smem:$0x3FAE] =	sst s5  }
0xe: {  	[smem:$0x3FAF] =	sst s6  }
0xf: {  	[smem:$0x3FB0] =	sst s7  }
0x10: {  	[smem:$0x3FB1] =	sst s8  }
0x11: {  	[smem:$0x3FB2] =	sst s9;
	s0 =	simm.s32 @!p0 $0x0  }
0x12: {  	s1 =	sld [smem:$0x3F98];
	s0 =	simm.s32 @p0 $0x1  }
0x13: {  	[smem:$0x3FB3] =	sst s0;
	s0 =	simm.s32 @!p1 $0x0  }
0x14: {  	s2 =	sld [smem:$0x3F97];
	s0 =	simm.s32 @p1 $0x1  }
0x15: {  	[smem:$0x3FB4] =	sst s0;
	s0 =	simm.s32 @!p2 $0x0  }
0x16: {  	s3 =	sld [smem:$0x3FDB];
	s0 =	simm.s32 @p2 $0x1  }
0x17: {  	s4 =	simm.s32 $0x1BF5;
	[smem:$0x3FB6] =	sst s0  }
0x18: {  	s0 =	sld [smem:$0x3F99];
	_ =	swait.ge [sflag:s4], $0x0  }
0x19: {  	s7 =	sld [smem:$0x3F9A]  }
0x1a: {  	s8 =	sadd.s32 $0xFFFFE003, lr  }
0x1b: {  	s9 =	sadd.s32 $0xFFFFFEF7, lr;
	s5 =	simm.s32 $0xFFFFFFFF;
	p2 =	slt.u32 s8, $0xFFFFF086  }
0x1c: {  	p1 =	slt.u32 s9, $0xF7A;
	s5 =	simm.s32 @!p2 $0x0  }
0x1d: {  	s5 =	simm.s32 @p1 $0x1;
	p0 =	seq.s32 s7, s2  }
0x1e: {  	s7 =	smul.u32 @!p0 $0xF7A, s2;
	p2 =	seq.s32 @!p0 s5, $0x0  }
0x1f: {  	s9 =	smul.u32 $0xF7A, s1;
	s8 =	simm.s32 @!p0 $0x1BF5;
	p2 =	por !p2, p0  }
0x20: {  	[sflag:s8] =	ssyncset.s32 @!p0 $0xFFFFF086;
	s6 =	sadd.s32 @!p0 s3, s7;
	s7 =	simm.s32 @!p0 $0x108  }
0x21: {  	s3 =	sadd.s32 s3, s9;
	s6 =	sadd.s32 @!p0 $0x88, s6;
	s7 =	simm.s32 @p2 $0x1082  }
0x22: {  	[simem:s7], [sflag:s8] =	dma.local @!p0 [hbm:s6], $0xF7A  }
0x23: {  	s9 =	sor.u32 $0xD0000000, s2;
	s6 =	simm.s32 $0x108;
	_ =	swait.ge @!p0 [sflag:s8], $0x0  }
0x24: {  	s3 =	sadd.s32 $0x88, s3;
	s6 =	simm.s32 @!p1 $0x1082;
	[sflag:s4] =	ssyncset.s32 $0xFFFFF086  }
0x25: {  	[simem:s6], [sflag:s4] =	dma.local [hbm:s3], $0xF7A  }
0x26: {  	[smem:$0x3F9A] =	sst s1;
	(tag) =	ssettag s2;
	_ =	strace s9  }
0x27: {  	s1 =	sld [smem:$0x3FAA]  }
0x28: {  	s2 =	sld [smem:$0x3FAB]  }
0x29: {  	s4 =	sld [smem:$0x3FAD]  }
0x2a: {  	p0 =	seq.s32 s5, $0x0;
	s5 =	sld [smem:$0x3FAE]  }
0x2b: {  	s6 =	sld [smem:$0x3FAF]  }
0x2c: {  	s7 =	sld [smem:$0x3FB0]  }
0x2d: {  	s3 =	simm.s32 $0x108;
	s8 =	sld [smem:$0x3FB1]  }
0x2e: {  	s3 =	simm.s32 @!p0 $0x1082;
	s9 =	sld [smem:$0x3FB2]  }
0x2f: {  	lr =	sadd.s32 s0, s3;
	s0 =	sld [smem:$0x3FA9]  }
0x30: {  	s3 =	sld [smem:$0x3FAC]  }
0x31: {  	[smem:$0x3FB5] =	sst s10  }
0x32: {  	s10 =	sld [smem:$0x3FB3];
	_ =	sdelay $0x3  }
0x33: {  	p0 =	seq.s32 s10, $0x1;
	s10 =	sld [smem:$0x3FB5];
	_ =	sdelay $0x3  }
0x34: {  	[smem:$0x3FB5] =	sst s10  }
0x35: {  	s10 =	sld [smem:$0x3FB4];
	_ =	sdelay $0x3  }
0x36: {  	p1 =	seq.s32 s10, $0x1;
	s10 =	sld [smem:$0x3FB5];
	_ =	sdelay $0x3  }
0x37: {  	[smem:$0x3FB5] =	sst s10  }
0x38: {  	s10 =	sld [smem:$0x3FB6]  }
0x39: {  	_ = 	snop;
	(pc) =	sbr.ind lr, $3  }
0x3a: {  	_ = 	snop  }
0x3b: {  	_ = 	snop  }
0x3c: {  	p2 =	seq.s32 s10, $0x1;
	s10 =	sld [smem:$0x3FB5]  }
0x3d: {  	_ =	shalt  }
0x3e: {  	_ =	shalt  }
0x3f: {  	_ =	shalt  }
0x40: {  	_ =	shalt  }
0x41: {  	_ =	shalt  }
0x42: {  	_ =	shalt  }
0x43: {  	_ =	shalt  }
0x44: {  	_ =	shalt  }
0x45: {  	_ =	shalt  }
0x46: {  	_ =	shalt  }
0x47: {  	_ =	shalt  }
0x48: {  	_ =	shalt  }
0x49: {  	_ =	shalt  }
0x4a: {  	_ =	shalt  }
0x4b: {  	_ =	shalt  }
0x4c: {  	_ =	shalt  }
0x4d: {  	_ =	shalt  }
0x4e: {  	_ =	shalt  }
0x4f: {  	_ =	shalt  }
0x50: {  	_ =	shalt  }
0x51: {  	_ =	shalt  }
0x52: {  	_ =	shalt  }
0x53: {  	_ =	shalt  }
0x54: {  	_ =	shalt  }
0x55: {  	_ =	shalt  }
0x56: {  	_ =	shalt  }
0x57: {  	_ =	shalt  }
0x58: {  	_ =	shalt  }
0x59: {  	_ =	shalt  }
0x5a: {  	_ =	shalt  }
0x5b: {  	_ =	shalt  }
0x5c: {  	_ =	shalt  }
0x5d: {  	_ =	shalt  }
0x5e: {  	_ =	shalt  }
0x5f: {  	_ =	shalt  }
0x60: {  	_ =	shalt  }
0x61: {  	_ =	shalt  }
0x62: {  	_ =	shalt  }
0x63: {  	_ =	shalt  }
0x64: {  	_ =	shalt  }
0x65: {  	_ =	shalt  }
0x66: {  	_ =	shalt  }
0x67: {  	_ =	shalt  }
0x68: {  	_ =	shalt  }
0x69: {  	_ =	shalt  }
0x6a: {  	_ =	shalt  }
0x6b: {  	_ =	shalt  }
0x6c: {  	_ =	shalt  }
0x6d: {  	_ =	shalt  }
0x6e: {  	_ =	shalt  }
0x6f: {  	_ =	shalt  }
0x70: {  	_ =	shalt  }
0x71: {  	_ =	shalt  }
0x72: {  	_ =	shalt  }
0x73: {  	_ =	shalt  }
0x74: {  	_ =	shalt  }
0x75: {  	_ =	shalt  }
0x76: {  	_ =	shalt  }
0x77: {  	_ =	shalt  }
0x78: {  	_ =	shalt  }
0x79: {  	_ =	shalt  }
0x7a: {  	_ =	shalt  }
0x7b: {  	_ =	shalt  }
0x7c: {  	_ =	shalt  }
0x7d: {  	_ =	shalt  }
0x7e: {  	_ =	shalt  }
0x7f: {  	_ =	shalt  }
0x80: {  	_ =	shalt  }
0x81: {  	_ =	shalt  }
0x82: {  	_ =	shalt  }
0x83: {  	_ =	shalt  }
0x84: {  	_ =	shalt  }
0x85: {  	_ =	shalt  }
0x86: {  	_ =	shalt  }
0x87: {  	_ =	shalt  }
.Lfunc_end0:
.L_simem_size_0:
called_computation.1_lowered:
.L_overlay_start_0:
0x88: {  	s2 =	sld [smem:$0x3FD9]  }
0x89: {  	s3 =	sld [smem:$0x3FFE];
	_ =	sdelay $0x1  }
0x8a: {  	s1 =	srdreg.scid  }
0x8b: {  	s0 =	sand.u32 $0x1, s1  }
0x8c: {  	s16 =	sshll.u32 s0, $0xA;
	s2 =	sadd.s32 s3, s2  }
0x8d: {  	s2 =	sadd.s32 s2, s16  }
0x8e: {  	[smem:$0x3FC1] =	sst s2  }
0x8f: {  	_ = 	snop  }
0x90: {  	(tm) =	ssettm $0x1  }
0x91: {  	s17 =	sld [smem:$0x3FFB];
	_ =	sdelay $0x3  }
0x92: {  	_ =	strace s17  }
0x93: {  	s2 =	sld [smem:$0x3FFC];
	_ =	sdelay $0x3  }
0x94: {  	_ =	strace s2  }
0x95: {  	s2 =	sld [smem:$0x3FFD];
	_ =	sdelay $0x3  }
0x96: {  	_ =	strace s2  }
0x97: {  	_ =	strace $0x8FFFFFFF  }
0x98: {  	s18 =	sld [smem:$0x3FDB];
	_ =	sdelay $0x1  }
0x99: {  	s19 =	simm.s32 $_scs_section_size  }
0x9a: {  	s4 =	simm.s32 $_size__tile_overlayer_lowered;
	s5 =	simm.s32 $_tile_overlayer_lowered  }
0x9b: {  	s22 =	simm.s32 $0x1BFF;
	s21 =	sshll.u32 s5, $0x1;
	s2 =	sadd.s32 s19, s18  }
0x9c: {  	s6 =	simm.s32 $0x0;
	s20 =	sshll.u32 s4, $0x1;
	s4 =	sadd.s32 s21, s2  }
0x9d: {  	[timem:s6], [sflag:s22] =	dma.local [hbm:s4], s20  }
0x9e: {  	_ =	swait.ge [sflag:s22], s20  }
0x9f: {  	s3 =	ssub.s32 $0x0, s20;
	[sflag:s22] =	ssyncset.done $0x0  }
0xa0: {  	[sflag:s22] =	ssyncadd.s32 s3;
	_ =	sdelay $0x1  }
0xa1: {  	s23 =	simm.s32 $0x1B8B  }
0xa2: {  	_ =	swait.ge [sflag:s23], $0x1  }
0xa3: {  	[sflag:s23] =	ssyncset.done $0x0  }
0xa4: {  	s25 =	simm.s32 $0x1B8E;
	s24 =	sld [smem:$0x3FFE];
	[sflag:s23] =	ssyncadd.s32 $0xFFFFFFFF  }
0xa5: {  	s26 =	simm.s32 $execute0_lowered;
	[smem:$0x3FD2] =	sst s25  }
0xa6: {  	s4 =	sshll.u32 s26, $0x1;
	_ =	strace $0x80000049;
	[dreg:$0x1] =	wrdreg $0xFFFFFFFF  }
0xa7: {  	s28 =	simm.s32 $_size_execute0_lowered;
	s2 =	sadd.s32 s2, s4;
	[dreg:$0x0] =	wrdreg $0x0  }
0xa8: {  	s4 =	sshll.u32 s28, $0x1;
	[dreg:$0x2] =	wrdreg s2  }
0xa9: {  	[dreg:$0x3] =	wrdreg s4  }
0xaa: {  	[dreg:$0x4] =	wrdreg $0xC0  }
0xab: {  	_ =	task [dreg:s6], $0x5FFFF  }
0xac: {  	[dreg:$0x1] =	wrdreg $0xFFFFFFFF  }
0xad: {  	[dreg:$0x0] =	wrdreg $0x60  }
0xae: {  	[dreg:$0x2] =	wrdreg s24  }
0xaf: {  	[dreg:$0x3] =	wrdreg $0x86200  }
0xb0: {  	[dreg:$0x4] =	wrdreg $0x9  }
0xb1: {  	_ =	task.clear_ibuf [dreg:s6], $0x5FFFF;
	_ =	strace $0x90000049  }
0xb2: {  	s29 =	simm.s32 $0x9;
	_ =	strace $0x8000004B  }
0xb3: {  	_ =	swait.ge [sflag:s29], $0x1  }
0xb4: {  	[sflag:s29] =	ssyncadd.s32 $0xFFFFFFFF  }
0xb5: {  	_ =	strace $0x9000004B  }
0xb6: {  	_ =	sfence  }
0xb7: {  	s30 =	sld [smem:$0x0];
	_ =	sdelay $0x2  }
0xb8: {  	s31 =	sshll.u32 s1, $0xD;
	s1 =	sshrl.u32 s1, $0x2  }
0xb9: {  	s3 =	sand.u32 $0x4000, s31;
	s1 =	sadd.s32 s1, s30  }
0xba: {  	s0 =	sor.u32 s3, s0;
	s1 =	sshll.u32 s1, $0x11  }
0xbb: {  	s0 =	sor.u32 s1, s0  }
0xbc: {  	s0 =	sadd.s32 $0x8F2B, s0  }
0xbd: {  	[sflag:s0] =	ssyncadd.remote.s32 $0x1  }
0xbe: {  	_ =	sfence.sel $0xFFFF  }
0xbf: {  	[dreg:$0x0] =	wrdreg $0xFFFFFFFF;
	(pc) =	sbr.abs _section_cstart, $3  }
0xc0: {  	[dreg:$0x1] =	wrdreg $0xFFFFFFFF  }
0xc1: {  	_ =	task.clear_ibuf [dreg:s6], $0x2FFFF;
	_ =	strace $0x9FFFFFFF  }
0xc2: {  	(tm) =	ssettm $0x7FFFFFFF  }
0xc3: {  	_ =	shalt  }
tec
execute0_lowered:
.L_overlay_start_1:
0x0: {  	(tag) =	ssettag $0x1  }
0x1: {  	s1 =	rddreg [dreg:$0x0]  }
0x2: {  	s0 =	srdreg.scid;
	s2 =	rddreg [dreg:$0x1];
	s3 =	simm.s32 $0x0  }
0x3: {  	s7 =	stileid.u32;
	s0 =	sand.u32 $0x1, s0;
	[smem:$0x7FF] =	sst s3  }
0x4: {  	s4 =	sshll.u32 s0, $0x4;
	s5 =	ssub.s32 $0x2, s0;
	s0 =	smul.u32 $0x9E000, s0  }
0x5: {  	s8 =	sadd.s32 $0x8C400, s1;
	s4 =	sor.u32 s7, s4;
	s7 =	smul.u32 $0x9E00, s7  }
0x6: {  	_ =	strace $0x8000004A;
	s6 =	sshrl.u32 s5, $0x1;
	s4 =	smul.u32 $0x4E2, s4  }
0x7: {  	s5 =	ssub.s32 s5, s6;
	s18 =	sadd.s32 $0x1000, s7;
	s19 =	sadd.s32 $0x2000, s7  }
0x8: {  	s20 =	sadd.s32 $0x3000, s7;
	s11 =	sadd.s32 $0x4000, s7;
	s12 =	sadd.s32 $0x5000, s7  }
0x9: {  	s15 =	sadd.s32 $0x6000, s7;
	s16 =	sadd.s32 $0x7000, s7;
	s25 =	sadd.s32 $0x8000, s7  }
0xa: {  	s13 =	sadd.s32 s7, s0;
	s4 =	sadd.s32 s4, s1;
	s14 =	sadd.s32 s0, s18  }
0xb: {  	s17 =	sadd.s32 s0, s19;
	s13 =	sshrl.u32 s13, $0x3;
	s21 =	sadd.s32 s0, s12  }
0xc: {  	s22 =	sadd.s32 s0, s15;
	s23 =	sadd.s32 s0, s16;
	s18 =	sadd.s32 s18, s2  }
0xd: {  	s19 =	sadd.s32 s19, s2;
	s14 =	sshrl.u32 s14, $0x3;
	s17 =	sshrl.u32 s17, $0x3  }
0xe: {  	s26 =	sadd.s32 s8, s13;
	s24 =	sadd.s32 $0x3000, s4;
	s4 =	sadd.s32 $0xCE00, s4  }
0xf: {  	s28 =	sadd.s32 s8, s14;
	s29 =	sadd.s32 s8, s17;
	s14 =	sadd.s32 s0, s20  }
0x10: {  	s17 =	sadd.s32 s0, s11;
	s0 =	sadd.s32 s0, s25;
	[dreg:$0x8] =	wrdreg s24  }
0x11: {  	[dreg:$0x9] =	wrdreg s4;
	s20 =	sadd.s32 s20, s2;
	s24 =	sadd.s32 s16, s2  }
0x12: {  	s25 =	sadd.s32 s25, s2;
	[dreg:$0x3] =	wrdreg s26;
	s13 =	sshrl.u32 s14, $0x3  }
0x13: {  	s14 =	sshrl.u32 s17, $0x3;
	s17 =	sshrl.u32 s21, $0x3;
	s0 =	sshrl.u32 s0, $0x3  }
0x14: {  	s21 =	sadd.s32 s11, s2;
	s11 =	sadd.s32 $0x27800, s26;
	[dreg:$0x4] =	wrdreg s28  }
0x15: {  	[dreg:$0x5] =	wrdreg s29;
	s30 =	sadd.s32 s8, s13;
	s31 =	sadd.s32 s8, s14  }
0x16: {  	s6 =	sadd.s32 s8, s17;
	s13 =	sshrl.u32 s22, $0x3;
	s14 =	sshrl.u32 s23, $0x3  }
0x17: {  	s0 =	sadd.s32 s8, s0;
	s17 =	sadd.s32 s7, s2;
	s22 =	sadd.s32 s12, s2  }
0x18: {  	s23 =	sadd.s32 s15, s2;
	[dreg:$0xb] =	wrdreg s11;
	s12 =	sadd.s32 $0x27800, s28  }
0x19: {  	s15 =	sadd.s32 $0x27800, s29;
	s7 =	simm.s32 $0x50;
	[dreg:$0xc] =	wrdreg s12  }
0x1a: {  	s11 =	simm.s32 $0x4DD0;
	s28 =	simm.s32 $0x0;
	[dreg:$0xd] =	wrdreg s15  }
0x1b: {  	s9 =	sadd.s32 s8, s13;
	s10 =	sadd.s32 s8, s14;
	[dreg:$0x6] =	wrdreg s30  }
0x1c: {  	s13 =	sadd.s32 $0x78A00, s1;
	s8 =	smax.u32 s5, $0x1;
	[dreg:$0x7] =	wrdreg s31  }
0x1d: {  	s14 =	sadd.s32 $0x3DE00, s1;
	s16 =	sadd.s32 $0x27800, s30;
	[dreg:$0xa] =	wrdreg s8  }
0x1e: {  	s26 =	sadd.s32 $0x27800, s31;
	s5 =	smov.u32 s6;
	[dreg:$0xe] =	wrdreg s16  }
0x1f: {  	s29 =	sadd.s32 $0x27800, s6;
	s1 =	smov.u32 s0;
	[dreg:$0xf] =	wrdreg s26  }
0x20: {  	s0 =	sadd.s32 $0x27800, s0;
	s15 =	simm.s32 $0x3;
	[dreg:$0x10] =	wrdreg s29  }
0x21: {  	s4 =	smov.u32 s9;
	s30 =	sadd.s32 $0x27800, s9;
	s6 =	smov.u32 s10  }
0x22: {  	s31 =	sadd.s32 $0x27800, s10;
	[dreg:$0x13] =	wrdreg s0;
	s16 =	simm.s32 $0x7620  }
0x23: {  	s8 =	simm.s32 $0x4E20;
	s9 =	simm.s32 $0x6220;
	[dreg:$0x11] =	wrdreg s30  }
0x24: {  	v0 =	vimm.f32 $0.0e+00;
	s10 =	simm.s32 $0x1;
	s26 =	simm.s32 $0x2;
	[dreg:$0x12] =	wrdreg s31  }
.LBB2_1:
0x25: {  	s29 =	simm.s32 $0x100;
	s12 =	simm.s32 $0x0  }
.LBB2_2:
0x26: {  	p0 =	sne.s32 s29, $0x3F00;
	[tilespmem:s12+$0x7650] =	vst v0;
	s30 =	smov.u32 s29;
	s29 =	sadd.s32 $0x100, s29  }
.Ltmp0:
0x27: {  	[tilespmem:s12+$0x7640] =	vst v0;
	(pc) =	sbr.rel @p0 .LBB2_2-.Ltmp0, $3  }
0x28: {  	[tilespmem:s12+$0x7620] =	vst v0  }
0x29: {  	[tilespmem:s12+$0x7630] =	vst v0;
	_ =	sdelay $0x1  }
0x2a: {  	s12 =	sshra.s32 s30, $0x2  }
0x2b: {  	[tilespmem:s12+$0x7650] =	vst v0  }
0x2c: {  	[tilespmem:s12+$0x7640] =	vst v0  }
0x2d: {  	[tilespmem:s12+$0x7620] =	vst v0  }
0x2e: {  	[tilespmem:s12+$0x7630] =	vst v0;
	s31 =	simm.s32 $0x0;
	s0 =	rddreg [dreg:$0x8]  }
0x2f: {  	[tilespmem:s31], [sflag:$0x3] =	stream.linear.gather [hbm4b:s0+s31], $0x2710, $0x38;
	[tilespmem:$0x12420] =	vst v63  }
0x30: {  	_ =	swait.ge [sflag:s15], $0x2710  }
0x31: {  	[sflag:s15] =	ssyncset.done $0x0  }
0x32: {  	s29 =	simm.s32 $0x2710;
	s30 =	rddreg [dreg:$0x9];
	[sflag:s15] =	ssyncadd.s32 $0xFFFFD8F0  }
0x33: {  	[tilespmem:s29], [sflag:$0x3] =	stream.linear.gather [hbm4b:s30+s31], $0x2710, $0x38;
	[tilespmem:$0x12420] =	vst v63  }
0x34: {  	_ =	swait.ge [sflag:s15], $0x2710  }
0x35: {  	[sflag:s15] =	ssyncset.done $0x0  }
0x36: {  	[sflag:s15] =	ssyncadd.s32 $0xFFFFD8F0  }
0x37: {  	[spmem:s17] =	stream.linear.scatter [tilespmem:s16], [sflag:$0x3], $0x1000, $0x38;
	[tilespmem:$0x12420] =	vst v63  }
0x38: {  	_ =	swait.ge [sflag:s15], $0x1000  }
0x39: {  	[sflag:s15] =	ssyncset.done $0x0  }
0x3a: {  	[sflag:s15] =	ssyncadd.s32 $0xFFFFF000  }
0x3b: {  	[spmem:s18] =	stream.linear.scatter [tilespmem:s16], [sflag:$0x3], $0x1000, $0x38;
	[tilespmem:$0x12420] =	vst v63  }
0x3c: {  	_ =	swait.ge [sflag:s15], $0x1000  }
0x3d: {  	[sflag:s15] =	ssyncset.done $0x0  }
0x3e: {  	[sflag:s15] =	ssyncadd.s32 $0xFFFFF000  }
0x3f: {  	[spmem:s19] =	stream.linear.scatter [tilespmem:s16], [sflag:$0x3], $0x1000, $0x38;
	[tilespmem:$0x12420] =	vst v63  }
0x40: {  	_ =	swait.ge [sflag:s15], $0x1000  }
0x41: {  	[sflag:s15] =	ssyncset.done $0x0  }
0x42: {  	[sflag:s15] =	ssyncadd.s32 $0xFFFFF000  }
0x43: {  	[spmem:s20] =	stream.linear.scatter [tilespmem:s16], [sflag:$0x3], $0x1000, $0x38;
	[tilespmem:$0x12420] =	vst v63  }
0x44: {  	_ =	swait.ge [sflag:s15], $0x1000  }
0x45: {  	[sflag:s15] =	ssyncset.done $0x0  }
0x46: {  	[sflag:s15] =	ssyncadd.s32 $0xFFFFF000  }
0x47: {  	[spmem:s21] =	stream.linear.scatter [tilespmem:s16], [sflag:$0x3], $0x1000, $0x38;
	[tilespmem:$0x12420] =	vst v63  }
0x48: {  	_ =	swait.ge [sflag:s15], $0x1000  }
0x49: {  	[sflag:s15] =	ssyncset.done $0x0  }
0x4a: {  	[sflag:s15] =	ssyncadd.s32 $0xFFFFF000  }
0x4b: {  	[spmem:s22] =	stream.linear.scatter [tilespmem:s16], [sflag:$0x3], $0x1000, $0x38;
	[tilespmem:$0x12420] =	vst v63  }
0x4c: {  	_ =	swait.ge [sflag:s15], $0x1000  }
0x4d: {  	[sflag:s15] =	ssyncset.done $0x0  }
0x4e: {  	[sflag:s15] =	ssyncadd.s32 $0xFFFFF000  }
0x4f: {  	[spmem:s23] =	stream.linear.scatter [tilespmem:s16], [sflag:$0x3], $0x1000, $0x38;
	[tilespmem:$0x12420] =	vst v63  }
0x50: {  	_ =	swait.ge [sflag:s15], $0x1000  }
0x51: {  	[sflag:s15] =	ssyncset.done $0x0  }
0x52: {  	[sflag:s15] =	ssyncadd.s32 $0xFFFFF000  }
0x53: {  	[spmem:s24] =	stream.linear.scatter [tilespmem:s16], [sflag:$0x3], $0x1000, $0x38;
	[tilespmem:$0x12420] =	vst v63  }
0x54: {  	_ =	swait.ge [sflag:s15], $0x1000  }
0x55: {  	[sflag:s15] =	ssyncset.done $0x0  }
0x56: {  	[sflag:s15] =	ssyncadd.s32 $0xFFFFF000  }
0x57: {  	[spmem:s25] =	stream.linear.scatter [tilespmem:s16], [sflag:$0x3], $0x1000, $0x38;
	[tilespmem:$0x12420] =	vst v63  }
0x58: {  	_ =	swait.ge [sflag:s15], $0x1000  }
0x59: {  	[sflag:s15] =	ssyncset.done $0x0  }
0x5a: {  	[sflag:s15] =	ssyncadd.s32 $0xFFFFF000  }
0x5b: {  	[bflag:$0x0] =	sbarrier.arrive $0xFFFF  }
0x5c: {  	[tilespmem:s8], [sflag:$0x1] =	stream.indirect.gather [hbm4b:s13+s7], $0x40, s31, s7, $0xb8;
	[tilespmem:$0x12420] =	vst v63  }
0x5d: {  	s31 =	simm.s32 $0x50  }
0x5e: {  	[tilespmem:s9], [sflag:$0x2] =	stream.indirect.gather [hbm4b:s13+s7], $0x40, s31, s7, $0xb8;
	[tilespmem:$0x12420] =	vst v63  }
0x5f: {  	_ =	swait.ge [sflag:s10], $0x1400  }
0x60: {  	[sflag:s10] =	ssyncset.done $0x0  }
0x61: {  	s0 =	simm.s32 $0x2710;
	[sflag:s10] =	ssyncadd.s32 $0xFFFFEC00  }
0x62: {  	[spmem:s2] =	stream.indirect.scatter.add.f32 [tilespmem:s8], [sflag:$0x3], $0x40, s0, s7, $0xb8;
	[tilespmem:$0x12420] =	vst v63  }
0x63: {  	_ =	swait.ge [sflag:s15], $0x1400  }
0x64: {  	[sflag:s15] =	ssyncset.done $0x0  }
0x65: {  	s30 =	simm.s32 $0xA0;
	[sflag:s15] =	ssyncadd.s32 $0xFFFFEC00  }
0x66: {  	[tilespmem:s8], [sflag:$0x1] =	stream.indirect.gather [hbm4b:s13+s7], $0x40, s30, s7, $0xb8;
	[tilespmem:$0x12420] =	vst v63  }
0x67: {  	_ =	swait.ge [sflag:s26], $0x1400  }
0x68: {  	[sflag:s26] =	ssyncset.done $0x0  }
0x69: {  	s31 =	simm.s32 $0x2760;
	[sflag:s26] =	ssyncadd.s32 $0xFFFFEC00  }
0x6a: {  	[spmem:s2] =	stream.indirect.scatter.add.f32 [tilespmem:s9], [sflag:$0x3], $0x40, s31, s7, $0xb8;
	[tilespmem:$0x12420] =	vst v63  }
0x6b: {  	_ =	swait.ge [sflag:s15], $0x1400  }
0x6c: {  	s12 =	simm.s32 $0xA0;
	s29 =	simm.s32 $0x500;
	[sflag:s15] =	ssyncset.done $0x0  }
.LBB2_4:
0x6d: {  	s30 =	sadd.s32 $0x50, s12  }
0x6e: {  	[sflag:s15] =	ssyncadd.s32 $0xFFFFEC00;
	s31 =	smov.u32 s29;
	s0 =	sadd.s32 $0x280, s29  }
0x6f: {  	[tilespmem:s9], [sflag:$0x2] =	stream.indirect.gather [hbm4b:s13+s7], $0x40, s30, s7, $0xb8;
	[tilespmem:$0x12420] =	vst v63  }
0x70: {  	p0 =	sne.s32 s29, $0x9880;
	_ =	swait.ge [sflag:s10], $0x1400  }
0x71: {  	[sflag:s10] =	ssyncset.done $0x0  }
0x72: {  	s29 =	sadd.s32 $0x2710, s12;
	[sflag:s10] =	ssyncadd.s32 $0xFFFFEC00  }
0x73: {  	[spmem:s2] =	stream.indirect.scatter.add.f32 [tilespmem:s8], [sflag:$0x3], $0x40, s29, s7, $0xb8;
	[tilespmem:$0x12420] =	vst v63  }
0x74: {  	_ =	swait.ge [sflag:s15], $0x1400  }
0x75: {  	[sflag:s15] =	ssyncset.done $0x0  }
0x76: {  	s29 =	sadd.s32 $0xA0, s12;
	[sflag:s15] =	ssyncadd.s32 $0xFFFFEC00  }
0x77: {  	[tilespmem:s8], [sflag:$0x1] =	stream.indirect.gather [hbm4b:s13+s7], $0x40, s29, s7, $0xb8;
	[tilespmem:$0x12420] =	vst v63  }
0x78: {  	_ =	swait.ge [sflag:s26], $0x1400  }
.Ltmp1:
0x79: {  	[sflag:s26] =	ssyncset.done $0x0;
	(pc) =	sbr.rel @p0 .LBB2_4-.Ltmp1, $4  }
0x7a: {  	s12 =	sadd.s32 $0x2760, s12;
	[sflag:s26] =	ssyncadd.s32 $0xFFFFEC00  }
0x7b: {  	[spmem:s2] =	stream.indirect.scatter.add.f32 [tilespmem:s9], [sflag:$0x3], $0x40, s12, s7, $0xb8;
	[tilespmem:$0x12420] =	vst v63  }
0x7c: {  	_ =	swait.ge [sflag:s15], $0x1400  }
0x7d: {  	s29 =	smov.u32 s0;
	s12 =	sshra.s32 s31, $0x2;
	[sflag:s15] =	ssyncset.done $0x0  }
0x7e: {  	s0 =	sadd.s32 $0x50, s12;
	[sflag:s15] =	ssyncadd.s32 $0xFFFFEC00  }
0x7f: {  	[tilespmem:s9], [sflag:$0x2] =	stream.indirect.gather [hbm4b:s13+s7], $0x40, s0, s7, $0xb8;
	[tilespmem:$0x12420] =	vst v63  }
0x80: {  	_ =	swait.ge [sflag:s10], $0x1400  }
0x81: {  	[sflag:s10] =	ssyncset.done $0x0  }
0x82: {  	s30 =	sadd.s32 $0x2710, s12;
	[sflag:s10] =	ssyncadd.s32 $0xFFFFEC00  }
0x83: {  	[spmem:s2] =	stream.indirect.scatter.add.f32 [tilespmem:s8], [sflag:$0x3], $0x40, s30, s7, $0xb8;
	[tilespmem:$0x12420] =	vst v63  }
0x84: {  	_ =	swait.ge [sflag:s15], $0x1400  }
0x85: {  	[sflag:s15] =	ssyncset.done $0x0  }
0x86: {  	s31 =	sadd.s32 $0xA0, s12;
	[sflag:s15] =	ssyncadd.s32 $0xFFFFEC00  }
0x87: {  	[tilespmem:s8], [sflag:$0x1] =	stream.indirect.gather [hbm4b:s13+s7], $0x40, s31, s7, $0xb8;
	[tilespmem:$0x12420] =	vst v63  }
0x88: {  	_ =	swait.ge [sflag:s26], $0x1400  }
0x89: {  	[sflag:s26] =	ssyncset.done $0x0  }
0x8a: {  	s30 =	sadd.s32 $0x2760, s12;
	[sflag:s26] =	ssyncadd.s32 $0xFFFFEC00  }
0x8b: {  	[spmem:s2] =	stream.indirect.scatter.add.f32 [tilespmem:s9], [sflag:$0x3], $0x40, s30, s7, $0xb8;
	[tilespmem:$0x12420] =	vst v63  }
0x8c: {  	_ =	swait.ge [sflag:s15], $0x1400  }
0x8d: {  	[sflag:s15] =	ssyncset.done $0x0  }
0x8e: {  	[sflag:s15] =	ssyncadd.s32 $0xFFFFEC00  }
0x8f: {  	_ =	swait.ge [sflag:s10], $0x1400  }
0x90: {  	[sflag:s10] =	ssyncset.done $0x0  }
0x91: {  	[sflag:s10] =	ssyncadd.s32 $0xFFFFEC00  }
0x92: {  	[spmem:s2] =	stream.indirect.scatter.add.f32 [tilespmem:s8], [sflag:$0x3], $0x40, s11, s7, $0xb8;
	[tilespmem:$0x12420] =	vst v63  }
0x93: {  	_ =	swait.ge [sflag:s15], $0x1400  }
0x94: {  	[sflag:s15] =	ssyncset.done $0x0  }
0x95: {  	[sflag:s15] =	ssyncadd.s32 $0xFFFFEC00  }
0x96: {  	[bflag:$0x0] =	sbarrier.arrive $0xFFFF  }
0x97: {  	[tilespmem:s16], [sflag:$0x3] =	stream.linear.gather [spmem:s17], $0x1000, $0x38;
	[tilespmem:$0x12420] =	vst v63  }
0x98: {  	_ =	swait.ge [sflag:s15], $0x1000  }
0x99: {  	[sflag:s15] =	ssyncset.done $0x0  }
0x9a: {  	s12 =	simm.s32 $0x0;
	s31 =	rddreg [dreg:$0x3];
	[sflag:s15] =	ssyncadd.s32 $0xFFFFF000  }
0x9b: {  	[hbm4b:s31+s12] =	stream.linear.scatter [tilespmem:s16], [sflag:$0x3], $0x1000, $0x38;
	[tilespmem:$0x12420] =	vst v63  }
0x9c: {  	_ =	swait.ge [sflag:s15], $0x1000  }
0x9d: {  	[sflag:s15] =	ssyncset.done $0x0  }
0x9e: {  	[sflag:s15] =	ssyncadd.s32 $0xFFFFF000  }
0x9f: {  	[tilespmem:s16], [sflag:$0x3] =	stream.linear.gather [spmem:s18], $0x1000, $0x38;
	[tilespmem:$0x12420] =	vst v63  }
0xa0: {  	_ =	swait.ge [sflag:s15], $0x1000  }
0xa1: {  	[sflag:s15] =	ssyncset.done $0x0  }
0xa2: {  	s30 =	rddreg [dreg:$0x4];
	[sflag:s15] =	ssyncadd.s32 $0xFFFFF000  }
0xa3: {  	[hbm4b:s30+s12] =	stream.linear.scatter [tilespmem:s16], [sflag:$0x3], $0x1000, $0x38;
	[tilespmem:$0x12420] =	vst v63  }
0xa4: {  	_ =	swait.ge [sflag:s15], $0x1000  }
0xa5: {  	[sflag:s15] =	ssyncset.done $0x0  }
0xa6: {  	[sflag:s15] =	ssyncadd.s32 $0xFFFFF000  }
0xa7: {  	[tilespmem:s16], [sflag:$0x3] =	stream.linear.gather [spmem:s19], $0x1000, $0x38;
	[tilespmem:$0x12420] =	vst v63  }
0xa8: {  	_ =	swait.ge [sflag:s15], $0x1000  }
0xa9: {  	[sflag:s15] =	ssyncset.done $0x0  }
0xaa: {  	s31 =	rddreg [dreg:$0x5];
	[sflag:s15] =	ssyncadd.s32 $0xFFFFF000  }
0xab: {  	[hbm4b:s31+s12] =	stream.linear.scatter [tilespmem:s16], [sflag:$0x3], $0x1000, $0x38;
	[tilespmem:$0x12420] =	vst v63  }
0xac: {  	_ =	swait.ge [sflag:s15], $0x1000  }
0xad: {  	[sflag:s15] =	ssyncset.done $0x0  }
0xae: {  	[sflag:s15] =	ssyncadd.s32 $0xFFFFF000  }
0xaf: {  	[tilespmem:s16], [sflag:$0x3] =	stream.linear.gather [spmem:s20], $0x1000, $0x38;
	[tilespmem:$0x12420] =	vst v63  }
0xb0: {  	_ =	swait.ge [sflag:s15], $0x1000  }
0xb1: {  	[sflag:s15] =	ssyncset.done $0x0  }
0xb2: {  	s30 =	rddreg [dreg:$0x6];
	[sflag:s15] =	ssyncadd.s32 $0xFFFFF000  }
0xb3: {  	[hbm4b:s30+s12] =	stream.linear.scatter [tilespmem:s16], [sflag:$0x3], $0x1000, $0x38;
	[tilespmem:$0x12420] =	vst v63  }
0xb4: {  	_ =	swait.ge [sflag:s15], $0x1000  }
0xb5: {  	[sflag:s15] =	ssyncset.done $0x0  }
0xb6: {  	[sflag:s15] =	ssyncadd.s32 $0xFFFFF000  }
0xb7: {  	[tilespmem:s16], [sflag:$0x3] =	stream.linear.gather [spmem:s21], $0x1000, $0x38;
	[tilespmem:$0x12420] =	vst v63  }
0xb8: {  	_ =	swait.ge [sflag:s15], $0x1000  }
0xb9: {  	[sflag:s15] =	ssyncset.done $0x0  }
0xba: {  	s31 =	rddreg [dreg:$0x7];
	[sflag:s15] =	ssyncadd.s32 $0xFFFFF000  }
0xbb: {  	[hbm4b:s31+s12] =	stream.linear.scatter [tilespmem:s16], [sflag:$0x3], $0x1000, $0x38;
	[tilespmem:$0x12420] =	vst v63  }
0xbc: {  	_ =	swait.ge [sflag:s15], $0x1000  }
0xbd: {  	[sflag:s15] =	ssyncset.done $0x0  }
0xbe: {  	[sflag:s15] =	ssyncadd.s32 $0xFFFFF000  }
0xbf: {  	[tilespmem:s16], [sflag:$0x3] =	stream.linear.gather [spmem:s22], $0x1000, $0x38;
	[tilespmem:$0x12420] =	vst v63  }
0xc0: {  	_ =	swait.ge [sflag:s15], $0x1000  }
0xc1: {  	[sflag:s15] =	ssyncset.done $0x0  }
0xc2: {  	[sflag:s15] =	ssyncadd.s32 $0xFFFFF000  }
0xc3: {  	[hbm4b:s5+s12] =	stream.linear.scatter [tilespmem:s16], [sflag:$0x3], $0x1000, $0x38;
	[tilespmem:$0x12420] =	vst v63  }
0xc4: {  	_ =	swait.ge [sflag:s15], $0x1000  }
0xc5: {  	[sflag:s15] =	ssyncset.done $0x0  }
0xc6: {  	[sflag:s15] =	ssyncadd.s32 $0xFFFFF000  }
0xc7: {  	[tilespmem:s16], [sflag:$0x3] =	stream.linear.gather [spmem:s23], $0x1000, $0x38;
	[tilespmem:$0x12420] =	vst v63  }
0xc8: {  	_ =	swait.ge [sflag:s15], $0x1000  }
0xc9: {  	[sflag:s15] =	ssyncset.done $0x0  }
0xca: {  	[sflag:s15] =	ssyncadd.s32 $0xFFFFF000  }
0xcb: {  	[hbm4b:s4+s12] =	stream.linear.scatter [tilespmem:s16], [sflag:$0x3], $0x1000, $0x38;
	[tilespmem:$0x12420] =	vst v63  }
0xcc: {  	_ =	swait.ge [sflag:s15], $0x1000  }
0xcd: {  	[sflag:s15] =	ssyncset.done $0x0  }
0xce: {  	[sflag:s15] =	ssyncadd.s32 $0xFFFFF000  }
0xcf: {  	[tilespmem:s16], [sflag:$0x3] =	stream.linear.gather [spmem:s24], $0x1000, $0x38;
	[tilespmem:$0x12420] =	vst v63  }
0xd0: {  	_ =	swait.ge [sflag:s15], $0x1000  }
0xd1: {  	[sflag:s15] =	ssyncset.done $0x0  }
0xd2: {  	[sflag:s15] =	ssyncadd.s32 $0xFFFFF000  }
0xd3: {  	[hbm4b:s6+s12] =	stream.linear.scatter [tilespmem:s16], [sflag:$0x3], $0x1000, $0x38;
	[tilespmem:$0x12420] =	vst v63  }
0xd4: {  	_ =	swait.ge [sflag:s15], $0x1000  }
0xd5: {  	[sflag:s15] =	ssyncset.done $0x0  }
0xd6: {  	[sflag:s15] =	ssyncadd.s32 $0xFFFFF000  }
0xd7: {  	[tilespmem:s16], [sflag:$0x3] =	stream.linear.gather [spmem:s25], $0x1000, $0x38;
	[tilespmem:$0x12420] =	vst v63  }
0xd8: {  	_ =	swait.ge [sflag:s15], $0x1000  }
0xd9: {  	[sflag:s15] =	ssyncset.done $0x0  }
0xda: {  	[sflag:s15] =	ssyncadd.s32 $0xFFFFF000  }
0xdb: {  	[hbm4b:s1+s12] =	stream.linear.scatter [tilespmem:s16], [sflag:$0x3], $0x1000, $0x38;
	[tilespmem:$0x12420] =	vst v63  }
0xdc: {  	_ =	swait.ge [sflag:s15], $0x1000  }
0xdd: {  	[sflag:s15] =	ssyncset.done $0x0  }
0xde: {  	s29 =	simm.s32 $0x100;
	s12 =	simm.s32 $0x0;
	[sflag:s15] =	ssyncadd.s32 $0xFFFFF000  }
.LBB2_6:
0xdf: {  	p0 =	sne.s32 s29, $0x3F00;
	[tilespmem:s12+$0x7650] =	vst v0;
	s0 =	smov.u32 s29;
	s29 =	sadd.s32 $0x100, s29  }
.Ltmp2:
0xe0: {  	[tilespmem:s12+$0x7640] =	vst v0;
	(pc) =	sbr.rel @p0 .LBB2_6-.Ltmp2, $3  }
0xe1: {  	[tilespmem:s12+$0x7620] =	vst v0  }
0xe2: {  	[tilespmem:s12+$0x7630] =	vst v0;
	_ =	sdelay $0x1  }
0xe3: {  	s12 =	sshra.s32 s0, $0x2  }
0xe4: {  	[tilespmem:s12+$0x7650] =	vst v0  }
0xe5: {  	[tilespmem:s12+$0x7640] =	vst v0  }
0xe6: {  	[tilespmem:s12+$0x7620] =	vst v0  }
0xe7: {  	[tilespmem:s12+$0x7630] =	vst v0  }
0xe8: {  	[spmem:s17] =	stream.linear.scatter [tilespmem:s16], [sflag:$0x3], $0x1000, $0x38;
	[tilespmem:$0x12420] =	vst v63  }
0xe9: {  	_ =	swait.ge [sflag:s15], $0x1000  }
0xea: {  	[sflag:s15] =	ssyncset.done $0x0  }
0xeb: {  	[sflag:s15] =	ssyncadd.s32 $0xFFFFF000  }
0xec: {  	[spmem:s18] =	stream.linear.scatter [tilespmem:s16], [sflag:$0x3], $0x1000, $0x38;
	[tilespmem:$0x12420] =	vst v63  }
0xed: {  	_ =	swait.ge [sflag:s15], $0x1000  }
0xee: {  	[sflag:s15] =	ssyncset.done $0x0  }
0xef: {  	[sflag:s15] =	ssyncadd.s32 $0xFFFFF000  }
0xf0: {  	[spmem:s19] =	stream.linear.scatter [tilespmem:s16], [sflag:$0x3], $0x1000, $0x38;
	[tilespmem:$0x12420] =	vst v63  }
0xf1: {  	_ =	swait.ge [sflag:s15], $0x1000  }
0xf2: {  	[sflag:s15] =	ssyncset.done $0x0  }
0xf3: {  	[sflag:s15] =	ssyncadd.s32 $0xFFFFF000  }
0xf4: {  	[spmem:s20] =	stream.linear.scatter [tilespmem:s16], [sflag:$0x3], $0x1000, $0x38;
	[tilespmem:$0x12420] =	vst v63  }
0xf5: {  	_ =	swait.ge [sflag:s15], $0x1000  }
0xf6: {  	[sflag:s15] =	ssyncset.done $0x0  }
0xf7: {  	[sflag:s15] =	ssyncadd.s32 $0xFFFFF000  }
0xf8: {  	[spmem:s21] =	stream.linear.scatter [tilespmem:s16], [sflag:$0x3], $0x1000, $0x38;
	[tilespmem:$0x12420] =	vst v63  }
0xf9: {  	_ =	swait.ge [sflag:s15], $0x1000  }
0xfa: {  	[sflag:s15] =	ssyncset.done $0x0  }
0xfb: {  	[sflag:s15] =	ssyncadd.s32 $0xFFFFF000  }
0xfc: {  	[spmem:s22] =	stream.linear.scatter [tilespmem:s16], [sflag:$0x3], $0x1000, $0x38;
	[tilespmem:$0x12420] =	vst v63  }
0xfd: {  	_ =	swait.ge [sflag:s15], $0x1000  }
0xfe: {  	[sflag:s15] =	ssyncset.done $0x0  }
0xff: {  	[sflag:s15] =	ssyncadd.s32 $0xFFFFF000  }
0x100: {  	[spmem:s23] =	stream.linear.scatter [tilespmem:s16], [sflag:$0x3], $0x1000, $0x38;
	[tilespmem:$0x12420] =	vst v63  }
0x101: {  	_ =	swait.ge [sflag:s15], $0x1000  }
0x102: {  	[sflag:s15] =	ssyncset.done $0x0  }
0x103: {  	[sflag:s15] =	ssyncadd.s32 $0xFFFFF000  }
0x104: {  	[spmem:s24] =	stream.linear.scatter [tilespmem:s16], [sflag:$0x3], $0x1000, $0x38;
	[tilespmem:$0x12420] =	vst v63  }
0x105: {  	_ =	swait.ge [sflag:s15], $0x1000  }
0x106: {  	[sflag:s15] =	ssyncset.done $0x0  }
0x107: {  	[sflag:s15] =	ssyncadd.s32 $0xFFFFF000  }
0x108: {  	[spmem:s25] =	stream.linear.scatter [tilespmem:s16], [sflag:$0x3], $0x1000, $0x38;
	[tilespmem:$0x12420] =	vst v63  }
0x109: {  	_ =	swait.ge [sflag:s15], $0x1000  }
0x10a: {  	[sflag:s15] =	ssyncset.done $0x0  }
0x10b: {  	[sflag:s15] =	ssyncadd.s32 $0xFFFFF000  }
0x10c: {  	s0 =	simm.s32 $0x0;
	[bflag:$0x0] =	sbarrier.arrive $0xFFFF  }
0x10d: {  	[tilespmem:s8], [sflag:$0x1] =	stream.indirect.gather [hbm4b:s14+s7], $0x40, s0, s7, $0xb8;
	[tilespmem:$0x12420] =	vst v63  }
0x10e: {  	s31 =	simm.s32 $0x50  }
0x10f: {  	[tilespmem:s9], [sflag:$0x2] =	stream.indirect.gather [hbm4b:s14+s7], $0x40, s31, s7, $0xb8;
	[tilespmem:$0x12420] =	vst v63  }
0x110: {  	_ =	swait.ge [sflag:s10], $0x1400  }
0x111: {  	[sflag:s10] =	ssyncset.done $0x0  }
0x112: {  	s12 =	simm.s32 $0x2710;
	[sflag:s10] =	ssyncadd.s32 $0xFFFFEC00  }
0x113: {  	[spmem:s2] =	stream.indirect.scatter.add.f32 [tilespmem:s8], [sflag:$0x3], $0x40, s12, s7, $0xb8;
	[tilespmem:$0x12420] =	vst v63  }
0x114: {  	_ =	swait.ge [sflag:s15], $0x1400  }
0x115: {  	[sflag:s15] =	ssyncset.done $0x0  }
0x116: {  	s30 =	simm.s32 $0xA0;
	[sflag:s15] =	ssyncadd.s32 $0xFFFFEC00  }
0x117: {  	[tilespmem:s8], [sflag:$0x1] =	stream.indirect.gather [hbm4b:s14+s7], $0x40, s30, s7, $0xb8;
	[tilespmem:$0x12420] =	vst v63  }
0x118: {  	_ =	swait.ge [sflag:s26], $0x1400  }
0x119: {  	[sflag:s26] =	ssyncset.done $0x0  }
0x11a: {  	s31 =	simm.s32 $0x2760;
	[sflag:s26] =	ssyncadd.s32 $0xFFFFEC00  }
0x11b: {  	[spmem:s2] =	stream.indirect.scatter.add.f32 [tilespmem:s9], [sflag:$0x3], $0x40, s31, s7, $0xb8;
	[tilespmem:$0x12420] =	vst v63  }
0x11c: {  	_ =	swait.ge [sflag:s15], $0x1400  }
0x11d: {  	s29 =	simm.s32 $0x500;
	s12 =	simm.s32 $0xA0;
	[sflag:s15] =	ssyncset.done $0x0  }
.LBB2_8:
0x11e: {  	s0 =	sadd.s32 $0x50, s12  }
0x11f: {  	[sflag:s15] =	ssyncadd.s32 $0xFFFFEC00;
	s30 =	smov.u32 s29;
	s31 =	sadd.s32 $0x280, s29  }
0x120: {  	[tilespmem:s9], [sflag:$0x2] =	stream.indirect.gather [hbm4b:s14+s7], $0x40, s0, s7, $0xb8;
	[tilespmem:$0x12420] =	vst v63  }
0x121: {  	p0 =	sne.s32 s29, $0x9880;
	_ =	swait.ge [sflag:s10], $0x1400  }
0x122: {  	[sflag:s10] =	ssyncset.done $0x0  }
0x123: {  	s0 =	sadd.s32 $0x2710, s12;
	[sflag:s10] =	ssyncadd.s32 $0xFFFFEC00  }
0x124: {  	[spmem:s2] =	stream.indirect.scatter.add.f32 [tilespmem:s8], [sflag:$0x3], $0x40, s0, s7, $0xb8;
	[tilespmem:$0x12420] =	vst v63  }
0x125: {  	_ =	swait.ge [sflag:s15], $0x1400  }
0x126: {  	[sflag:s15] =	ssyncset.done $0x0  }
0x127: {  	s0 =	sadd.s32 $0xA0, s12;
	[sflag:s15] =	ssyncadd.s32 $0xFFFFEC00  }
0x128: {  	[tilespmem:s8], [sflag:$0x1] =	stream.indirect.gather [hbm4b:s14+s7], $0x40, s0, s7, $0xb8;
	[tilespmem:$0x12420] =	vst v63  }
0x129: {  	_ =	swait.ge [sflag:s26], $0x1400  }
.Ltmp3:
0x12a: {  	[sflag:s26] =	ssyncset.done $0x0;
	(pc) =	sbr.rel @p0 .LBB2_8-.Ltmp3, $4  }
0x12b: {  	s0 =	sadd.s32 $0x2760, s12;
	[sflag:s26] =	ssyncadd.s32 $0xFFFFEC00  }
0x12c: {  	[spmem:s2] =	stream.indirect.scatter.add.f32 [tilespmem:s9], [sflag:$0x3], $0x40, s0, s7, $0xb8;
	[tilespmem:$0x12420] =	vst v63  }
0x12d: {  	_ =	swait.ge [sflag:s15], $0x1400  }
0x12e: {  	s29 =	smov.u32 s31;
	s12 =	sshra.s32 s30, $0x2;
	[sflag:s15] =	ssyncset.done $0x0  }
0x12f: {  	s0 =	sadd.s32 $0x50, s12;
	[sflag:s15] =	ssyncadd.s32 $0xFFFFEC00  }
0x130: {  	[tilespmem:s9], [sflag:$0x2] =	stream.indirect.gather [hbm4b:s14+s7], $0x40, s0, s7, $0xb8;
	[tilespmem:$0x12420] =	vst v63  }
0x131: {  	_ =	swait.ge [sflag:s10], $0x1400  }
0x132: {  	[sflag:s10] =	ssyncset.done $0x0  }
0x133: {  	s30 =	sadd.s32 $0x2710, s12;
	[sflag:s10] =	ssyncadd.s32 $0xFFFFEC00  }
0x134: {  	[spmem:s2] =	stream.indirect.scatter.add.f32 [tilespmem:s8], [sflag:$0x3], $0x40, s30, s7, $0xb8;
	[tilespmem:$0x12420] =	vst v63  }
0x135: {  	_ =	swait.ge [sflag:s15], $0x1400  }
0x136: {  	[sflag:s15] =	ssyncset.done $0x0  }
0x137: {  	s31 =	sadd.s32 $0xA0, s12;
	[sflag:s15] =	ssyncadd.s32 $0xFFFFEC00  }
0x138: {  	[tilespmem:s8], [sflag:$0x1] =	stream.indirect.gather [hbm4b:s14+s7], $0x40, s31, s7, $0xb8;
	[tilespmem:$0x12420] =	vst v63  }
0x139: {  	_ =	swait.ge [sflag:s26], $0x1400  }
0x13a: {  	[sflag:s26] =	ssyncset.done $0x0  }
0x13b: {  	s29 =	sadd.s32 $0x2760, s12;
	[sflag:s26] =	ssyncadd.s32 $0xFFFFEC00  }
0x13c: {  	[spmem:s2] =	stream.indirect.scatter.add.f32 [tilespmem:s9], [sflag:$0x3], $0x40, s29, s7, $0xb8;
	[tilespmem:$0x12420] =	vst v63  }
0x13d: {  	_ =	swait.ge [sflag:s15], $0x1400  }
0x13e: {  	[sflag:s15] =	ssyncset.done $0x0  }
0x13f: {  	[sflag:s15] =	ssyncadd.s32 $0xFFFFEC00  }
0x140: {  	_ =	swait.ge [sflag:s10], $0x1400  }
0x141: {  	[sflag:s10] =	ssyncset.done $0x0  }
0x142: {  	[sflag:s10] =	ssyncadd.s32 $0xFFFFEC00  }
0x143: {  	[spmem:s2] =	stream.indirect.scatter.add.f32 [tilespmem:s8], [sflag:$0x3], $0x40, s11, s7, $0xb8;
	[tilespmem:$0x12420] =	vst v63  }
0x144: {  	_ =	swait.ge [sflag:s15], $0x1400  }
0x145: {  	[sflag:s15] =	ssyncset.done $0x0  }
0x146: {  	[sflag:s15] =	ssyncadd.s32 $0xFFFFEC00  }
0x147: {  	[bflag:$0x0] =	sbarrier.arrive $0xFFFF  }
0x148: {  	[tilespmem:s16], [sflag:$0x3] =	stream.linear.gather [spmem:s17], $0x1000, $0x38;
	[tilespmem:$0x12420] =	vst v63  }
0x149: {  	_ =	swait.ge [sflag:s15], $0x1000  }
0x14a: {  	[sflag:s15] =	ssyncset.done $0x0  }
0x14b: {  	s30 =	rddreg [dreg:$0xb];
	[sflag:s15] =	ssyncadd.s32 $0xFFFFF000  }
0x14c: {  	[hbm4b:s30+s3] =	stream.linear.scatter [tilespmem:s16], [sflag:$0x3], $0x1000, $0x38;
	[tilespmem:$0x12420] =	vst v63  }
0x14d: {  	_ =	swait.ge [sflag:s15], $0x1000  }
0x14e: {  	[sflag:s15] =	ssyncset.done $0x0  }
0x14f: {  	[sflag:s15] =	ssyncadd.s32 $0xFFFFF000  }
0x150: {  	[tilespmem:s16], [sflag:$0x3] =	stream.linear.gather [spmem:s18], $0x1000, $0x38;
	[tilespmem:$0x12420] =	vst v63  }
0x151: {  	_ =	swait.ge [sflag:s15], $0x1000  }
0x152: {  	[sflag:s15] =	ssyncset.done $0x0  }
0x153: {  	s31 =	rddreg [dreg:$0xc];
	[sflag:s15] =	ssyncadd.s32 $0xFFFFF000  }
0x154: {  	[hbm4b:s31+s3] =	stream.linear.scatter [tilespmem:s16], [sflag:$0x3], $0x1000, $0x38;
	[tilespmem:$0x12420] =	vst v63  }
0x155: {  	_ =	swait.ge [sflag:s15], $0x1000  }
0x156: {  	[sflag:s15] =	ssyncset.done $0x0  }
0x157: {  	[sflag:s15] =	ssyncadd.s32 $0xFFFFF000  }
0x158: {  	[tilespmem:s16], [sflag:$0x3] =	stream.linear.gather [spmem:s19], $0x1000, $0x38;
	[tilespmem:$0x12420] =	vst v63  }
0x159: {  	_ =	swait.ge [sflag:s15], $0x1000  }
0x15a: {  	[sflag:s15] =	ssyncset.done $0x0  }
0x15b: {  	s12 =	rddreg [dreg:$0xd];
	[sflag:s15] =	ssyncadd.s32 $0xFFFFF000  }
0x15c: {  	[hbm4b:s12+s3] =	stream.linear.scatter [tilespmem:s16], [sflag:$0x3], $0x1000, $0x38;
	[tilespmem:$0x12420] =	vst v63  }
0x15d: {  	_ =	swait.ge [sflag:s15], $0x1000  }
0x15e: {  	[sflag:s15] =	ssyncset.done $0x0  }
0x15f: {  	[sflag:s15] =	ssyncadd.s32 $0xFFFFF000  }
0x160: {  	[tilespmem:s16], [sflag:$0x3] =	stream.linear.gather [spmem:s20], $0x1000, $0x38;
	[tilespmem:$0x12420] =	vst v63  }
0x161: {  	_ =	swait.ge [sflag:s15], $0x1000  }
0x162: {  	[sflag:s15] =	ssyncset.done $0x0  }
0x163: {  	s29 =	rddreg [dreg:$0xe];
	[sflag:s15] =	ssyncadd.s32 $0xFFFFF000  }
0x164: {  	[hbm4b:s29+s3] =	stream.linear.scatter [tilespmem:s16], [sflag:$0x3], $0x1000, $0x38;
	[tilespmem:$0x12420] =	vst v63  }
0x165: {  	_ =	swait.ge [sflag:s15], $0x1000  }
0x166: {  	[sflag:s15] =	ssyncset.done $0x0  }
0x167: {  	[sflag:s15] =	ssyncadd.s32 $0xFFFFF000  }
0x168: {  	[tilespmem:s16], [sflag:$0x3] =	stream.linear.gather [spmem:s21], $0x1000, $0x38;
	[tilespmem:$0x12420] =	vst v63  }
0x169: {  	_ =	swait.ge [sflag:s15], $0x1000  }
0x16a: {  	[sflag:s15] =	ssyncset.done $0x0  }
0x16b: {  	s30 =	rddreg [dreg:$0xf];
	[sflag:s15] =	ssyncadd.s32 $0xFFFFF000  }
0x16c: {  	[hbm4b:s30+s3] =	stream.linear.scatter [tilespmem:s16], [sflag:$0x3], $0x1000, $0x38;
	[tilespmem:$0x12420] =	vst v63  }
0x16d: {  	_ =	swait.ge [sflag:s15], $0x1000  }
0x16e: {  	[sflag:s15] =	ssyncset.done $0x0  }
0x16f: {  	[sflag:s15] =	ssyncadd.s32 $0xFFFFF000  }
0x170: {  	[tilespmem:s16], [sflag:$0x3] =	stream.linear.gather [spmem:s22], $0x1000, $0x38;
	[tilespmem:$0x12420] =	vst v63  }
0x171: {  	_ =	swait.ge [sflag:s15], $0x1000  }
0x172: {  	[sflag:s15] =	ssyncset.done $0x0  }
0x173: {  	s31 =	rddreg [dreg:$0x10];
	[sflag:s15] =	ssyncadd.s32 $0xFFFFF000  }
0x174: {  	[hbm4b:s31+s3] =	stream.linear.scatter [tilespmem:s16], [sflag:$0x3], $0x1000, $0x38;
	[tilespmem:$0x12420] =	vst v63  }
0x175: {  	_ =	swait.ge [sflag:s15], $0x1000  }
0x176: {  	[sflag:s15] =	ssyncset.done $0x0  }
0x177: {  	[sflag:s15] =	ssyncadd.s32 $0xFFFFF000  }
0x178: {  	[tilespmem:s16], [sflag:$0x3] =	stream.linear.gather [spmem:s23], $0x1000, $0x38;
	[tilespmem:$0x12420] =	vst v63  }
0x179: {  	_ =	swait.ge [sflag:s15], $0x1000  }
0x17a: {  	[sflag:s15] =	ssyncset.done $0x0  }
0x17b: {  	s12 =	rddreg [dreg:$0x11];
	[sflag:s15] =	ssyncadd.s32 $0xFFFFF000  }
0x17c: {  	[hbm4b:s12+s3] =	stream.linear.scatter [tilespmem:s16], [sflag:$0x3], $0x1000, $0x38;
	[tilespmem:$0x12420] =	vst v63  }
0x17d: {  	_ =	swait.ge [sflag:s15], $0x1000  }
0x17e: {  	[sflag:s15] =	ssyncset.done $0x0  }
0x17f: {  	[sflag:s15] =	ssyncadd.s32 $0xFFFFF000  }
0x180: {  	[tilespmem:s16], [sflag:$0x3] =	stream.linear.gather [spmem:s24], $0x1000, $0x38;
	[tilespmem:$0x12420] =	vst v63  }
0x181: {  	_ =	swait.ge [sflag:s15], $0x1000  }
0x182: {  	[sflag:s15] =	ssyncset.done $0x0  }
0x183: {  	s29 =	rddreg [dreg:$0x12];
	[sflag:s15] =	ssyncadd.s32 $0xFFFFF000  }
0x184: {  	[hbm4b:s29+s3] =	stream.linear.scatter [tilespmem:s16], [sflag:$0x3], $0x1000, $0x38;
	[tilespmem:$0x12420] =	vst v63  }
0x185: {  	_ =	swait.ge [sflag:s15], $0x1000  }
0x186: {  	[sflag:s15] =	ssyncset.done $0x0  }
0x187: {  	[sflag:s15] =	ssyncadd.s32 $0xFFFFF000  }
0x188: {  	[tilespmem:s16], [sflag:$0x3] =	stream.linear.gather [spmem:s25], $0x1000, $0x38;
	[tilespmem:$0x12420] =	vst v63  }
0x189: {  	_ =	swait.ge [sflag:s15], $0x1000  }
0x18a: {  	[sflag:s15] =	ssyncset.done $0x0  }
0x18b: {  	s30 =	rddreg [dreg:$0x13];
	[sflag:s15] =	ssyncadd.s32 $0xFFFFF000  }
0x18c: {  	[hbm4b:s30+s3] =	stream.linear.scatter [tilespmem:s16], [sflag:$0x3], $0x1000, $0x38;
	[tilespmem:$0x12420] =	vst v63  }
0x18d: {  	_ =	swait.ge [sflag:s15], $0x1000  }
0x18e: {  	s28 =	sadd.s32 $0x1, s28;
	s31 =	rddreg [dreg:$0xa]  }
0x18f: {  	p0 =	sne.s32 s28, s31  }
.Ltmp4:
0x190: {  	_ = 	snop;
	(pc) =	sbr.rel @p0 .LBB2_1-.Ltmp4, $3  }
0x191: {  	_ =	sdelay $0x1  }
0x192: {  	[sflag:s15] =	ssyncset.done $0x0  }
0x193: {  	[sflag:s15] =	ssyncadd.s32 $0xFFFFF000  }
0x194: {  	_ =	sfence.sel $0x180000  }
0x195: {  	[bflag:$0x0] =	sbarrier.arrive $0xFFFF  }
0x196: {  	_ =	strace $0x9000004A  }
0x197: {  	s0 =	stileid.u32;
	[bflag:$0x2] =	sbarrier.arrive $0xFFFF  }
0x198: {  	p0 =	sne.s32 s0, $0x0;
	s0 =	rddreg [dreg:$0x2]  }
0x199: {  	s0 =	sadd.s32 @!p0 $0x100000, s0  }
0x19a: {  	[sflag:s0] =	ssyncadd.tile.s32 @!p0 $0x1;
	_ =	shalt  }
.Lfunc_end2:
_tile_overlayer_lowered:
.L_overlay_start_2:
0x19b: {  	(tag) =	ssettag $0x2  }
0x19c: {  	s0 =	rddreg [dreg:$0x0];
	s2 =	stileid.u32  }
0x19d: {  	s1 =	rddreg [dreg:$0x1];
	p0 =	sne.s32 s2, $0x0  }
0x19e: {  	s3 =	rddreg [dreg:$0x2];
	[bflag:$0x3] =	sbarrier.arrive $0xFFFF;
	s2 =	simm.s32 @!p0 $0x1C03  }
0x19f: {  	[timem:s3], [sflag:s2] =	dma.local @!p0 [hbm:s0], s1  }
0x1a0: {  	s0 =	simm.s32 @!p0 $0x3  }
0x1a1: {  	_ =	swait.ge @!p0 [sflag:s0], s1  }
0x1a2: {  	s1 =	ssub.s32 @!p0 $0x0, s1;
	[sflag:s0] =	ssyncset.done @!p0 $0x0  }
0x1a3: {  	[sflag:s0] =	ssyncadd.s32 @!p0 s1  }
0x1a4: {  	[bflag:$0x3] =	sbarrier.arrive $0xFFFF  }
0x1a5: {  	_ =	shalt  }

// kernel: kernel.14.cloned.1.call-start
scs
__scs_entry_jumppad:
0x0: {  	(pc) =	sbr.rel $0x88, $3  }
0x1: {  	(tag) =	ssettag $0x0;
	lr =	simm.s32 $0x1  }
0x2: {  	[smem:$0x3F9A] =	sst lr;
	_ =	strace $0xD0000000  }
0x3: {  	_ = 	snop  }
0x4: {  	_ = 	snop  }
0x5: {  	_ = 	snop  }
0x6: {  	_ = 	snop  }
0x7: {  	_ = 	snop  }
__scs_overlays_trampoline_lowered:
0x8: {  	[smem:$0x3FA9] =	sst s0  }
0x9: {  	[smem:$0x3FAA] =	sst s1  }
0xa: {  	[smem:$0x3FAB] =	sst s2  }
0xb: {  	[smem:$0x3FAC] =	sst s3  }
0xc: {  	[smem:$0x3FAD] =	sst s4  }
0xd: {  	[smem:$0x3FAE] =	sst s5  }
0xe: {  	[smem:$0x3FAF] =	sst s6  }
0xf: {  	[smem:$0x3FB0] =	sst s7  }
0x10: {  	[smem:$0x3FB1] =	sst s8  }
0x11: {  	[smem:$0x3FB2] =	sst s9;
	s0 =	simm.s32 @!p0 $0x0  }
0x12: {  	s1 =	sld [smem:$0x3F98];
	s0 =	simm.s32 @p0 $0x1  }
0x13: {  	[smem:$0x3FB3] =	sst s0;
	s0 =	simm.s32 @!p1 $0x0  }
0x14: {  	s2 =	sld [smem:$0x3F97];
	s0 =	simm.s32 @p1 $0x1  }
0x15: {  	[smem:$0x3FB4] =	sst s0;
	s0 =	simm.s32 @!p2 $0x0  }
0x16: {  	s3 =	sld [smem:$0x3FDB];
	s0 =	simm.s32 @p2 $0x1  }
0x17: {  	s4 =	simm.s32 $0x1BF5;
	[smem:$0x3FB6] =	sst s0  }
0x18: {  	s0 =	sld [smem:$0x3F99];
	_ =	swait.ge [sflag:s4], $0x0  }
0x19: {  	s7 =	sld [smem:$0x3F9A]  }
0x1a: {  	s8 =	sadd.s32 $0xFFFFE003, lr  }
0x1b: {  	s9 =	sadd.s32 $0xFFFFFEF7, lr;
	s5 =	simm.s32 $0xFFFFFFFF;
	p2 =	slt.u32 s8, $0xFFFFF086  }
0x1c: {  	p1 =	slt.u32 s9, $0xF7A;
	s5 =	simm.s32 @!p2 $0x0  }
0x1d: {  	s5 =	simm.s32 @p1 $0x1;
	p0 =	seq.s32 s7, s2  }
0x1e: {  	s7 =	smul.u32 @!p0 $0xF7A, s2;
	p2 =	seq.s32 @!p0 s5, $0x0  }
0x1f: {  	s9 =	smul.u32 $0xF7A, s1;
	s8 =	simm.s32 @!p0 $0x1BF5;
	p2 =	por !p2, p0  }
0x20: {  	[sflag:s8] =	ssyncset.s32 @!p0 $0xFFFFF086;
	s6 =	sadd.s32 @!p0 s3, s7;
	s7 =	simm.s32 @!p0 $0x108  }
0x21: {  	s3 =	sadd.s32 s3, s9;
	s6 =	sadd.s32 @!p0 $0x88, s6;
	s7 =	simm.s32 @p2 $0x1082  }
0x22: {  	[simem:s7], [sflag:s8] =	dma.local @!p0 [hbm:s6], $0xF7A  }
0x23: {  	s9 =	sor.u32 $0xD0000000, s2;
	s6 =	simm.s32 $0x108;
	_ =	swait.ge @!p0 [sflag:s8], $0x0  }
0x24: {  	s3 =	sadd.s32 $0x88, s3;
	s6 =	simm.s32 @!p1 $0x1082;
	[sflag:s4] =	ssyncset.s32 $0xFFFFF086  }
0x25: {  	[simem:s6], [sflag:s4] =	dma.local [hbm:s3], $0xF7A  }
0x26: {  	[smem:$0x3F9A] =	sst s1;
	(tag) =	ssettag s2;
	_ =	strace s9  }
0x27: {  	s1 =	sld [smem:$0x3FAA]  }
0x28: {  	s2 =	sld [smem:$0x3FAB]  }
0x29: {  	s4 =	sld [smem:$0x3FAD]  }
0x2a: {  	p0 =	seq.s32 s5, $0x0;
	s5 =	sld [smem:$0x3FAE]  }
0x2b: {  	s6 =	sld [smem:$0x3FAF]  }
0x2c: {  	s7 =	sld [smem:$0x3FB0]  }
0x2d: {  	s3 =	simm.s32 $0x108;
	s8 =	sld [smem:$0x3FB1]  }
0x2e: {  	s3 =	simm.s32 @!p0 $0x1082;
	s9 =	sld [smem:$0x3FB2]  }
0x2f: {  	lr =	sadd.s32 s0, s3;
	s0 =	sld [smem:$0x3FA9]  }
0x30: {  	s3 =	sld [smem:$0x3FAC]  }
0x31: {  	[smem:$0x3FB5] =	sst s10  }
0x32: {  	s10 =	sld [smem:$0x3FB3];
	_ =	sdelay $0x3  }
0x33: {  	p0 =	seq.s32 s10, $0x1;
	s10 =	sld [smem:$0x3FB5];
	_ =	sdelay $0x3  }
0x34: {  	[smem:$0x3FB5] =	sst s10  }
0x35: {  	s10 =	sld [smem:$0x3FB4];
	_ =	sdelay $0x3  }
0x36: {  	p1 =	seq.s32 s10, $0x1;
	s10 =	sld [smem:$0x3FB5];
	_ =	sdelay $0x3  }
0x37: {  	[smem:$0x3FB5] =	sst s10  }
0x38: {  	s10 =	sld [smem:$0x3FB6]  }
0x39: {  	_ = 	snop;
	(pc) =	sbr.ind lr, $3  }
0x3a: {  	_ = 	snop  }
0x3b: {  	_ = 	snop  }
0x3c: {  	p2 =	seq.s32 s10, $0x1;
	s10 =	sld [smem:$0x3FB5]  }
0x3d: {  	_ =	shalt  }
0x3e: {  	_ =	shalt  }
0x3f: {  	_ =	shalt  }
0x40: {  	_ =	shalt  }
0x41: {  	_ =	shalt  }
0x42: {  	_ =	shalt  }
0x43: {  	_ =	shalt  }
0x44: {  	_ =	shalt  }
0x45: {  	_ =	shalt  }
0x46: {  	_ =	shalt  }
0x47: {  	_ =	shalt  }
0x48: {  	_ =	shalt  }
0x49: {  	_ =	shalt  }
0x4a: {  	_ =	shalt  }
0x4b: {  	_ =	shalt  }
0x4c: {  	_ =	shalt  }
0x4d: {  	_ =	shalt  }
0x4e: {  	_ =	shalt  }
0x4f: {  	_ =	shalt  }
0x50: {  	_ =	shalt  }
0x51: {  	_ =	shalt  }
0x52: {  	_ =	shalt  }
0x53: {  	_ =	shalt  }
0x54: {  	_ =	shalt  }
0x55: {  	_ =	shalt  }
0x56: {  	_ =	shalt  }
0x57: {  	_ =	shalt  }
0x58: {  	_ =	shalt  }
0x59: {  	_ =	shalt  }
0x5a: {  	_ =	shalt  }
0x5b: {  	_ =	shalt  }
0x5c: {  	_ =	shalt  }
0x5d: {  	_ =	shalt  }
0x5e: {  	_ =	shalt  }
0x5f: {  	_ =	shalt  }
0x60: {  	_ =	shalt  }
0x61: {  	_ =	shalt  }
0x62: {  	_ =	shalt  }
0x63: {  	_ =	shalt  }
0x64: {  	_ =	shalt  }
0x65: {  	_ =	shalt  }
0x66: {  	_ =	shalt  }
0x67: {  	_ =	shalt  }
0x68: {  	_ =	shalt  }
0x69: {  	_ =	shalt  }
0x6a: {  	_ =	shalt  }
0x6b: {  	_ =	shalt  }
0x6c: {  	_ =	shalt  }
0x6d: {  	_ =	shalt  }
0x6e: {  	_ =	shalt  }
0x6f: {  	_ =	shalt  }
0x70: {  	_ =	shalt  }
0x71: {  	_ =	shalt  }
0x72: {  	_ =	shalt  }
0x73: {  	_ =	shalt  }
0x74: {  	_ =	shalt  }
0x75: {  	_ =	shalt  }
0x76: {  	_ =	shalt  }
0x77: {  	_ =	shalt  }
0x78: {  	_ =	shalt  }
0x79: {  	_ =	shalt  }
0x7a: {  	_ =	shalt  }
0x7b: {  	_ =	shalt  }
0x7c: {  	_ =	shalt  }
0x7d: {  	_ =	shalt  }
0x7e: {  	_ =	shalt  }
0x7f: {  	_ =	shalt  }
0x80: {  	_ =	shalt  }
0x81: {  	_ =	shalt  }
0x82: {  	_ =	shalt  }
0x83: {  	_ =	shalt  }
0x84: {  	_ =	shalt  }
0x85: {  	_ =	shalt  }
0x86: {  	_ =	shalt  }
0x87: {  	_ =	shalt  }
.Lfunc_end0:
.L_simem_size_0:
called_computation.2_lowered:
.L_overlay_start_0:
0x88: {  	s2 =	sld [smem:$0x3FD9]  }
0x89: {  	s3 =	sld [smem:$0x3FFE];
	_ =	sdelay $0x1  }
0x8a: {  	s1 =	srdreg.scid  }
0x8b: {  	s0 =	sand.u32 $0x1, s1  }
0x8c: {  	s16 =	sshll.u32 s0, $0xA;
	s2 =	sadd.s32 s3, s2  }
0x8d: {  	s2 =	sadd.s32 s2, s16  }
0x8e: {  	[smem:$0x3FC1] =	sst s2  }
0x8f: {  	_ = 	snop  }
0x90: {  	(tm) =	ssettm $0x1  }
0x91: {  	s17 =	sld [smem:$0x3FFB];
	_ =	sdelay $0x3  }
0x92: {  	_ =	strace s17  }
0x93: {  	s2 =	sld [smem:$0x3FFC];
	_ =	sdelay $0x3  }
0x94: {  	_ =	strace s2  }
0x95: {  	s2 =	sld [smem:$0x3FFD];
	_ =	sdelay $0x3  }
0x96: {  	_ =	strace s2  }
0x97: {  	_ =	strace $0x8FFFFFFF  }
0x98: {  	s18 =	sld [smem:$0x3FDB];
	_ =	sdelay $0x1  }
0x99: {  	s19 =	simm.s32 $_scs_section_size  }
0x9a: {  	s4 =	simm.s32 $_size__tile_overlayer_lowered;
	s5 =	simm.s32 $_tile_overlayer_lowered  }
0x9b: {  	s22 =	simm.s32 $0x1BFF;
	s21 =	sshll.u32 s5, $0x1;
	s2 =	sadd.s32 s19, s18  }
0x9c: {  	s6 =	simm.s32 $0x0;
	s20 =	sshll.u32 s4, $0x1;
	s4 =	sadd.s32 s21, s2  }
0x9d: {  	[timem:s6], [sflag:s22] =	dma.local [hbm:s4], s20  }
0x9e: {  	_ =	swait.ge [sflag:s22], s20  }
0x9f: {  	s3 =	ssub.s32 $0x0, s20;
	[sflag:s22] =	ssyncset.done $0x0  }
0xa0: {  	[sflag:s22] =	ssyncadd.s32 s3;
	_ =	sdelay $0x1  }
0xa1: {  	s23 =	simm.s32 $0x1B8B  }
0xa2: {  	_ =	swait.ge [sflag:s23], $0x1  }
0xa3: {  	[sflag:s23] =	ssyncset.done $0x0  }
0xa4: {  	s25 =	simm.s32 $0x1B8E;
	s24 =	sld [smem:$0x3FFE];
	[sflag:s23] =	ssyncadd.s32 $0xFFFFFFFF  }
0xa5: {  	s26 =	simm.s32 $execute0_lowered;
	[smem:$0x3FD2] =	sst s25  }
0xa6: {  	s4 =	sshll.u32 s26, $0x1;
	_ =	strace $0x8000004C;
	[dreg:$0x1] =	wrdreg $0xFFFFFFFF  }
0xa7: {  	s28 =	simm.s32 $_size_execute0_lowered;
	s2 =	sadd.s32 s2, s4;
	[dreg:$0x0] =	wrdreg $0x0  }
0xa8: {  	s4 =	sshll.u32 s28, $0x1;
	[dreg:$0x2] =	wrdreg s2  }
0xa9: {  	[dreg:$0x3] =	wrdreg s4  }
0xaa: {  	[dreg:$0x4] =	wrdreg $0xC0  }
0xab: {  	_ =	task [dreg:s6], $0x5FFFF  }
0xac: {  	[dreg:$0x1] =	wrdreg $0xFFFFFFFF  }
0xad: {  	[dreg:$0x0] =	wrdreg $0x60  }
0xae: {  	[dreg:$0x2] =	wrdreg s24  }
0xaf: {  	[dreg:$0x3] =	wrdreg $0x6A200  }
0xb0: {  	[dreg:$0x4] =	wrdreg $0x9  }
0xb1: {  	_ =	task.clear_ibuf [dreg:s6], $0x5FFFF;
	_ =	strace $0x9000004C  }
0xb2: {  	s29 =	simm.s32 $0x9;
	_ =	strace $0x8000004E  }
0xb3: {  	_ =	swait.ge [sflag:s29], $0x1  }
0xb4: {  	[sflag:s29] =	ssyncadd.s32 $0xFFFFFFFF  }
0xb5: {  	_ =	strace $0x9000004E  }
0xb6: {  	_ =	sfence  }
0xb7: {  	s30 =	sld [smem:$0x0];
	_ =	sdelay $0x2  }
0xb8: {  	s31 =	sshll.u32 s1, $0xD;
	s1 =	sshrl.u32 s1, $0x2  }
0xb9: {  	s3 =	sand.u32 $0x4000, s31;
	s1 =	sadd.s32 s1, s30  }
0xba: {  	s0 =	sor.u32 s3, s0;
	s1 =	sshll.u32 s1, $0x11  }
0xbb: {  	s0 =	sor.u32 s1, s0  }
0xbc: {  	s0 =	sadd.s32 $0x8F2B, s0  }
0xbd: {  	[sflag:s0] =	ssyncadd.remote.s32 $0x1  }
0xbe: {  	_ =	sfence.sel $0xFFFF  }
0xbf: {  	[dreg:$0x0] =	wrdreg $0xFFFFFFFF;
	(pc) =	sbr.abs _section_cstart, $3  }
0xc0: {  	[dreg:$0x1] =	wrdreg $0xFFFFFFFF  }
0xc1: {  	_ =	task.clear_ibuf [dreg:s6], $0x2FFFF;
	_ =	strace $0x9FFFFFFF  }
0xc2: {  	(tm) =	ssettm $0x7FFFFFFF  }
0xc3: {  	_ =	shalt  }
tec
execute0_lowered:
.L_overlay_start_1:
0x0: {  	(tag) =	ssettag $0x1  }
0x1: {  	s0 =	srdreg.scid;
	s1 =	rddreg [dreg:$0x0]  }
0x2: {  	s2 =	rddreg [dreg:$0x1];
	s7 =	stileid.u32;
	s3 =	simm.s32 $0x0  }
0x3: {  	s29 =	simm.s32 $0x6220;
	s30 =	simm.s32 $0x50;
	s31 =	simm.s32 $0x4E20  }
0x4: {  	s28 =	simm.s32 $0x2;
	s0 =	sand.u32 $0x1, s0;
	[smem:$0x7FF] =	sst s3  }
0x5: {  	s4 =	sshll.u32 s0, $0x4;
	s6 =	ssub.s32 $0x2, s0;
	s0 =	smul.u32 $0x4F000, s0  }
0x6: {  	_ =	strace $0x8000004D;
	s4 =	sor.u32 s7, s4;
	s7 =	smul.u32 $0x4F00, s7  }
0x7: {  	s8 =	sshrl.u32 s6, $0x1;
	s5 =	smul.u32 $0x4E2, s4;
	s4 =	sadd.s32 $0x3DE00, s1  }
0x8: {  	s6 =	ssub.s32 s6, s8;
	s17 =	sadd.s32 $0x800, s7;
	s18 =	sadd.s32 $0x1000, s7  }
0x9: {  	s19 =	sadd.s32 $0x1800, s7;
	s20 =	sadd.s32 $0x2000, s7;
	s21 =	sadd.s32 $0x2800, s7  }
0xa: {  	s22 =	sadd.s32 $0x3000, s7;
	s23 =	sadd.s32 $0x3800, s7;
	s24 =	sadd.s32 $0x4000, s7  }
0xb: {  	s10 =	sadd.s32 s7, s0;
	s5 =	sadd.s32 s5, s1;
	s1 =	sadd.s32 $0x47C00, s1  }
0xc: {  	s8 =	sshrl.u32 s10, $0x3;
	s9 =	sadd.s32 s0, s17;
	s10 =	sadd.s32 s0, s18  }
0xd: {  	s14 =	sadd.s32 s0, s19;
	s15 =	sadd.s32 s0, s20;
	s16 =	sadd.s32 s0, s21  }
0xe: {  	s17 =	sadd.s32 s17, s2;
	s18 =	sadd.s32 s18, s2;
	s19 =	sadd.s32 s19, s2  }
0xf: {  	s20 =	sadd.s32 s20, s2;
	s21 =	sadd.s32 s21, s2;
	s8 =	sadd.s32 s1, s8  }
0x10: {  	s11 =	sshrl.u32 s9, $0x3;
	s12 =	sshrl.u32 s10, $0x3;
	s9 =	sshrl.u32 s15, $0x3  }
0x11: {  	s10 =	sshrl.u32 s16, $0x3;
	s15 =	sadd.s32 $0xCE00, s5;
	s16 =	sadd.s32 s7, s2  }
0x12: {  	[dreg:$0x3] =	wrdreg s8;
	s8 =	sadd.s32 s1, s11;
	s13 =	sadd.s32 s1, s12  }
0x13: {  	s25 =	sadd.s32 s1, s9;
	s26 =	sadd.s32 s1, s10;
	s11 =	sadd.s32 s0, s22  }
0x14: {  	s12 =	sadd.s32 s0, s23;
	s0 =	sadd.s32 s0, s24;
	[dreg:$0x4] =	wrdreg s8  }
0x15: {  	s22 =	sadd.s32 s22, s2;
	s23 =	sadd.s32 s23, s2;
	[dreg:$0x5] =	wrdreg s13  }
0x16: {  	s24 =	sadd.s32 s24, s2;
	s8 =	sshrl.u32 s14, $0x3;
	[dreg:$0x7] =	wrdreg s25  }
0x17: {  	[dreg:$0x8] =	wrdreg s26;
	s11 =	sshrl.u32 s11, $0x3;
	s12 =	sshrl.u32 s12, $0x3  }
0x18: {  	s0 =	sshrl.u32 s0, $0x3;
	s14 =	sadd.s32 $0x3000, s5;
	s25 =	smax.u32 s6, $0x1  }
0x19: {  	s26 =	simm.s32 $0x3;
	s5 =	simm.s32 $0x0;
	s8 =	sadd.s32 s1, s8  }
0x1a: {  	s11 =	sadd.s32 s1, s11;
	s12 =	sadd.s32 s1, s12;
	s13 =	sadd.s32 s1, s0  }
0x1b: {  	v0 =	vimm.f32 $0.0e+00;
	s0 =	simm.s32 $0x5820;
	s1 =	simm.s32 $0x1;
	[dreg:$0x6] =	wrdreg s8  }
.LBB2_1:
0x1c: {  	s6 =	simm.s32 $0x80;
	s7 =	simm.s32 $0x0  }
.LBB2_2:
0x1d: {  	p0 =	sne.s32 s6, $0x1F80;
	[tilespmem:s7+$0x6220] =	vst v0;
	s8 =	smov.u32 s6;
	s6 =	sadd.s32 $0x80, s6  }
.Ltmp0:
0x1e: {  	[tilespmem:s7+$0x6230] =	vst v0;
	(pc) =	sbr.rel @p0 .LBB2_2-.Ltmp0, $2  }
0x1f: {  	_ =	sdelay $0x2  }
0x20: {  	s7 =	sshra.s32 s8, $0x2  }
0x21: {  	[tilespmem:s7+$0x6220] =	vst v0  }
0x22: {  	[tilespmem:s7+$0x6230] =	vst v0;
	s6 =	simm.s32 $0x0  }
0x23: {  	[tilespmem:s6], [sflag:$0x3] =	stream.linear.gather [hbm4b:s14+s6], $0x2710, $0x38;
	[tilespmem:$0xB920] =	vst v63  }
0x24: {  	_ =	swait.ge [sflag:s26], $0x2710  }
0x25: {  	[sflag:s26] =	ssyncset.done $0x0  }
0x26: {  	s10 =	simm.s32 $0x2710;
	[sflag:s26] =	ssyncadd.s32 $0xFFFFD8F0  }
0x27: {  	[tilespmem:s10], [sflag:$0x3] =	stream.linear.gather [hbm4b:s15+s6], $0x2710, $0x38;
	[tilespmem:$0xB920] =	vst v63  }
0x28: {  	_ =	swait.ge [sflag:s26], $0x2710  }
0x29: {  	[sflag:s26] =	ssyncset.done $0x0  }
0x2a: {  	[sflag:s26] =	ssyncadd.s32 $0xFFFFD8F0  }
0x2b: {  	[spmem:s16] =	stream.linear.scatter [tilespmem:s29], [sflag:$0x3], $0x800, $0x38;
	[tilespmem:$0xB920] =	vst v63  }
0x2c: {  	_ =	swait.ge [sflag:s26], $0x800  }
0x2d: {  	[sflag:s26] =	ssyncset.done $0x0  }
0x2e: {  	[sflag:s26] =	ssyncadd.s32 $0xFFFFF800  }
0x2f: {  	[spmem:s17] =	stream.linear.scatter [tilespmem:s29], [sflag:$0x3], $0x800, $0x38;
	[tilespmem:$0xB920] =	vst v63  }
0x30: {  	_ =	swait.ge [sflag:s26], $0x800  }
0x31: {  	[sflag:s26] =	ssyncset.done $0x0  }
0x32: {  	[sflag:s26] =	ssyncadd.s32 $0xFFFFF800  }
0x33: {  	[spmem:s18] =	stream.linear.scatter [tilespmem:s29], [sflag:$0x3], $0x800, $0x38;
	[tilespmem:$0xB920] =	vst v63  }
0x34: {  	_ =	swait.ge [sflag:s26], $0x800  }
0x35: {  	[sflag:s26] =	ssyncset.done $0x0  }
0x36: {  	[sflag:s26] =	ssyncadd.s32 $0xFFFFF800  }
0x37: {  	[spmem:s19] =	stream.linear.scatter [tilespmem:s29], [sflag:$0x3], $0x800, $0x38;
	[tilespmem:$0xB920] =	vst v63  }
0x38: {  	_ =	swait.ge [sflag:s26], $0x800  }
0x39: {  	[sflag:s26] =	ssyncset.done $0x0  }
0x3a: {  	[sflag:s26] =	ssyncadd.s32 $0xFFFFF800  }
0x3b: {  	[spmem:s20] =	stream.linear.scatter [tilespmem:s29], [sflag:$0x3], $0x800, $0x38;
	[tilespmem:$0xB920] =	vst v63  }
0x3c: {  	_ =	swait.ge [sflag:s26], $0x800  }
0x3d: {  	[sflag:s26] =	ssyncset.done $0x0  }
0x3e: {  	[sflag:s26] =	ssyncadd.s32 $0xFFFFF800  }
0x3f: {  	[spmem:s21] =	stream.linear.scatter [tilespmem:s29], [sflag:$0x3], $0x800, $0x38;
	[tilespmem:$0xB920] =	vst v63  }
0x40: {  	_ =	swait.ge [sflag:s26], $0x800  }
0x41: {  	[sflag:s26] =	ssyncset.done $0x0  }
0x42: {  	[sflag:s26] =	ssyncadd.s32 $0xFFFFF800  }
0x43: {  	[spmem:s22] =	stream.linear.scatter [tilespmem:s29], [sflag:$0x3], $0x800, $0x38;
	[tilespmem:$0xB920] =	vst v63  }
0x44: {  	_ =	swait.ge [sflag:s26], $0x800  }
0x45: {  	[sflag:s26] =	ssyncset.done $0x0  }
0x46: {  	[sflag:s26] =	ssyncadd.s32 $0xFFFFF800  }
0x47: {  	[spmem:s23] =	stream.linear.scatter [tilespmem:s29], [sflag:$0x3], $0x800, $0x38;
	[tilespmem:$0xB920] =	vst v63  }
0x48: {  	_ =	swait.ge [sflag:s26], $0x800  }
0x49: {  	[sflag:s26] =	ssyncset.done $0x0  }
0x4a: {  	[sflag:s26] =	ssyncadd.s32 $0xFFFFF800  }
0x4b: {  	[spmem:s24] =	stream.linear.scatter [tilespmem:s29], [sflag:$0x3], $0x800, $0x38;
	[tilespmem:$0xB920] =	vst v63  }
0x4c: {  	_ =	swait.ge [sflag:s26], $0x800  }
0x4d: {  	[sflag:s26] =	ssyncset.done $0x0  }
0x4e: {  	[sflag:s26] =	ssyncadd.s32 $0xFFFFF800  }
0x4f: {  	[bflag:$0x0] =	sbarrier.arrive $0xFFFF  }
0x50: {  	[tilespmem:s31], [sflag:$0x1] =	stream.indirect.gather [hbm4b:s4+s30], $0x20, s6, s30, $0xb8;
	[tilespmem:$0xB920] =	vst v63  }
0x51: {  	s7 =	simm.s32 $0x50  }
0x52: {  	[tilespmem:s0], [sflag:$0x2] =	stream.indirect.gather [hbm4b:s4+s30], $0x20, s7, s30, $0xb8;
	[tilespmem:$0xB920] =	vst v63  }
0x53: {  	_ =	swait.ge [sflag:s1], $0xA00  }
0x54: {  	[sflag:s1] =	ssyncset.done $0x0  }
0x55: {  	s8 =	simm.s32 $0x2710;
	[sflag:s1] =	ssyncadd.s32 $0xFFFFF600  }
0x56: {  	[spmem:s2] =	stream.indirect.scatter.add.f32 [tilespmem:s31], [sflag:$0x3], $0x20, s8, s30, $0xb8;
	[tilespmem:$0xB920] =	vst v63  }
0x57: {  	_ =	swait.ge [sflag:s26], $0xA00  }
0x58: {  	[sflag:s26] =	ssyncset.done $0x0  }
0x59: {  	s9 =	simm.s32 $0xA0;
	[sflag:s26] =	ssyncadd.s32 $0xFFFFF600  }
0x5a: {  	[tilespmem:s31], [sflag:$0x1] =	stream.indirect.gather [hbm4b:s4+s30], $0x20, s9, s30, $0xb8;
	[tilespmem:$0xB920] =	vst v63  }
0x5b: {  	_ =	swait.ge [sflag:s28], $0xA00  }
0x5c: {  	[sflag:s28] =	ssyncset.done $0x0  }
0x5d: {  	s10 =	simm.s32 $0x2760;
	[sflag:s28] =	ssyncadd.s32 $0xFFFFF600  }
0x5e: {  	[spmem:s2] =	stream.indirect.scatter.add.f32 [tilespmem:s0], [sflag:$0x3], $0x20, s10, s30, $0xb8;
	[tilespmem:$0xB920] =	vst v63  }
0x5f: {  	_ =	swait.ge [sflag:s26], $0xA00  }
0x60: {  	s6 =	simm.s32 $0xA0;
	s7 =	simm.s32 $0x500;
	[sflag:s26] =	ssyncset.done $0x0  }
.LBB2_4:
0x61: {  	s8 =	sadd.s32 $0x50, s6  }
0x62: {  	[sflag:s26] =	ssyncadd.s32 $0xFFFFF600;
	s9 =	smov.u32 s7;
	s10 =	sadd.s32 $0x280, s7  }
0x63: {  	[tilespmem:s0], [sflag:$0x2] =	stream.indirect.gather [hbm4b:s4+s30], $0x20, s8, s30, $0xb8;
	[tilespmem:$0xB920] =	vst v63  }
0x64: {  	p0 =	sne.s32 s7, $0x9880;
	_ =	swait.ge [sflag:s1], $0xA00  }
0x65: {  	[sflag:s1] =	ssyncset.done $0x0  }
0x66: {  	s7 =	sadd.s32 $0x2710, s6;
	[sflag:s1] =	ssyncadd.s32 $0xFFFFF600  }
0x67: {  	[spmem:s2] =	stream.indirect.scatter.add.f32 [tilespmem:s31], [sflag:$0x3], $0x20, s7, s30, $0xb8;
	[tilespmem:$0xB920] =	vst v63  }
0x68: {  	_ =	swait.ge [sflag:s26], $0xA00  }
0x69: {  	[sflag:s26] =	ssyncset.done $0x0  }
0x6a: {  	s7 =	sadd.s32 $0xA0, s6;
	[sflag:s26] =	ssyncadd.s32 $0xFFFFF600  }
0x6b: {  	[tilespmem:s31], [sflag:$0x1] =	stream.indirect.gather [hbm4b:s4+s30], $0x20, s7, s30, $0xb8;
	[tilespmem:$0xB920] =	vst v63  }
0x6c: {  	_ =	swait.ge [sflag:s28], $0xA00  }
.Ltmp1:
0x6d: {  	[sflag:s28] =	ssyncset.done $0x0;
	(pc) =	sbr.rel @p0 .LBB2_4-.Ltmp1, $4  }
0x6e: {  	s6 =	sadd.s32 $0x2760, s6;
	[sflag:s28] =	ssyncadd.s32 $0xFFFFF600  }
0x6f: {  	[spmem:s2] =	stream.indirect.scatter.add.f32 [tilespmem:s0], [sflag:$0x3], $0x20, s6, s30, $0xb8;
	[tilespmem:$0xB920] =	vst v63  }
0x70: {  	_ =	swait.ge [sflag:s26], $0xA00  }
0x71: {  	s7 =	smov.u32 s10;
	s6 =	sshra.s32 s9, $0x2;
	[sflag:s26] =	ssyncset.done $0x0  }
0x72: {  	s7 =	sadd.s32 $0x50, s6;
	[sflag:s26] =	ssyncadd.s32 $0xFFFFF600  }
0x73: {  	[tilespmem:s0], [sflag:$0x2] =	stream.indirect.gather [hbm4b:s4+s30], $0x20, s7, s30, $0xb8;
	[tilespmem:$0xB920] =	vst v63  }
0x74: {  	_ =	swait.ge [sflag:s1], $0xA00  }
0x75: {  	[sflag:s1] =	ssyncset.done $0x0  }
0x76: {  	s9 =	sadd.s32 $0x2710, s6;
	[sflag:s1] =	ssyncadd.s32 $0xFFFFF600  }
0x77: {  	[spmem:s2] =	stream.indirect.scatter.add.f32 [tilespmem:s31], [sflag:$0x3], $0x20, s9, s30, $0xb8;
	[tilespmem:$0xB920] =	vst v63  }
0x78: {  	_ =	swait.ge [sflag:s26], $0xA00  }
0x79: {  	[sflag:s26] =	ssyncset.done $0x0  }
0x7a: {  	s10 =	sadd.s32 $0xA0, s6;
	[sflag:s26] =	ssyncadd.s32 $0xFFFFF600  }
0x7b: {  	[tilespmem:s31], [sflag:$0x1] =	stream.indirect.gather [hbm4b:s4+s30], $0x20, s10, s30, $0xb8;
	[tilespmem:$0xB920] =	vst v63  }
0x7c: {  	_ =	swait.ge [sflag:s28], $0xA00  }
0x7d: {  	[sflag:s28] =	ssyncset.done $0x0  }
0x7e: {  	s7 =	sadd.s32 $0x2760, s6;
	[sflag:s28] =	ssyncadd.s32 $0xFFFFF600  }
0x7f: {  	[spmem:s2] =	stream.indirect.scatter.add.f32 [tilespmem:s0], [sflag:$0x3], $0x20, s7, s30, $0xb8;
	[tilespmem:$0xB920] =	vst v63  }
0x80: {  	_ =	swait.ge [sflag:s26], $0xA00  }
0x81: {  	[sflag:s26] =	ssyncset.done $0x0  }
0x82: {  	[sflag:s26] =	ssyncadd.s32 $0xFFFFF600  }
0x83: {  	_ =	swait.ge [sflag:s1], $0xA00  }
0x84: {  	[sflag:s1] =	ssyncset.done $0x0  }
0x85: {  	s8 =	simm.s32 $0x4DD0;
	[sflag:s1] =	ssyncadd.s32 $0xFFFFF600  }
0x86: {  	[spmem:s2] =	stream.indirect.scatter.add.f32 [tilespmem:s31], [sflag:$0x3], $0x20, s8, s30, $0xb8;
	[tilespmem:$0xB920] =	vst v63  }
0x87: {  	_ =	swait.ge [sflag:s26], $0xA00  }
0x88: {  	[sflag:s26] =	ssyncset.done $0x0  }
0x89: {  	[sflag:s26] =	ssyncadd.s32 $0xFFFFF600  }
0x8a: {  	[bflag:$0x0] =	sbarrier.arrive $0xFFFF  }
0x8b: {  	[tilespmem:s29], [sflag:$0x3] =	stream.linear.gather [spmem:s16], $0x800, $0x38;
	[tilespmem:$0xB920] =	vst v63  }
0x8c: {  	_ =	swait.ge [sflag:s26], $0x800  }
0x8d: {  	[sflag:s26] =	ssyncset.done $0x0  }
0x8e: {  	s9 =	rddreg [dreg:$0x3];
	[sflag:s26] =	ssyncadd.s32 $0xFFFFF800  }
0x8f: {  	[hbm4b:s9+s3] =	stream.linear.scatter [tilespmem:s29], [sflag:$0x3], $0x800, $0x38;
	[tilespmem:$0xB920] =	vst v63  }
0x90: {  	_ =	swait.ge [sflag:s26], $0x800  }
0x91: {  	[sflag:s26] =	ssyncset.done $0x0  }
0x92: {  	[sflag:s26] =	ssyncadd.s32 $0xFFFFF800  }
0x93: {  	[tilespmem:s29], [sflag:$0x3] =	stream.linear.gather [spmem:s17], $0x800, $0x38;
	[tilespmem:$0xB920] =	vst v63  }
0x94: {  	_ =	swait.ge [sflag:s26], $0x800  }
0x95: {  	[sflag:s26] =	ssyncset.done $0x0  }
0x96: {  	s10 =	rddreg [dreg:$0x4];
	[sflag:s26] =	ssyncadd.s32 $0xFFFFF800  }
0x97: {  	[hbm4b:s10+s3] =	stream.linear.scatter [tilespmem:s29], [sflag:$0x3], $0x800, $0x38;
	[tilespmem:$0xB920] =	vst v63  }
0x98: {  	_ =	swait.ge [sflag:s26], $0x800  }
0x99: {  	[sflag:s26] =	ssyncset.done $0x0  }
0x9a: {  	[sflag:s26] =	ssyncadd.s32 $0xFFFFF800  }
0x9b: {  	[tilespmem:s29], [sflag:$0x3] =	stream.linear.gather [spmem:s18], $0x800, $0x38;
	[tilespmem:$0xB920] =	vst v63  }
0x9c: {  	_ =	swait.ge [sflag:s26], $0x800  }
0x9d: {  	[sflag:s26] =	ssyncset.done $0x0  }
0x9e: {  	s7 =	rddreg [dreg:$0x5];
	[sflag:s26] =	ssyncadd.s32 $0xFFFFF800  }
0x9f: {  	[hbm4b:s7+s3] =	stream.linear.scatter [tilespmem:s29], [sflag:$0x3], $0x800, $0x38;
	[tilespmem:$0xB920] =	vst v63  }
0xa0: {  	_ =	swait.ge [sflag:s26], $0x800  }
0xa1: {  	[sflag:s26] =	ssyncset.done $0x0  }
0xa2: {  	[sflag:s26] =	ssyncadd.s32 $0xFFFFF800  }
0xa3: {  	[tilespmem:s29], [sflag:$0x3] =	stream.linear.gather [spmem:s19], $0x800, $0x38;
	[tilespmem:$0xB920] =	vst v63  }
0xa4: {  	_ =	swait.ge [sflag:s26], $0x800  }
0xa5: {  	[sflag:s26] =	ssyncset.done $0x0  }
0xa6: {  	s8 =	rddreg [dreg:$0x6];
	[sflag:s26] =	ssyncadd.s32 $0xFFFFF800  }
0xa7: {  	[hbm4b:s8+s3] =	stream.linear.scatter [tilespmem:s29], [sflag:$0x3], $0x800, $0x38;
	[tilespmem:$0xB920] =	vst v63  }
0xa8: {  	_ =	swait.ge [sflag:s26], $0x800  }
0xa9: {  	[sflag:s26] =	ssyncset.done $0x0  }
0xaa: {  	[sflag:s26] =	ssyncadd.s32 $0xFFFFF800  }
0xab: {  	[tilespmem:s29], [sflag:$0x3] =	stream.linear.gather [spmem:s20], $0x800, $0x38;
	[tilespmem:$0xB920] =	vst v63  }
0xac: {  	_ =	swait.ge [sflag:s26], $0x800  }
0xad: {  	[sflag:s26] =	ssyncset.done $0x0  }
0xae: {  	s9 =	rddreg [dreg:$0x7];
	[sflag:s26] =	ssyncadd.s32 $0xFFFFF800  }
0xaf: {  	[hbm4b:s9+s3] =	stream.linear.scatter [tilespmem:s29], [sflag:$0x3], $0x800, $0x38;
	[tilespmem:$0xB920] =	vst v63  }
0xb0: {  	_ =	swait.ge [sflag:s26], $0x800  }
0xb1: {  	[sflag:s26] =	ssyncset.done $0x0  }
0xb2: {  	[sflag:s26] =	ssyncadd.s32 $0xFFFFF800  }
0xb3: {  	[tilespmem:s29], [sflag:$0x3] =	stream.linear.gather [spmem:s21], $0x800, $0x38;
	[tilespmem:$0xB920] =	vst v63  }
0xb4: {  	_ =	swait.ge [sflag:s26], $0x800  }
0xb5: {  	[sflag:s26] =	ssyncset.done $0x0  }
0xb6: {  	s10 =	rddreg [dreg:$0x8];
	[sflag:s26] =	ssyncadd.s32 $0xFFFFF800  }
0xb7: {  	[hbm4b:s10+s3] =	stream.linear.scatter [tilespmem:s29], [sflag:$0x3], $0x800, $0x38;
	[tilespmem:$0xB920] =	vst v63  }
0xb8: {  	_ =	swait.ge [sflag:s26], $0x800  }
0xb9: {  	[sflag:s26] =	ssyncset.done $0x0  }
0xba: {  	[sflag:s26] =	ssyncadd.s32 $0xFFFFF800  }
0xbb: {  	[tilespmem:s29], [sflag:$0x3] =	stream.linear.gather [spmem:s22], $0x800, $0x38;
	[tilespmem:$0xB920] =	vst v63  }
0xbc: {  	_ =	swait.ge [sflag:s26], $0x800  }
0xbd: {  	[sflag:s26] =	ssyncset.done $0x0  }
0xbe: {  	[sflag:s26] =	ssyncadd.s32 $0xFFFFF800  }
0xbf: {  	[hbm4b:s11+s3] =	stream.linear.scatter [tilespmem:s29], [sflag:$0x3], $0x800, $0x38;
	[tilespmem:$0xB920] =	vst v63  }
0xc0: {  	_ =	swait.ge [sflag:s26], $0x800  }
0xc1: {  	[sflag:s26] =	ssyncset.done $0x0  }
0xc2: {  	[sflag:s26] =	ssyncadd.s32 $0xFFFFF800  }
0xc3: {  	[tilespmem:s29], [sflag:$0x3] =	stream.linear.gather [spmem:s23], $0x800, $0x38;
	[tilespmem:$0xB920] =	vst v63  }
0xc4: {  	_ =	swait.ge [sflag:s26], $0x800  }
0xc5: {  	[sflag:s26] =	ssyncset.done $0x0  }
0xc6: {  	[sflag:s26] =	ssyncadd.s32 $0xFFFFF800  }
0xc7: {  	[hbm4b:s12+s3] =	stream.linear.scatter [tilespmem:s29], [sflag:$0x3], $0x800, $0x38;
	[tilespmem:$0xB920] =	vst v63  }
0xc8: {  	_ =	swait.ge [sflag:s26], $0x800  }
0xc9: {  	[sflag:s26] =	ssyncset.done $0x0  }
0xca: {  	[sflag:s26] =	ssyncadd.s32 $0xFFFFF800  }
0xcb: {  	[tilespmem:s29], [sflag:$0x3] =	stream.linear.gather [spmem:s24], $0x800, $0x38;
	[tilespmem:$0xB920] =	vst v63  }
0xcc: {  	s5 =	sadd.s32 $0x1, s5;
	_ =	swait.ge [sflag:s26], $0x800  }
0xcd: {  	p0 =	sne.s32 s5, s25;
	[sflag:s26] =	ssyncset.done $0x0  }
.Ltmp2:
0xce: {  	[sflag:s26] =	ssyncadd.s32 $0xFFFFF800;
	(pc) =	sbr.rel @p0 .LBB2_1-.Ltmp2, $4  }
0xcf: {  	[hbm4b:s13+s3] =	stream.linear.scatter [tilespmem:s29], [sflag:$0x3], $0x800, $0x38;
	[tilespmem:$0xB920] =	vst v63  }
0xd0: {  	_ =	swait.ge [sflag:s26], $0x800  }
0xd1: {  	[sflag:s26] =	ssyncset.done $0x0  }
0xd2: {  	[sflag:s26] =	ssyncadd.s32 $0xFFFFF800  }
0xd3: {  	_ =	sfence.sel $0x180000  }
0xd4: {  	[bflag:$0x0] =	sbarrier.arrive $0xFFFF  }
0xd5: {  	_ =	strace $0x9000004D  }
0xd6: {  	s0 =	stileid.u32;
	[bflag:$0x2] =	sbarrier.arrive $0xFFFF  }
0xd7: {  	p0 =	sne.s32 s0, $0x0;
	s0 =	rddreg [dreg:$0x2]  }
0xd8: {  	s0 =	sadd.s32 @!p0 $0x100000, s0  }
0xd9: {  	[sflag:s0] =	ssyncadd.tile.s32 @!p0 $0x1;
	_ =	shalt  }
.Lfunc_end2:
_tile_overlayer_lowered:
.L_overlay_start_2:
0xda: {  	(tag) =	ssettag $0x2  }
0xdb: {  	s0 =	rddreg [dreg:$0x0];
	s2 =	stileid.u32  }
0xdc: {  	s1 =	rddreg [dreg:$0x1];
	p0 =	sne.s32 s2, $0x0  }
0xdd: {  	s3 =	rddreg [dreg:$0x2];
	[bflag:$0x3] =	sbarrier.arrive $0xFFFF;
	s2 =	simm.s32 @!p0 $0x1C03  }
0xde: {  	[timem:s3], [sflag:s2] =	dma.local @!p0 [hbm:s0], s1  }
0xdf: {  	s0 =	simm.s32 @!p0 $0x3  }
0xe0: {  	_ =	swait.ge @!p0 [sflag:s0], s1  }
0xe1: {  	s1 =	ssub.s32 @!p0 $0x0, s1;
	[sflag:s0] =	ssyncset.done @!p0 $0x0  }
0xe2: {  	[sflag:s0] =	ssyncadd.s32 @!p0 s1  }
0xe3: {  	[bflag:$0x3] =	sbarrier.arrive $0xFFFF  }
0xe4: {  	_ =	shalt  }

// kernel: kernel.8.cloned.1.call-start
scs
__scs_entry_jumppad:
0x0: {  	(pc) =	sbr.rel $0x88, $3  }
0x1: {  	(tag) =	ssettag $0x0;
	lr =	simm.s32 $0x1  }
0x2: {  	[smem:$0x3F9A] =	sst lr;
	_ =	strace $0xD0000000  }
0x3: {  	_ = 	snop  }
0x4: {  	_ = 	snop  }
0x5: {  	_ = 	snop  }
0x6: {  	_ = 	snop  }
0x7: {  	_ = 	snop  }
__scs_overlays_trampoline_lowered:
0x8: {  	[smem:$0x3FA9] =	sst s0  }
0x9: {  	[smem:$0x3FAA] =	sst s1  }
0xa: {  	[smem:$0x3FAB] =	sst s2  }
0xb: {  	[smem:$0x3FAC] =	sst s3  }
0xc: {  	[smem:$0x3FAD] =	sst s4  }
0xd: {  	[smem:$0x3FAE] =	sst s5  }
0xe: {  	[smem:$0x3FAF] =	sst s6  }
0xf: {  	[smem:$0x3FB0] =	sst s7  }
0x10: {  	[smem:$0x3FB1] =	sst s8  }
0x11: {  	[smem:$0x3FB2] =	sst s9;
	s0 =	simm.s32 @!p0 $0x0  }
0x12: {  	s1 =	sld [smem:$0x3F98];
	s0 =	simm.s32 @p0 $0x1  }
0x13: {  	[smem:$0x3FB3] =	sst s0;
	s0 =	simm.s32 @!p1 $0x0  }
0x14: {  	s2 =	sld [smem:$0x3F97];
	s0 =	simm.s32 @p1 $0x1  }
0x15: {  	[smem:$0x3FB4] =	sst s0;
	s0 =	simm.s32 @!p2 $0x0  }
0x16: {  	s3 =	sld [smem:$0x3FDB];
	s0 =	simm.s32 @p2 $0x1  }
0x17: {  	s4 =	simm.s32 $0x1BF5;
	[smem:$0x3FB6] =	sst s0  }
0x18: {  	s0 =	sld [smem:$0x3F99];
	_ =	swait.ge [sflag:s4], $0x0  }
0x19: {  	s7 =	sld [smem:$0x3F9A]  }
0x1a: {  	s8 =	sadd.s32 $0xFFFFE003, lr  }
0x1b: {  	s9 =	sadd.s32 $0xFFFFFEF7, lr;
	s5 =	simm.s32 $0xFFFFFFFF;
	p2 =	slt.u32 s8, $0xFFFFF086  }
0x1c: {  	p1 =	slt.u32 s9, $0xF7A;
	s5 =	simm.s32 @!p2 $0x0  }
0x1d: {  	s5 =	simm.s32 @p1 $0x1;
	p0 =	seq.s32 s7, s2  }
0x1e: {  	s7 =	smul.u32 @!p0 $0xF7A, s2;
	p2 =	seq.s32 @!p0 s5, $0x0  }
0x1f: {  	s9 =	smul.u32 $0xF7A, s1;
	s8 =	simm.s32 @!p0 $0x1BF5;
	p2 =	por !p2, p0  }
0x20: {  	[sflag:s8] =	ssyncset.s32 @!p0 $0xFFFFF086;
	s6 =	sadd.s32 @!p0 s3, s7;
	s7 =	simm.s32 @!p0 $0x108  }
0x21: {  	s3 =	sadd.s32 s3, s9;
	s6 =	sadd.s32 @!p0 $0x88, s6;
	s7 =	simm.s32 @p2 $0x1082  }
0x22: {  	[simem:s7], [sflag:s8] =	dma.local @!p0 [hbm:s6], $0xF7A  }
0x23: {  	s9 =	sor.u32 $0xD0000000, s2;
	s6 =	simm.s32 $0x108;
	_ =	swait.ge @!p0 [sflag:s8], $0x0  }
0x24: {  	s3 =	sadd.s32 $0x88, s3;
	s6 =	simm.s32 @!p1 $0x1082;
	[sflag:s4] =	ssyncset.s32 $0xFFFFF086  }
0x25: {  	[simem:s6], [sflag:s4] =	dma.local [hbm:s3], $0xF7A  }
0x26: {  	[smem:$0x3F9A] =	sst s1;
	(tag) =	ssettag s2;
	_ =	strace s9  }
0x27: {  	s1 =	sld [smem:$0x3FAA]  }
0x28: {  	s2 =	sld [smem:$0x3FAB]  }
0x29: {  	s4 =	sld [smem:$0x3FAD]  }
0x2a: {  	p0 =	seq.s32 s5, $0x0;
	s5 =	sld [smem:$0x3FAE]  }
0x2b: {  	s6 =	sld [smem:$0x3FAF]  }
0x2c: {  	s7 =	sld [smem:$0x3FB0]  }
0x2d: {  	s3 =	simm.s32 $0x108;
	s8 =	sld [smem:$0x3FB1]  }
0x2e: {  	s3 =	simm.s32 @!p0 $0x1082;
	s9 =	sld [smem:$0x3FB2]  }
0x2f: {  	lr =	sadd.s32 s0, s3;
	s0 =	sld [smem:$0x3FA9]  }
0x30: {  	s3 =	sld [smem:$0x3FAC]  }
0x31: {  	[smem:$0x3FB5] =	sst s10  }
0x32: {  	s10 =	sld [smem:$0x3FB3];
	_ =	sdelay $0x3  }
0x33: {  	p0 =	seq.s32 s10, $0x1;
	s10 =	sld [smem:$0x3FB5];
	_ =	sdelay $0x3  }
0x34: {  	[smem:$0x3FB5] =	sst s10  }
0x35: {  	s10 =	sld [smem:$0x3FB4];
	_ =	sdelay $0x3  }
0x36: {  	p1 =	seq.s32 s10, $0x1;
	s10 =	sld [smem:$0x3FB5];
	_ =	sdelay $0x3  }
0x37: {  	[smem:$0x3FB5] =	sst s10  }
0x38: {  	s10 =	sld [smem:$0x3FB6]  }
0x39: {  	_ = 	snop;
	(pc) =	sbr.ind lr, $3  }
0x3a: {  	_ = 	snop  }
0x3b: {  	_ = 	snop  }
0x3c: {  	p2 =	seq.s32 s10, $0x1;
	s10 =	sld [smem:$0x3FB5]  }
0x3d: {  	_ =	shalt  }
0x3e: {  	_ =	shalt  }
0x3f: {  	_ =	shalt  }
0x40: {  	_ =	shalt  }
0x41: {  	_ =	shalt  }
0x42: {  	_ =	shalt  }
0x43: {  	_ =	shalt  }
0x44: {  	_ =	shalt  }
0x45: {  	_ =	shalt  }
0x46: {  	_ =	shalt  }
0x47: {  	_ =	shalt  }
0x48: {  	_ =	shalt  }
0x49: {  	_ =	shalt  }
0x4a: {  	_ =	shalt  }
0x4b: {  	_ =	shalt  }
0x4c: {  	_ =	shalt  }
0x4d: {  	_ =	shalt  }
0x4e: {  	_ =	shalt  }
0x4f: {  	_ =	shalt  }
0x50: {  	_ =	shalt  }
0x51: {  	_ =	shalt  }
0x52: {  	_ =	shalt  }
0x53: {  	_ =	shalt  }
0x54: {  	_ =	shalt  }
0x55: {  	_ =	shalt  }
0x56: {  	_ =	shalt  }
0x57: {  	_ =	shalt  }
0x58: {  	_ =	shalt  }
0x59: {  	_ =	shalt  }
0x5a: {  	_ =	shalt  }
0x5b: {  	_ =	shalt  }
0x5c: {  	_ =	shalt  }
0x5d: {  	_ =	shalt  }
0x5e: {  	_ =	shalt  }
0x5f: {  	_ =	shalt  }
0x60: {  	_ =	shalt  }
0x61: {  	_ =	shalt  }
0x62: {  	_ =	shalt  }
0x63: {  	_ =	shalt  }
0x64: {  	_ =	shalt  }
0x65: {  	_ =	shalt  }
0x66: {  	_ =	shalt  }
0x67: {  	_ =	shalt  }
0x68: {  	_ =	shalt  }
0x69: {  	_ =	shalt  }
0x6a: {  	_ =	shalt  }
0x6b: {  	_ =	shalt  }
0x6c: {  	_ =	shalt  }
0x6d: {  	_ =	shalt  }
0x6e: {  	_ =	shalt  }
0x6f: {  	_ =	shalt  }
0x70: {  	_ =	shalt  }
0x71: {  	_ =	shalt  }
0x72: {  	_ =	shalt  }
0x73: {  	_ =	shalt  }
0x74: {  	_ =	shalt  }
0x75: {  	_ =	shalt  }
0x76: {  	_ =	shalt  }
0x77: {  	_ =	shalt  }
0x78: {  	_ =	shalt  }
0x79: {  	_ =	shalt  }
0x7a: {  	_ =	shalt  }
0x7b: {  	_ =	shalt  }
0x7c: {  	_ =	shalt  }
0x7d: {  	_ =	shalt  }
0x7e: {  	_ =	shalt  }
0x7f: {  	_ =	shalt  }
0x80: {  	_ =	shalt  }
0x81: {  	_ =	shalt  }
0x82: {  	_ =	shalt  }
0x83: {  	_ =	shalt  }
0x84: {  	_ =	shalt  }
0x85: {  	_ =	shalt  }
0x86: {  	_ =	shalt  }
0x87: {  	_ =	shalt  }
.Lfunc_end0:
.L_simem_size_0:
called_computation_lowered:
.L_overlay_start_0:
0x88: {  	s2 =	sld [smem:$0x3FD9]  }
0x89: {  	s3 =	sld [smem:$0x3FFE];
	_ =	sdelay $0x1  }
0x8a: {  	s1 =	srdreg.scid  }
0x8b: {  	s0 =	sand.u32 $0x1, s1  }
0x8c: {  	s17 =	sshll.u32 s0, $0xA;
	s2 =	sadd.s32 s3, s2  }
0x8d: {  	s2 =	sadd.s32 s2, s17  }
0x8e: {  	[smem:$0x3FC1] =	sst s2  }
0x8f: {  	_ = 	snop  }
0x90: {  	s2 =	sld [smem:$0x3FD0];
	(tm) =	ssettm $0x1  }
0x91: {  	s18 =	sld [smem:$0x3FFB];
	_ =	sdelay $0x3  }
0x92: {  	_ =	strace s18  }
0x93: {  	s3 =	sld [smem:$0x3FFC];
	_ =	sdelay $0x3  }
0x94: {  	_ =	strace s3  }
0x95: {  	s3 =	sld [smem:$0x3FFD];
	_ =	sdelay $0x3  }
0x96: {  	_ =	strace s3  }
0x97: {  	_ =	strace $0x8FFFFFFF  }
0x98: {  	s19 =	sld [smem:$0x3FDB];
	_ =	sdelay $0x1  }
0x99: {  	s4 =	simm.s32 $_scs_section_size  }
0x9a: {  	s5 =	simm.s32 $_size__tile_overlayer_lowered;
	s6 =	simm.s32 $_tile_overlayer_lowered  }
0x9b: {  	s22 =	simm.s32 $0x1BFF;
	s21 =	sshll.u32 s6, $0x1;
	s3 =	sadd.s32 s4, s19  }
0x9c: {  	s7 =	simm.s32 $0x0;
	s20 =	sshll.u32 s5, $0x1;
	s5 =	sadd.s32 s21, s3  }
0x9d: {  	[timem:s7], [sflag:s22] =	dma.local [hbm:s5], s20  }
0x9e: {  	_ =	swait.ge [sflag:s22], s20  }
0x9f: {  	s4 =	ssub.s32 $0x0, s20;
	[sflag:s22] =	ssyncset.done $0x0  }
0xa0: {  	[sflag:s22] =	ssyncadd.s32 s4;
	_ =	sdelay $0x1  }
0xa1: {  	s23 =	simm.s32 $0x1B8B  }
0xa2: {  	_ =	swait.ge [sflag:s23], $0x1  }
0xa3: {  	[sflag:s23] =	ssyncset.done $0x0  }
0xa4: {  	s25 =	simm.s32 $0x1B8E;
	s24 =	sld [smem:$0x3FFE];
	[sflag:s23] =	ssyncadd.s32 $0xFFFFFFFF  }
0xa5: {  	s26 =	simm.s32 $execute0_lowered;
	[smem:$0x3FD2] =	sst s25  }
0xa6: {  	s5 =	sshll.u32 s26, $0x1;
	_ =	strace $0x80000046;
	[dreg:$0x1] =	wrdreg $0xFFFFFFFF  }
0xa7: {  	s28 =	simm.s32 $_size_execute0_lowered;
	s3 =	sadd.s32 s3, s5;
	[dreg:$0x0] =	wrdreg $0x0  }
0xa8: {  	s5 =	sshll.u32 s28, $0x1;
	[dreg:$0x2] =	wrdreg s3  }
0xa9: {  	[dreg:$0x3] =	wrdreg s5  }
0xaa: {  	[dreg:$0x4] =	wrdreg $0xC0  }
0xab: {  	_ =	task [dreg:s7], $0x5FFFF  }
0xac: {  	[dreg:$0x1] =	wrdreg $0xFFFFFFFF  }
0xad: {  	[dreg:$0x0] =	wrdreg $0x60  }
0xae: {  	[dreg:$0x2] =	wrdreg s24  }
0xaf: {  	[dreg:$0x3] =	wrdreg s2  }
0xb0: {  	[dreg:$0x4] =	wrdreg $0x43000  }
0xb1: {  	[dreg:$0x5] =	wrdreg $0x9  }
0xb2: {  	_ =	task.clear_ibuf [dreg:s7], $0x6FFFF;
	_ =	strace $0x90000046  }
0xb3: {  	s29 =	simm.s32 $0x9;
	_ =	strace $0x80000048  }
0xb4: {  	_ =	swait.ge [sflag:s29], $0x1  }
0xb5: {  	[sflag:s29] =	ssyncadd.s32 $0xFFFFFFFF  }
0xb6: {  	_ =	strace $0x90000048  }
0xb7: {  	_ =	sfence  }
0xb8: {  	s30 =	sld [smem:$0x0];
	_ =	sdelay $0x2  }
0xb9: {  	s31 =	sshll.u32 s1, $0xD;
	s1 =	sshrl.u32 s1, $0x2  }
0xba: {  	s3 =	sand.u32 $0x4000, s31;
	s1 =	sadd.s32 s1, s30  }
0xbb: {  	s0 =	sor.u32 s3, s0;
	s1 =	sshll.u32 s1, $0x11  }
0xbc: {  	s0 =	sor.u32 s1, s0  }
0xbd: {  	s0 =	sadd.s32 $0x8F2B, s0  }
0xbe: {  	[sflag:s0] =	ssyncadd.remote.s32 $0x1  }
0xbf: {  	_ =	sfence.sel $0xFFFF  }
0xc0: {  	[dreg:$0x0] =	wrdreg $0xFFFFFFFF;
	(pc) =	sbr.abs _section_cstart, $3  }
0xc1: {  	[dreg:$0x1] =	wrdreg $0xFFFFFFFF  }
0xc2: {  	_ =	task.clear_ibuf [dreg:s7], $0x2FFFF;
	_ =	strace $0x9FFFFFFF  }
0xc3: {  	(tm) =	ssettm $0x7FFFFFFF  }
tec
execute0_lowered:
.L_overlay_start_1:
0x0: {  	(tag) =	ssettag $0x1  }
0x1: {  	s4 =	rddreg [dreg:$0x0]  }
0x2: {  	s6 =	rddreg [dreg:$0x1]  }
0x3: {  	s2 =	rddreg [dreg:$0x2]  }
0x4: {  	s0 =	rddreg [dreg:$0x3]  }
0x5: {  	s1 =	stileid.u32;
	s5 =	srdreg.scid  }
0x6: {  	s3 =	simm.s32 $0x0;
	s11 =	simm.s32 $0x4000;
	s12 =	simm.s32 $0x0  }
0x7: {  	s5 =	sand.u32 $0x1, s5;
	s7 =	smul.u32 $0x278, s1;
	[smem:$0x7FF] =	sst s3  }
0x8: {  	s8 =	sshll.u32 s1, $0xB;
	s9 =	smul.u32 $0x2780, s5;
	_ =	strace $0x80000047  }
0x9: {  	s4 =	sadd.s32 s8, s4;
	s31 =	ssub.s32 $0x2, s5;
	s5 =	sshll.u32 s5, $0xF  }
0xa: {  	s10 =	sshrl.u32 s31, $0x1;
	s5 =	sadd.s32 s5, s4;
	s4 =	sadd.s32 s7, s2  }
0xb: {  	s9 =	sadd.s32 s7, s9;
	s8 =	ssub.s32 s31, s10;
	s5 =	sadd.s32 $0x16C00, s5  }
0xc: {  	s10 =	simm.s32 $0x50;
	s9 =	sshrl.u32 s9, $0x3;
	s7 =	smax.u32 s8, $0x1  }
0xd: {  	v0 =	vimm.f32 $1.000000000e+00;
	v1 =	vimm.f32 $0.0e+00;
	s8 =	simm.s32 $0x4080;
	s6 =	sadd.s32 s6, s9;
	s9 =	simm.s32 $0x1  }
.LBB2_1:
0xe: {  	[tilespmem:$0x4000] =	vst v0  }
0xf: {  	[tilespmem:$0x4010] =	vst v0  }
0x10: {  	[tilespmem:$0x4020] =	vst v0  }
0x11: {  	[tilespmem:$0x4030] =	vst v0  }
0x12: {  	[tilespmem:$0x4040] =	vst v0  }
0x13: {  	[tilespmem:$0x4080] =	vst v1  }
0x14: {  	[tilespmem:$0x4090] =	vst v1  }
0x15: {  	[tilespmem:$0x40A0] =	vst v1  }
0x16: {  	[tilespmem:$0x40B0] =	vst v1  }
0x17: {  	[tilespmem:$0x40C0] =	vst v1  }
0x18: {  	[tilespmem:$0x40D0] =	vst v1  }
0x19: {  	[tilespmem:$0x40E0] =	vst v1  }
0x1a: {  	[tilespmem:$0x40F0] =	vst v1  }
0x1b: {  	[tilespmem:$0x4100] =	vst v1  }
0x1c: {  	[tilespmem:$0x4110] =	vst v1  }
0x1d: {  	[tilespmem:$0x4120] =	vst v1  }
0x1e: {  	[tilespmem:$0x4130] =	vst v1  }
0x1f: {  	[tilespmem:$0x4140] =	vst v1  }
0x20: {  	[tilespmem:$0x4150] =	vst v1  }
0x21: {  	[tilespmem:$0x4160] =	vst v1  }
0x22: {  	[tilespmem:$0x4170] =	vst v1  }
0x23: {  	[tilespmem:$0x4180] =	vst v1  }
0x24: {  	[tilespmem:$0x4190] =	vst v1  }
0x25: {  	[tilespmem:$0x41A0] =	vst v1  }
0x26: {  	[tilespmem:$0x41B0] =	vst v1  }
0x27: {  	[tilespmem:$0x41C0] =	vst v1  }
0x28: {  	[tilespmem:$0x41D0] =	vst v1  }
0x29: {  	[tilespmem:$0x41E0] =	vst v1  }
0x2a: {  	[tilespmem:$0x41F0] =	vst v1  }
0x2b: {  	[tilespmem:$0x4200] =	vst v1  }
0x2c: {  	[tilespmem:$0x4210] =	vst v1  }
0x2d: {  	[tilespmem:$0x4220] =	vst v1  }
0x2e: {  	[tilespmem:$0x4230] =	vst v1  }
0x2f: {  	[tilespmem:$0x4240] =	vst v1  }
0x30: {  	[tilespmem:$0x4250] =	vst v1  }
0x31: {  	[tilespmem:$0x4260] =	vst v1  }
0x32: {  	[tilespmem:$0x4270] =	vst v1  }
0x33: {  	[tilespmem:$0x4280] =	vst v1  }
0x34: {  	[tilespmem:$0x4290] =	vst v1  }
0x35: {  	[tilespmem:$0x42A0] =	vst v1  }
0x36: {  	[tilespmem:$0x42B0] =	vst v1  }
0x37: {  	[tilespmem:$0x42C0] =	vst v1  }
0x38: {  	[tilespmem:$0x42D0] =	vst v1  }
0x39: {  	[tilespmem:$0x42E0] =	vst v1  }
0x3a: {  	[spmem:s4] =	stream.linear.scatter [tilespmem:s8], [sflag:$0x1], $0x278, $0x38;
	[tilespmem:$0x4578] =	vst v63  }
0x3b: {  	_ =	swait.ge [sflag:s9], $0x278  }
0x3c: {  	[sflag:s9] =	ssyncset.done $0x0  }
0x3d: {  	[sflag:s9] =	ssyncadd.s32 $0xFFFFFD88  }
0x3e: {  	[bflag:$0x0] =	sbarrier.arrive $0xFFFF  }
0x3f: {  	[tilespmem:s3], [sflag:$0x1] =	stream.linear.gather [hbm4b:s5+s3], $0x3E80, $0x38;
	[tilespmem:$0x4578] =	vst v63  }
0x40: {  	_ =	swait.ge [sflag:s9], $0x3E80  }
0x41: {  	[sflag:s9] =	ssyncset.done $0x0  }
0x42: {  	s13 =	simm.s32 $0x0;
	[sflag:s9] =	ssyncadd.s32 $0xFFFFC180  }
0x43: {  	[spmem:s2] =	stream.indirect.scatter.add.f32 [tilespmem:s11], [sflag:$0x1], $0x1, s13, s10, $0xb8;
	[tilespmem:$0x4578] =	vst v63  }
0x44: {  	_ =	swait.ge [sflag:s9], $0x50  }
0x45: {  	s13 =	simm.s32 $0x200;
	[sflag:s9] =	ssyncset.done $0x0  }
.LBB2_2:
0x46: {  	s14 =	sshra.s32 s13, $0x2;
	[sflag:s9] =	ssyncadd.s32 $0xFFFFFFB0;
	p0 =	sne.s32 s13, $0xF800  }
0x47: {  	[spmem:s2] =	stream.indirect.scatter.add.f32 [tilespmem:s11], [sflag:$0x1], $0x1, s14, s10, $0xb8;
	[tilespmem:$0x4578] =	vst v63  }
.Ltmp0:
0x48: {  	_ = 	snop;
	(pc) =	sbr.rel @p0 .LBB2_2-.Ltmp0, $4  }
0x49: {  	_ = 	snop  }
0x4a: {  	s13 =	sadd.s32 $0x200, s13  }
0x4b: {  	_ =	swait.ge [sflag:s9], $0x50  }
0x4c: {  	[sflag:s9] =	ssyncset.done $0x0  }
0x4d: {  	[sflag:s9] =	ssyncadd.s32 $0xFFFFFFB0  }
0x4e: {  	[bflag:$0x0] =	sbarrier.arrive $0xFFFF  }
0x4f: {  	[tilespmem:s8], [sflag:$0x1] =	stream.linear.gather [spmem:s4], $0x278, $0x38;
	[tilespmem:$0x4578] =	vst v63  }
0x50: {  	s12 =	sadd.s32 $0x1, s12;
	_ =	swait.ge [sflag:s9], $0x278  }
0x51: {  	p0 =	sne.s32 s12, s7;
	[sflag:s9] =	ssyncset.done $0x0  }
.Ltmp1:
0x52: {  	[sflag:s9] =	ssyncadd.s32 $0xFFFFFD88;
	(pc) =	sbr.rel @p0 .LBB2_1-.Ltmp1, $4  }
0x53: {  	[hbm4b:s6+s3] =	stream.linear.scatter [tilespmem:s8], [sflag:$0x1], $0x278, $0x38;
	[tilespmem:$0x4578] =	vst v63  }
0x54: {  	_ =	swait.ge [sflag:s9], $0x278  }
0x55: {  	[sflag:s9] =	ssyncset.done $0x0  }
0x56: {  	[sflag:s9] =	ssyncadd.s32 $0xFFFFFD88  }
0x57: {  	_ =	sfence.sel $0x180000  }
0x58: {  	[bflag:$0x0] =	sbarrier.arrive $0xFFFF  }
0x59: {  	p0 =	sne.s32 s1, $0x0;
	_ =	strace $0x90000047  }
0x5a: {  	s0 =	sadd.s32 @!p0 $0x100000, s0;
	[bflag:$0x2] =	sbarrier.arrive $0xFFFF  }
0x5b: {  	[sflag:s0] =	ssyncadd.tile.s32 @!p0 $0x1;
	_ =	shalt  }
.Lfunc_end2:
_tile_overlayer_lowered:
.L_overlay_start_2:
0x5c: {  	(tag) =	ssettag $0x2  }
0x5d: {  	s0 =	rddreg [dreg:$0x0];
	s2 =	stileid.u32  }
0x5e: {  	s1 =	rddreg [dreg:$0x1];
	p0 =	sne.s32 s2, $0x0  }
0x5f: {  	s3 =	rddreg [dreg:$0x2];
	[bflag:$0x3] =	sbarrier.arrive $0xFFFF;
	s2 =	simm.s32 @!p0 $0x1C01  }
0x60: {  	[timem:s3], [sflag:s2] =	dma.local @!p0 [hbm:s0], s1  }
0x61: {  	s0 =	simm.s32 @!p0 $0x1  }
0x62: {  	_ =	swait.ge @!p0 [sflag:s0], s1  }
0x63: {  	s1 =	ssub.s32 @!p0 $0x0, s1;
	[sflag:s0] =	ssyncset.done @!p0 $0x0  }
0x64: {  	[sflag:s0] =	ssyncadd.s32 @!p0 s1  }
0x65: {  	[bflag:$0x3] =	sbarrier.arrive $0xFFFF  }
0x66: {  	_ =	shalt  }

</sc_bundles>
